<compile_context>
chip_gen: v7x
topology: tpu7x:2x2x1
jax: 0.10.2.dev20260603
libtpu: 0.0.44.dev20260713+nightly
codegen_flags: <defaults>
</compile_context>

<pallas_src>
import functools

import jax
import jax.numpy as jnp
from jax import lax
from jax.experimental import pallas as pl
from jax.experimental.pallas import tpu as pltpu
from jax.experimental.pallas import tpu_sc as plsc

N = 10000
E = 320000
D = 128

NC = 2
NS = 16
NW = NC * NS
LANES = 16
CHUNK = 80

EPW = E // NW
NCHUNK = EPW // CHUNK

_mesh = plsc.VectorSubcoreMesh(core_axis_name="c", subcore_axis_name="s")


def _pre_body(na_ref, w_ref, ps_ref, pr_ref):
    p = jnp.dot(na_ref[...], w_ref[...], preferred_element_type=jnp.float32)
    ps_ref[...] = p[:, :D]
    pr_ref[...] = p[:, D:]


def _precompute(node_attr, w_sr):
    return pl.pallas_call(
        _pre_body,
        out_shape=(
            jax.ShapeDtypeStruct((N, D), jnp.float32),
            jax.ShapeDtypeStruct((N, D), jnp.float32),
        ),
    )(node_attr, w_sr)


@functools.partial(
    pl.kernel,
    out_type=jax.ShapeDtypeStruct((E, D), jnp.float32),
    mesh=_mesh,
    scratch_types=[
        pltpu.VMEM((CHUNK,), jnp.int32),
        pltpu.VMEM((CHUNK,), jnp.int32),
        pltpu.VMEM((CHUNK,), jnp.int32),
        pltpu.VMEM((CHUNK,), jnp.int32),
        pltpu.VMEM((CHUNK, D), jnp.float32),
        pltpu.VMEM((CHUNK, D), jnp.float32),
        pltpu.VMEM((CHUNK, D), jnp.float32),
        pltpu.VMEM((CHUNK, D), jnp.float32),
        pltpu.VMEM((CHUNK, D), jnp.float32),
        pltpu.VMEM((CHUNK, D), jnp.float32),
        pltpu.SemaphoreType.DMA,
        pltpu.SemaphoreType.DMA,
        pltpu.SemaphoreType.DMA,
        pltpu.SemaphoreType.DMA,
        pltpu.SemaphoreType.DMA,
        pltpu.SemaphoreType.DMA,
        pltpu.SemaphoreType.DMA,
        pltpu.SemaphoreType.DMA,
    ],
)
def _gather_add(ps_hbm, pr_hbm, s_hbm, r_hbm, out_hbm,
                si0, ri0, si1, ri1, sr0, rr0, sr1, rr1, o0, o1,
                ix0, ix1, gs0, gr0, gs1, gr1, st0, st1):
    wid = lax.axis_index("s") * NC + lax.axis_index("c")
    base = wid * EPW

    def issue_idx(c, si, ri, ix):
        off = base + c * CHUNK
        pltpu.async_copy(s_hbm.at[pl.ds(off, CHUNK)], si, ix)
        pltpu.async_copy(r_hbm.at[pl.ds(off, CHUNK)], ri, ix)

    def drain_idx(si, ri, ix):
        pltpu.make_async_copy(s_hbm.at[pl.ds(0, CHUNK)], si, ix).wait()
        pltpu.make_async_copy(r_hbm.at[pl.ds(0, CHUNK)], ri, ix).wait()

    def issue_g(si, ri, sr, rr, gs, gr):
        pltpu.async_copy(ps_hbm.at[si], sr, gs)
        pltpu.async_copy(pr_hbm.at[ri], rr, gr)

    def drain_g(sr, rr, gs, gr):
        pltpu.make_async_copy(ps_hbm.at[si0], sr, gs).wait()
        pltpu.make_async_copy(pr_hbm.at[ri0], rr, gr).wait()

    def drain_st(o, st):
        pltpu.make_async_copy(o, out_hbm.at[pl.ds(0, CHUNK), :], st).wait()

    def add(sr, rr, o):
        def row(i, carry):
            for j in range(D // LANES):
                sl = pl.ds(j * LANES, LANES)
                o[i, sl] = sr[i, sl] + rr[i, sl]
            return carry

        lax.fori_loop(0, CHUNK, row, 0, unroll=4)

    def store(c, o, st):
        pltpu.async_copy(o, out_hbm.at[pl.ds(base + c * CHUNK, CHUNK), :], st)

    issue_idx(0, si0, ri0, ix0)
    drain_idx(si0, ri0, ix0)
    issue_g(si0, ri0, sr0, rr0, gs0, gr0)
    issue_idx(1, si1, ri1, ix1)

    def body(k, carry):
        c0 = 2 * k
        drain_idx(si1, ri1, ix1)
        drain_g(sr0, rr0, gs0, gr0)
        issue_g(si1, ri1, sr1, rr1, gs1, gr1)
        issue_idx(c0 + 2, si0, ri0, ix0)

        @pl.when(k > 0)
        def _():
            drain_st(o0, st0)

        add(sr0, rr0, o0)
        store(c0, o0, st0)

        drain_idx(si0, ri0, ix0)
        drain_g(sr1, rr1, gs1, gr1)
        issue_g(si0, ri0, sr0, rr0, gs0, gr0)
        issue_idx(jnp.minimum(c0 + 3, NCHUNK - 1), si1, ri1, ix1)

        @pl.when(k > 0)
        def _():
            drain_st(o1, st1)

        add(sr1, rr1, o1)
        store(c0 + 1, o1, st1)
        return carry

    lax.fori_loop(0, (NCHUNK - 1) // 2, body, 0)

    drain_g(sr0, rr0, gs0, gr0)
    drain_idx(si1, ri1, ix1)
    drain_st(o0, st0)
    add(sr0, rr0, o0)
    drain_st(o1, st1)
    store(NCHUNK - 1, o0, st0)
    drain_st(o0, st0)


BE = 2560


def _edge_body(g_ref, ea_ref, w1_ref, b1_ref, w2_ref, b2_ref,
               eno_ref, eout_ref, cs_ref):
    i = pl.program_id(0)
    ea = ea_ref[...]
    h = jnp.maximum(
        g_ref[...]
        + jnp.dot(ea, w1_ref[...], preferred_element_type=jnp.float32)
        + b1_ref[...],
        0.0,
    )
    eno = jnp.dot(h, w2_ref[...], preferred_element_type=jnp.float32) + b2_ref[...]
    eno_ref[...] = eno
    eout_ref[...] = eno + ea

    @pl.when(i == 0)
    def _():
        cs_ref[...] = jnp.zeros_like(cs_ref)

    cs_ref[...] += jnp.sum(eno, axis=0, keepdims=True)


def _edge_mlp(g, edge_attr, w1, b1, w2, b2):
    grid = (E // BE,)
    blk = lambda i: (i, 0)
    fix = lambda i: (0, 0)
    return pl.pallas_call(
        _edge_body,
        grid=grid,
        in_specs=[
            pl.BlockSpec((BE, D), blk),
            pl.BlockSpec((BE, D), blk),
            pl.BlockSpec((D, D), fix),
            pl.BlockSpec((1, D), fix),
            pl.BlockSpec((D, D), fix),
            pl.BlockSpec((1, D), fix),
        ],
        out_specs=(
            pl.BlockSpec((BE, D), blk),
            pl.BlockSpec((BE, D), blk),
            pl.BlockSpec((1, D), fix),
        ),
        out_shape=(
            jax.ShapeDtypeStruct((E, D), jnp.float32),
            jax.ShapeDtypeStruct((E, D), jnp.float32),
            jax.ShapeDtypeStruct((1, D), jnp.float32),
        ),
    )(g, edge_attr, w1, b1, w2, b2)


HALF = N // NC
DUST = HALF
AGG_ROWS = HALF + 8 * NS
EPS = E // NS
NCHUNK_S = EPS // CHUNK
ZR = AGG_ROWS // NS
ZR_LAST = AGG_ROWS - ZR * (NS - 1)
ORPS = 312
ORPS_LAST = HALF - ORPS * (NS - 1)


@functools.partial(
    pl.kernel,
    out_type=jax.ShapeDtypeStruct((N, D), jnp.float32),
    mesh=_mesh,
    scratch_types=[
        pltpu.VMEM((CHUNK,), jnp.int32),
        pltpu.VMEM((CHUNK,), jnp.int32),
        pltpu.VMEM((CHUNK, D), jnp.float32),
        pltpu.VMEM((CHUNK, D), jnp.float32),
        pltpu.VMEM_SHARED((AGG_ROWS, D), jnp.float32),
        pltpu.SemaphoreType.DMA,
        pltpu.SemaphoreType.DMA,
        pltpu.SemaphoreType.DMA,
        pltpu.SemaphoreType.DMA,
        pltpu.SemaphoreType.DMA,
        pltpu.SemaphoreType.DMA,
    ],
)
def _scatter_add(eno_hbm, r_hbm, z_hbm, out_hbm,
                 ib0, ib1, rows0, rows1, agg_sh,
                 ix0, ix1, ld0, ld1, sc0, sc1):
    cid = lax.axis_index("c")
    sid = lax.axis_index("s")

    @pl.when(sid < NS - 1)
    def _():
        pltpu.sync_copy(z_hbm.at[pl.ds(sid * ZR, ZR), :],
                        agg_sh.at[pl.ds(sid * ZR, ZR), :])

    @pl.when(sid == NS - 1)
    def _():
        pltpu.sync_copy(z_hbm.at[pl.ds(ZR * (NS - 1), ZR_LAST), :],
                        agg_sh.at[pl.ds(ZR * (NS - 1), ZR_LAST), :])

    plsc.subcore_barrier()

    base = sid * EPS
    lo = cid * HALF
    dust_row = DUST + 8 * sid

    def issue_idx(c, ib, ix):
        pltpu.async_copy(r_hbm.at[pl.ds(base + c * CHUNK, CHUNK)], ib, ix)

    def drain_idx(ib, ix):
        pltpu.make_async_copy(r_hbm.at[pl.ds(0, CHUNK)], ib, ix).wait()

    def clamp(ib):
        for j in range(CHUNK // LANES):
            sl = pl.ds(j * LANES, LANES)
            v = ib[sl] - lo
            ok = (v >= 0) & (v < HALF)
            ib[sl] = jnp.where(ok, v, dust_row)

    def issue_ld(c, rows, ld):
        pltpu.async_copy(eno_hbm.at[pl.ds(base + c * CHUNK, CHUNK), :], rows, ld)

    def drain_ld(rows, ld):
        pltpu.make_async_copy(eno_hbm.at[pl.ds(0, CHUNK), :], rows, ld).wait()

    def issue_sc(rows, ib, sc):
        pltpu.async_copy(rows, agg_sh.at[ib], sc, add=True)

    def drain_sc(rows, sc):
        pltpu.make_async_copy(rows, agg_sh.at[ib0], sc).wait()

    issue_idx(0, ib0, ix0)
    issue_ld(0, rows0, ld0)

    def body(k, carry):
        c0 = 2 * k
        drain_idx(ib0, ix0)
        clamp(ib0)
        drain_ld(rows0, ld0)
        issue_sc(rows0, ib0, sc0)

        @pl.when(k > 0)
        def _():
            drain_sc(rows1, sc1)

        issue_idx(c0 + 1, ib1, ix1)
        issue_ld(c0 + 1, rows1, ld1)
        drain_idx(ib1, ix1)
        clamp(ib1)
        drain_ld(rows1, ld1)
        issue_sc(rows1, ib1, sc1)

        drain_sc(rows0, sc0)
        issue_idx(c0 + 2, ib0, ix0)
        issue_ld(c0 + 2, rows0, ld0)
        return carry

    lax.fori_loop(0, NCHUNK_S // 2 - 1, body, 0)

    drain_idx(ib0, ix0)
    clamp(ib0)
    drain_ld(rows0, ld0)
    issue_sc(rows0, ib0, sc0)
    drain_sc(rows1, sc1)
    issue_idx(NCHUNK_S - 1, ib1, ix1)
    issue_ld(NCHUNK_S - 1, rows1, ld1)
    drain_idx(ib1, ix1)
    clamp(ib1)
    drain_ld(rows1, ld1)
    issue_sc(rows1, ib1, sc1)
    drain_sc(rows0, sc0)
    drain_sc(rows1, sc1)

    plsc.subcore_barrier()

    @pl.when(sid < NS - 1)
    def _():
        pltpu.sync_copy(agg_sh.at[pl.ds(sid * ORPS, ORPS), :],
                        out_hbm.at[pl.ds(cid * HALF + sid * ORPS, ORPS), :])

    @pl.when(sid == NS - 1)
    def _():
        pltpu.sync_copy(
            agg_sh.at[pl.ds(ORPS * (NS - 1), ORPS_LAST), :],
            out_hbm.at[pl.ds(cid * HALF + ORPS * (NS - 1), ORPS_LAST), :])


def _node_body(na_ref, agg_ref, cs_ref, w1a_ref, w1b_ref, b1_ref,
               w2_ref, b2_ref, out_ref):
    na = na_ref[...]
    aggc = agg_ref[...] - cs_ref[...] * (1.0 / N)
    h = jnp.maximum(
        jnp.dot(na, w1a_ref[...], preferred_element_type=jnp.float32)
        + jnp.dot(aggc, w1b_ref[...], preferred_element_type=jnp.float32)
        + b1_ref[...],
        0.0,
    )
    x = jnp.dot(h, w2_ref[...], preferred_element_type=jnp.float32) + b2_ref[...] + na
    out_ref[...] = x - jnp.mean(x, axis=0, keepdims=True)


def _node_mlp(node_attr, agg, cs, w1a, w1b, b1, w2, b2):
    return pl.pallas_call(
        _node_body,
        out_shape=jax.ShapeDtypeStruct((N, D), jnp.float32),
    )(node_attr, agg, cs, w1a, w1b, b1, w2, b2)


def kernel(node_attr, edge_index, edge_attr, W1e, b1e, W2e, b2e,
           W1n, b1n, W2n, b2n):
    senders = edge_index[0]
    receivers = edge_index[1]
    zeros = jnp.zeros((AGG_ROWS, D), jnp.float32)

    w_sr = jnp.concatenate([W1e[:D], W1e[D:2 * D]], axis=1)
    ps, pr = _precompute(node_attr, w_sr)
    g = _gather_add(ps, pr, senders, receivers)
    eno, edge_out, cs = _edge_mlp(
        g, edge_attr, W1e[2 * D:], b1e.reshape(1, D), W2e, b2e.reshape(1, D)
    )
    agg = _scatter_add(eno, receivers, zeros)
    x = _node_mlp(
        node_attr, agg, cs,
        W1n[:D], W1n[D:], b1n.reshape(1, D), W2n, b2n.reshape(1, D),
    )
    return (x, edge_index, edge_out)

# --- scband reference (transcript-rebuilt; emitter-appended) ---
"""Pipeline reference for scband-gn-block-12120397709386 (READ-ONLY COPY).

The authoritative reference and input builder live on the scoring server;
editing this copy changes nothing except your own understanding.
"""

import jax, jax.numpy as jnp
import numpy as np

N = 10000
E = 320000
D = 128

def _mlp(x, W1, b1, W2, b2):
    # MLP(in, hidden, out): Linear -> ReLU -> Linear
    h = jnp.maximum(x @ W1 + b1, 0.0)
    return h @ W2 + b2

def setup_inputs(seed: int = 0) -> dict:
    key = jax.random.key(seed)
    ks = jax.random.split(key, 12)
    node_attr = jax.random.normal(ks[0], (N, D), dtype=jnp.float32)
    edge_index = jax.random.randint(ks[1], (2, E), 0, N, dtype=jnp.int32)
    edge_attr = jax.random.normal(ks[2], (E, D), dtype=jnp.float32)
    # EdgeBlock MLP: in = 3*D, hidden = D, out = D
    W1e = jax.random.normal(ks[3], (3 * D, D), dtype=jnp.float32) * (1.0 / np.sqrt(3 * D))
    b1e = jnp.zeros((D,), dtype=jnp.float32)
    W2e = jax.random.normal(ks[4], (D, D), dtype=jnp.float32) * (1.0 / np.sqrt(D))
    b2e = jnp.zeros((D,), dtype=jnp.float32)
    # NodeBlock MLP: in = 2*D, hidden = D, out = D
    W1n = jax.random.normal(ks[5], (2 * D, D), dtype=jnp.float32) * (1.0 / np.sqrt(2 * D))
    b1n = jnp.zeros((D,), dtype=jnp.float32)
    W2n = jax.random.normal(ks[6], (D, D), dtype=jnp.float32) * (1.0 / np.sqrt(D))
    b2n = jnp.zeros((D,), dtype=jnp.float32)
    return {
        "node_attr": node_attr,
        "edge_index": edge_index,
        "edge_attr": edge_attr,
        "W1e": W1e, "b1e": b1e, "W2e": W2e, "b2e": b2e,
        "W1n": W1n, "b1n": b1n, "W2n": W2n, "b2n": b2n,
    }

def reference(node_attr, edge_index, edge_attr, W1e, b1e, W2e, b2e, W1n, b1n, W2n, b2n):
    senders_idx = edge_index[0]
    receivers_idx = edge_index[1]
    # EdgeBlock
    senders_attr = jnp.take(node_attr, senders_idx, axis=0)
    receivers_attr = jnp.take(node_attr, receivers_idx, axis=0)
    collected_edges = jnp.concatenate([senders_attr, receivers_attr, edge_attr], axis=1)
    edge_attr_new = _mlp(collected_edges, W1e, b1e, W2e, b2e)
    # NodeBlock
    agg = jax.ops.segment_sum(edge_attr_new, receivers_idx, num_segments=node_attr.shape[0])
    # ib_e = True
    agg = agg - jnp.mean(agg, axis=0)
    collected_nodes = jnp.concatenate([node_attr, agg], axis=-1)
    x = _mlp(collected_nodes, W1n, b1n, W2n, b2n)
    # residuals
    edge_out = edge_attr_new + edge_attr
    x = x + node_attr
    # ib_n = True
    x = x - jnp.mean(x, axis=0)
    return (x, edge_index, edge_out)

if __name__ == "__main__":
    import jax
    _d = setup_inputs()
    print(jax.jit(kernel)(*tuple(_d.values())))

</pallas_src>

<mosaic_0001>
#map = affine_map<(d0, d1) -> (0, 0)>
#map1 = affine_map<(d0, d1) -> (0)>
module attributes {stable_mosaic.version = 14 : i64} {
  func.func @_scatter_add(%arg0: i32, %arg1: i32, %arg2: memref<320000x128xf32, #tpu.memory_space<hbm>>, %arg3: memref<320000xi32, #tpu.memory_space<hbm>>, %arg4: memref<5128x128xf32, #tpu.memory_space<hbm>>, %arg5: memref<10000x128xf32, #tpu.memory_space<hbm>>, %arg6: memref<80xi32, #tpu.memory_space<vmem>>, %arg7: memref<80xi32, #tpu.memory_space<vmem>>, %arg8: memref<80x128xf32, #tpu.memory_space<vmem>>, %arg9: memref<80x128xf32, #tpu.memory_space<vmem>>, %arg10: memref<5128x128xf32, #tpu.memory_space<vmem_shared>>, %arg11: memref<!tpu.dma_semaphore, #tpu.memory_space<semaphore_mem>>, %arg12: memref<!tpu.dma_semaphore, #tpu.memory_space<semaphore_mem>>, %arg13: memref<!tpu.dma_semaphore, #tpu.memory_space<semaphore_mem>>, %arg14: memref<!tpu.dma_semaphore, #tpu.memory_space<semaphore_mem>>, %arg15: memref<!tpu.dma_semaphore, #tpu.memory_space<semaphore_mem>>, %arg16: memref<!tpu.dma_semaphore, #tpu.memory_space<semaphore_mem>>) attributes {dimension_semantics = [#tpu.dimension_semantics<core_parallel>, #tpu.dimension_semantics<subcore_parallel>], iteration_bounds = array<i64: 2, 16>, scalar_prefetch = 0 : i64, scratch_operands = 11 : i64, tpu.core_type = #tpu.core_type<sc_vector_subcore>, window_params = [{transform_indices = #map}, {transform_indices = #map1}, {transform_indices = #map}, {transform_indices = #map}]} {
    %lt3A = arith.constant 15 : i32
    %lt3A_0 = arith.cmpi slt, %arg1, %lt3A : i32
    %convert_element_type3A = arith.extui %lt3A_0 : i1 to i32
    %cond3A = arith.constant 0 : i32
    %cond3A_1 = arith.cmpi ne, %convert_element_type3A, %cond3A : i32
    scf.if %cond3A_1 {
      %mul3A_254 = arith.constant 320 : i32
      %mul3A_255 = arith.muli %arg1, %mul3A_254 : i32
      %mul3A_256 = arith.constant 320 : i32
      %mul3A_257 = arith.muli %arg1, %mul3A_256 : i32
      "tpu.region"() ({
        %run_scoped3A = tpu.sem_alloc : memref<!tpu.dma_semaphore, #tpu.memory_space<semaphore_mem>>
        %dma_start3A_258 = arith.constant 0 : i32
        %dma_start3A_259 = tpu.memref_slice %arg10[%mul3A_257, %dma_start3A_258] : memref<5128x128xf32, #tpu.memory_space<vmem_shared>> -> memref<320x128xf32, #tpu.memory_space<vmem_shared>>
        %dma_start3A_260 = arith.constant 0 : i32
        %dma_start3A_261 = tpu.memref_slice %arg4[%mul3A_255, %dma_start3A_260] : memref<5128x128xf32, #tpu.memory_space<hbm>> -> memref<320x128xf32, #tpu.memory_space<hbm>>
        tpu.enqueue_dma source(%dma_start3A_261 : memref<320x128xf32, #tpu.memory_space<hbm>>) target(%dma_start3A_259 : memref<320x128xf32, #tpu.memory_space<vmem_shared>>) target_semaphore(%run_scoped3A : memref<!tpu.dma_semaphore, #tpu.memory_space<semaphore_mem>>)
        %dma_wait3A_262 = arith.constant 0 : i32
        %dma_wait3A_263 = tpu.memref_slice %arg10[%mul3A_257, %dma_wait3A_262] : memref<5128x128xf32, #tpu.memory_space<vmem_shared>> -> memref<320x128xf32, #tpu.memory_space<vmem_shared>>
        %dma_wait3A_264 = arith.constant 0 : i32
        %dma_wait3A_265 = tpu.memref_slice %arg4[%mul3A_255, %dma_wait3A_264] : memref<5128x128xf32, #tpu.memory_space<hbm>> -> memref<320x128xf32, #tpu.memory_space<hbm>>
        tpu.wait_dma2 semaphore(%run_scoped3A : memref<!tpu.dma_semaphore, #tpu.memory_space<semaphore_mem>>) src(%dma_wait3A_265 : memref<320x128xf32, #tpu.memory_space<hbm>>) dst(%dma_wait3A_263 : memref<320x128xf32, #tpu.memory_space<vmem_shared>>)
        tpu.yield
      }) : () -> ()
    } else {
    }
    %eq3A = arith.constant 15 : i32
    %eq3A_2 = arith.cmpi eq, %arg1, %eq3A : i32
    %convert_element_type3A_3 = arith.extui %eq3A_2 : i1 to i32
    %cond3A_4 = arith.constant 0 : i32
    %cond3A_5 = arith.cmpi ne, %convert_element_type3A_3, %cond3A_4 : i32
    scf.if %cond3A_5 {
      "tpu.region"() ({
        %run_scoped3A = tpu.sem_alloc : memref<!tpu.dma_semaphore, #tpu.memory_space<semaphore_mem>>
        %dma_start3A_254 = arith.constant 4800 : i32
        %dma_start3A_255 = arith.constant 0 : i32
        %dma_start3A_256 = tpu.memref_slice %arg10[%dma_start3A_254, %dma_start3A_255] : memref<5128x128xf32, #tpu.memory_space<vmem_shared>> -> memref<328x128xf32, #tpu.memory_space<vmem_shared>>
        %dma_start3A_257 = arith.constant 4800 : i32
        %dma_start3A_258 = arith.constant 0 : i32
        %dma_start3A_259 = tpu.memref_slice %arg4[%dma_start3A_257, %dma_start3A_258] : memref<5128x128xf32, #tpu.memory_space<hbm>> -> memref<328x128xf32, #tpu.memory_space<hbm>>
        tpu.enqueue_dma source(%dma_start3A_259 : memref<328x128xf32, #tpu.memory_space<hbm>>) target(%dma_start3A_256 : memref<328x128xf32, #tpu.memory_space<vmem_shared>>) target_semaphore(%run_scoped3A : memref<!tpu.dma_semaphore, #tpu.memory_space<semaphore_mem>>)
        %dma_wait3A_260 = arith.constant 4800 : i32
        %dma_wait3A_261 = arith.constant 0 : i32
        %dma_wait3A_262 = tpu.memref_slice %arg10[%dma_wait3A_260, %dma_wait3A_261] : memref<5128x128xf32, #tpu.memory_space<vmem_shared>> -> memref<328x128xf32, #tpu.memory_space<vmem_shared>>
        %dma_wait3A_263 = arith.constant 4800 : i32
        %dma_wait3A_264 = arith.constant 0 : i32
        %dma_wait3A_265 = tpu.memref_slice %arg4[%dma_wait3A_263, %dma_wait3A_264] : memref<5128x128xf32, #tpu.memory_space<hbm>> -> memref<328x128xf32, #tpu.memory_space<hbm>>
        tpu.wait_dma2 semaphore(%run_scoped3A : memref<!tpu.dma_semaphore, #tpu.memory_space<semaphore_mem>>) src(%dma_wait3A_265 : memref<328x128xf32, #tpu.memory_space<hbm>>) dst(%dma_wait3A_262 : memref<328x128xf32, #tpu.memory_space<vmem_shared>>)
        tpu.yield
      }) : () -> ()
    } else {
    }
    %barrier3A = arith.constant 0 : index
    tpu.barrier barrier_id(%barrier3A)
    %mul3A = arith.constant 20000 : i32
    %mul3A_6 = arith.muli %arg1, %mul3A : i32
    %mul3A_7 = arith.constant 5000 : i32
    %mul3A_8 = arith.muli %arg0, %mul3A_7 : i32
    %mul3A_9 = arith.constant 8 : i32
    %mul3A_10 = arith.muli %mul3A_9, %arg1 : i32
    %add3A = arith.constant 5000 : i32
    %add3A_11 = arith.addi %add3A, %mul3A_10 : i32
    %add3A_12 = arith.constant 0 : i32
    %add3A_13 = arith.addi %mul3A_6, %add3A_12 : i32
    %dma_start3A = tpu.memref_slice %arg3[%add3A_13] : memref<320000xi32, #tpu.memory_space<hbm>> -> memref<80xi32, #tpu.memory_space<hbm>>
    %dma_start3A_14 = tpu.memref_slice %arg3[%add3A_13] : memref<320000xi32, #tpu.memory_space<hbm>> -> memref<80xi32, #tpu.memory_space<hbm>>
    tpu.enqueue_dma source(%dma_start3A_14 : memref<80xi32, #tpu.memory_space<hbm>>) target(%arg6 : memref<80xi32, #tpu.memory_space<vmem>>) target_semaphore(%arg11 : memref<!tpu.dma_semaphore, #tpu.memory_space<semaphore_mem>>)
    %add3A_15 = arith.constant 0 : i32
    %add3A_16 = arith.addi %mul3A_6, %add3A_15 : i32
    %dma_start3A_17 = arith.constant 0 : i32
    %dma_start3A_18 = tpu.memref_slice %arg2[%add3A_16, %dma_start3A_17] : memref<320000x128xf32, #tpu.memory_space<hbm>> -> memref<80x128xf32, #tpu.memory_space<hbm>>
    %dma_start3A_19 = arith.constant 0 : i32
    %dma_start3A_20 = tpu.memref_slice %arg2[%add3A_16, %dma_start3A_19] : memref<320000x128xf32, #tpu.memory_space<hbm>> -> memref<80x128xf32, #tpu.memory_space<hbm>>
    tpu.enqueue_dma source(%dma_start3A_20 : memref<80x128xf32, #tpu.memory_space<hbm>>) target(%arg8 : memref<80x128xf32, #tpu.memory_space<vmem>>) target_semaphore(%arg13 : memref<!tpu.dma_semaphore, #tpu.memory_space<semaphore_mem>>)
    %scan3A = arith.constant 0 : i32
    %scan3A_21 = arith.constant 0 : i32
    %scan3A_22 = arith.constant 124 : i32
    %scan3A_23 = arith.addi %scan3A_21, %scan3A_22 : i32
    %scan3A_24 = arith.constant 1 : i32
    scf.for %scan3A_254 = %scan3A_21 to %scan3A_23 step %scan3A_24  : i32 {
      %mul3A_255 = arith.constant 2 : i32
      %mul3A_256 = arith.muli %mul3A_255, %scan3A_254 : i32
      %dma_wait3A_257 = arith.constant 0 : i32
      %dma_wait3A_258 = tpu.memref_slice %arg3[%dma_wait3A_257] : memref<320000xi32, #tpu.memory_space<hbm>> -> memref<80xi32, #tpu.memory_space<hbm>>
      %dma_wait3A_259 = arith.constant 0 : i32
      %dma_wait3A_260 = tpu.memref_slice %arg3[%dma_wait3A_259] : memref<320000xi32, #tpu.memory_space<hbm>> -> memref<80xi32, #tpu.memory_space<hbm>>
      tpu.wait_dma2 semaphore(%arg11 : memref<!tpu.dma_semaphore, #tpu.memory_space<semaphore_mem>>) src(%dma_wait3A_260 : memref<80xi32, #tpu.memory_space<hbm>>) dst(%arg6 : memref<80xi32, #tpu.memory_space<vmem>>)
      %get3A_261 = arith.constant 0 : index
      %get3A_262 = tpu.vector_load %arg6[%get3A_261] {strides = array<i32>} : memref<80xi32, #tpu.memory_space<vmem>>, vector<16xi32>,
      %get3A_263 = vector.shape_cast %get3A_262 : vector<16xi32> to vector<16xi32>
      %sub3A_264 = vector.broadcast %mul3A_8 : i32 to vector<16xi32>
      %sub3A_265 = arith.subi %get3A_263, %sub3A_264 : vector<16xi32>
      %ge3A_266 = arith.constant 0 : i32
      %ge3A_267 = vector.broadcast %ge3A_266 : i32 to vector<16xi32>
      %ge3A_268 = arith.cmpi sge, %sub3A_265, %ge3A_267 : vector<16xi32>
      %lt3A_269 = arith.constant 5000 : i32
      %lt3A_270 = vector.broadcast %lt3A_269 : i32 to vector<16xi32>
      %lt3A_271 = arith.cmpi slt, %sub3A_265, %lt3A_270 : vector<16xi32>
      %and3A_272 = arith.andi %ge3A_268, %lt3A_271 : vector<16xi1>
      %broadcast_in_dim3A_273 = vector.broadcast %add3A_11 : i32 to vector<16xi32>
      %select_n3A_274 = arith.select %and3A_272, %sub3A_265, %broadcast_in_dim3A_273 : vector<16xi1>, vector<16xi32>
      %swap3A_275 = arith.constant 0 : index
      %swap3A_276 = tpu.vector_load %arg6[%swap3A_275] {strides = array<i32>} : memref<80xi32, #tpu.memory_space<vmem>>, vector<16xi32>,
      %swap3A_277 = vector.shape_cast %swap3A_276 : vector<16xi32> to vector<16xi32>
      %swap3A_278 = vector.shape_cast %select_n3A_274 : vector<16xi32> to vector<16xi32>
      tpu.vector_store %arg6[%swap3A_275], %swap3A_278 {strides = array<i32>} : memref<80xi32, #tpu.memory_space<vmem>>, vector<16xi32>,
      %get3A_279 = arith.constant 16 : index
      %get3A_280 = tpu.vector_load %arg6[%get3A_279] {strides = array<i32>} : memref<80xi32, #tpu.memory_space<vmem>>, vector<16xi32>,
      %get3A_281 = vector.shape_cast %get3A_280 : vector<16xi32> to vector<16xi32>
      %sub3A_282 = vector.broadcast %mul3A_8 : i32 to vector<16xi32>
      %sub3A_283 = arith.subi %get3A_281, %sub3A_282 : vector<16xi32>
      %ge3A_284 = arith.constant 0 : i32
      %ge3A_285 = vector.broadcast %ge3A_284 : i32 to vector<16xi32>
      %ge3A_286 = arith.cmpi sge, %sub3A_283, %ge3A_285 : vector<16xi32>
      %lt3A_287 = arith.constant 5000 : i32
      %lt3A_288 = vector.broadcast %lt3A_287 : i32 to vector<16xi32>
      %lt3A_289 = arith.cmpi slt, %sub3A_283, %lt3A_288 : vector<16xi32>
      %and3A_290 = arith.andi %ge3A_286, %lt3A_289 : vector<16xi1>
      %broadcast_in_dim3A_291 = vector.broadcast %add3A_11 : i32 to vector<16xi32>
      %select_n3A_292 = arith.select %and3A_290, %sub3A_283, %broadcast_in_dim3A_291 : vector<16xi1>, vector<16xi32>
      %swap3A_293 = arith.constant 16 : index
      %swap3A_294 = tpu.vector_load %arg6[%swap3A_293] {strides = array<i32>} : memref<80xi32, #tpu.memory_space<vmem>>, vector<16xi32>,
      %swap3A_295 = vector.shape_cast %swap3A_294 : vector<16xi32> to vector<16xi32>
      %swap3A_296 = vector.shape_cast %select_n3A_292 : vector<16xi32> to vector<16xi32>
      tpu.vector_store %arg6[%swap3A_293], %swap3A_296 {strides = array<i32>} : memref<80xi32, #tpu.memory_space<vmem>>, vector<16xi32>,
      %get3A_297 = arith.constant 32 : index
      %get3A_298 = tpu.vector_load %arg6[%get3A_297] {strides = array<i32>} : memref<80xi32, #tpu.memory_space<vmem>>, vector<16xi32>,
      %get3A_299 = vector.shape_cast %get3A_298 : vector<16xi32> to vector<16xi32>
      %sub3A_300 = vector.broadcast %mul3A_8 : i32 to vector<16xi32>
      %sub3A_301 = arith.subi %get3A_299, %sub3A_300 : vector<16xi32>
      %ge3A_302 = arith.constant 0 : i32
      %ge3A_303 = vector.broadcast %ge3A_302 : i32 to vector<16xi32>
      %ge3A_304 = arith.cmpi sge, %sub3A_301, %ge3A_303 : vector<16xi32>
      %lt3A_305 = arith.constant 5000 : i32
      %lt3A_306 = vector.broadcast %lt3A_305 : i32 to vector<16xi32>
      %lt3A_307 = arith.cmpi slt, %sub3A_301, %lt3A_306 : vector<16xi32>
      %and3A_308 = arith.andi %ge3A_304, %lt3A_307 : vector<16xi1>
      %broadcast_in_dim3A_309 = vector.broadcast %add3A_11 : i32 to vector<16xi32>
      %select_n3A_310 = arith.select %and3A_308, %sub3A_301, %broadcast_in_dim3A_309 : vector<16xi1>, vector<16xi32>
      %swap3A_311 = arith.constant 32 : index
      %swap3A_312 = tpu.vector_load %arg6[%swap3A_311] {strides = array<i32>} : memref<80xi32, #tpu.memory_space<vmem>>, vector<16xi32>,
      %swap3A_313 = vector.shape_cast %swap3A_312 : vector<16xi32> to vector<16xi32>
      %swap3A_314 = vector.shape_cast %select_n3A_310 : vector<16xi32> to vector<16xi32>
      tpu.vector_store %arg6[%swap3A_311], %swap3A_314 {strides = array<i32>} : memref<80xi32, #tpu.memory_space<vmem>>, vector<16xi32>,
      %get3A_315 = arith.constant 48 : index
      %get3A_316 = tpu.vector_load %arg6[%get3A_315] {strides = array<i32>} : memref<80xi32, #tpu.memory_space<vmem>>, vector<16xi32>,
      %get3A_317 = vector.shape_cast %get3A_316 : vector<16xi32> to vector<16xi32>
      %sub3A_318 = vector.broadcast %mul3A_8 : i32 to vector<16xi32>
      %sub3A_319 = arith.subi %get3A_317, %sub3A_318 : vector<16xi32>
      %ge3A_320 = arith.constant 0 : i32
      %ge3A_321 = vector.broadcast %ge3A_320 : i32 to vector<16xi32>
      %ge3A_322 = arith.cmpi sge, %sub3A_319, %ge3A_321 : vector<16xi32>
      %lt3A_323 = arith.constant 5000 : i32
      %lt3A_324 = vector.broadcast %lt3A_323 : i32 to vector<16xi32>
      %lt3A_325 = arith.cmpi slt, %sub3A_319, %lt3A_324 : vector<16xi32>
      %and3A_326 = arith.andi %ge3A_322, %lt3A_325 : vector<16xi1>
      %broadcast_in_dim3A_327 = vector.broadcast %add3A_11 : i32 to vector<16xi32>
      %select_n3A_328 = arith.select %and3A_326, %sub3A_319, %broadcast_in_dim3A_327 : vector<16xi1>, vector<16xi32>
      %swap3A_329 = arith.constant 48 : index
      %swap3A_330 = tpu.vector_load %arg6[%swap3A_329] {strides = array<i32>} : memref<80xi32, #tpu.memory_space<vmem>>, vector<16xi32>,
      %swap3A_331 = vector.shape_cast %swap3A_330 : vector<16xi32> to vector<16xi32>
      %swap3A_332 = vector.shape_cast %select_n3A_328 : vector<16xi32> to vector<16xi32>
      tpu.vector_store %arg6[%swap3A_329], %swap3A_332 {strides = array<i32>} : memref<80xi32, #tpu.memory_space<vmem>>, vector<16xi32>,
      %get3A_333 = arith.constant 64 : index
      %get3A_334 = tpu.vector_load %arg6[%get3A_333] {strides = array<i32>} : memref<80xi32, #tpu.memory_space<vmem>>, vector<16xi32>,
      %get3A_335 = vector.shape_cast %get3A_334 : vector<16xi32> to vector<16xi32>
      %sub3A_336 = vector.broadcast %mul3A_8 : i32 to vector<16xi32>
      %sub3A_337 = arith.subi %get3A_335, %sub3A_336 : vector<16xi32>
      %ge3A_338 = arith.constant 0 : i32
      %ge3A_339 = vector.broadcast %ge3A_338 : i32 to vector<16xi32>
      %ge3A_340 = arith.cmpi sge, %sub3A_337, %ge3A_339 : vector<16xi32>
      %lt3A_341 = arith.constant 5000 : i32
      %lt3A_342 = vector.broadcast %lt3A_341 : i32 to vector<16xi32>
      %lt3A_343 = arith.cmpi slt, %sub3A_337, %lt3A_342 : vector<16xi32>
      %and3A_344 = arith.andi %ge3A_340, %lt3A_343 : vector<16xi1>
      %broadcast_in_dim3A_345 = vector.broadcast %add3A_11 : i32 to vector<16xi32>
      %select_n3A_346 = arith.select %and3A_344, %sub3A_337, %broadcast_in_dim3A_345 : vector<16xi1>, vector<16xi32>
      %swap3A_347 = arith.constant 64 : index
      %swap3A_348 = tpu.vector_load %arg6[%swap3A_347] {strides = array<i32>} : memref<80xi32, #tpu.memory_space<vmem>>, vector<16xi32>,
      %swap3A_349 = vector.shape_cast %swap3A_348 : vector<16xi32> to vector<16xi32>
      %swap3A_350 = vector.shape_cast %select_n3A_346 : vector<16xi32> to vector<16xi32>
      tpu.vector_store %arg6[%swap3A_347], %swap3A_350 {strides = array<i32>} : memref<80xi32, #tpu.memory_space<vmem>>, vector<16xi32>,
      %dma_wait3A_351 = arith.constant 0 : i32
      %dma_wait3A_352 = arith.constant 0 : i32
      %dma_wait3A_353 = tpu.memref_slice %arg2[%dma_wait3A_351, %dma_wait3A_352] : memref<320000x128xf32, #tpu.memory_space<hbm>> -> memref<80x128xf32, #tpu.memory_space<hbm>>
      %dma_wait3A_354 = arith.constant 0 : i32
      %dma_wait3A_355 = arith.constant 0 : i32
      %dma_wait3A_356 = tpu.memref_slice %arg2[%dma_wait3A_354, %dma_wait3A_355] : memref<320000x128xf32, #tpu.memory_space<hbm>> -> memref<80x128xf32, #tpu.memory_space<hbm>>
      tpu.wait_dma2 semaphore(%arg13 : memref<!tpu.dma_semaphore, #tpu.memory_space<semaphore_mem>>) src(%dma_wait3A_356 : memref<80x128xf32, #tpu.memory_space<hbm>>) dst(%arg8 : memref<80x128xf32, #tpu.memory_space<vmem>>)
      %dma_start3A_357 = arith.constant 0 : i32
      %dma_start3A_358 = arith.constant 0 : i32
      %dma_start3A_359 = tpu.memref_slice %arg10[%dma_start3A_357, %dma_start3A_358] : memref<5128x128xf32, #tpu.memory_space<vmem_shared>> -> memref<5128x128xf32, #tpu.memory_space<vmem_shared>>
      tpu.enqueue_indirect_dma source(%arg8 : memref<80x128xf32, #tpu.memory_space<vmem>>) target(%dma_start3A_359 : memref<5128x128xf32, #tpu.memory_space<vmem_shared>>) offsets(%arg6 : memref<80xi32, #tpu.memory_space<vmem>>) semaphore(%arg15 : memref<!tpu.dma_semaphore, #tpu.memory_space<semaphore_mem>>) {add = true}
      %gt3A = arith.constant 0 : i32
      %gt3A_360 = arith.cmpi sgt, %scan3A_254, %gt3A : i32
      %convert_element_type3A_361 = arith.extui %gt3A_360 : i1 to i32
      %cond3A_362 = arith.constant 0 : i32
      %cond3A_363 = arith.cmpi ne, %convert_element_type3A_361, %cond3A_362 : i32
      scf.if %cond3A_363 {
        %dma_wait3A_502 = arith.constant 0 : i32
        %dma_wait3A_503 = arith.constant 0 : i32
        %dma_wait3A_504 = tpu.memref_slice %arg10[%dma_wait3A_502, %dma_wait3A_503] : memref<5128x128xf32, #tpu.memory_space<vmem_shared>> -> memref<5128x128xf32, #tpu.memory_space<vmem_shared>>
        tpu.wait_indirect_dma semaphore(%arg16 : memref<!tpu.dma_semaphore, #tpu.memory_space<semaphore_mem>>) src(%arg9 : memref<80x128xf32, #tpu.memory_space<vmem>>) dst(%dma_wait3A_504 : memref<5128x128xf32, #tpu.memory_space<vmem_shared>>)
      } else {
      }
      %add3A_364 = arith.constant 1 : i32
      %add3A_365 = arith.addi %mul3A_256, %add3A_364 : i32
      %mul3A_366 = arith.constant 80 : i32
      %mul3A_367 = arith.muli %add3A_365, %mul3A_366 : i32
      %add3A_368 = arith.addi %mul3A_6, %mul3A_367 : i32
      %dma_start3A_369 = tpu.memref_slice %arg3[%add3A_368] : memref<320000xi32, #tpu.memory_space<hbm>> -> memref<80xi32, #tpu.memory_space<hbm>>
      %dma_start3A_370 = tpu.memref_slice %arg3[%add3A_368] : memref<320000xi32, #tpu.memory_space<hbm>> -> memref<80xi32, #tpu.memory_space<hbm>>
      tpu.enqueue_dma source(%dma_start3A_370 : memref<80xi32, #tpu.memory_space<hbm>>) target(%arg7 : memref<80xi32, #tpu.memory_space<vmem>>) target_semaphore(%arg12 : memref<!tpu.dma_semaphore, #tpu.memory_space<semaphore_mem>>)
      %add3A_371 = arith.constant 1 : i32
      %add3A_372 = arith.addi %mul3A_256, %add3A_371 : i32
      %mul3A_373 = arith.constant 80 : i32
      %mul3A_374 = arith.muli %add3A_372, %mul3A_373 : i32
      %add3A_375 = arith.addi %mul3A_6, %mul3A_374 : i32
      %dma_start3A_376 = arith.constant 0 : i32
      %dma_start3A_377 = tpu.memref_slice %arg2[%add3A_375, %dma_start3A_376] : memref<320000x128xf32, #tpu.memory_space<hbm>> -> memref<80x128xf32, #tpu.memory_space<hbm>>
      %dma_start3A_378 = arith.constant 0 : i32
      %dma_start3A_379 = tpu.memref_slice %arg2[%add3A_375, %dma_start3A_378] : memref<320000x128xf32, #tpu.memory_space<hbm>> -> memref<80x128xf32, #tpu.memory_space<hbm>>
      tpu.enqueue_dma source(%dma_start3A_379 : memref<80x128xf32, #tpu.memory_space<hbm>>) target(%arg9 : memref<80x128xf32, #tpu.memory_space<vmem>>) target_semaphore(%arg14 : memref<!tpu.dma_semaphore, #tpu.memory_space<semaphore_mem>>)
      %dma_wait3A_380 = arith.constant 0 : i32
      %dma_wait3A_381 = tpu.memref_slice %arg3[%dma_wait3A_380] : memref<320000xi32, #tpu.memory_space<hbm>> -> memref<80xi32, #tpu.memory_space<hbm>>
      %dma_wait3A_382 = arith.constant 0 : i32
      %dma_wait3A_383 = tpu.memref_slice %arg3[%dma_wait3A_382] : memref<320000xi32, #tpu.memory_space<hbm>> -> memref<80xi32, #tpu.memory_space<hbm>>
      tpu.wait_dma2 semaphore(%arg12 : memref<!tpu.dma_semaphore, #tpu.memory_space<semaphore_mem>>) src(%dma_wait3A_383 : memref<80xi32, #tpu.memory_space<hbm>>) dst(%arg7 : memref<80xi32, #tpu.memory_space<vmem>>)
      %get3A_384 = arith.constant 0 : index
      %get3A_385 = tpu.vector_load %arg7[%get3A_384] {strides = array<i32>} : memref<80xi32, #tpu.memory_space<vmem>>, vector<16xi32>,
      %get3A_386 = vector.shape_cast %get3A_385 : vector<16xi32> to vector<16xi32>
      %sub3A_387 = vector.broadcast %mul3A_8 : i32 to vector<16xi32>
      %sub3A_388 = arith.subi %get3A_386, %sub3A_387 : vector<16xi32>
      %ge3A_389 = arith.constant 0 : i32
      %ge3A_390 = vector.broadcast %ge3A_389 : i32 to vector<16xi32>
      %ge3A_391 = arith.cmpi sge, %sub3A_388, %ge3A_390 : vector<16xi32>
      %lt3A_392 = arith.constant 5000 : i32
      %lt3A_393 = vector.broadcast %lt3A_392 : i32 to vector<16xi32>
      %lt3A_394 = arith.cmpi slt, %sub3A_388, %lt3A_393 : vector<16xi32>
      %and3A_395 = arith.andi %ge3A_391, %lt3A_394 : vector<16xi1>
      %broadcast_in_dim3A_396 = vector.broadcast %add3A_11 : i32 to vector<16xi32>
      %select_n3A_397 = arith.select %and3A_395, %sub3A_388, %broadcast_in_dim3A_396 : vector<16xi1>, vector<16xi32>
      %swap3A_398 = arith.constant 0 : index
      %swap3A_399 = tpu.vector_load %arg7[%swap3A_398] {strides = array<i32>} : memref<80xi32, #tpu.memory_space<vmem>>, vector<16xi32>,
      %swap3A_400 = vector.shape_cast %swap3A_399 : vector<16xi32> to vector<16xi32>
      %swap3A_401 = vector.shape_cast %select_n3A_397 : vector<16xi32> to vector<16xi32>
      tpu.vector_store %arg7[%swap3A_398], %swap3A_401 {strides = array<i32>} : memref<80xi32, #tpu.memory_space<vmem>>, vector<16xi32>,
      %get3A_402 = arith.constant 16 : index
      %get3A_403 = tpu.vector_load %arg7[%get3A_402] {strides = array<i32>} : memref<80xi32, #tpu.memory_space<vmem>>, vector<16xi32>,
      %get3A_404 = vector.shape_cast %get3A_403 : vector<16xi32> to vector<16xi32>
      %sub3A_405 = vector.broadcast %mul3A_8 : i32 to vector<16xi32>
      %sub3A_406 = arith.subi %get3A_404, %sub3A_405 : vector<16xi32>
      %ge3A_407 = arith.constant 0 : i32
      %ge3A_408 = vector.broadcast %ge3A_407 : i32 to vector<16xi32>
      %ge3A_409 = arith.cmpi sge, %sub3A_406, %ge3A_408 : vector<16xi32>
      %lt3A_410 = arith.constant 5000 : i32
      %lt3A_411 = vector.broadcast %lt3A_410 : i32 to vector<16xi32>
      %lt3A_412 = arith.cmpi slt, %sub3A_406, %lt3A_411 : vector<16xi32>
      %and3A_413 = arith.andi %ge3A_409, %lt3A_412 : vector<16xi1>
      %broadcast_in_dim3A_414 = vector.broadcast %add3A_11 : i32 to vector<16xi32>
      %select_n3A_415 = arith.select %and3A_413, %sub3A_406, %broadcast_in_dim3A_414 : vector<16xi1>, vector<16xi32>
      %swap3A_416 = arith.constant 16 : index
      %swap3A_417 = tpu.vector_load %arg7[%swap3A_416] {strides = array<i32>} : memref<80xi32, #tpu.memory_space<vmem>>, vector<16xi32>,
      %swap3A_418 = vector.shape_cast %swap3A_417 : vector<16xi32> to vector<16xi32>
      %swap3A_419 = vector.shape_cast %select_n3A_415 : vector<16xi32> to vector<16xi32>
      tpu.vector_store %arg7[%swap3A_416], %swap3A_419 {strides = array<i32>} : memref<80xi32, #tpu.memory_space<vmem>>, vector<16xi32>,
      %get3A_420 = arith.constant 32 : index
      %get3A_421 = tpu.vector_load %arg7[%get3A_420] {strides = array<i32>} : memref<80xi32, #tpu.memory_space<vmem>>, vector<16xi32>,
      %get3A_422 = vector.shape_cast %get3A_421 : vector<16xi32> to vector<16xi32>
      %sub3A_423 = vector.broadcast %mul3A_8 : i32 to vector<16xi32>
      %sub3A_424 = arith.subi %get3A_422, %sub3A_423 : vector<16xi32>
      %ge3A_425 = arith.constant 0 : i32
      %ge3A_426 = vector.broadcast %ge3A_425 : i32 to vector<16xi32>
      %ge3A_427 = arith.cmpi sge, %sub3A_424, %ge3A_426 : vector<16xi32>
      %lt3A_428 = arith.constant 5000 : i32
      %lt3A_429 = vector.broadcast %lt3A_428 : i32 to vector<16xi32>
      %lt3A_430 = arith.cmpi slt, %sub3A_424, %lt3A_429 : vector<16xi32>
      %and3A_431 = arith.andi %ge3A_427, %lt3A_430 : vector<16xi1>
      %broadcast_in_dim3A_432 = vector.broadcast %add3A_11 : i32 to vector<16xi32>
      %select_n3A_433 = arith.select %and3A_431, %sub3A_424, %broadcast_in_dim3A_432 : vector<16xi1>, vector<16xi32>
      %swap3A_434 = arith.constant 32 : index
      %swap3A_435 = tpu.vector_load %arg7[%swap3A_434] {strides = array<i32>} : memref<80xi32, #tpu.memory_space<vmem>>, vector<16xi32>,
      %swap3A_436 = vector.shape_cast %swap3A_435 : vector<16xi32> to vector<16xi32>
      %swap3A_437 = vector.shape_cast %select_n3A_433 : vector<16xi32> to vector<16xi32>
      tpu.vector_store %arg7[%swap3A_434], %swap3A_437 {strides = array<i32>} : memref<80xi32, #tpu.memory_space<vmem>>, vector<16xi32>,
      %get3A_438 = arith.constant 48 : index
      %get3A_439 = tpu.vector_load %arg7[%get3A_438] {strides = array<i32>} : memref<80xi32, #tpu.memory_space<vmem>>, vector<16xi32>,
      %get3A_440 = vector.shape_cast %get3A_439 : vector<16xi32> to vector<16xi32>
      %sub3A_441 = vector.broadcast %mul3A_8 : i32 to vector<16xi32>
      %sub3A_442 = arith.subi %get3A_440, %sub3A_441 : vector<16xi32>
      %ge3A_443 = arith.constant 0 : i32
      %ge3A_444 = vector.broadcast %ge3A_443 : i32 to vector<16xi32>
      %ge3A_445 = arith.cmpi sge, %sub3A_442, %ge3A_444 : vector<16xi32>
      %lt3A_446 = arith.constant 5000 : i32
      %lt3A_447 = vector.broadcast %lt3A_446 : i32 to vector<16xi32>
      %lt3A_448 = arith.cmpi slt, %sub3A_442, %lt3A_447 : vector<16xi32>
      %and3A_449 = arith.andi %ge3A_445, %lt3A_448 : vector<16xi1>
      %broadcast_in_dim3A_450 = vector.broadcast %add3A_11 : i32 to vector<16xi32>
      %select_n3A_451 = arith.select %and3A_449, %sub3A_442, %broadcast_in_dim3A_450 : vector<16xi1>, vector<16xi32>
      %swap3A_452 = arith.constant 48 : index
      %swap3A_453 = tpu.vector_load %arg7[%swap3A_452] {strides = array<i32>} : memref<80xi32, #tpu.memory_space<vmem>>, vector<16xi32>,
      %swap3A_454 = vector.shape_cast %swap3A_453 : vector<16xi32> to vector<16xi32>
      %swap3A_455 = vector.shape_cast %select_n3A_451 : vector<16xi32> to vector<16xi32>
      tpu.vector_store %arg7[%swap3A_452], %swap3A_455 {strides = array<i32>} : memref<80xi32, #tpu.memory_space<vmem>>, vector<16xi32>,
      %get3A_456 = arith.constant 64 : index
      %get3A_457 = tpu.vector_load %arg7[%get3A_456] {strides = array<i32>} : memref<80xi32, #tpu.memory_space<vmem>>, vector<16xi32>,
      %get3A_458 = vector.shape_cast %get3A_457 : vector<16xi32> to vector<16xi32>
      %sub3A_459 = vector.broadcast %mul3A_8 : i32 to vector<16xi32>
      %sub3A_460 = arith.subi %get3A_458, %sub3A_459 : vector<16xi32>
      %ge3A_461 = arith.constant 0 : i32
      %ge3A_462 = vector.broadcast %ge3A_461 : i32 to vector<16xi32>
      %ge3A_463 = arith.cmpi sge, %sub3A_460, %ge3A_462 : vector<16xi32>
      %lt3A_464 = arith.constant 5000 : i32
      %lt3A_465 = vector.broadcast %lt3A_464 : i32 to vector<16xi32>
      %lt3A_466 = arith.cmpi slt, %sub3A_460, %lt3A_465 : vector<16xi32>
      %and3A_467 = arith.andi %ge3A_463, %lt3A_466 : vector<16xi1>
      %broadcast_in_dim3A_468 = vector.broadcast %add3A_11 : i32 to vector<16xi32>
      %select_n3A_469 = arith.select %and3A_467, %sub3A_460, %broadcast_in_dim3A_468 : vector<16xi1>, vector<16xi32>
      %swap3A_470 = arith.constant 64 : index
      %swap3A_471 = tpu.vector_load %arg7[%swap3A_470] {strides = array<i32>} : memref<80xi32, #tpu.memory_space<vmem>>, vector<16xi32>,
      %swap3A_472 = vector.shape_cast %swap3A_471 : vector<16xi32> to vector<16xi32>
      %swap3A_473 = vector.shape_cast %select_n3A_469 : vector<16xi32> to vector<16xi32>
      tpu.vector_store %arg7[%swap3A_470], %swap3A_473 {strides = array<i32>} : memref<80xi32, #tpu.memory_space<vmem>>, vector<16xi32>,
      %dma_wait3A_474 = arith.constant 0 : i32
      %dma_wait3A_475 = arith.constant 0 : i32
      %dma_wait3A_476 = tpu.memref_slice %arg2[%dma_wait3A_474, %dma_wait3A_475] : memref<320000x128xf32, #tpu.memory_space<hbm>> -> memref<80x128xf32, #tpu.memory_space<hbm>>
      %dma_wait3A_477 = arith.constant 0 : i32
      %dma_wait3A_478 = arith.constant 0 : i32
      %dma_wait3A_479 = tpu.memref_slice %arg2[%dma_wait3A_477, %dma_wait3A_478] : memref<320000x128xf32, #tpu.memory_space<hbm>> -> memref<80x128xf32, #tpu.memory_space<hbm>>
      tpu.wait_dma2 semaphore(%arg14 : memref<!tpu.dma_semaphore, #tpu.memory_space<semaphore_mem>>) src(%dma_wait3A_479 : memref<80x128xf32, #tpu.memory_space<hbm>>) dst(%arg9 : memref<80x128xf32, #tpu.memory_space<vmem>>)
      %dma_start3A_480 = arith.constant 0 : i32
      %dma_start3A_481 = arith.constant 0 : i32
      %dma_start3A_482 = tpu.memref_slice %arg10[%dma_start3A_480, %dma_start3A_481] : memref<5128x128xf32, #tpu.memory_space<vmem_shared>> -> memref<5128x128xf32, #tpu.memory_space<vmem_shared>>
      tpu.enqueue_indirect_dma source(%arg9 : memref<80x128xf32, #tpu.memory_space<vmem>>) target(%dma_start3A_482 : memref<5128x128xf32, #tpu.memory_space<vmem_shared>>) offsets(%arg7 : memref<80xi32, #tpu.memory_space<vmem>>) semaphore(%arg16 : memref<!tpu.dma_semaphore, #tpu.memory_space<semaphore_mem>>) {add = true}
      %dma_wait3A_483 = arith.constant 0 : i32
      %dma_wait3A_484 = arith.constant 0 : i32
      %dma_wait3A_485 = tpu.memref_slice %arg10[%dma_wait3A_483, %dma_wait3A_484] : memref<5128x128xf32, #tpu.memory_space<vmem_shared>> -> memref<5128x128xf32, #tpu.memory_space<vmem_shared>>
      tpu.wait_indirect_dma semaphore(%arg15 : memref<!tpu.dma_semaphore, #tpu.memory_space<semaphore_mem>>) src(%arg8 : memref<80x128xf32, #tpu.memory_space<vmem>>) dst(%dma_wait3A_485 : memref<5128x128xf32, #tpu.memory_space<vmem_shared>>)
      %add3A_486 = arith.constant 2 : i32
      %add3A_487 = arith.addi %mul3A_256, %add3A_486 : i32
      %mul3A_488 = arith.constant 80 : i32
      %mul3A_489 = arith.muli %add3A_487, %mul3A_488 : i32
      %add3A_490 = arith.addi %mul3A_6, %mul3A_489 : i32
      %dma_start3A_491 = tpu.memref_slice %arg3[%add3A_490] : memref<320000xi32, #tpu.memory_space<hbm>> -> memref<80xi32, #tpu.memory_space<hbm>>
      %dma_start3A_492 = tpu.memref_slice %arg3[%add3A_490] : memref<320000xi32, #tpu.memory_space<hbm>> -> memref<80xi32, #tpu.memory_space<hbm>>
      tpu.enqueue_dma source(%dma_start3A_492 : memref<80xi32, #tpu.memory_space<hbm>>) target(%arg6 : memref<80xi32, #tpu.memory_space<vmem>>) target_semaphore(%arg11 : memref<!tpu.dma_semaphore, #tpu.memory_space<semaphore_mem>>)
      %add3A_493 = arith.constant 2 : i32
      %add3A_494 = arith.addi %mul3A_256, %add3A_493 : i32
      %mul3A_495 = arith.constant 80 : i32
      %mul3A_496 = arith.muli %add3A_494, %mul3A_495 : i32
      %add3A_497 = arith.addi %mul3A_6, %mul3A_496 : i32
      %dma_start3A_498 = arith.constant 0 : i32
      %dma_start3A_499 = tpu.memref_slice %arg2[%add3A_497, %dma_start3A_498] : memref<320000x128xf32, #tpu.memory_space<hbm>> -> memref<80x128xf32, #tpu.memory_space<hbm>>
      %dma_start3A_500 = arith.constant 0 : i32
      %dma_start3A_501 = tpu.memref_slice %arg2[%add3A_497, %dma_start3A_500] : memref<320000x128xf32, #tpu.memory_space<hbm>> -> memref<80x128xf32, #tpu.memory_space<hbm>>
      tpu.enqueue_dma source(%dma_start3A_501 : memref<80x128xf32, #tpu.memory_space<hbm>>) target(%arg8 : memref<80x128xf32, #tpu.memory_space<vmem>>) target_semaphore(%arg13 : memref<!tpu.dma_semaphore, #tpu.memory_space<semaphore_mem>>)
    }
    %scan3A_25 = arith.constant 124 : i32
    %dma_wait3A = arith.constant 0 : i32
    %dma_wait3A_26 = tpu.memref_slice %arg3[%dma_wait3A] : memref<320000xi32, #tpu.memory_space<hbm>> -> memref<80xi32, #tpu.memory_space<hbm>>
    %dma_wait3A_27 = arith.constant 0 : i32
    %dma_wait3A_28 = tpu.memref_slice %arg3[%dma_wait3A_27] : memref<320000xi32, #tpu.memory_space<hbm>> -> memref<80xi32, #tpu.memory_space<hbm>>
    tpu.wait_dma2 semaphore(%arg11 : memref<!tpu.dma_semaphore, #tpu.memory_space<semaphore_mem>>) src(%dma_wait3A_28 : memref<80xi32, #tpu.memory_space<hbm>>) dst(%arg6 : memref<80xi32, #tpu.memory_space<vmem>>)
    %get3A = arith.constant 0 : index
    %get3A_29 = tpu.vector_load %arg6[%get3A] {strides = array<i32>} : memref<80xi32, #tpu.memory_space<vmem>>, vector<16xi32>,
    %get3A_30 = vector.shape_cast %get3A_29 : vector<16xi32> to vector<16xi32>
    %sub3A = vector.broadcast %mul3A_8 : i32 to vector<16xi32>
    %sub3A_31 = arith.subi %get3A_30, %sub3A : vector<16xi32>
    %ge3A = arith.constant 0 : i32
    %ge3A_32 = vector.broadcast %ge3A : i32 to vector<16xi32>
    %ge3A_33 = arith.cmpi sge, %sub3A_31, %ge3A_32 : vector<16xi32>
    %lt3A_34 = arith.constant 5000 : i32
    %lt3A_35 = vector.broadcast %lt3A_34 : i32 to vector<16xi32>
    %lt3A_36 = arith.cmpi slt, %sub3A_31, %lt3A_35 : vector<16xi32>
    %and3A = arith.andi %ge3A_33, %lt3A_36 : vector<16xi1>
    %broadcast_in_dim3A = vector.broadcast %add3A_11 : i32 to vector<16xi32>
    %select_n3A = arith.select %and3A, %sub3A_31, %broadcast_in_dim3A : vector<16xi1>, vector<16xi32>
    %swap3A = arith.constant 0 : index
    %swap3A_37 = tpu.vector_load %arg6[%swap3A] {strides = array<i32>} : memref<80xi32, #tpu.memory_space<vmem>>, vector<16xi32>,
    %swap3A_38 = vector.shape_cast %swap3A_37 : vector<16xi32> to vector<16xi32>
    %swap3A_39 = vector.shape_cast %select_n3A : vector<16xi32> to vector<16xi32>
    tpu.vector_store %arg6[%swap3A], %swap3A_39 {strides = array<i32>} : memref<80xi32, #tpu.memory_space<vmem>>, vector<16xi32>,
    %get3A_40 = arith.constant 16 : index
    %get3A_41 = tpu.vector_load %arg6[%get3A_40] {strides = array<i32>} : memref<80xi32, #tpu.memory_space<vmem>>, vector<16xi32>,
    %get3A_42 = vector.shape_cast %get3A_41 : vector<16xi32> to vector<16xi32>
    %sub3A_43 = vector.broadcast %mul3A_8 : i32 to vector<16xi32>
    %sub3A_44 = arith.subi %get3A_42, %sub3A_43 : vector<16xi32>
    %ge3A_45 = arith.constant 0 : i32
    %ge3A_46 = vector.broadcast %ge3A_45 : i32 to vector<16xi32>
    %ge3A_47 = arith.cmpi sge, %sub3A_44, %ge3A_46 : vector<16xi32>
    %lt3A_48 = arith.constant 5000 : i32
    %lt3A_49 = vector.broadcast %lt3A_48 : i32 to vector<16xi32>
    %lt3A_50 = arith.cmpi slt, %sub3A_44, %lt3A_49 : vector<16xi32>
    %and3A_51 = arith.andi %ge3A_47, %lt3A_50 : vector<16xi1>
    %broadcast_in_dim3A_52 = vector.broadcast %add3A_11 : i32 to vector<16xi32>
    %select_n3A_53 = arith.select %and3A_51, %sub3A_44, %broadcast_in_dim3A_52 : vector<16xi1>, vector<16xi32>
    %swap3A_54 = arith.constant 16 : index
    %swap3A_55 = tpu.vector_load %arg6[%swap3A_54] {strides = array<i32>} : memref<80xi32, #tpu.memory_space<vmem>>, vector<16xi32>,
    %swap3A_56 = vector.shape_cast %swap3A_55 : vector<16xi32> to vector<16xi32>
    %swap3A_57 = vector.shape_cast %select_n3A_53 : vector<16xi32> to vector<16xi32>
    tpu.vector_store %arg6[%swap3A_54], %swap3A_57 {strides = array<i32>} : memref<80xi32, #tpu.memory_space<vmem>>, vector<16xi32>,
    %get3A_58 = arith.constant 32 : index
    %get3A_59 = tpu.vector_load %arg6[%get3A_58] {strides = array<i32>} : memref<80xi32, #tpu.memory_space<vmem>>, vector<16xi32>,
    %get3A_60 = vector.shape_cast %get3A_59 : vector<16xi32> to vector<16xi32>
    %sub3A_61 = vector.broadcast %mul3A_8 : i32 to vector<16xi32>
    %sub3A_62 = arith.subi %get3A_60, %sub3A_61 : vector<16xi32>
    %ge3A_63 = arith.constant 0 : i32
    %ge3A_64 = vector.broadcast %ge3A_63 : i32 to vector<16xi32>
    %ge3A_65 = arith.cmpi sge, %sub3A_62, %ge3A_64 : vector<16xi32>
    %lt3A_66 = arith.constant 5000 : i32
    %lt3A_67 = vector.broadcast %lt3A_66 : i32 to vector<16xi32>
    %lt3A_68 = arith.cmpi slt, %sub3A_62, %lt3A_67 : vector<16xi32>
    %and3A_69 = arith.andi %ge3A_65, %lt3A_68 : vector<16xi1>
    %broadcast_in_dim3A_70 = vector.broadcast %add3A_11 : i32 to vector<16xi32>
    %select_n3A_71 = arith.select %and3A_69, %sub3A_62, %broadcast_in_dim3A_70 : vector<16xi1>, vector<16xi32>
    %swap3A_72 = arith.constant 32 : index
    %swap3A_73 = tpu.vector_load %arg6[%swap3A_72] {strides = array<i32>} : memref<80xi32, #tpu.memory_space<vmem>>, vector<16xi32>,
    %swap3A_74 = vector.shape_cast %swap3A_73 : vector<16xi32> to vector<16xi32>
    %swap3A_75 = vector.shape_cast %select_n3A_71 : vector<16xi32> to vector<16xi32>
    tpu.vector_store %arg6[%swap3A_72], %swap3A_75 {strides = array<i32>} : memref<80xi32, #tpu.memory_space<vmem>>, vector<16xi32>,
    %get3A_76 = arith.constant 48 : index
    %get3A_77 = tpu.vector_load %arg6[%get3A_76] {strides = array<i32>} : memref<80xi32, #tpu.memory_space<vmem>>, vector<16xi32>,
    %get3A_78 = vector.shape_cast %get3A_77 : vector<16xi32> to vector<16xi32>
    %sub3A_79 = vector.broadcast %mul3A_8 : i32 to vector<16xi32>
    %sub3A_80 = arith.subi %get3A_78, %sub3A_79 : vector<16xi32>
    %ge3A_81 = arith.constant 0 : i32
    %ge3A_82 = vector.broadcast %ge3A_81 : i32 to vector<16xi32>
    %ge3A_83 = arith.cmpi sge, %sub3A_80, %ge3A_82 : vector<16xi32>
    %lt3A_84 = arith.constant 5000 : i32
    %lt3A_85 = vector.broadcast %lt3A_84 : i32 to vector<16xi32>
    %lt3A_86 = arith.cmpi slt, %sub3A_80, %lt3A_85 : vector<16xi32>
    %and3A_87 = arith.andi %ge3A_83, %lt3A_86 : vector<16xi1>
    %broadcast_in_dim3A_88 = vector.broadcast %add3A_11 : i32 to vector<16xi32>
    %select_n3A_89 = arith.select %and3A_87, %sub3A_80, %broadcast_in_dim3A_88 : vector<16xi1>, vector<16xi32>
    %swap3A_90 = arith.constant 48 : index
    %swap3A_91 = tpu.vector_load %arg6[%swap3A_90] {strides = array<i32>} : memref<80xi32, #tpu.memory_space<vmem>>, vector<16xi32>,
    %swap3A_92 = vector.shape_cast %swap3A_91 : vector<16xi32> to vector<16xi32>
    %swap3A_93 = vector.shape_cast %select_n3A_89 : vector<16xi32> to vector<16xi32>
    tpu.vector_store %arg6[%swap3A_90], %swap3A_93 {strides = array<i32>} : memref<80xi32, #tpu.memory_space<vmem>>, vector<16xi32>,
    %get3A_94 = arith.constant 64 : index
    %get3A_95 = tpu.vector_load %arg6[%get3A_94] {strides = array<i32>} : memref<80xi32, #tpu.memory_space<vmem>>, vector<16xi32>,
    %get3A_96 = vector.shape_cast %get3A_95 : vector<16xi32> to vector<16xi32>
    %sub3A_97 = vector.broadcast %mul3A_8 : i32 to vector<16xi32>
    %sub3A_98 = arith.subi %get3A_96, %sub3A_97 : vector<16xi32>
    %ge3A_99 = arith.constant 0 : i32
    %ge3A_100 = vector.broadcast %ge3A_99 : i32 to vector<16xi32>
    %ge3A_101 = arith.cmpi sge, %sub3A_98, %ge3A_100 : vector<16xi32>
    %lt3A_102 = arith.constant 5000 : i32
    %lt3A_103 = vector.broadcast %lt3A_102 : i32 to vector<16xi32>
    %lt3A_104 = arith.cmpi slt, %sub3A_98, %lt3A_103 : vector<16xi32>
    %and3A_105 = arith.andi %ge3A_101, %lt3A_104 : vector<16xi1>
    %broadcast_in_dim3A_106 = vector.broadcast %add3A_11 : i32 to vector<16xi32>
    %select_n3A_107 = arith.select %and3A_105, %sub3A_98, %broadcast_in_dim3A_106 : vector<16xi1>, vector<16xi32>
    %swap3A_108 = arith.constant 64 : index
    %swap3A_109 = tpu.vector_load %arg6[%swap3A_108] {strides = array<i32>} : memref<80xi32, #tpu.memory_space<vmem>>, vector<16xi32>,
    %swap3A_110 = vector.shape_cast %swap3A_109 : vector<16xi32> to vector<16xi32>
    %swap3A_111 = vector.shape_cast %select_n3A_107 : vector<16xi32> to vector<16xi32>
    tpu.vector_store %arg6[%swap3A_108], %swap3A_111 {strides = array<i32>} : memref<80xi32, #tpu.memory_space<vmem>>, vector<16xi32>,
    %dma_wait3A_112 = arith.constant 0 : i32
    %dma_wait3A_113 = arith.constant 0 : i32
    %dma_wait3A_114 = tpu.memref_slice %arg2[%dma_wait3A_112, %dma_wait3A_113] : memref<320000x128xf32, #tpu.memory_space<hbm>> -> memref<80x128xf32, #tpu.memory_space<hbm>>
    %dma_wait3A_115 = arith.constant 0 : i32
    %dma_wait3A_116 = arith.constant 0 : i32
    %dma_wait3A_117 = tpu.memref_slice %arg2[%dma_wait3A_115, %dma_wait3A_116] : memref<320000x128xf32, #tpu.memory_space<hbm>> -> memref<80x128xf32, #tpu.memory_space<hbm>>
    tpu.wait_dma2 semaphore(%arg13 : memref<!tpu.dma_semaphore, #tpu.memory_space<semaphore_mem>>) src(%dma_wait3A_117 : memref<80x128xf32, #tpu.memory_space<hbm>>) dst(%arg8 : memref<80x128xf32, #tpu.memory_space<vmem>>)
    %dma_start3A_118 = arith.constant 0 : i32
    %dma_start3A_119 = arith.constant 0 : i32
    %dma_start3A_120 = tpu.memref_slice %arg10[%dma_start3A_118, %dma_start3A_119] : memref<5128x128xf32, #tpu.memory_space<vmem_shared>> -> memref<5128x128xf32, #tpu.memory_space<vmem_shared>>
    tpu.enqueue_indirect_dma source(%arg8 : memref<80x128xf32, #tpu.memory_space<vmem>>) target(%dma_start3A_120 : memref<5128x128xf32, #tpu.memory_space<vmem_shared>>) offsets(%arg6 : memref<80xi32, #tpu.memory_space<vmem>>) semaphore(%arg15 : memref<!tpu.dma_semaphore, #tpu.memory_space<semaphore_mem>>) {add = true}
    %dma_wait3A_121 = arith.constant 0 : i32
    %dma_wait3A_122 = arith.constant 0 : i32
    %dma_wait3A_123 = tpu.memref_slice %arg10[%dma_wait3A_121, %dma_wait3A_122] : memref<5128x128xf32, #tpu.memory_space<vmem_shared>> -> memref<5128x128xf32, #tpu.memory_space<vmem_shared>>
    tpu.wait_indirect_dma semaphore(%arg16 : memref<!tpu.dma_semaphore, #tpu.memory_space<semaphore_mem>>) src(%arg9 : memref<80x128xf32, #tpu.memory_space<vmem>>) dst(%dma_wait3A_123 : memref<5128x128xf32, #tpu.memory_space<vmem_shared>>)
    %add3A_124 = arith.constant 19920 : i32
    %add3A_125 = arith.addi %mul3A_6, %add3A_124 : i32
    %dma_start3A_126 = tpu.memref_slice %arg3[%add3A_125] : memref<320000xi32, #tpu.memory_space<hbm>> -> memref<80xi32, #tpu.memory_space<hbm>>
    %dma_start3A_127 = tpu.memref_slice %arg3[%add3A_125] : memref<320000xi32, #tpu.memory_space<hbm>> -> memref<80xi32, #tpu.memory_space<hbm>>
    tpu.enqueue_dma source(%dma_start3A_127 : memref<80xi32, #tpu.memory_space<hbm>>) target(%arg7 : memref<80xi32, #tpu.memory_space<vmem>>) target_semaphore(%arg12 : memref<!tpu.dma_semaphore, #tpu.memory_space<semaphore_mem>>)
    %add3A_128 = arith.constant 19920 : i32
    %add3A_129 = arith.addi %mul3A_6, %add3A_128 : i32
    %dma_start3A_130 = arith.constant 0 : i32
    %dma_start3A_131 = tpu.memref_slice %arg2[%add3A_129, %dma_start3A_130] : memref<320000x128xf32, #tpu.memory_space<hbm>> -> memref<80x128xf32, #tpu.memory_space<hbm>>
    %dma_start3A_132 = arith.constant 0 : i32
    %dma_start3A_133 = tpu.memref_slice %arg2[%add3A_129, %dma_start3A_132] : memref<320000x128xf32, #tpu.memory_space<hbm>> -> memref<80x128xf32, #tpu.memory_space<hbm>>
    tpu.enqueue_dma source(%dma_start3A_133 : memref<80x128xf32, #tpu.memory_space<hbm>>) target(%arg9 : memref<80x128xf32, #tpu.memory_space<vmem>>) target_semaphore(%arg14 : memref<!tpu.dma_semaphore, #tpu.memory_space<semaphore_mem>>)
    %dma_wait3A_134 = arith.constant 0 : i32
    %dma_wait3A_135 = tpu.memref_slice %arg3[%dma_wait3A_134] : memref<320000xi32, #tpu.memory_space<hbm>> -> memref<80xi32, #tpu.memory_space<hbm>>
    %dma_wait3A_136 = arith.constant 0 : i32
    %dma_wait3A_137 = tpu.memref_slice %arg3[%dma_wait3A_136] : memref<320000xi32, #tpu.memory_space<hbm>> -> memref<80xi32, #tpu.memory_space<hbm>>
    tpu.wait_dma2 semaphore(%arg12 : memref<!tpu.dma_semaphore, #tpu.memory_space<semaphore_mem>>) src(%dma_wait3A_137 : memref<80xi32, #tpu.memory_space<hbm>>) dst(%arg7 : memref<80xi32, #tpu.memory_space<vmem>>)
    %get3A_138 = arith.constant 0 : index
    %get3A_139 = tpu.vector_load %arg7[%get3A_138] {strides = array<i32>} : memref<80xi32, #tpu.memory_space<vmem>>, vector<16xi32>,
    %get3A_140 = vector.shape_cast %get3A_139 : vector<16xi32> to vector<16xi32>
    %sub3A_141 = vector.broadcast %mul3A_8 : i32 to vector<16xi32>
    %sub3A_142 = arith.subi %get3A_140, %sub3A_141 : vector<16xi32>
    %ge3A_143 = arith.constant 0 : i32
    %ge3A_144 = vector.broadcast %ge3A_143 : i32 to vector<16xi32>
    %ge3A_145 = arith.cmpi sge, %sub3A_142, %ge3A_144 : vector<16xi32>
    %lt3A_146 = arith.constant 5000 : i32
    %lt3A_147 = vector.broadcast %lt3A_146 : i32 to vector<16xi32>
    %lt3A_148 = arith.cmpi slt, %sub3A_142, %lt3A_147 : vector<16xi32>
    %and3A_149 = arith.andi %ge3A_145, %lt3A_148 : vector<16xi1>
    %broadcast_in_dim3A_150 = vector.broadcast %add3A_11 : i32 to vector<16xi32>
    %select_n3A_151 = arith.select %and3A_149, %sub3A_142, %broadcast_in_dim3A_150 : vector<16xi1>, vector<16xi32>
    %swap3A_152 = arith.constant 0 : index
    %swap3A_153 = tpu.vector_load %arg7[%swap3A_152] {strides = array<i32>} : memref<80xi32, #tpu.memory_space<vmem>>, vector<16xi32>,
    %swap3A_154 = vector.shape_cast %swap3A_153 : vector<16xi32> to vector<16xi32>
    %swap3A_155 = vector.shape_cast %select_n3A_151 : vector<16xi32> to vector<16xi32>
    tpu.vector_store %arg7[%swap3A_152], %swap3A_155 {strides = array<i32>} : memref<80xi32, #tpu.memory_space<vmem>>, vector<16xi32>,
    %get3A_156 = arith.constant 16 : index
    %get3A_157 = tpu.vector_load %arg7[%get3A_156] {strides = array<i32>} : memref<80xi32, #tpu.memory_space<vmem>>, vector<16xi32>,
    %get3A_158 = vector.shape_cast %get3A_157 : vector<16xi32> to vector<16xi32>
    %sub3A_159 = vector.broadcast %mul3A_8 : i32 to vector<16xi32>
    %sub3A_160 = arith.subi %get3A_158, %sub3A_159 : vector<16xi32>
    %ge3A_161 = arith.constant 0 : i32
    %ge3A_162 = vector.broadcast %ge3A_161 : i32 to vector<16xi32>
    %ge3A_163 = arith.cmpi sge, %sub3A_160, %ge3A_162 : vector<16xi32>
    %lt3A_164 = arith.constant 5000 : i32
    %lt3A_165 = vector.broadcast %lt3A_164 : i32 to vector<16xi32>
    %lt3A_166 = arith.cmpi slt, %sub3A_160, %lt3A_165 : vector<16xi32>
    %and3A_167 = arith.andi %ge3A_163, %lt3A_166 : vector<16xi1>
    %broadcast_in_dim3A_168 = vector.broadcast %add3A_11 : i32 to vector<16xi32>
    %select_n3A_169 = arith.select %and3A_167, %sub3A_160, %broadcast_in_dim3A_168 : vector<16xi1>, vector<16xi32>
    %swap3A_170 = arith.constant 16 : index
    %swap3A_171 = tpu.vector_load %arg7[%swap3A_170] {strides = array<i32>} : memref<80xi32, #tpu.memory_space<vmem>>, vector<16xi32>,
    %swap3A_172 = vector.shape_cast %swap3A_171 : vector<16xi32> to vector<16xi32>
    %swap3A_173 = vector.shape_cast %select_n3A_169 : vector<16xi32> to vector<16xi32>
    tpu.vector_store %arg7[%swap3A_170], %swap3A_173 {strides = array<i32>} : memref<80xi32, #tpu.memory_space<vmem>>, vector<16xi32>,
    %get3A_174 = arith.constant 32 : index
    %get3A_175 = tpu.vector_load %arg7[%get3A_174] {strides = array<i32>} : memref<80xi32, #tpu.memory_space<vmem>>, vector<16xi32>,
    %get3A_176 = vector.shape_cast %get3A_175 : vector<16xi32> to vector<16xi32>
    %sub3A_177 = vector.broadcast %mul3A_8 : i32 to vector<16xi32>
    %sub3A_178 = arith.subi %get3A_176, %sub3A_177 : vector<16xi32>
    %ge3A_179 = arith.constant 0 : i32
    %ge3A_180 = vector.broadcast %ge3A_179 : i32 to vector<16xi32>
    %ge3A_181 = arith.cmpi sge, %sub3A_178, %ge3A_180 : vector<16xi32>
    %lt3A_182 = arith.constant 5000 : i32
    %lt3A_183 = vector.broadcast %lt3A_182 : i32 to vector<16xi32>
    %lt3A_184 = arith.cmpi slt, %sub3A_178, %lt3A_183 : vector<16xi32>
    %and3A_185 = arith.andi %ge3A_181, %lt3A_184 : vector<16xi1>
    %broadcast_in_dim3A_186 = vector.broadcast %add3A_11 : i32 to vector<16xi32>
    %select_n3A_187 = arith.select %and3A_185, %sub3A_178, %broadcast_in_dim3A_186 : vector<16xi1>, vector<16xi32>
    %swap3A_188 = arith.constant 32 : index
    %swap3A_189 = tpu.vector_load %arg7[%swap3A_188] {strides = array<i32>} : memref<80xi32, #tpu.memory_space<vmem>>, vector<16xi32>,
    %swap3A_190 = vector.shape_cast %swap3A_189 : vector<16xi32> to vector<16xi32>
    %swap3A_191 = vector.shape_cast %select_n3A_187 : vector<16xi32> to vector<16xi32>
    tpu.vector_store %arg7[%swap3A_188], %swap3A_191 {strides = array<i32>} : memref<80xi32, #tpu.memory_space<vmem>>, vector<16xi32>,
    %get3A_192 = arith.constant 48 : index
    %get3A_193 = tpu.vector_load %arg7[%get3A_192] {strides = array<i32>} : memref<80xi32, #tpu.memory_space<vmem>>, vector<16xi32>,
    %get3A_194 = vector.shape_cast %get3A_193 : vector<16xi32> to vector<16xi32>
    %sub3A_195 = vector.broadcast %mul3A_8 : i32 to vector<16xi32>
    %sub3A_196 = arith.subi %get3A_194, %sub3A_195 : vector<16xi32>
    %ge3A_197 = arith.constant 0 : i32
    %ge3A_198 = vector.broadcast %ge3A_197 : i32 to vector<16xi32>
    %ge3A_199 = arith.cmpi sge, %sub3A_196, %ge3A_198 : vector<16xi32>
    %lt3A_200 = arith.constant 5000 : i32
    %lt3A_201 = vector.broadcast %lt3A_200 : i32 to vector<16xi32>
    %lt3A_202 = arith.cmpi slt, %sub3A_196, %lt3A_201 : vector<16xi32>
    %and3A_203 = arith.andi %ge3A_199, %lt3A_202 : vector<16xi1>
    %broadcast_in_dim3A_204 = vector.broadcast %add3A_11 : i32 to vector<16xi32>
    %select_n3A_205 = arith.select %and3A_203, %sub3A_196, %broadcast_in_dim3A_204 : vector<16xi1>, vector<16xi32>
    %swap3A_206 = arith.constant 48 : index
    %swap3A_207 = tpu.vector_load %arg7[%swap3A_206] {strides = array<i32>} : memref<80xi32, #tpu.memory_space<vmem>>, vector<16xi32>,
    %swap3A_208 = vector.shape_cast %swap3A_207 : vector<16xi32> to vector<16xi32>
    %swap3A_209 = vector.shape_cast %select_n3A_205 : vector<16xi32> to vector<16xi32>
    tpu.vector_store %arg7[%swap3A_206], %swap3A_209 {strides = array<i32>} : memref<80xi32, #tpu.memory_space<vmem>>, vector<16xi32>,
    %get3A_210 = arith.constant 64 : index
    %get3A_211 = tpu.vector_load %arg7[%get3A_210] {strides = array<i32>} : memref<80xi32, #tpu.memory_space<vmem>>, vector<16xi32>,
    %get3A_212 = vector.shape_cast %get3A_211 : vector<16xi32> to vector<16xi32>
    %sub3A_213 = vector.broadcast %mul3A_8 : i32 to vector<16xi32>
    %sub3A_214 = arith.subi %get3A_212, %sub3A_213 : vector<16xi32>
    %ge3A_215 = arith.constant 0 : i32
    %ge3A_216 = vector.broadcast %ge3A_215 : i32 to vector<16xi32>
    %ge3A_217 = arith.cmpi sge, %sub3A_214, %ge3A_216 : vector<16xi32>
    %lt3A_218 = arith.constant 5000 : i32
    %lt3A_219 = vector.broadcast %lt3A_218 : i32 to vector<16xi32>
    %lt3A_220 = arith.cmpi slt, %sub3A_214, %lt3A_219 : vector<16xi32>
    %and3A_221 = arith.andi %ge3A_217, %lt3A_220 : vector<16xi1>
    %broadcast_in_dim3A_222 = vector.broadcast %add3A_11 : i32 to vector<16xi32>
    %select_n3A_223 = arith.select %and3A_221, %sub3A_214, %broadcast_in_dim3A_222 : vector<16xi1>, vector<16xi32>
    %swap3A_224 = arith.constant 64 : index
    %swap3A_225 = tpu.vector_load %arg7[%swap3A_224] {strides = array<i32>} : memref<80xi32, #tpu.memory_space<vmem>>, vector<16xi32>,
    %swap3A_226 = vector.shape_cast %swap3A_225 : vector<16xi32> to vector<16xi32>
    %swap3A_227 = vector.shape_cast %select_n3A_223 : vector<16xi32> to vector<16xi32>
    tpu.vector_store %arg7[%swap3A_224], %swap3A_227 {strides = array<i32>} : memref<80xi32, #tpu.memory_space<vmem>>, vector<16xi32>,
    %dma_wait3A_228 = arith.constant 0 : i32
    %dma_wait3A_229 = arith.constant 0 : i32
    %dma_wait3A_230 = tpu.memref_slice %arg2[%dma_wait3A_228, %dma_wait3A_229] : memref<320000x128xf32, #tpu.memory_space<hbm>> -> memref<80x128xf32, #tpu.memory_space<hbm>>
    %dma_wait3A_231 = arith.constant 0 : i32
    %dma_wait3A_232 = arith.constant 0 : i32
    %dma_wait3A_233 = tpu.memref_slice %arg2[%dma_wait3A_231, %dma_wait3A_232] : memref<320000x128xf32, #tpu.memory_space<hbm>> -> memref<80x128xf32, #tpu.memory_space<hbm>>
    tpu.wait_dma2 semaphore(%arg14 : memref<!tpu.dma_semaphore, #tpu.memory_space<semaphore_mem>>) src(%dma_wait3A_233 : memref<80x128xf32, #tpu.memory_space<hbm>>) dst(%arg9 : memref<80x128xf32, #tpu.memory_space<vmem>>)
    %dma_start3A_234 = arith.constant 0 : i32
    %dma_start3A_235 = arith.constant 0 : i32
    %dma_start3A_236 = tpu.memref_slice %arg10[%dma_start3A_234, %dma_start3A_235] : memref<5128x128xf32, #tpu.memory_space<vmem_shared>> -> memref<5128x128xf32, #tpu.memory_space<vmem_shared>>
    tpu.enqueue_indirect_dma source(%arg9 : memref<80x128xf32, #tpu.memory_space<vmem>>) target(%dma_start3A_236 : memref<5128x128xf32, #tpu.memory_space<vmem_shared>>) offsets(%arg7 : memref<80xi32, #tpu.memory_space<vmem>>) semaphore(%arg16 : memref<!tpu.dma_semaphore, #tpu.memory_space<semaphore_mem>>) {add = true}
    %dma_wait3A_237 = arith.constant 0 : i32
    %dma_wait3A_238 = arith.constant 0 : i32
    %dma_wait3A_239 = tpu.memref_slice %arg10[%dma_wait3A_237, %dma_wait3A_238] : memref<5128x128xf32, #tpu.memory_space<vmem_shared>> -> memref<5128x128xf32, #tpu.memory_space<vmem_shared>>
    tpu.wait_indirect_dma semaphore(%arg15 : memref<!tpu.dma_semaphore, #tpu.memory_space<semaphore_mem>>) src(%arg8 : memref<80x128xf32, #tpu.memory_space<vmem>>) dst(%dma_wait3A_239 : memref<5128x128xf32, #tpu.memory_space<vmem_shared>>)
    %dma_wait3A_240 = arith.constant 0 : i32
    %dma_wait3A_241 = arith.constant 0 : i32
    %dma_wait3A_242 = tpu.memref_slice %arg10[%dma_wait3A_240, %dma_wait3A_241] : memref<5128x128xf32, #tpu.memory_space<vmem_shared>> -> memref<5128x128xf32, #tpu.memory_space<vmem_shared>>
    tpu.wait_indirect_dma semaphore(%arg16 : memref<!tpu.dma_semaphore, #tpu.memory_space<semaphore_mem>>) src(%arg9 : memref<80x128xf32, #tpu.memory_space<vmem>>) dst(%dma_wait3A_242 : memref<5128x128xf32, #tpu.memory_space<vmem_shared>>)
    %barrier3A_243 = arith.constant 0 : index
    tpu.barrier barrier_id(%barrier3A_243)
    %lt3A_244 = arith.constant 15 : i32
    %lt3A_245 = arith.cmpi slt, %arg1, %lt3A_244 : i32
    %convert_element_type3A_246 = arith.extui %lt3A_245 : i1 to i32
    %cond3A_247 = arith.constant 0 : i32
    %cond3A_248 = arith.cmpi ne, %convert_element_type3A_246, %cond3A_247 : i32
    scf.if %cond3A_248 {
      %mul3A_254 = arith.constant 312 : i32
      %mul3A_255 = arith.muli %arg1, %mul3A_254 : i32
      %mul3A_256 = arith.constant 5000 : i32
      %mul3A_257 = arith.muli %arg0, %mul3A_256 : i32
      %mul3A_258 = arith.constant 312 : i32
      %mul3A_259 = arith.muli %arg1, %mul3A_258 : i32
      %add3A_260 = arith.addi %mul3A_257, %mul3A_259 : i32
      "tpu.region"() ({
        %run_scoped3A = tpu.sem_alloc : memref<!tpu.dma_semaphore, #tpu.memory_space<semaphore_mem>>
        %dma_start3A_261 = arith.constant 0 : i32
        %dma_start3A_262 = tpu.memref_slice %arg5[%add3A_260, %dma_start3A_261] : memref<10000x128xf32, #tpu.memory_space<hbm>> -> memref<312x128xf32, #tpu.memory_space<hbm>>
        %dma_start3A_263 = arith.constant 0 : i32
        %dma_start3A_264 = tpu.memref_slice %arg10[%mul3A_255, %dma_start3A_263] : memref<5128x128xf32, #tpu.memory_space<vmem_shared>> -> memref<312x128xf32, #tpu.memory_space<vmem_shared>>
        tpu.enqueue_dma source(%dma_start3A_264 : memref<312x128xf32, #tpu.memory_space<vmem_shared>>) target(%dma_start3A_262 : memref<312x128xf32, #tpu.memory_space<hbm>>) target_semaphore(%run_scoped3A : memref<!tpu.dma_semaphore, #tpu.memory_space<semaphore_mem>>)
        %dma_wait3A_265 = arith.constant 0 : i32
        %dma_wait3A_266 = tpu.memref_slice %arg5[%add3A_260, %dma_wait3A_265] : memref<10000x128xf32, #tpu.memory_space<hbm>> -> memref<312x128xf32, #tpu.memory_space<hbm>>
        %dma_wait3A_267 = arith.constant 0 : i32
        %dma_wait3A_268 = tpu.memref_slice %arg10[%mul3A_255, %dma_wait3A_267] : memref<5128x128xf32, #tpu.memory_space<vmem_shared>> -> memref<312x128xf32, #tpu.memory_space<vmem_shared>>
        tpu.wait_dma2 semaphore(%run_scoped3A : memref<!tpu.dma_semaphore, #tpu.memory_space<semaphore_mem>>) src(%dma_wait3A_268 : memref<312x128xf32, #tpu.memory_space<vmem_shared>>) dst(%dma_wait3A_266 : memref<312x128xf32, #tpu.memory_space<hbm>>)
        tpu.yield
      }) : () -> ()
    } else {
    }
    %eq3A_249 = arith.constant 15 : i32
    %eq3A_250 = arith.cmpi eq, %arg1, %eq3A_249 : i32
    %convert_element_type3A_251 = arith.extui %eq3A_250 : i1 to i32
    %cond3A_252 = arith.constant 0 : i32
    %cond3A_253 = arith.cmpi ne, %convert_element_type3A_251, %cond3A_252 : i32
    scf.if %cond3A_253 {
      %mul3A_254 = arith.constant 5000 : i32
      %mul3A_255 = arith.muli %arg0, %mul3A_254 : i32
      %add3A_256 = arith.constant 4680 : i32
      %add3A_257 = arith.addi %mul3A_255, %add3A_256 : i32
      "tpu.region"() ({
        %run_scoped3A = tpu.sem_alloc : memref<!tpu.dma_semaphore, #tpu.memory_space<semaphore_mem>>
        %dma_start3A_258 = arith.constant 0 : i32
        %dma_start3A_259 = tpu.memref_slice %arg5[%add3A_257, %dma_start3A_258] : memref<10000x128xf32, #tpu.memory_space<hbm>> -> memref<320x128xf32, #tpu.memory_space<hbm>>
        %dma_start3A_260 = arith.constant 4680 : i32
        %dma_start3A_261 = arith.constant 0 : i32
        %dma_start3A_262 = tpu.memref_slice %arg10[%dma_start3A_260, %dma_start3A_261] : memref<5128x128xf32, #tpu.memory_space<vmem_shared>> -> memref<320x128xf32, #tpu.memory_space<vmem_shared>>
        tpu.enqueue_dma source(%dma_start3A_262 : memref<320x128xf32, #tpu.memory_space<vmem_shared>>) target(%dma_start3A_259 : memref<320x128xf32, #tpu.memory_space<hbm>>) target_semaphore(%run_scoped3A : memref<!tpu.dma_semaphore, #tpu.memory_space<semaphore_mem>>)
        %dma_wait3A_263 = arith.constant 0 : i32
        %dma_wait3A_264 = tpu.memref_slice %arg5[%add3A_257, %dma_wait3A_263] : memref<10000x128xf32, #tpu.memory_space<hbm>> -> memref<320x128xf32, #tpu.memory_space<hbm>>
        %dma_wait3A_265 = arith.constant 4680 : i32
        %dma_wait3A_266 = arith.constant 0 : i32
        %dma_wait3A_267 = tpu.memref_slice %arg10[%dma_wait3A_265, %dma_wait3A_266] : memref<5128x128xf32, #tpu.memory_space<vmem_shared>> -> memref<320x128xf32, #tpu.memory_space<vmem_shared>>
        tpu.wait_dma2 semaphore(%run_scoped3A : memref<!tpu.dma_semaphore, #tpu.memory_space<semaphore_mem>>) src(%dma_wait3A_267 : memref<320x128xf32, #tpu.memory_space<vmem_shared>>) dst(%dma_wait3A_264 : memref<320x128xf32, #tpu.memory_space<hbm>>)
        tpu.yield
      }) : () -> ()
    } else {
    }
    return
  }
}

#map = affine_map<(d0, d1) -> (0, 0)>
#map1 = affine_map<(d0, d1) -> (0)>
module attributes {stable_mosaic.version = 14 : i64} {
  func.func @_gather_add(%arg0: i32, %arg1: i32, %arg2: memref<10000x128xf32, #tpu.memory_space<hbm>>, %arg3: memref<10000x128xf32, #tpu.memory_space<hbm>>, %arg4: memref<320000xi32, #tpu.memory_space<hbm>>, %arg5: memref<320000xi32, #tpu.memory_space<hbm>>, %arg6: memref<320000x128xf32, #tpu.memory_space<hbm>>, %arg7: memref<80xi32, #tpu.memory_space<vmem>>, %arg8: memref<80xi32, #tpu.memory_space<vmem>>, %arg9: memref<80xi32, #tpu.memory_space<vmem>>, %arg10: memref<80xi32, #tpu.memory_space<vmem>>, %arg11: memref<80x128xf32, #tpu.memory_space<vmem>>, %arg12: memref<80x128xf32, #tpu.memory_space<vmem>>, %arg13: memref<80x128xf32, #tpu.memory_space<vmem>>, %arg14: memref<80x128xf32, #tpu.memory_space<vmem>>, %arg15: memref<80x128xf32, #tpu.memory_space<vmem>>, %arg16: memref<80x128xf32, #tpu.memory_space<vmem>>, %arg17: memref<!tpu.dma_semaphore, #tpu.memory_space<semaphore_mem>>, %arg18: memref<!tpu.dma_semaphore, #tpu.memory_space<semaphore_mem>>, %arg19: memref<!tpu.dma_semaphore, #tpu.memory_space<semaphore_mem>>, %arg20: memref<!tpu.dma_semaphore, #tpu.memory_space<semaphore_mem>>, %arg21: memref<!tpu.dma_semaphore, #tpu.memory_space<semaphore_mem>>, %arg22: memref<!tpu.dma_semaphore, #tpu.memory_space<semaphore_mem>>, %arg23: memref<!tpu.dma_semaphore, #tpu.memory_space<semaphore_mem>>, %arg24: memref<!tpu.dma_semaphore, #tpu.memory_space<semaphore_mem>>) attributes {dimension_semantics = [#tpu.dimension_semantics<core_parallel>, #tpu.dimension_semantics<subcore_parallel>], iteration_bounds = array<i64: 2, 16>, scalar_prefetch = 0 : i64, scratch_operands = 18 : i64, tpu.core_type = #tpu.core_type<sc_vector_subcore>, window_params = [{transform_indices = #map}, {transform_indices = #map}, {transform_indices = #map1}, {transform_indices = #map1}, {transform_indices = #map}]} {
    %mul3A = arith.constant 2 : i32
    %mul3A_0 = arith.muli %arg1, %mul3A : i32
    %add3A = arith.addi %mul3A_0, %arg0 : i32
    %mul3A_1 = arith.constant 10000 : i32
    %mul3A_2 = arith.muli %add3A, %mul3A_1 : i32
    %add3A_3 = arith.constant 0 : i32
    %add3A_4 = arith.addi %mul3A_2, %add3A_3 : i32
    %dma_start3A = tpu.memref_slice %arg4[%add3A_4] : memref<320000xi32, #tpu.memory_space<hbm>> -> memref<80xi32, #tpu.memory_space<hbm>>
    %dma_start3A_5 = tpu.memref_slice %arg4[%add3A_4] : memref<320000xi32, #tpu.memory_space<hbm>> -> memref<80xi32, #tpu.memory_space<hbm>>
    tpu.enqueue_dma source(%dma_start3A_5 : memref<80xi32, #tpu.memory_space<hbm>>) target(%arg7 : memref<80xi32, #tpu.memory_space<vmem>>) target_semaphore(%arg17 : memref<!tpu.dma_semaphore, #tpu.memory_space<semaphore_mem>>)
    %dma_start3A_6 = tpu.memref_slice %arg5[%add3A_4] : memref<320000xi32, #tpu.memory_space<hbm>> -> memref<80xi32, #tpu.memory_space<hbm>>
    %dma_start3A_7 = tpu.memref_slice %arg5[%add3A_4] : memref<320000xi32, #tpu.memory_space<hbm>> -> memref<80xi32, #tpu.memory_space<hbm>>
    tpu.enqueue_dma source(%dma_start3A_7 : memref<80xi32, #tpu.memory_space<hbm>>) target(%arg8 : memref<80xi32, #tpu.memory_space<vmem>>) target_semaphore(%arg17 : memref<!tpu.dma_semaphore, #tpu.memory_space<semaphore_mem>>)
    %dma_wait3A = arith.constant 0 : i32
    %dma_wait3A_8 = tpu.memref_slice %arg4[%dma_wait3A] : memref<320000xi32, #tpu.memory_space<hbm>> -> memref<80xi32, #tpu.memory_space<hbm>>
    %dma_wait3A_9 = arith.constant 0 : i32
    %dma_wait3A_10 = tpu.memref_slice %arg4[%dma_wait3A_9] : memref<320000xi32, #tpu.memory_space<hbm>> -> memref<80xi32, #tpu.memory_space<hbm>>
    tpu.wait_dma2 semaphore(%arg17 : memref<!tpu.dma_semaphore, #tpu.memory_space<semaphore_mem>>) src(%dma_wait3A_10 : memref<80xi32, #tpu.memory_space<hbm>>) dst(%arg7 : memref<80xi32, #tpu.memory_space<vmem>>)
    %dma_wait3A_11 = arith.constant 0 : i32
    %dma_wait3A_12 = tpu.memref_slice %arg5[%dma_wait3A_11] : memref<320000xi32, #tpu.memory_space<hbm>> -> memref<80xi32, #tpu.memory_space<hbm>>
    %dma_wait3A_13 = arith.constant 0 : i32
    %dma_wait3A_14 = tpu.memref_slice %arg5[%dma_wait3A_13] : memref<320000xi32, #tpu.memory_space<hbm>> -> memref<80xi32, #tpu.memory_space<hbm>>
    tpu.wait_dma2 semaphore(%arg17 : memref<!tpu.dma_semaphore, #tpu.memory_space<semaphore_mem>>) src(%dma_wait3A_14 : memref<80xi32, #tpu.memory_space<hbm>>) dst(%arg8 : memref<80xi32, #tpu.memory_space<vmem>>)
    %dma_start3A_15 = arith.constant 0 : i32
    %dma_start3A_16 = arith.constant 0 : i32
    %dma_start3A_17 = tpu.memref_slice %arg2[%dma_start3A_15, %dma_start3A_16] : memref<10000x128xf32, #tpu.memory_space<hbm>> -> memref<10000x128xf32, #tpu.memory_space<hbm>>
    tpu.enqueue_indirect_dma source(%dma_start3A_17 : memref<10000x128xf32, #tpu.memory_space<hbm>>) target(%arg11 : memref<80x128xf32, #tpu.memory_space<vmem>>) offsets(%arg7 : memref<80xi32, #tpu.memory_space<vmem>>) semaphore(%arg19 : memref<!tpu.dma_semaphore, #tpu.memory_space<semaphore_mem>>)
    %dma_start3A_18 = arith.constant 0 : i32
    %dma_start3A_19 = arith.constant 0 : i32
    %dma_start3A_20 = tpu.memref_slice %arg3[%dma_start3A_18, %dma_start3A_19] : memref<10000x128xf32, #tpu.memory_space<hbm>> -> memref<10000x128xf32, #tpu.memory_space<hbm>>
    tpu.enqueue_indirect_dma source(%dma_start3A_20 : memref<10000x128xf32, #tpu.memory_space<hbm>>) target(%arg12 : memref<80x128xf32, #tpu.memory_space<vmem>>) offsets(%arg8 : memref<80xi32, #tpu.memory_space<vmem>>) semaphore(%arg20 : memref<!tpu.dma_semaphore, #tpu.memory_space<semaphore_mem>>)
    %add3A_21 = arith.constant 80 : i32
    %add3A_22 = arith.addi %mul3A_2, %add3A_21 : i32
    %dma_start3A_23 = tpu.memref_slice %arg4[%add3A_22] : memref<320000xi32, #tpu.memory_space<hbm>> -> memref<80xi32, #tpu.memory_space<hbm>>
    %dma_start3A_24 = tpu.memref_slice %arg4[%add3A_22] : memref<320000xi32, #tpu.memory_space<hbm>> -> memref<80xi32, #tpu.memory_space<hbm>>
    tpu.enqueue_dma source(%dma_start3A_24 : memref<80xi32, #tpu.memory_space<hbm>>) target(%arg9 : memref<80xi32, #tpu.memory_space<vmem>>) target_semaphore(%arg18 : memref<!tpu.dma_semaphore, #tpu.memory_space<semaphore_mem>>)
    %dma_start3A_25 = tpu.memref_slice %arg5[%add3A_22] : memref<320000xi32, #tpu.memory_space<hbm>> -> memref<80xi32, #tpu.memory_space<hbm>>
    %dma_start3A_26 = tpu.memref_slice %arg5[%add3A_22] : memref<320000xi32, #tpu.memory_space<hbm>> -> memref<80xi32, #tpu.memory_space<hbm>>
    tpu.enqueue_dma source(%dma_start3A_26 : memref<80xi32, #tpu.memory_space<hbm>>) target(%arg10 : memref<80xi32, #tpu.memory_space<vmem>>) target_semaphore(%arg18 : memref<!tpu.dma_semaphore, #tpu.memory_space<semaphore_mem>>)
    %scan3A = arith.constant 0 : i32
    %scan3A_27 = arith.constant 0 : i32
    %scan3A_28 = arith.constant 62 : i32
    %scan3A_29 = arith.addi %scan3A_27, %scan3A_28 : i32
    %scan3A_30 = arith.constant 1 : i32
    scf.for %scan3A_76 = %scan3A_27 to %scan3A_29 step %scan3A_30  : i32 {
      %mul3A_77 = arith.constant 2 : i32
      %mul3A_78 = arith.muli %mul3A_77, %scan3A_76 : i32
      %dma_wait3A_79 = arith.constant 0 : i32
      %dma_wait3A_80 = tpu.memref_slice %arg4[%dma_wait3A_79] : memref<320000xi32, #tpu.memory_space<hbm>> -> memref<80xi32, #tpu.memory_space<hbm>>
      %dma_wait3A_81 = arith.constant 0 : i32
      %dma_wait3A_82 = tpu.memref_slice %arg4[%dma_wait3A_81] : memref<320000xi32, #tpu.memory_space<hbm>> -> memref<80xi32, #tpu.memory_space<hbm>>
      tpu.wait_dma2 semaphore(%arg18 : memref<!tpu.dma_semaphore, #tpu.memory_space<semaphore_mem>>) src(%dma_wait3A_82 : memref<80xi32, #tpu.memory_space<hbm>>) dst(%arg9 : memref<80xi32, #tpu.memory_space<vmem>>)
      %dma_wait3A_83 = arith.constant 0 : i32
      %dma_wait3A_84 = tpu.memref_slice %arg5[%dma_wait3A_83] : memref<320000xi32, #tpu.memory_space<hbm>> -> memref<80xi32, #tpu.memory_space<hbm>>
      %dma_wait3A_85 = arith.constant 0 : i32
      %dma_wait3A_86 = tpu.memref_slice %arg5[%dma_wait3A_85] : memref<320000xi32, #tpu.memory_space<hbm>> -> memref<80xi32, #tpu.memory_space<hbm>>
      tpu.wait_dma2 semaphore(%arg18 : memref<!tpu.dma_semaphore, #tpu.memory_space<semaphore_mem>>) src(%dma_wait3A_86 : memref<80xi32, #tpu.memory_space<hbm>>) dst(%arg10 : memref<80xi32, #tpu.memory_space<vmem>>)
      %dma_wait3A_87 = arith.constant 0 : i32
      %dma_wait3A_88 = arith.constant 0 : i32
      %dma_wait3A_89 = tpu.memref_slice %arg2[%dma_wait3A_87, %dma_wait3A_88] : memref<10000x128xf32, #tpu.memory_space<hbm>> -> memref<10000x128xf32, #tpu.memory_space<hbm>>
      tpu.wait_indirect_dma semaphore(%arg19 : memref<!tpu.dma_semaphore, #tpu.memory_space<semaphore_mem>>) src(%dma_wait3A_89 : memref<10000x128xf32, #tpu.memory_space<hbm>>) dst(%arg11 : memref<80x128xf32, #tpu.memory_space<vmem>>)
      %dma_wait3A_90 = arith.constant 0 : i32
      %dma_wait3A_91 = arith.constant 0 : i32
      %dma_wait3A_92 = tpu.memref_slice %arg3[%dma_wait3A_90, %dma_wait3A_91] : memref<10000x128xf32, #tpu.memory_space<hbm>> -> memref<10000x128xf32, #tpu.memory_space<hbm>>
      tpu.wait_indirect_dma semaphore(%arg20 : memref<!tpu.dma_semaphore, #tpu.memory_space<semaphore_mem>>) src(%dma_wait3A_92 : memref<10000x128xf32, #tpu.memory_space<hbm>>) dst(%arg12 : memref<80x128xf32, #tpu.memory_space<vmem>>)
      %dma_start3A_93 = arith.constant 0 : i32
      %dma_start3A_94 = arith.constant 0 : i32
      %dma_start3A_95 = tpu.memref_slice %arg2[%dma_start3A_93, %dma_start3A_94] : memref<10000x128xf32, #tpu.memory_space<hbm>> -> memref<10000x128xf32, #tpu.memory_space<hbm>>
      tpu.enqueue_indirect_dma source(%dma_start3A_95 : memref<10000x128xf32, #tpu.memory_space<hbm>>) target(%arg13 : memref<80x128xf32, #tpu.memory_space<vmem>>) offsets(%arg9 : memref<80xi32, #tpu.memory_space<vmem>>) semaphore(%arg21 : memref<!tpu.dma_semaphore, #tpu.memory_space<semaphore_mem>>)
      %dma_start3A_96 = arith.constant 0 : i32
      %dma_start3A_97 = arith.constant 0 : i32
      %dma_start3A_98 = tpu.memref_slice %arg3[%dma_start3A_96, %dma_start3A_97] : memref<10000x128xf32, #tpu.memory_space<hbm>> -> memref<10000x128xf32, #tpu.memory_space<hbm>>
      tpu.enqueue_indirect_dma source(%dma_start3A_98 : memref<10000x128xf32, #tpu.memory_space<hbm>>) target(%arg14 : memref<80x128xf32, #tpu.memory_space<vmem>>) offsets(%arg10 : memref<80xi32, #tpu.memory_space<vmem>>) semaphore(%arg22 : memref<!tpu.dma_semaphore, #tpu.memory_space<semaphore_mem>>)
      %add3A_99 = arith.constant 2 : i32
      %add3A_100 = arith.addi %mul3A_78, %add3A_99 : i32
      %mul3A_101 = arith.constant 80 : i32
      %mul3A_102 = arith.muli %add3A_100, %mul3A_101 : i32
      %add3A_103 = arith.addi %mul3A_2, %mul3A_102 : i32
      %dma_start3A_104 = tpu.memref_slice %arg4[%add3A_103] : memref<320000xi32, #tpu.memory_space<hbm>> -> memref<80xi32, #tpu.memory_space<hbm>>
      %dma_start3A_105 = tpu.memref_slice %arg4[%add3A_103] : memref<320000xi32, #tpu.memory_space<hbm>> -> memref<80xi32, #tpu.memory_space<hbm>>
      tpu.enqueue_dma source(%dma_start3A_105 : memref<80xi32, #tpu.memory_space<hbm>>) target(%arg7 : memref<80xi32, #tpu.memory_space<vmem>>) target_semaphore(%arg17 : memref<!tpu.dma_semaphore, #tpu.memory_space<semaphore_mem>>)
      %dma_start3A_106 = tpu.memref_slice %arg5[%add3A_103] : memref<320000xi32, #tpu.memory_space<hbm>> -> memref<80xi32, #tpu.memory_space<hbm>>
      %dma_start3A_107 = tpu.memref_slice %arg5[%add3A_103] : memref<320000xi32, #tpu.memory_space<hbm>> -> memref<80xi32, #tpu.memory_space<hbm>>
      tpu.enqueue_dma source(%dma_start3A_107 : memref<80xi32, #tpu.memory_space<hbm>>) target(%arg8 : memref<80xi32, #tpu.memory_space<vmem>>) target_semaphore(%arg17 : memref<!tpu.dma_semaphore, #tpu.memory_space<semaphore_mem>>)
      %gt3A = arith.constant 0 : i32
      %gt3A_108 = arith.cmpi sgt, %scan3A_76, %gt3A : i32
      %convert_element_type3A = arith.extui %gt3A_108 : i1 to i32
      %cond3A = arith.constant 0 : i32
      %cond3A_109 = arith.cmpi ne, %convert_element_type3A, %cond3A : i32
      scf.if %cond3A_109 {
        %dma_wait3A_173 = arith.constant 0 : i32
        %dma_wait3A_174 = arith.constant 0 : i32
        %dma_wait3A_175 = tpu.memref_slice %arg6[%dma_wait3A_173, %dma_wait3A_174] : memref<320000x128xf32, #tpu.memory_space<hbm>> -> memref<80x128xf32, #tpu.memory_space<hbm>>
        %dma_wait3A_176 = arith.constant 0 : i32
        %dma_wait3A_177 = arith.constant 0 : i32
        %dma_wait3A_178 = tpu.memref_slice %arg6[%dma_wait3A_176, %dma_wait3A_177] : memref<320000x128xf32, #tpu.memory_space<hbm>> -> memref<80x128xf32, #tpu.memory_space<hbm>>
        tpu.wait_dma2 semaphore(%arg23 : memref<!tpu.dma_semaphore, #tpu.memory_space<semaphore_mem>>) src(%arg15 : memref<80x128xf32, #tpu.memory_space<vmem>>) dst(%dma_wait3A_178 : memref<80x128xf32, #tpu.memory_space<hbm>>)
      } else {
      }
      %scan3A_110 = arith.constant 0 : i32
      %scan3A_111 = arith.constant 0 : i32
      %scan3A_112 = arith.constant 80 : i32
      %scan3A_113 = arith.addi %scan3A_111, %scan3A_112 : i32
      %scan3A_114 = arith.constant 4 : i32
      scf.for %scan3A_173 = %scan3A_111 to %scan3A_113 step %scan3A_114  : i32 {
        %get3A = arith.index_cast %scan3A_173 : i32 to index
        %get3A_174 = arith.constant 0 : index
        %get3A_175 = tpu.vector_load %arg11[%get3A, %get3A_174] {strides = array<i32>} : memref<80x128xf32, #tpu.memory_space<vmem>>, vector<1x16xf32>,
        %get3A_176 = vector.shape_cast %get3A_175 : vector<1x16xf32> to vector<16xf32>
        %get3A_177 = arith.index_cast %scan3A_173 : i32 to index
        %get3A_178 = arith.constant 0 : index
        %get3A_179 = tpu.vector_load %arg12[%get3A_177, %get3A_178] {strides = array<i32>} : memref<80x128xf32, #tpu.memory_space<vmem>>, vector<1x16xf32>,
        %get3A_180 = vector.shape_cast %get3A_179 : vector<1x16xf32> to vector<16xf32>
        %add3A_181 = arith.addf %get3A_176, %get3A_180 : vector<16xf32>
        %swap3A = arith.index_cast %scan3A_173 : i32 to index
        %swap3A_182 = arith.constant 0 : index
        %swap3A_183 = tpu.vector_load %arg15[%swap3A, %swap3A_182] {strides = array<i32>} : memref<80x128xf32, #tpu.memory_space<vmem>>, vector<1x16xf32>,
        %swap3A_184 = vector.shape_cast %swap3A_183 : vector<1x16xf32> to vector<16xf32>
        %swap3A_185 = vector.shape_cast %add3A_181 : vector<16xf32> to vector<1x16xf32>
        tpu.vector_store %arg15[%swap3A, %swap3A_182], %swap3A_185 {strides = array<i32>} : memref<80x128xf32, #tpu.memory_space<vmem>>, vector<1x16xf32>,
        %get3A_186 = arith.index_cast %scan3A_173 : i32 to index
        %get3A_187 = arith.constant 16 : index
        %get3A_188 = tpu.vector_load %arg11[%get3A_186, %get3A_187] {strides = array<i32>} : memref<80x128xf32, #tpu.memory_space<vmem>>, vector<1x16xf32>,
        %get3A_189 = vector.shape_cast %get3A_188 : vector<1x16xf32> to vector<16xf32>
        %get3A_190 = arith.index_cast %scan3A_173 : i32 to index
        %get3A_191 = arith.constant 16 : index
        %get3A_192 = tpu.vector_load %arg12[%get3A_190, %get3A_191] {strides = array<i32>} : memref<80x128xf32, #tpu.memory_space<vmem>>, vector<1x16xf32>,
        %get3A_193 = vector.shape_cast %get3A_192 : vector<1x16xf32> to vector<16xf32>
        %add3A_194 = arith.addf %get3A_189, %get3A_193 : vector<16xf32>
        %swap3A_195 = arith.index_cast %scan3A_173 : i32 to index
        %swap3A_196 = arith.constant 16 : index
        %swap3A_197 = tpu.vector_load %arg15[%swap3A_195, %swap3A_196] {strides = array<i32>} : memref<80x128xf32, #tpu.memory_space<vmem>>, vector<1x16xf32>,
        %swap3A_198 = vector.shape_cast %swap3A_197 : vector<1x16xf32> to vector<16xf32>
        %swap3A_199 = vector.shape_cast %add3A_194 : vector<16xf32> to vector<1x16xf32>
        tpu.vector_store %arg15[%swap3A_195, %swap3A_196], %swap3A_199 {strides = array<i32>} : memref<80x128xf32, #tpu.memory_space<vmem>>, vector<1x16xf32>,
        %get3A_200 = arith.index_cast %scan3A_173 : i32 to index
        %get3A_201 = arith.constant 32 : index
        %get3A_202 = tpu.vector_load %arg11[%get3A_200, %get3A_201] {strides = array<i32>} : memref<80x128xf32, #tpu.memory_space<vmem>>, vector<1x16xf32>,
        %get3A_203 = vector.shape_cast %get3A_202 : vector<1x16xf32> to vector<16xf32>
        %get3A_204 = arith.index_cast %scan3A_173 : i32 to index
        %get3A_205 = arith.constant 32 : index
        %get3A_206 = tpu.vector_load %arg12[%get3A_204, %get3A_205] {strides = array<i32>} : memref<80x128xf32, #tpu.memory_space<vmem>>, vector<1x16xf32>,
        %get3A_207 = vector.shape_cast %get3A_206 : vector<1x16xf32> to vector<16xf32>
        %add3A_208 = arith.addf %get3A_203, %get3A_207 : vector<16xf32>
        %swap3A_209 = arith.index_cast %scan3A_173 : i32 to index
        %swap3A_210 = arith.constant 32 : index
        %swap3A_211 = tpu.vector_load %arg15[%swap3A_209, %swap3A_210] {strides = array<i32>} : memref<80x128xf32, #tpu.memory_space<vmem>>, vector<1x16xf32>,
        %swap3A_212 = vector.shape_cast %swap3A_211 : vector<1x16xf32> to vector<16xf32>
        %swap3A_213 = vector.shape_cast %add3A_208 : vector<16xf32> to vector<1x16xf32>
        tpu.vector_store %arg15[%swap3A_209, %swap3A_210], %swap3A_213 {strides = array<i32>} : memref<80x128xf32, #tpu.memory_space<vmem>>, vector<1x16xf32>,
        %get3A_214 = arith.index_cast %scan3A_173 : i32 to index
        %get3A_215 = arith.constant 48 : index
        %get3A_216 = tpu.vector_load %arg11[%get3A_214, %get3A_215] {strides = array<i32>} : memref<80x128xf32, #tpu.memory_space<vmem>>, vector<1x16xf32>,
        %get3A_217 = vector.shape_cast %get3A_216 : vector<1x16xf32> to vector<16xf32>
        %get3A_218 = arith.index_cast %scan3A_173 : i32 to index
        %get3A_219 = arith.constant 48 : index
        %get3A_220 = tpu.vector_load %arg12[%get3A_218, %get3A_219] {strides = array<i32>} : memref<80x128xf32, #tpu.memory_space<vmem>>, vector<1x16xf32>,
        %get3A_221 = vector.shape_cast %get3A_220 : vector<1x16xf32> to vector<16xf32>
        %add3A_222 = arith.addf %get3A_217, %get3A_221 : vector<16xf32>
        %swap3A_223 = arith.index_cast %scan3A_173 : i32 to index
        %swap3A_224 = arith.constant 48 : index
        %swap3A_225 = tpu.vector_load %arg15[%swap3A_223, %swap3A_224] {strides = array<i32>} : memref<80x128xf32, #tpu.memory_space<vmem>>, vector<1x16xf32>,
        %swap3A_226 = vector.shape_cast %swap3A_225 : vector<1x16xf32> to vector<16xf32>
        %swap3A_227 = vector.shape_cast %add3A_222 : vector<16xf32> to vector<1x16xf32>
        tpu.vector_store %arg15[%swap3A_223, %swap3A_224], %swap3A_227 {strides = array<i32>} : memref<80x128xf32, #tpu.memory_space<vmem>>, vector<1x16xf32>,
        %get3A_228 = arith.index_cast %scan3A_173 : i32 to index
        %get3A_229 = arith.constant 64 : index
        %get3A_230 = tpu.vector_load %arg11[%get3A_228, %get3A_229] {strides = array<i32>} : memref<80x128xf32, #tpu.memory_space<vmem>>, vector<1x16xf32>,
        %get3A_231 = vector.shape_cast %get3A_230 : vector<1x16xf32> to vector<16xf32>
        %get3A_232 = arith.index_cast %scan3A_173 : i32 to index
        %get3A_233 = arith.constant 64 : index
        %get3A_234 = tpu.vector_load %arg12[%get3A_232, %get3A_233] {strides = array<i32>} : memref<80x128xf32, #tpu.memory_space<vmem>>, vector<1x16xf32>,
        %get3A_235 = vector.shape_cast %get3A_234 : vector<1x16xf32> to vector<16xf32>
        %add3A_236 = arith.addf %get3A_231, %get3A_235 : vector<16xf32>
        %swap3A_237 = arith.index_cast %scan3A_173 : i32 to index
        %swap3A_238 = arith.constant 64 : index
        %swap3A_239 = tpu.vector_load %arg15[%swap3A_237, %swap3A_238] {strides = array<i32>} : memref<80x128xf32, #tpu.memory_space<vmem>>, vector<1x16xf32>,
        %swap3A_240 = vector.shape_cast %swap3A_239 : vector<1x16xf32> to vector<16xf32>
        %swap3A_241 = vector.shape_cast %add3A_236 : vector<16xf32> to vector<1x16xf32>
        tpu.vector_store %arg15[%swap3A_237, %swap3A_238], %swap3A_241 {strides = array<i32>} : memref<80x128xf32, #tpu.memory_space<vmem>>, vector<1x16xf32>,
        %get3A_242 = arith.index_cast %scan3A_173 : i32 to index
        %get3A_243 = arith.constant 80 : index
        %get3A_244 = tpu.vector_load %arg11[%get3A_242, %get3A_243] {strides = array<i32>} : memref<80x128xf32, #tpu.memory_space<vmem>>, vector<1x16xf32>,
        %get3A_245 = vector.shape_cast %get3A_244 : vector<1x16xf32> to vector<16xf32>
        %get3A_246 = arith.index_cast %scan3A_173 : i32 to index
        %get3A_247 = arith.constant 80 : index
        %get3A_248 = tpu.vector_load %arg12[%get3A_246, %get3A_247] {strides = array<i32>} : memref<80x128xf32, #tpu.memory_space<vmem>>, vector<1x16xf32>,
        %get3A_249 = vector.shape_cast %get3A_248 : vector<1x16xf32> to vector<16xf32>
        %add3A_250 = arith.addf %get3A_245, %get3A_249 : vector<16xf32>
        %swap3A_251 = arith.index_cast %scan3A_173 : i32 to index
        %swap3A_252 = arith.constant 80 : index
        %swap3A_253 = tpu.vector_load %arg15[%swap3A_251, %swap3A_252] {strides = array<i32>} : memref<80x128xf32, #tpu.memory_space<vmem>>, vector<1x16xf32>,
        %swap3A_254 = vector.shape_cast %swap3A_253 : vector<1x16xf32> to vector<16xf32>
        %swap3A_255 = vector.shape_cast %add3A_250 : vector<16xf32> to vector<1x16xf32>
        tpu.vector_store %arg15[%swap3A_251, %swap3A_252], %swap3A_255 {strides = array<i32>} : memref<80x128xf32, #tpu.memory_space<vmem>>, vector<1x16xf32>,
        %get3A_256 = arith.index_cast %scan3A_173 : i32 to index
        %get3A_257 = arith.constant 96 : index
        %get3A_258 = tpu.vector_load %arg11[%get3A_256, %get3A_257] {strides = array<i32>} : memref<80x128xf32, #tpu.memory_space<vmem>>, vector<1x16xf32>,
        %get3A_259 = vector.shape_cast %get3A_258 : vector<1x16xf32> to vector<16xf32>
        %get3A_260 = arith.index_cast %scan3A_173 : i32 to index
        %get3A_261 = arith.constant 96 : index
        %get3A_262 = tpu.vector_load %arg12[%get3A_260, %get3A_261] {strides = array<i32>} : memref<80x128xf32, #tpu.memory_space<vmem>>, vector<1x16xf32>,
        %get3A_263 = vector.shape_cast %get3A_262 : vector<1x16xf32> to vector<16xf32>
        %add3A_264 = arith.addf %get3A_259, %get3A_263 : vector<16xf32>
        %swap3A_265 = arith.index_cast %scan3A_173 : i32 to index
        %swap3A_266 = arith.constant 96 : index
        %swap3A_267 = tpu.vector_load %arg15[%swap3A_265, %swap3A_266] {strides = array<i32>} : memref<80x128xf32, #tpu.memory_space<vmem>>, vector<1x16xf32>,
        %swap3A_268 = vector.shape_cast %swap3A_267 : vector<1x16xf32> to vector<16xf32>
        %swap3A_269 = vector.shape_cast %add3A_264 : vector<16xf32> to vector<1x16xf32>
        tpu.vector_store %arg15[%swap3A_265, %swap3A_266], %swap3A_269 {strides = array<i32>} : memref<80x128xf32, #tpu.memory_space<vmem>>, vector<1x16xf32>,
        %get3A_270 = arith.index_cast %scan3A_173 : i32 to index
        %get3A_271 = arith.constant 112 : index
        %get3A_272 = tpu.vector_load %arg11[%get3A_270, %get3A_271] {strides = array<i32>} : memref<80x128xf32, #tpu.memory_space<vmem>>, vector<1x16xf32>,
        %get3A_273 = vector.shape_cast %get3A_272 : vector<1x16xf32> to vector<16xf32>
        %get3A_274 = arith.index_cast %scan3A_173 : i32 to index
        %get3A_275 = arith.constant 112 : index
        %get3A_276 = tpu.vector_load %arg12[%get3A_274, %get3A_275] {strides = array<i32>} : memref<80x128xf32, #tpu.memory_space<vmem>>, vector<1x16xf32>,
        %get3A_277 = vector.shape_cast %get3A_276 : vector<1x16xf32> to vector<16xf32>
        %add3A_278 = arith.addf %get3A_273, %get3A_277 : vector<16xf32>
        %swap3A_279 = arith.index_cast %scan3A_173 : i32 to index
        %swap3A_280 = arith.constant 112 : index
        %swap3A_281 = tpu.vector_load %arg15[%swap3A_279, %swap3A_280] {strides = array<i32>} : memref<80x128xf32, #tpu.memory_space<vmem>>, vector<1x16xf32>,
        %swap3A_282 = vector.shape_cast %swap3A_281 : vector<1x16xf32> to vector<16xf32>
        %swap3A_283 = vector.shape_cast %add3A_278 : vector<16xf32> to vector<1x16xf32>
        tpu.vector_store %arg15[%swap3A_279, %swap3A_280], %swap3A_283 {strides = array<i32>} : memref<80x128xf32, #tpu.memory_space<vmem>>, vector<1x16xf32>,
        %scan3A_284 = arith.constant 1 : i32
        %scan3A_285 = arith.addi %scan3A_173, %scan3A_284 : i32
        %get3A_286 = arith.index_cast %scan3A_285 : i32 to index
        %get3A_287 = arith.constant 0 : index
        %get3A_288 = tpu.vector_load %arg11[%get3A_286, %get3A_287] {strides = array<i32>} : memref<80x128xf32, #tpu.memory_space<vmem>>, vector<1x16xf32>,
        %get3A_289 = vector.shape_cast %get3A_288 : vector<1x16xf32> to vector<16xf32>
        %get3A_290 = arith.index_cast %scan3A_285 : i32 to index
        %get3A_291 = arith.constant 0 : index
        %get3A_292 = tpu.vector_load %arg12[%get3A_290, %get3A_291] {strides = array<i32>} : memref<80x128xf32, #tpu.memory_space<vmem>>, vector<1x16xf32>,
        %get3A_293 = vector.shape_cast %get3A_292 : vector<1x16xf32> to vector<16xf32>
        %add3A_294 = arith.addf %get3A_289, %get3A_293 : vector<16xf32>
        %swap3A_295 = arith.index_cast %scan3A_285 : i32 to index
        %swap3A_296 = arith.constant 0 : index
        %swap3A_297 = tpu.vector_load %arg15[%swap3A_295, %swap3A_296] {strides = array<i32>} : memref<80x128xf32, #tpu.memory_space<vmem>>, vector<1x16xf32>,
        %swap3A_298 = vector.shape_cast %swap3A_297 : vector<1x16xf32> to vector<16xf32>
        %swap3A_299 = vector.shape_cast %add3A_294 : vector<16xf32> to vector<1x16xf32>
        tpu.vector_store %arg15[%swap3A_295, %swap3A_296], %swap3A_299 {strides = array<i32>} : memref<80x128xf32, #tpu.memory_space<vmem>>, vector<1x16xf32>,
        %get3A_300 = arith.index_cast %scan3A_285 : i32 to index
        %get3A_301 = arith.constant 16 : index
        %get3A_302 = tpu.vector_load %arg11[%get3A_300, %get3A_301] {strides = array<i32>} : memref<80x128xf32, #tpu.memory_space<vmem>>, vector<1x16xf32>,
        %get3A_303 = vector.shape_cast %get3A_302 : vector<1x16xf32> to vector<16xf32>
        %get3A_304 = arith.index_cast %scan3A_285 : i32 to index
        %get3A_305 = arith.constant 16 : index
        %get3A_306 = tpu.vector_load %arg12[%get3A_304, %get3A_305] {strides = array<i32>} : memref<80x128xf32, #tpu.memory_space<vmem>>, vector<1x16xf32>,
        %get3A_307 = vector.shape_cast %get3A_306 : vector<1x16xf32> to vector<16xf32>
        %add3A_308 = arith.addf %get3A_303, %get3A_307 : vector<16xf32>
        %swap3A_309 = arith.index_cast %scan3A_285 : i32 to index
        %swap3A_310 = arith.constant 16 : index
        %swap3A_311 = tpu.vector_load %arg15[%swap3A_309, %swap3A_310] {strides = array<i32>} : memref<80x128xf32, #tpu.memory_space<vmem>>, vector<1x16xf32>,
        %swap3A_312 = vector.shape_cast %swap3A_311 : vector<1x16xf32> to vector<16xf32>
        %swap3A_313 = vector.shape_cast %add3A_308 : vector<16xf32> to vector<1x16xf32>
        tpu.vector_store %arg15[%swap3A_309, %swap3A_310], %swap3A_313 {strides = array<i32>} : memref<80x128xf32, #tpu.memory_space<vmem>>, vector<1x16xf32>,
        %get3A_314 = arith.index_cast %scan3A_285 : i32 to index
        %get3A_315 = arith.constant 32 : index
        %get3A_316 = tpu.vector_load %arg11[%get3A_314, %get3A_315] {strides = array<i32>} : memref<80x128xf32, #tpu.memory_space<vmem>>, vector<1x16xf32>,
        %get3A_317 = vector.shape_cast %get3A_316 : vector<1x16xf32> to vector<16xf32>
        %get3A_318 = arith.index_cast %scan3A_285 : i32 to index
        %get3A_319 = arith.constant 32 : index
        %get3A_320 = tpu.vector_load %arg12[%get3A_318, %get3A_319] {strides = array<i32>} : memref<80x128xf32, #tpu.memory_space<vmem>>, vector<1x16xf32>,
        %get3A_321 = vector.shape_cast %get3A_320 : vector<1x16xf32> to vector<16xf32>
        %add3A_322 = arith.addf %get3A_317, %get3A_321 : vector<16xf32>
        %swap3A_323 = arith.index_cast %scan3A_285 : i32 to index
        %swap3A_324 = arith.constant 32 : index
        %swap3A_325 = tpu.vector_load %arg15[%swap3A_323, %swap3A_324] {strides = array<i32>} : memref<80x128xf32, #tpu.memory_space<vmem>>, vector<1x16xf32>,
        %swap3A_326 = vector.shape_cast %swap3A_325 : vector<1x16xf32> to vector<16xf32>
        %swap3A_327 = vector.shape_cast %add3A_322 : vector<16xf32> to vector<1x16xf32>
        tpu.vector_store %arg15[%swap3A_323, %swap3A_324], %swap3A_327 {strides = array<i32>} : memref<80x128xf32, #tpu.memory_space<vmem>>, vector<1x16xf32>,
        %get3A_328 = arith.index_cast %scan3A_285 : i32 to index
        %get3A_329 = arith.constant 48 : index
        %get3A_330 = tpu.vector_load %arg11[%get3A_328, %get3A_329] {strides = array<i32>} : memref<80x128xf32, #tpu.memory_space<vmem>>, vector<1x16xf32>,
        %get3A_331 = vector.shape_cast %get3A_330 : vector<1x16xf32> to vector<16xf32>
        %get3A_332 = arith.index_cast %scan3A_285 : i32 to index
        %get3A_333 = arith.constant 48 : index
        %get3A_334 = tpu.vector_load %arg12[%get3A_332, %get3A_333] {strides = array<i32>} : memref<80x128xf32, #tpu.memory_space<vmem>>, vector<1x16xf32>,
        %get3A_335 = vector.shape_cast %get3A_334 : vector<1x16xf32> to vector<16xf32>
        %add3A_336 = arith.addf %get3A_331, %get3A_335 : vector<16xf32>
        %swap3A_337 = arith.index_cast %scan3A_285 : i32 to index
        %swap3A_338 = arith.constant 48 : index
        %swap3A_339 = tpu.vector_load %arg15[%swap3A_337, %swap3A_338] {strides = array<i32>} : memref<80x128xf32, #tpu.memory_space<vmem>>, vector<1x16xf32>,
        %swap3A_340 = vector.shape_cast %swap3A_339 : vector<1x16xf32> to vector<16xf32>
        %swap3A_341 = vector.shape_cast %add3A_336 : vector<16xf32> to vector<1x16xf32>
        tpu.vector_store %arg15[%swap3A_337, %swap3A_338], %swap3A_341 {strides = array<i32>} : memref<80x128xf32, #tpu.memory_space<vmem>>, vector<1x16xf32>,
        %get3A_342 = arith.index_cast %scan3A_285 : i32 to index
        %get3A_343 = arith.constant 64 : index
        %get3A_344 = tpu.vector_load %arg11[%get3A_342, %get3A_343] {strides = array<i32>} : memref<80x128xf32, #tpu.memory_space<vmem>>, vector<1x16xf32>,
        %get3A_345 = vector.shape_cast %get3A_344 : vector<1x16xf32> to vector<16xf32>
        %get3A_346 = arith.index_cast %scan3A_285 : i32 to index
        %get3A_347 = arith.constant 64 : index
        %get3A_348 = tpu.vector_load %arg12[%get3A_346, %get3A_347] {strides = array<i32>} : memref<80x128xf32, #tpu.memory_space<vmem>>, vector<1x16xf32>,
        %get3A_349 = vector.shape_cast %get3A_348 : vector<1x16xf32> to vector<16xf32>
        %add3A_350 = arith.addf %get3A_345, %get3A_349 : vector<16xf32>
        %swap3A_351 = arith.index_cast %scan3A_285 : i32 to index
        %swap3A_352 = arith.constant 64 : index
        %swap3A_353 = tpu.vector_load %arg15[%swap3A_351, %swap3A_352] {strides = array<i32>} : memref<80x128xf32, #tpu.memory_space<vmem>>, vector<1x16xf32>,
        %swap3A_354 = vector.shape_cast %swap3A_353 : vector<1x16xf32> to vector<16xf32>
        %swap3A_355 = vector.shape_cast %add3A_350 : vector<16xf32> to vector<1x16xf32>
        tpu.vector_store %arg15[%swap3A_351, %swap3A_352], %swap3A_355 {strides = array<i32>} : memref<80x128xf32, #tpu.memory_space<vmem>>, vector<1x16xf32>,
        %get3A_356 = arith.index_cast %scan3A_285 : i32 to index
        %get3A_357 = arith.constant 80 : index
        %get3A_358 = tpu.vector_load %arg11[%get3A_356, %get3A_357] {strides = array<i32>} : memref<80x128xf32, #tpu.memory_space<vmem>>, vector<1x16xf32>,
        %get3A_359 = vector.shape_cast %get3A_358 : vector<1x16xf32> to vector<16xf32>
        %get3A_360 = arith.index_cast %scan3A_285 : i32 to index
        %get3A_361 = arith.constant 80 : index
        %get3A_362 = tpu.vector_load %arg12[%get3A_360, %get3A_361] {strides = array<i32>} : memref<80x128xf32, #tpu.memory_space<vmem>>, vector<1x16xf32>,
        %get3A_363 = vector.shape_cast %get3A_362 : vector<1x16xf32> to vector<16xf32>
        %add3A_364 = arith.addf %get3A_359, %get3A_363 : vector<16xf32>
        %swap3A_365 = arith.index_cast %scan3A_285 : i32 to index
        %swap3A_366 = arith.constant 80 : index
        %swap3A_367 = tpu.vector_load %arg15[%swap3A_365, %swap3A_366] {strides = array<i32>} : memref<80x128xf32, #tpu.memory_space<vmem>>, vector<1x16xf32>,
        %swap3A_368 = vector.shape_cast %swap3A_367 : vector<1x16xf32> to vector<16xf32>
        %swap3A_369 = vector.shape_cast %add3A_364 : vector<16xf32> to vector<1x16xf32>
        tpu.vector_store %arg15[%swap3A_365, %swap3A_366], %swap3A_369 {strides = array<i32>} : memref<80x128xf32, #tpu.memory_space<vmem>>, vector<1x16xf32>,
        %get3A_370 = arith.index_cast %scan3A_285 : i32 to index
        %get3A_371 = arith.constant 96 : index
        %get3A_372 = tpu.vector_load %arg11[%get3A_370, %get3A_371] {strides = array<i32>} : memref<80x128xf32, #tpu.memory_space<vmem>>, vector<1x16xf32>,
        %get3A_373 = vector.shape_cast %get3A_372 : vector<1x16xf32> to vector<16xf32>
        %get3A_374 = arith.index_cast %scan3A_285 : i32 to index
        %get3A_375 = arith.constant 96 : index
        %get3A_376 = tpu.vector_load %arg12[%get3A_374, %get3A_375] {strides = array<i32>} : memref<80x128xf32, #tpu.memory_space<vmem>>, vector<1x16xf32>,
        %get3A_377 = vector.shape_cast %get3A_376 : vector<1x16xf32> to vector<16xf32>
        %add3A_378 = arith.addf %get3A_373, %get3A_377 : vector<16xf32>
        %swap3A_379 = arith.index_cast %scan3A_285 : i32 to index
        %swap3A_380 = arith.constant 96 : index
        %swap3A_381 = tpu.vector_load %arg15[%swap3A_379, %swap3A_380] {strides = array<i32>} : memref<80x128xf32, #tpu.memory_space<vmem>>, vector<1x16xf32>,
        %swap3A_382 = vector.shape_cast %swap3A_381 : vector<1x16xf32> to vector<16xf32>
        %swap3A_383 = vector.shape_cast %add3A_378 : vector<16xf32> to vector<1x16xf32>
        tpu.vector_store %arg15[%swap3A_379, %swap3A_380], %swap3A_383 {strides = array<i32>} : memref<80x128xf32, #tpu.memory_space<vmem>>, vector<1x16xf32>,
        %get3A_384 = arith.index_cast %scan3A_285 : i32 to index
        %get3A_385 = arith.constant 112 : index
        %get3A_386 = tpu.vector_load %arg11[%get3A_384, %get3A_385] {strides = array<i32>} : memref<80x128xf32, #tpu.memory_space<vmem>>, vector<1x16xf32>,
        %get3A_387 = vector.shape_cast %get3A_386 : vector<1x16xf32> to vector<16xf32>
        %get3A_388 = arith.index_cast %scan3A_285 : i32 to index
        %get3A_389 = arith.constant 112 : index
        %get3A_390 = tpu.vector_load %arg12[%get3A_388, %get3A_389] {strides = array<i32>} : memref<80x128xf32, #tpu.memory_space<vmem>>, vector<1x16xf32>,
        %get3A_391 = vector.shape_cast %get3A_390 : vector<1x16xf32> to vector<16xf32>
        %add3A_392 = arith.addf %get3A_387, %get3A_391 : vector<16xf32>
        %swap3A_393 = arith.index_cast %scan3A_285 : i32 to index
        %swap3A_394 = arith.constant 112 : index
        %swap3A_395 = tpu.vector_load %arg15[%swap3A_393, %swap3A_394] {strides = array<i32>} : memref<80x128xf32, #tpu.memory_space<vmem>>, vector<1x16xf32>,
        %swap3A_396 = vector.shape_cast %swap3A_395 : vector<1x16xf32> to vector<16xf32>
        %swap3A_397 = vector.shape_cast %add3A_392 : vector<16xf32> to vector<1x16xf32>
        tpu.vector_store %arg15[%swap3A_393, %swap3A_394], %swap3A_397 {strides = array<i32>} : memref<80x128xf32, #tpu.memory_space<vmem>>, vector<1x16xf32>,
        %scan3A_398 = arith.constant 2 : i32
        %scan3A_399 = arith.addi %scan3A_173, %scan3A_398 : i32
        %get3A_400 = arith.index_cast %scan3A_399 : i32 to index
        %get3A_401 = arith.constant 0 : index
        %get3A_402 = tpu.vector_load %arg11[%get3A_400, %get3A_401] {strides = array<i32>} : memref<80x128xf32, #tpu.memory_space<vmem>>, vector<1x16xf32>,
        %get3A_403 = vector.shape_cast %get3A_402 : vector<1x16xf32> to vector<16xf32>
        %get3A_404 = arith.index_cast %scan3A_399 : i32 to index
        %get3A_405 = arith.constant 0 : index
        %get3A_406 = tpu.vector_load %arg12[%get3A_404, %get3A_405] {strides = array<i32>} : memref<80x128xf32, #tpu.memory_space<vmem>>, vector<1x16xf32>,
        %get3A_407 = vector.shape_cast %get3A_406 : vector<1x16xf32> to vector<16xf32>
        %add3A_408 = arith.addf %get3A_403, %get3A_407 : vector<16xf32>
        %swap3A_409 = arith.index_cast %scan3A_399 : i32 to index
        %swap3A_410 = arith.constant 0 : index
        %swap3A_411 = tpu.vector_load %arg15[%swap3A_409, %swap3A_410] {strides = array<i32>} : memref<80x128xf32, #tpu.memory_space<vmem>>, vector<1x16xf32>,
        %swap3A_412 = vector.shape_cast %swap3A_411 : vector<1x16xf32> to vector<16xf32>
        %swap3A_413 = vector.shape_cast %add3A_408 : vector<16xf32> to vector<1x16xf32>
        tpu.vector_store %arg15[%swap3A_409, %swap3A_410], %swap3A_413 {strides = array<i32>} : memref<80x128xf32, #tpu.memory_space<vmem>>, vector<1x16xf32>,
        %get3A_414 = arith.index_cast %scan3A_399 : i32 to index
        %get3A_415 = arith.constant 16 : index
        %get3A_416 = tpu.vector_load %arg11[%get3A_414, %get3A_415] {strides = array<i32>} : memref<80x128xf32, #tpu.memory_space<vmem>>, vector<1x16xf32>,
        %get3A_417 = vector.shape_cast %get3A_416 : vector<1x16xf32> to vector<16xf32>
        %get3A_418 = arith.index_cast %scan3A_399 : i32 to index
        %get3A_419 = arith.constant 16 : index
        %get3A_420 = tpu.vector_load %arg12[%get3A_418, %get3A_419] {strides = array<i32>} : memref<80x128xf32, #tpu.memory_space<vmem>>, vector<1x16xf32>,
        %get3A_421 = vector.shape_cast %get3A_420 : vector<1x16xf32> to vector<16xf32>
        %add3A_422 = arith.addf %get3A_417, %get3A_421 : vector<16xf32>
        %swap3A_423 = arith.index_cast %scan3A_399 : i32 to index
        %swap3A_424 = arith.constant 16 : index
        %swap3A_425 = tpu.vector_load %arg15[%swap3A_423, %swap3A_424] {strides = array<i32>} : memref<80x128xf32, #tpu.memory_space<vmem>>, vector<1x16xf32>,
        %swap3A_426 = vector.shape_cast %swap3A_425 : vector<1x16xf32> to vector<16xf32>
        %swap3A_427 = vector.shape_cast %add3A_422 : vector<16xf32> to vector<1x16xf32>
        tpu.vector_store %arg15[%swap3A_423, %swap3A_424], %swap3A_427 {strides = array<i32>} : memref<80x128xf32, #tpu.memory_space<vmem>>, vector<1x16xf32>,
        %get3A_428 = arith.index_cast %scan3A_399 : i32 to index
        %get3A_429 = arith.constant 32 : index
        %get3A_430 = tpu.vector_load %arg11[%get3A_428, %get3A_429] {strides = array<i32>} : memref<80x128xf32, #tpu.memory_space<vmem>>, vector<1x16xf32>,
        %get3A_431 = vector.shape_cast %get3A_430 : vector<1x16xf32> to vector<16xf32>
        %get3A_432 = arith.index_cast %scan3A_399 : i32 to index
        %get3A_433 = arith.constant 32 : index
        %get3A_434 = tpu.vector_load %arg12[%get3A_432, %get3A_433] {strides = array<i32>} : memref<80x128xf32, #tpu.memory_space<vmem>>, vector<1x16xf32>,
        %get3A_435 = vector.shape_cast %get3A_434 : vector<1x16xf32> to vector<16xf32>
        %add3A_436 = arith.addf %get3A_431, %get3A_435 : vector<16xf32>
        %swap3A_437 = arith.index_cast %scan3A_399 : i32 to index
        %swap3A_438 = arith.constant 32 : index
        %swap3A_439 = tpu.vector_load %arg15[%swap3A_437, %swap3A_438] {strides = array<i32>} : memref<80x128xf32, #tpu.memory_space<vmem>>, vector<1x16xf32>,
        %swap3A_440 = vector.shape_cast %swap3A_439 : vector<1x16xf32> to vector<16xf32>
        %swap3A_441 = vector.shape_cast %add3A_436 : vector<16xf32> to vector<1x16xf32>
        tpu.vector_store %arg15[%swap3A_437, %swap3A_438], %swap3A_441 {strides = array<i32>} : memref<80x128xf32, #tpu.memory_space<vmem>>, vector<1x16xf32>,
        %get3A_442 = arith.index_cast %scan3A_399 : i32 to index
        %get3A_443 = arith.constant 48 : index
        %get3A_444 = tpu.vector_load %arg11[%get3A_442, %get3A_443] {strides = array<i32>} : memref<80x128xf32, #tpu.memory_space<vmem>>, vector<1x16xf32>,
        %get3A_445 = vector.shape_cast %get3A_444 : vector<1x16xf32> to vector<16xf32>
        %get3A_446 = arith.index_cast %scan3A_399 : i32 to index
        %get3A_447 = arith.constant 48 : index
        %get3A_448 = tpu.vector_load %arg12[%get3A_446, %get3A_447] {strides = array<i32>} : memref<80x128xf32, #tpu.memory_space<vmem>>, vector<1x16xf32>,
        %get3A_449 = vector.shape_cast %get3A_448 : vector<1x16xf32> to vector<16xf32>
        %add3A_450 = arith.addf %get3A_445, %get3A_449 : vector<16xf32>
        %swap3A_451 = arith.index_cast %scan3A_399 : i32 to index
        %swap3A_452 = arith.constant 48 : index
        %swap3A_453 = tpu.vector_load %arg15[%swap3A_451, %swap3A_452] {strides = array<i32>} : memref<80x128xf32, #tpu.memory_space<vmem>>, vector<1x16xf32>,
        %swap3A_454 = vector.shape_cast %swap3A_453 : vector<1x16xf32> to vector<16xf32>
        %swap3A_455 = vector.shape_cast %add3A_450 : vector<16xf32> to vector<1x16xf32>
        tpu.vector_store %arg15[%swap3A_451, %swap3A_452], %swap3A_455 {strides = array<i32>} : memref<80x128xf32, #tpu.memory_space<vmem>>, vector<1x16xf32>,
        %get3A_456 = arith.index_cast %scan3A_399 : i32 to index
        %get3A_457 = arith.constant 64 : index
        %get3A_458 = tpu.vector_load %arg11[%get3A_456, %get3A_457] {strides = array<i32>} : memref<80x128xf32, #tpu.memory_space<vmem>>, vector<1x16xf32>,
        %get3A_459 = vector.shape_cast %get3A_458 : vector<1x16xf32> to vector<16xf32>
        %get3A_460 = arith.index_cast %scan3A_399 : i32 to index
        %get3A_461 = arith.constant 64 : index
        %get3A_462 = tpu.vector_load %arg12[%get3A_460, %get3A_461] {strides = array<i32>} : memref<80x128xf32, #tpu.memory_space<vmem>>, vector<1x16xf32>,
        %get3A_463 = vector.shape_cast %get3A_462 : vector<1x16xf32> to vector<16xf32>
        %add3A_464 = arith.addf %get3A_459, %get3A_463 : vector<16xf32>
        %swap3A_465 = arith.index_cast %scan3A_399 : i32 to index
        %swap3A_466 = arith.constant 64 : index
        %swap3A_467 = tpu.vector_load %arg15[%swap3A_465, %swap3A_466] {strides = array<i32>} : memref<80x128xf32, #tpu.memory_space<vmem>>, vector<1x16xf32>,
        %swap3A_468 = vector.shape_cast %swap3A_467 : vector<1x16xf32> to vector<16xf32>
        %swap3A_469 = vector.shape_cast %add3A_464 : vector<16xf32> to vector<1x16xf32>
        tpu.vector_store %arg15[%swap3A_465, %swap3A_466], %swap3A_469 {strides = array<i32>} : memref<80x128xf32, #tpu.memory_space<vmem>>, vector<1x16xf32>,
        %get3A_470 = arith.index_cast %scan3A_399 : i32 to index
        %get3A_471 = arith.constant 80 : index
        %get3A_472 = tpu.vector_load %arg11[%get3A_470, %get3A_471] {strides = array<i32>} : memref<80x128xf32, #tpu.memory_space<vmem>>, vector<1x16xf32>,
        %get3A_473 = vector.shape_cast %get3A_472 : vector<1x16xf32> to vector<16xf32>
        %get3A_474 = arith.index_cast %scan3A_399 : i32 to index
        %get3A_475 = arith.constant 80 : index
        %get3A_476 = tpu.vector_load %arg12[%get3A_474, %get3A_475] {strides = array<i32>} : memref<80x128xf32, #tpu.memory_space<vmem>>, vector<1x16xf32>,
        %get3A_477 = vector.shape_cast %get3A_476 : vector<1x16xf32> to vector<16xf32>
        %add3A_478 = arith.addf %get3A_473, %get3A_477 : vector<16xf32>
        %swap3A_479 = arith.index_cast %scan3A_399 : i32 to index
        %swap3A_480 = arith.constant 80 : index
        %swap3A_481 = tpu.vector_load %arg15[%swap3A_479, %swap3A_480] {strides = array<i32>} : memref<80x128xf32, #tpu.memory_space<vmem>>, vector<1x16xf32>,
        %swap3A_482 = vector.shape_cast %swap3A_481 : vector<1x16xf32> to vector<16xf32>
        %swap3A_483 = vector.shape_cast %add3A_478 : vector<16xf32> to vector<1x16xf32>
        tpu.vector_store %arg15[%swap3A_479, %swap3A_480], %swap3A_483 {strides = array<i32>} : memref<80x128xf32, #tpu.memory_space<vmem>>, vector<1x16xf32>,
        %get3A_484 = arith.index_cast %scan3A_399 : i32 to index
        %get3A_485 = arith.constant 96 : index
        %get3A_486 = tpu.vector_load %arg11[%get3A_484, %get3A_485] {strides = array<i32>} : memref<80x128xf32, #tpu.memory_space<vmem>>, vector<1x16xf32>,
        %get3A_487 = vector.shape_cast %get3A_486 : vector<1x16xf32> to vector<16xf32>
        %get3A_488 = arith.index_cast %scan3A_399 : i32 to index
        %get3A_489 = arith.constant 96 : index
        %get3A_490 = tpu.vector_load %arg12[%get3A_488, %get3A_489] {strides = array<i32>} : memref<80x128xf32, #tpu.memory_space<vmem>>, vector<1x16xf32>,
        %get3A_491 = vector.shape_cast %get3A_490 : vector<1x16xf32> to vector<16xf32>
        %add3A_492 = arith.addf %get3A_487, %get3A_491 : vector<16xf32>
        %swap3A_493 = arith.index_cast %scan3A_399 : i32 to index
        %swap3A_494 = arith.constant 96 : index
        %swap3A_495 = tpu.vector_load %arg15[%swap3A_493, %swap3A_494] {strides = array<i32>} : memref<80x128xf32, #tpu.memory_space<vmem>>, vector<1x16xf32>,
        %swap3A_496 = vector.shape_cast %swap3A_495 : vector<1x16xf32> to vector<16xf32>
        %swap3A_497 = vector.shape_cast %add3A_492 : vector<16xf32> to vector<1x16xf32>
        tpu.vector_store %arg15[%swap3A_493, %swap3A_494], %swap3A_497 {strides = array<i32>} : memref<80x128xf32, #tpu.memory_space<vmem>>, vector<1x16xf32>,
        %get3A_498 = arith.index_cast %scan3A_399 : i32 to index
        %get3A_499 = arith.constant 112 : index
        %get3A_500 = tpu.vector_load %arg11[%get3A_498, %get3A_499] {strides = array<i32>} : memref<80x128xf32, #tpu.memory_space<vmem>>, vector<1x16xf32>,
        %get3A_501 = vector.shape_cast %get3A_500 : vector<1x16xf32> to vector<16xf32>
        %get3A_502 = arith.index_cast %scan3A_399 : i32 to index
        %get3A_503 = arith.constant 112 : index
        %get3A_504 = tpu.vector_load %arg12[%get3A_502, %get3A_503] {strides = array<i32>} : memref<80x128xf32, #tpu.memory_space<vmem>>, vector<1x16xf32>,
        %get3A_505 = vector.shape_cast %get3A_504 : vector<1x16xf32> to vector<16xf32>
        %add3A_506 = arith.addf %get3A_501, %get3A_505 : vector<16xf32>
        %swap3A_507 = arith.index_cast %scan3A_399 : i32 to index
        %swap3A_508 = arith.constant 112 : index
        %swap3A_509 = tpu.vector_load %arg15[%swap3A_507, %swap3A_508] {strides = array<i32>} : memref<80x128xf32, #tpu.memory_space<vmem>>, vector<1x16xf32>,
        %swap3A_510 = vector.shape_cast %swap3A_509 : vector<1x16xf32> to vector<16xf32>
        %swap3A_511 = vector.shape_cast %add3A_506 : vector<16xf32> to vector<1x16xf32>
        tpu.vector_store %arg15[%swap3A_507, %swap3A_508], %swap3A_511 {strides = array<i32>} : memref<80x128xf32, #tpu.memory_space<vmem>>, vector<1x16xf32>,
        %scan3A_512 = arith.constant 3 : i32
        %scan3A_513 = arith.addi %scan3A_173, %scan3A_512 : i32
        %get3A_514 = arith.index_cast %scan3A_513 : i32 to index
        %get3A_515 = arith.constant 0 : index
        %get3A_516 = tpu.vector_load %arg11[%get3A_514, %get3A_515] {strides = array<i32>} : memref<80x128xf32, #tpu.memory_space<vmem>>, vector<1x16xf32>,
        %get3A_517 = vector.shape_cast %get3A_516 : vector<1x16xf32> to vector<16xf32>
        %get3A_518 = arith.index_cast %scan3A_513 : i32 to index
        %get3A_519 = arith.constant 0 : index
        %get3A_520 = tpu.vector_load %arg12[%get3A_518, %get3A_519] {strides = array<i32>} : memref<80x128xf32, #tpu.memory_space<vmem>>, vector<1x16xf32>,
        %get3A_521 = vector.shape_cast %get3A_520 : vector<1x16xf32> to vector<16xf32>
        %add3A_522 = arith.addf %get3A_517, %get3A_521 : vector<16xf32>
        %swap3A_523 = arith.index_cast %scan3A_513 : i32 to index
        %swap3A_524 = arith.constant 0 : index
        %swap3A_525 = tpu.vector_load %arg15[%swap3A_523, %swap3A_524] {strides = array<i32>} : memref<80x128xf32, #tpu.memory_space<vmem>>, vector<1x16xf32>,
        %swap3A_526 = vector.shape_cast %swap3A_525 : vector<1x16xf32> to vector<16xf32>
        %swap3A_527 = vector.shape_cast %add3A_522 : vector<16xf32> to vector<1x16xf32>
        tpu.vector_store %arg15[%swap3A_523, %swap3A_524], %swap3A_527 {strides = array<i32>} : memref<80x128xf32, #tpu.memory_space<vmem>>, vector<1x16xf32>,
        %get3A_528 = arith.index_cast %scan3A_513 : i32 to index
        %get3A_529 = arith.constant 16 : index
        %get3A_530 = tpu.vector_load %arg11[%get3A_528, %get3A_529] {strides = array<i32>} : memref<80x128xf32, #tpu.memory_space<vmem>>, vector<1x16xf32>,
        %get3A_531 = vector.shape_cast %get3A_530 : vector<1x16xf32> to vector<16xf32>
        %get3A_532 = arith.index_cast %scan3A_513 : i32 to index
        %get3A_533 = arith.constant 16 : index
        %get3A_534 = tpu.vector_load %arg12[%get3A_532, %get3A_533] {strides = array<i32>} : memref<80x128xf32, #tpu.memory_space<vmem>>, vector<1x16xf32>,
        %get3A_535 = vector.shape_cast %get3A_534 : vector<1x16xf32> to vector<16xf32>
        %add3A_536 = arith.addf %get3A_531, %get3A_535 : vector<16xf32>
        %swap3A_537 = arith.index_cast %scan3A_513 : i32 to index
        %swap3A_538 = arith.constant 16 : index
        %swap3A_539 = tpu.vector_load %arg15[%swap3A_537, %swap3A_538] {strides = array<i32>} : memref<80x128xf32, #tpu.memory_space<vmem>>, vector<1x16xf32>,
        %swap3A_540 = vector.shape_cast %swap3A_539 : vector<1x16xf32> to vector<16xf32>
        %swap3A_541 = vector.shape_cast %add3A_536 : vector<16xf32> to vector<1x16xf32>
        tpu.vector_store %arg15[%swap3A_537, %swap3A_538], %swap3A_541 {strides = array<i32>} : memref<80x128xf32, #tpu.memory_space<vmem>>, vector<1x16xf32>,
        %get3A_542 = arith.index_cast %scan3A_513 : i32 to index
        %get3A_543 = arith.constant 32 : index
        %get3A_544 = tpu.vector_load %arg11[%get3A_542, %get3A_543] {strides = array<i32>} : memref<80x128xf32, #tpu.memory_space<vmem>>, vector<1x16xf32>,
        %get3A_545 = vector.shape_cast %get3A_544 : vector<1x16xf32> to vector<16xf32>
        %get3A_546 = arith.index_cast %scan3A_513 : i32 to index
        %get3A_547 = arith.constant 32 : index
        %get3A_548 = tpu.vector_load %arg12[%get3A_546, %get3A_547] {strides = array<i32>} : memref<80x128xf32, #tpu.memory_space<vmem>>, vector<1x16xf32>,
        %get3A_549 = vector.shape_cast %get3A_548 : vector<1x16xf32> to vector<16xf32>
        %add3A_550 = arith.addf %get3A_545, %get3A_549 : vector<16xf32>
        %swap3A_551 = arith.index_cast %scan3A_513 : i32 to index
        %swap3A_552 = arith.constant 32 : index
        %swap3A_553 = tpu.vector_load %arg15[%swap3A_551, %swap3A_552] {strides = array<i32>} : memref<80x128xf32, #tpu.memory_space<vmem>>, vector<1x16xf32>,
        %swap3A_554 = vector.shape_cast %swap3A_553 : vector<1x16xf32> to vector<16xf32>
        %swap3A_555 = vector.shape_cast %add3A_550 : vector<16xf32> to vector<1x16xf32>
        tpu.vector_store %arg15[%swap3A_551, %swap3A_552], %swap3A_555 {strides = array<i32>} : memref<80x128xf32, #tpu.memory_space<vmem>>, vector<1x16xf32>,
        %get3A_556 = arith.index_cast %scan3A_513 : i32 to index
        %get3A_557 = arith.constant 48 : index
        %get3A_558 = tpu.vector_load %arg11[%get3A_556, %get3A_557] {strides = array<i32>} : memref<80x128xf32, #tpu.memory_space<vmem>>, vector<1x16xf32>,
        %get3A_559 = vector.shape_cast %get3A_558 : vector<1x16xf32> to vector<16xf32>
        %get3A_560 = arith.index_cast %scan3A_513 : i32 to index
        %get3A_561 = arith.constant 48 : index
        %get3A_562 = tpu.vector_load %arg12[%get3A_560, %get3A_561] {strides = array<i32>} : memref<80x128xf32, #tpu.memory_space<vmem>>, vector<1x16xf32>,
        %get3A_563 = vector.shape_cast %get3A_562 : vector<1x16xf32> to vector<16xf32>
        %add3A_564 = arith.addf %get3A_559, %get3A_563 : vector<16xf32>
        %swap3A_565 = arith.index_cast %scan3A_513 : i32 to index
        %swap3A_566 = arith.constant 48 : index
        %swap3A_567 = tpu.vector_load %arg15[%swap3A_565, %swap3A_566] {strides = array<i32>} : memref<80x128xf32, #tpu.memory_space<vmem>>, vector<1x16xf32>,
        %swap3A_568 = vector.shape_cast %swap3A_567 : vector<1x16xf32> to vector<16xf32>
        %swap3A_569 = vector.shape_cast %add3A_564 : vector<16xf32> to vector<1x16xf32>
        tpu.vector_store %arg15[%swap3A_565, %swap3A_566], %swap3A_569 {strides = array<i32>} : memref<80x128xf32, #tpu.memory_space<vmem>>, vector<1x16xf32>,
        %get3A_570 = arith.index_cast %scan3A_513 : i32 to index
        %get3A_571 = arith.constant 64 : index
        %get3A_572 = tpu.vector_load %arg11[%get3A_570, %get3A_571] {strides = array<i32>} : memref<80x128xf32, #tpu.memory_space<vmem>>, vector<1x16xf32>,
        %get3A_573 = vector.shape_cast %get3A_572 : vector<1x16xf32> to vector<16xf32>
        %get3A_574 = arith.index_cast %scan3A_513 : i32 to index
        %get3A_575 = arith.constant 64 : index
        %get3A_576 = tpu.vector_load %arg12[%get3A_574, %get3A_575] {strides = array<i32>} : memref<80x128xf32, #tpu.memory_space<vmem>>, vector<1x16xf32>,
        %get3A_577 = vector.shape_cast %get3A_576 : vector<1x16xf32> to vector<16xf32>
        %add3A_578 = arith.addf %get3A_573, %get3A_577 : vector<16xf32>
        %swap3A_579 = arith.index_cast %scan3A_513 : i32 to index
        %swap3A_580 = arith.constant 64 : index
        %swap3A_581 = tpu.vector_load %arg15[%swap3A_579, %swap3A_580] {strides = array<i32>} : memref<80x128xf32, #tpu.memory_space<vmem>>, vector<1x16xf32>,
        %swap3A_582 = vector.shape_cast %swap3A_581 : vector<1x16xf32> to vector<16xf32>
        %swap3A_583 = vector.shape_cast %add3A_578 : vector<16xf32> to vector<1x16xf32>
        tpu.vector_store %arg15[%swap3A_579, %swap3A_580], %swap3A_583 {strides = array<i32>} : memref<80x128xf32, #tpu.memory_space<vmem>>, vector<1x16xf32>,
        %get3A_584 = arith.index_cast %scan3A_513 : i32 to index
        %get3A_585 = arith.constant 80 : index
        %get3A_586 = tpu.vector_load %arg11[%get3A_584, %get3A_585] {strides = array<i32>} : memref<80x128xf32, #tpu.memory_space<vmem>>, vector<1x16xf32>,
        %get3A_587 = vector.shape_cast %get3A_586 : vector<1x16xf32> to vector<16xf32>
        %get3A_588 = arith.index_cast %scan3A_513 : i32 to index
        %get3A_589 = arith.constant 80 : index
        %get3A_590 = tpu.vector_load %arg12[%get3A_588, %get3A_589] {strides = array<i32>} : memref<80x128xf32, #tpu.memory_space<vmem>>, vector<1x16xf32>,
        %get3A_591 = vector.shape_cast %get3A_590 : vector<1x16xf32> to vector<16xf32>
        %add3A_592 = arith.addf %get3A_587, %get3A_591 : vector<16xf32>
        %swap3A_593 = arith.index_cast %scan3A_513 : i32 to index
        %swap3A_594 = arith.constant 80 : index
        %swap3A_595 = tpu.vector_load %arg15[%swap3A_593, %swap3A_594] {strides = array<i32>} : memref<80x128xf32, #tpu.memory_space<vmem>>, vector<1x16xf32>,
        %swap3A_596 = vector.shape_cast %swap3A_595 : vector<1x16xf32> to vector<16xf32>
        %swap3A_597 = vector.shape_cast %add3A_592 : vector<16xf32> to vector<1x16xf32>
        tpu.vector_store %arg15[%swap3A_593, %swap3A_594], %swap3A_597 {strides = array<i32>} : memref<80x128xf32, #tpu.memory_space<vmem>>, vector<1x16xf32>,
        %get3A_598 = arith.index_cast %scan3A_513 : i32 to index
        %get3A_599 = arith.constant 96 : index
        %get3A_600 = tpu.vector_load %arg11[%get3A_598, %get3A_599] {strides = array<i32>} : memref<80x128xf32, #tpu.memory_space<vmem>>, vector<1x16xf32>,
        %get3A_601 = vector.shape_cast %get3A_600 : vector<1x16xf32> to vector<16xf32>
        %get3A_602 = arith.index_cast %scan3A_513 : i32 to index
        %get3A_603 = arith.constant 96 : index
        %get3A_604 = tpu.vector_load %arg12[%get3A_602, %get3A_603] {strides = array<i32>} : memref<80x128xf32, #tpu.memory_space<vmem>>, vector<1x16xf32>,
        %get3A_605 = vector.shape_cast %get3A_604 : vector<1x16xf32> to vector<16xf32>
        %add3A_606 = arith.addf %get3A_601, %get3A_605 : vector<16xf32>
        %swap3A_607 = arith.index_cast %scan3A_513 : i32 to index
        %swap3A_608 = arith.constant 96 : index
        %swap3A_609 = tpu.vector_load %arg15[%swap3A_607, %swap3A_608] {strides = array<i32>} : memref<80x128xf32, #tpu.memory_space<vmem>>, vector<1x16xf32>,
        %swap3A_610 = vector.shape_cast %swap3A_609 : vector<1x16xf32> to vector<16xf32>
        %swap3A_611 = vector.shape_cast %add3A_606 : vector<16xf32> to vector<1x16xf32>
        tpu.vector_store %arg15[%swap3A_607, %swap3A_608], %swap3A_611 {strides = array<i32>} : memref<80x128xf32, #tpu.memory_space<vmem>>, vector<1x16xf32>,
        %get3A_612 = arith.index_cast %scan3A_513 : i32 to index
        %get3A_613 = arith.constant 112 : index
        %get3A_614 = tpu.vector_load %arg11[%get3A_612, %get3A_613] {strides = array<i32>} : memref<80x128xf32, #tpu.memory_space<vmem>>, vector<1x16xf32>,
        %get3A_615 = vector.shape_cast %get3A_614 : vector<1x16xf32> to vector<16xf32>
        %get3A_616 = arith.index_cast %scan3A_513 : i32 to index
        %get3A_617 = arith.constant 112 : index
        %get3A_618 = tpu.vector_load %arg12[%get3A_616, %get3A_617] {strides = array<i32>} : memref<80x128xf32, #tpu.memory_space<vmem>>, vector<1x16xf32>,
        %get3A_619 = vector.shape_cast %get3A_618 : vector<1x16xf32> to vector<16xf32>
        %add3A_620 = arith.addf %get3A_615, %get3A_619 : vector<16xf32>
        %swap3A_621 = arith.index_cast %scan3A_513 : i32 to index
        %swap3A_622 = arith.constant 112 : index
        %swap3A_623 = tpu.vector_load %arg15[%swap3A_621, %swap3A_622] {strides = array<i32>} : memref<80x128xf32, #tpu.memory_space<vmem>>, vector<1x16xf32>,
        %swap3A_624 = vector.shape_cast %swap3A_623 : vector<1x16xf32> to vector<16xf32>
        %swap3A_625 = vector.shape_cast %add3A_620 : vector<16xf32> to vector<1x16xf32>
        tpu.vector_store %arg15[%swap3A_621, %swap3A_622], %swap3A_625 {strides = array<i32>} : memref<80x128xf32, #tpu.memory_space<vmem>>, vector<1x16xf32>,
      }
      %scan3A_115 = arith.constant 80 : i32
      %mul3A_116 = arith.constant 80 : i32
      %mul3A_117 = arith.muli %mul3A_78, %mul3A_116 : i32
      %add3A_118 = arith.addi %mul3A_2, %mul3A_117 : i32
      %dma_start3A_119 = arith.constant 0 : i32
      %dma_start3A_120 = tpu.memref_slice %arg6[%add3A_118, %dma_start3A_119] : memref<320000x128xf32, #tpu.memory_space<hbm>> -> memref<80x128xf32, #tpu.memory_space<hbm>>
      %dma_start3A_121 = arith.constant 0 : i32
      %dma_start3A_122 = tpu.memref_slice %arg6[%add3A_118, %dma_start3A_121] : memref<320000x128xf32, #tpu.memory_space<hbm>> -> memref<80x128xf32, #tpu.memory_space<hbm>>
      tpu.enqueue_dma source(%arg15 : memref<80x128xf32, #tpu.memory_space<vmem>>) target(%dma_start3A_122 : memref<80x128xf32, #tpu.memory_space<hbm>>) target_semaphore(%arg23 : memref<!tpu.dma_semaphore, #tpu.memory_space<semaphore_mem>>)
      %dma_wait3A_123 = arith.constant 0 : i32
      %dma_wait3A_124 = tpu.memref_slice %arg4[%dma_wait3A_123] : memref<320000xi32, #tpu.memory_space<hbm>> -> memref<80xi32, #tpu.memory_space<hbm>>
      %dma_wait3A_125 = arith.constant 0 : i32
      %dma_wait3A_126 = tpu.memref_slice %arg4[%dma_wait3A_125] : memref<320000xi32, #tpu.memory_space<hbm>> -> memref<80xi32, #tpu.memory_space<hbm>>
      tpu.wait_dma2 semaphore(%arg17 : memref<!tpu.dma_semaphore, #tpu.memory_space<semaphore_mem>>) src(%dma_wait3A_126 : memref<80xi32, #tpu.memory_space<hbm>>) dst(%arg7 : memref<80xi32, #tpu.memory_space<vmem>>)
      %dma_wait3A_127 = arith.constant 0 : i32
      %dma_wait3A_128 = tpu.memref_slice %arg5[%dma_wait3A_127] : memref<320000xi32, #tpu.memory_space<hbm>> -> memref<80xi32, #tpu.memory_space<hbm>>
      %dma_wait3A_129 = arith.constant 0 : i32
      %dma_wait3A_130 = tpu.memref_slice %arg5[%dma_wait3A_129] : memref<320000xi32, #tpu.memory_space<hbm>> -> memref<80xi32, #tpu.memory_space<hbm>>
      tpu.wait_dma2 semaphore(%arg17 : memref<!tpu.dma_semaphore, #tpu.memory_space<semaphore_mem>>) src(%dma_wait3A_130 : memref<80xi32, #tpu.memory_space<hbm>>) dst(%arg8 : memref<80xi32, #tpu.memory_space<vmem>>)
      %dma_wait3A_131 = arith.constant 0 : i32
      %dma_wait3A_132 = arith.constant 0 : i32
      %dma_wait3A_133 = tpu.memref_slice %arg2[%dma_wait3A_131, %dma_wait3A_132] : memref<10000x128xf32, #tpu.memory_space<hbm>> -> memref<10000x128xf32, #tpu.memory_space<hbm>>
      tpu.wait_indirect_dma semaphore(%arg21 : memref<!tpu.dma_semaphore, #tpu.memory_space<semaphore_mem>>) src(%dma_wait3A_133 : memref<10000x128xf32, #tpu.memory_space<hbm>>) dst(%arg13 : memref<80x128xf32, #tpu.memory_space<vmem>>)
      %dma_wait3A_134 = arith.constant 0 : i32
      %dma_wait3A_135 = arith.constant 0 : i32
      %dma_wait3A_136 = tpu.memref_slice %arg3[%dma_wait3A_134, %dma_wait3A_135] : memref<10000x128xf32, #tpu.memory_space<hbm>> -> memref<10000x128xf32, #tpu.memory_space<hbm>>
      tpu.wait_indirect_dma semaphore(%arg22 : memref<!tpu.dma_semaphore, #tpu.memory_space<semaphore_mem>>) src(%dma_wait3A_136 : memref<10000x128xf32, #tpu.memory_space<hbm>>) dst(%arg14 : memref<80x128xf32, #tpu.memory_space<vmem>>)
      %dma_start3A_137 = arith.constant 0 : i32
      %dma_start3A_138 = arith.constant 0 : i32
      %dma_start3A_139 = tpu.memref_slice %arg2[%dma_start3A_137, %dma_start3A_138] : memref<10000x128xf32, #tpu.memory_space<hbm>> -> memref<10000x128xf32, #tpu.memory_space<hbm>>
      tpu.enqueue_indirect_dma source(%dma_start3A_139 : memref<10000x128xf32, #tpu.memory_space<hbm>>) target(%arg11 : memref<80x128xf32, #tpu.memory_space<vmem>>) offsets(%arg7 : memref<80xi32, #tpu.memory_space<vmem>>) semaphore(%arg19 : memref<!tpu.dma_semaphore, #tpu.memory_space<semaphore_mem>>)
      %dma_start3A_140 = arith.constant 0 : i32
      %dma_start3A_141 = arith.constant 0 : i32
      %dma_start3A_142 = tpu.memref_slice %arg3[%dma_start3A_140, %dma_start3A_141] : memref<10000x128xf32, #tpu.memory_space<hbm>> -> memref<10000x128xf32, #tpu.memory_space<hbm>>
      tpu.enqueue_indirect_dma source(%dma_start3A_142 : memref<10000x128xf32, #tpu.memory_space<hbm>>) target(%arg12 : memref<80x128xf32, #tpu.memory_space<vmem>>) offsets(%arg8 : memref<80xi32, #tpu.memory_space<vmem>>) semaphore(%arg20 : memref<!tpu.dma_semaphore, #tpu.memory_space<semaphore_mem>>)
      %add3A_143 = arith.constant 3 : i32
      %add3A_144 = arith.addi %mul3A_78, %add3A_143 : i32
      %min3A = arith.constant 124 : i32
      %min3A_145 = arith.minsi %add3A_144, %min3A : i32
      %mul3A_146 = arith.constant 80 : i32
      %mul3A_147 = arith.muli %min3A_145, %mul3A_146 : i32
      %add3A_148 = arith.addi %mul3A_2, %mul3A_147 : i32
      %dma_start3A_149 = tpu.memref_slice %arg4[%add3A_148] : memref<320000xi32, #tpu.memory_space<hbm>> -> memref<80xi32, #tpu.memory_space<hbm>>
      %dma_start3A_150 = tpu.memref_slice %arg4[%add3A_148] : memref<320000xi32, #tpu.memory_space<hbm>> -> memref<80xi32, #tpu.memory_space<hbm>>
      tpu.enqueue_dma source(%dma_start3A_150 : memref<80xi32, #tpu.memory_space<hbm>>) target(%arg9 : memref<80xi32, #tpu.memory_space<vmem>>) target_semaphore(%arg18 : memref<!tpu.dma_semaphore, #tpu.memory_space<semaphore_mem>>)
      %dma_start3A_151 = tpu.memref_slice %arg5[%add3A_148] : memref<320000xi32, #tpu.memory_space<hbm>> -> memref<80xi32, #tpu.memory_space<hbm>>
      %dma_start3A_152 = tpu.memref_slice %arg5[%add3A_148] : memref<320000xi32, #tpu.memory_space<hbm>> -> memref<80xi32, #tpu.memory_space<hbm>>
      tpu.enqueue_dma source(%dma_start3A_152 : memref<80xi32, #tpu.memory_space<hbm>>) target(%arg10 : memref<80xi32, #tpu.memory_space<vmem>>) target_semaphore(%arg18 : memref<!tpu.dma_semaphore, #tpu.memory_space<semaphore_mem>>)
      %gt3A_153 = arith.constant 0 : i32
      %gt3A_154 = arith.cmpi sgt, %scan3A_76, %gt3A_153 : i32
      %convert_element_type3A_155 = arith.extui %gt3A_154 : i1 to i32
      %cond3A_156 = arith.constant 0 : i32
      %cond3A_157 = arith.cmpi ne, %convert_element_type3A_155, %cond3A_156 : i32
      scf.if %cond3A_157 {
        %dma_wait3A_173 = arith.constant 0 : i32
        %dma_wait3A_174 = arith.constant 0 : i32
        %dma_wait3A_175 = tpu.memref_slice %arg6[%dma_wait3A_173, %dma_wait3A_174] : memref<320000x128xf32, #tpu.memory_space<hbm>> -> memref<80x128xf32, #tpu.memory_space<hbm>>
        %dma_wait3A_176 = arith.constant 0 : i32
        %dma_wait3A_177 = arith.constant 0 : i32
        %dma_wait3A_178 = tpu.memref_slice %arg6[%dma_wait3A_176, %dma_wait3A_177] : memref<320000x128xf32, #tpu.memory_space<hbm>> -> memref<80x128xf32, #tpu.memory_space<hbm>>
        tpu.wait_dma2 semaphore(%arg24 : memref<!tpu.dma_semaphore, #tpu.memory_space<semaphore_mem>>) src(%arg16 : memref<80x128xf32, #tpu.memory_space<vmem>>) dst(%dma_wait3A_178 : memref<80x128xf32, #tpu.memory_space<hbm>>)
      } else {
      }
      %scan3A_158 = arith.constant 0 : i32
      %scan3A_159 = arith.constant 0 : i32
      %scan3A_160 = arith.constant 80 : i32
      %scan3A_161 = arith.addi %scan3A_159, %scan3A_160 : i32
      %scan3A_162 = arith.constant 4 : i32
      scf.for %scan3A_173 = %scan3A_159 to %scan3A_161 step %scan3A_162  : i32 {
        %get3A = arith.index_cast %scan3A_173 : i32 to index
        %get3A_174 = arith.constant 0 : index
        %get3A_175 = tpu.vector_load %arg13[%get3A, %get3A_174] {strides = array<i32>} : memref<80x128xf32, #tpu.memory_space<vmem>>, vector<1x16xf32>,
        %get3A_176 = vector.shape_cast %get3A_175 : vector<1x16xf32> to vector<16xf32>
        %get3A_177 = arith.index_cast %scan3A_173 : i32 to index
        %get3A_178 = arith.constant 0 : index
        %get3A_179 = tpu.vector_load %arg14[%get3A_177, %get3A_178] {strides = array<i32>} : memref<80x128xf32, #tpu.memory_space<vmem>>, vector<1x16xf32>,
        %get3A_180 = vector.shape_cast %get3A_179 : vector<1x16xf32> to vector<16xf32>
        %add3A_181 = arith.addf %get3A_176, %get3A_180 : vector<16xf32>
        %swap3A = arith.index_cast %scan3A_173 : i32 to index
        %swap3A_182 = arith.constant 0 : index
        %swap3A_183 = tpu.vector_load %arg16[%swap3A, %swap3A_182] {strides = array<i32>} : memref<80x128xf32, #tpu.memory_space<vmem>>, vector<1x16xf32>,
        %swap3A_184 = vector.shape_cast %swap3A_183 : vector<1x16xf32> to vector<16xf32>
        %swap3A_185 = vector.shape_cast %add3A_181 : vector<16xf32> to vector<1x16xf32>
        tpu.vector_store %arg16[%swap3A, %swap3A_182], %swap3A_185 {strides = array<i32>} : memref<80x128xf32, #tpu.memory_space<vmem>>, vector<1x16xf32>,
        %get3A_186 = arith.index_cast %scan3A_173 : i32 to index
        %get3A_187 = arith.constant 16 : index
        %get3A_188 = tpu.vector_load %arg13[%get3A_186, %get3A_187] {strides = array<i32>} : memref<80x128xf32, #tpu.memory_space<vmem>>, vector<1x16xf32>,
        %get3A_189 = vector.shape_cast %get3A_188 : vector<1x16xf32> to vector<16xf32>
        %get3A_190 = arith.index_cast %scan3A_173 : i32 to index
        %get3A_191 = arith.constant 16 : index
        %get3A_192 = tpu.vector_load %arg14[%get3A_190, %get3A_191] {strides = array<i32>} : memref<80x128xf32, #tpu.memory_space<vmem>>, vector<1x16xf32>,
        %get3A_193 = vector.shape_cast %get3A_192 : vector<1x16xf32> to vector<16xf32>
        %add3A_194 = arith.addf %get3A_189, %get3A_193 : vector<16xf32>
        %swap3A_195 = arith.index_cast %scan3A_173 : i32 to index
        %swap3A_196 = arith.constant 16 : index
        %swap3A_197 = tpu.vector_load %arg16[%swap3A_195, %swap3A_196] {strides = array<i32>} : memref<80x128xf32, #tpu.memory_space<vmem>>, vector<1x16xf32>,
        %swap3A_198 = vector.shape_cast %swap3A_197 : vector<1x16xf32> to vector<16xf32>
        %swap3A_199 = vector.shape_cast %add3A_194 : vector<16xf32> to vector<1x16xf32>
        tpu.vector_store %arg16[%swap3A_195, %swap3A_196], %swap3A_199 {strides = array<i32>} : memref<80x128xf32, #tpu.memory_space<vmem>>, vector<1x16xf32>,
        %get3A_200 = arith.index_cast %scan3A_173 : i32 to index
        %get3A_201 = arith.constant 32 : index
        %get3A_202 = tpu.vector_load %arg13[%get3A_200, %get3A_201] {strides = array<i32>} : memref<80x128xf32, #tpu.memory_space<vmem>>, vector<1x16xf32>,
        %get3A_203 = vector.shape_cast %get3A_202 : vector<1x16xf32> to vector<16xf32>
        %get3A_204 = arith.index_cast %scan3A_173 : i32 to index
        %get3A_205 = arith.constant 32 : index
        %get3A_206 = tpu.vector_load %arg14[%get3A_204, %get3A_205] {strides = array<i32>} : memref<80x128xf32, #tpu.memory_space<vmem>>, vector<1x16xf32>,
        %get3A_207 = vector.shape_cast %get3A_206 : vector<1x16xf32> to vector<16xf32>
        %add3A_208 = arith.addf %get3A_203, %get3A_207 : vector<16xf32>
        %swap3A_209 = arith.index_cast %scan3A_173 : i32 to index
        %swap3A_210 = arith.constant 32 : index
        %swap3A_211 = tpu.vector_load %arg16[%swap3A_209, %swap3A_210] {strides = array<i32>} : memref<80x128xf32, #tpu.memory_space<vmem>>, vector<1x16xf32>,
        %swap3A_212 = vector.shape_cast %swap3A_211 : vector<1x16xf32> to vector<16xf32>
        %swap3A_213 = vector.shape_cast %add3A_208 : vector<16xf32> to vector<1x16xf32>
        tpu.vector_store %arg16[%swap3A_209, %swap3A_210], %swap3A_213 {strides = array<i32>} : memref<80x128xf32, #tpu.memory_space<vmem>>, vector<1x16xf32>,
        %get3A_214 = arith.index_cast %scan3A_173 : i32 to index
        %get3A_215 = arith.constant 48 : index
        %get3A_216 = tpu.vector_load %arg13[%get3A_214, %get3A_215] {strides = array<i32>} : memref<80x128xf32, #tpu.memory_space<vmem>>, vector<1x16xf32>,
        %get3A_217 = vector.shape_cast %get3A_216 : vector<1x16xf32> to vector<16xf32>
        %get3A_218 = arith.index_cast %scan3A_173 : i32 to index
        %get3A_219 = arith.constant 48 : index
        %get3A_220 = tpu.vector_load %arg14[%get3A_218, %get3A_219] {strides = array<i32>} : memref<80x128xf32, #tpu.memory_space<vmem>>, vector<1x16xf32>,
        %get3A_221 = vector.shape_cast %get3A_220 : vector<1x16xf32> to vector<16xf32>
        %add3A_222 = arith.addf %get3A_217, %get3A_221 : vector<16xf32>
        %swap3A_223 = arith.index_cast %scan3A_173 : i32 to index
        %swap3A_224 = arith.constant 48 : index
        %swap3A_225 = tpu.vector_load %arg16[%swap3A_223, %swap3A_224] {strides = array<i32>} : memref<80x128xf32, #tpu.memory_space<vmem>>, vector<1x16xf32>,
        %swap3A_226 = vector.shape_cast %swap3A_225 : vector<1x16xf32> to vector<16xf32>
        %swap3A_227 = vector.shape_cast %add3A_222 : vector<16xf32> to vector<1x16xf32>
        tpu.vector_store %arg16[%swap3A_223, %swap3A_224], %swap3A_227 {strides = array<i32>} : memref<80x128xf32, #tpu.memory_space<vmem>>, vector<1x16xf32>,
        %get3A_228 = arith.index_cast %scan3A_173 : i32 to index
        %get3A_229 = arith.constant 64 : index
        %get3A_230 = tpu.vector_load %arg13[%get3A_228, %get3A_229] {strides = array<i32>} : memref<80x128xf32, #tpu.memory_space<vmem>>, vector<1x16xf32>,
        %get3A_231 = vector.shape_cast %get3A_230 : vector<1x16xf32> to vector<16xf32>
        %get3A_232 = arith.index_cast %scan3A_173 : i32 to index
        %get3A_233 = arith.constant 64 : index
        %get3A_234 = tpu.vector_load %arg14[%get3A_232, %get3A_233] {strides = array<i32>} : memref<80x128xf32, #tpu.memory_space<vmem>>, vector<1x16xf32>,
        %get3A_235 = vector.shape_cast %get3A_234 : vector<1x16xf32> to vector<16xf32>
        %add3A_236 = arith.addf %get3A_231, %get3A_235 : vector<16xf32>
        %swap3A_237 = arith.index_cast %scan3A_173 : i32 to index
        %swap3A_238 = arith.constant 64 : index
        %swap3A_239 = tpu.vector_load %arg16[%swap3A_237, %swap3A_238] {strides = array<i32>} : memref<80x128xf32, #tpu.memory_space<vmem>>, vector<1x16xf32>,
        %swap3A_240 = vector.shape_cast %swap3A_239 : vector<1x16xf32> to vector<16xf32>
        %swap3A_241 = vector.shape_cast %add3A_236 : vector<16xf32> to vector<1x16xf32>
        tpu.vector_store %arg16[%swap3A_237, %swap3A_238], %swap3A_241 {strides = array<i32>} : memref<80x128xf32, #tpu.memory_space<vmem>>, vector<1x16xf32>,
        %get3A_242 = arith.index_cast %scan3A_173 : i32 to index
        %get3A_243 = arith.constant 80 : index
        %get3A_244 = tpu.vector_load %arg13[%get3A_242, %get3A_243] {strides = array<i32>} : memref<80x128xf32, #tpu.memory_space<vmem>>, vector<1x16xf32>,
        %get3A_245 = vector.shape_cast %get3A_244 : vector<1x16xf32> to vector<16xf32>
        %get3A_246 = arith.index_cast %scan3A_173 : i32 to index
        %get3A_247 = arith.constant 80 : index
        %get3A_248 = tpu.vector_load %arg14[%get3A_246, %get3A_247] {strides = array<i32>} : memref<80x128xf32, #tpu.memory_space<vmem>>, vector<1x16xf32>,
        %get3A_249 = vector.shape_cast %get3A_248 : vector<1x16xf32> to vector<16xf32>
        %add3A_250 = arith.addf %get3A_245, %get3A_249 : vector<16xf32>
        %swap3A_251 = arith.index_cast %scan3A_173 : i32 to index
        %swap3A_252 = arith.constant 80 : index
        %swap3A_253 = tpu.vector_load %arg16[%swap3A_251, %swap3A_252] {strides = array<i32>} : memref<80x128xf32, #tpu.memory_space<vmem>>, vector<1x16xf32>,
        %swap3A_254 = vector.shape_cast %swap3A_253 : vector<1x16xf32> to vector<16xf32>
        %swap3A_255 = vector.shape_cast %add3A_250 : vector<16xf32> to vector<1x16xf32>
        tpu.vector_store %arg16[%swap3A_251, %swap3A_252], %swap3A_255 {strides = array<i32>} : memref<80x128xf32, #tpu.memory_space<vmem>>, vector<1x16xf32>,
        %get3A_256 = arith.index_cast %scan3A_173 : i32 to index
        %get3A_257 = arith.constant 96 : index
        %get3A_258 = tpu.vector_load %arg13[%get3A_256, %get3A_257] {strides = array<i32>} : memref<80x128xf32, #tpu.memory_space<vmem>>, vector<1x16xf32>,
        %get3A_259 = vector.shape_cast %get3A_258 : vector<1x16xf32> to vector<16xf32>
        %get3A_260 = arith.index_cast %scan3A_173 : i32 to index
        %get3A_261 = arith.constant 96 : index
        %get3A_262 = tpu.vector_load %arg14[%get3A_260, %get3A_261] {strides = array<i32>} : memref<80x128xf32, #tpu.memory_space<vmem>>, vector<1x16xf32>,
        %get3A_263 = vector.shape_cast %get3A_262 : vector<1x16xf32> to vector<16xf32>
        %add3A_264 = arith.addf %get3A_259, %get3A_263 : vector<16xf32>
        %swap3A_265 = arith.index_cast %scan3A_173 : i32 to index
        %swap3A_266 = arith.constant 96 : index
        %swap3A_267 = tpu.vector_load %arg16[%swap3A_265, %swap3A_266] {strides = array<i32>} : memref<80x128xf32, #tpu.memory_space<vmem>>, vector<1x16xf32>,
        %swap3A_268 = vector.shape_cast %swap3A_267 : vector<1x16xf32> to vector<16xf32>
        %swap3A_269 = vector.shape_cast %add3A_264 : vector<16xf32> to vector<1x16xf32>
        tpu.vector_store %arg16[%swap3A_265, %swap3A_266], %swap3A_269 {strides = array<i32>} : memref<80x128xf32, #tpu.memory_space<vmem>>, vector<1x16xf32>,
        %get3A_270 = arith.index_cast %scan3A_173 : i32 to index
        %get3A_271 = arith.constant 112 : index
        %get3A_272 = tpu.vector_load %arg13[%get3A_270, %get3A_271] {strides = array<i32>} : memref<80x128xf32, #tpu.memory_space<vmem>>, vector<1x16xf32>,
        %get3A_273 = vector.shape_cast %get3A_272 : vector<1x16xf32> to vector<16xf32>
        %get3A_274 = arith.index_cast %scan3A_173 : i32 to index
        %get3A_275 = arith.constant 112 : index
        %get3A_276 = tpu.vector_load %arg14[%get3A_274, %get3A_275] {strides = array<i32>} : memref<80x128xf32, #tpu.memory_space<vmem>>, vector<1x16xf32>,
        %get3A_277 = vector.shape_cast %get3A_276 : vector<1x16xf32> to vector<16xf32>
        %add3A_278 = arith.addf %get3A_273, %get3A_277 : vector<16xf32>
        %swap3A_279 = arith.index_cast %scan3A_173 : i32 to index
        %swap3A_280 = arith.constant 112 : index
        %swap3A_281 = tpu.vector_load %arg16[%swap3A_279, %swap3A_280] {strides = array<i32>} : memref<80x128xf32, #tpu.memory_space<vmem>>, vector<1x16xf32>,
        %swap3A_282 = vector.shape_cast %swap3A_281 : vector<1x16xf32> to vector<16xf32>
        %swap3A_283 = vector.shape_cast %add3A_278 : vector<16xf32> to vector<1x16xf32>
        tpu.vector_store %arg16[%swap3A_279, %swap3A_280], %swap3A_283 {strides = array<i32>} : memref<80x128xf32, #tpu.memory_space<vmem>>, vector<1x16xf32>,
        %scan3A_284 = arith.constant 1 : i32
        %scan3A_285 = arith.addi %scan3A_173, %scan3A_284 : i32
        %get3A_286 = arith.index_cast %scan3A_285 : i32 to index
        %get3A_287 = arith.constant 0 : index
        %get3A_288 = tpu.vector_load %arg13[%get3A_286, %get3A_287] {strides = array<i32>} : memref<80x128xf32, #tpu.memory_space<vmem>>, vector<1x16xf32>,
        %get3A_289 = vector.shape_cast %get3A_288 : vector<1x16xf32> to vector<16xf32>
        %get3A_290 = arith.index_cast %scan3A_285 : i32 to index
        %get3A_291 = arith.constant 0 : index
        %get3A_292 = tpu.vector_load %arg14[%get3A_290, %get3A_291] {strides = array<i32>} : memref<80x128xf32, #tpu.memory_space<vmem>>, vector<1x16xf32>,
        %get3A_293 = vector.shape_cast %get3A_292 : vector<1x16xf32> to vector<16xf32>
        %add3A_294 = arith.addf %get3A_289, %get3A_293 : vector<16xf32>
        %swap3A_295 = arith.index_cast %scan3A_285 : i32 to index
        %swap3A_296 = arith.constant 0 : index
        %swap3A_297 = tpu.vector_load %arg16[%swap3A_295, %swap3A_296] {strides = array<i32>} : memref<80x128xf32, #tpu.memory_space<vmem>>, vector<1x16xf32>,
        %swap3A_298 = vector.shape_cast %swap3A_297 : vector<1x16xf32> to vector<16xf32>
        %swap3A_299 = vector.shape_cast %add3A_294 : vector<16xf32> to vector<1x16xf32>
        tpu.vector_store %arg16[%swap3A_295, %swap3A_296], %swap3A_299 {strides = array<i32>} : memref<80x128xf32, #tpu.memory_space<vmem>>, vector<1x16xf32>,
        %get3A_300 = arith.index_cast %scan3A_285 : i32 to index
        %get3A_301 = arith.constant 16 : index
        %get3A_302 = tpu.vector_load %arg13[%get3A_300, %get3A_301] {strides = array<i32>} : memref<80x128xf32, #tpu.memory_space<vmem>>, vector<1x16xf32>,
        %get3A_303 = vector.shape_cast %get3A_302 : vector<1x16xf32> to vector<16xf32>
        %get3A_304 = arith.index_cast %scan3A_285 : i32 to index
        %get3A_305 = arith.constant 16 : index
        %get3A_306 = tpu.vector_load %arg14[%get3A_304, %get3A_305] {strides = array<i32>} : memref<80x128xf32, #tpu.memory_space<vmem>>, vector<1x16xf32>,
        %get3A_307 = vector.shape_cast %get3A_306 : vector<1x16xf32> to vector<16xf32>
        %add3A_308 = arith.addf %get3A_303, %get3A_307 : vector<16xf32>
        %swap3A_309 = arith.index_cast %scan3A_285 : i32 to index
        %swap3A_310 = arith.constant 16 : index
        %swap3A_311 = tpu.vector_load %arg16[%swap3A_309, %swap3A_310] {strides = array<i32>} : memref<80x128xf32, #tpu.memory_space<vmem>>, vector<1x16xf32>,
        %swap3A_312 = vector.shape_cast %swap3A_311 : vector<1x16xf32> to vector<16xf32>
        %swap3A_313 = vector.shape_cast %add3A_308 : vector<16xf32> to vector<1x16xf32>
        tpu.vector_store %arg16[%swap3A_309, %swap3A_310], %swap3A_313 {strides = array<i32>} : memref<80x128xf32, #tpu.memory_space<vmem>>, vector<1x16xf32>,
        %get3A_314 = arith.index_cast %scan3A_285 : i32 to index
        %get3A_315 = arith.constant 32 : index
        %get3A_316 = tpu.vector_load %arg13[%get3A_314, %get3A_315] {strides = array<i32>} : memref<80x128xf32, #tpu.memory_space<vmem>>, vector<1x16xf32>,
        %get3A_317 = vector.shape_cast %get3A_316 : vector<1x16xf32> to vector<16xf32>
        %get3A_318 = arith.index_cast %scan3A_285 : i32 to index
        %get3A_319 = arith.constant 32 : index
        %get3A_320 = tpu.vector_load %arg14[%get3A_318, %get3A_319] {strides = array<i32>} : memref<80x128xf32, #tpu.memory_space<vmem>>, vector<1x16xf32>,
        %get3A_321 = vector.shape_cast %get3A_320 : vector<1x16xf32> to vector<16xf32>
        %add3A_322 = arith.addf %get3A_317, %get3A_321 : vector<16xf32>
        %swap3A_323 = arith.index_cast %scan3A_285 : i32 to index
        %swap3A_324 = arith.constant 32 : index
        %swap3A_325 = tpu.vector_load %arg16[%swap3A_323, %swap3A_324] {strides = array<i32>} : memref<80x128xf32, #tpu.memory_space<vmem>>, vector<1x16xf32>,
        %swap3A_326 = vector.shape_cast %swap3A_325 : vector<1x16xf32> to vector<16xf32>
        %swap3A_327 = vector.shape_cast %add3A_322 : vector<16xf32> to vector<1x16xf32>
        tpu.vector_store %arg16[%swap3A_323, %swap3A_324], %swap3A_327 {strides = array<i32>} : memref<80x128xf32, #tpu.memory_space<vmem>>, vector<1x16xf32>,
        %get3A_328 = arith.index_cast %scan3A_285 : i32 to index
        %get3A_329 = arith.constant 48 : index
        %get3A_330 = tpu.vector_load %arg13[%get3A_328, %get3A_329] {strides = array<i32>} : memref<80x128xf32, #tpu.memory_space<vmem>>, vector<1x16xf32>,
        %get3A_331 = vector.shape_cast %get3A_330 : vector<1x16xf32> to vector<16xf32>
        %get3A_332 = arith.index_cast %scan3A_285 : i32 to index
        %get3A_333 = arith.constant 48 : index
        %get3A_334 = tpu.vector_load %arg14[%get3A_332, %get3A_333] {strides = array<i32>} : memref<80x128xf32, #tpu.memory_space<vmem>>, vector<1x16xf32>,
        %get3A_335 = vector.shape_cast %get3A_334 : vector<1x16xf32> to vector<16xf32>
        %add3A_336 = arith.addf %get3A_331, %get3A_335 : vector<16xf32>
        %swap3A_337 = arith.index_cast %scan3A_285 : i32 to index
        %swap3A_338 = arith.constant 48 : index
        %swap3A_339 = tpu.vector_load %arg16[%swap3A_337, %swap3A_338] {strides = array<i32>} : memref<80x128xf32, #tpu.memory_space<vmem>>, vector<1x16xf32>,
        %swap3A_340 = vector.shape_cast %swap3A_339 : vector<1x16xf32> to vector<16xf32>
        %swap3A_341 = vector.shape_cast %add3A_336 : vector<16xf32> to vector<1x16xf32>
        tpu.vector_store %arg16[%swap3A_337, %swap3A_338], %swap3A_341 {strides = array<i32>} : memref<80x128xf32, #tpu.memory_space<vmem>>, vector<1x16xf32>,
        %get3A_342 = arith.index_cast %scan3A_285 : i32 to index
        %get3A_343 = arith.constant 64 : index
        %get3A_344 = tpu.vector_load %arg13[%get3A_342, %get3A_343] {strides = array<i32>} : memref<80x128xf32, #tpu.memory_space<vmem>>, vector<1x16xf32>,
        %get3A_345 = vector.shape_cast %get3A_344 : vector<1x16xf32> to vector<16xf32>
        %get3A_346 = arith.index_cast %scan3A_285 : i32 to index
        %get3A_347 = arith.constant 64 : index
        %get3A_348 = tpu.vector_load %arg14[%get3A_346, %get3A_347] {strides = array<i32>} : memref<80x128xf32, #tpu.memory_space<vmem>>, vector<1x16xf32>,
        %get3A_349 = vector.shape_cast %get3A_348 : vector<1x16xf32> to vector<16xf32>
        %add3A_350 = arith.addf %get3A_345, %get3A_349 : vector<16xf32>
        %swap3A_351 = arith.index_cast %scan3A_285 : i32 to index
        %swap3A_352 = arith.constant 64 : index
        %swap3A_353 = tpu.vector_load %arg16[%swap3A_351, %swap3A_352] {strides = array<i32>} : memref<80x128xf32, #tpu.memory_space<vmem>>, vector<1x16xf32>,
        %swap3A_354 = vector.shape_cast %swap3A_353 : vector<1x16xf32> to vector<16xf32>
        %swap3A_355 = vector.shape_cast %add3A_350 : vector<16xf32> to vector<1x16xf32>
        tpu.vector_store %arg16[%swap3A_351, %swap3A_352], %swap3A_355 {strides = array<i32>} : memref<80x128xf32, #tpu.memory_space<vmem>>, vector<1x16xf32>,
        %get3A_356 = arith.index_cast %scan3A_285 : i32 to index
        %get3A_357 = arith.constant 80 : index
        %get3A_358 = tpu.vector_load %arg13[%get3A_356, %get3A_357] {strides = array<i32>} : memref<80x128xf32, #tpu.memory_space<vmem>>, vector<1x16xf32>,
        %get3A_359 = vector.shape_cast %get3A_358 : vector<1x16xf32> to vector<16xf32>
        %get3A_360 = arith.index_cast %scan3A_285 : i32 to index
        %get3A_361 = arith.constant 80 : index
        %get3A_362 = tpu.vector_load %arg14[%get3A_360, %get3A_361] {strides = array<i32>} : memref<80x128xf32, #tpu.memory_space<vmem>>, vector<1x16xf32>,
        %get3A_363 = vector.shape_cast %get3A_362 : vector<1x16xf32> to vector<16xf32>
        %add3A_364 = arith.addf %get3A_359, %get3A_363 : vector<16xf32>
        %swap3A_365 = arith.index_cast %scan3A_285 : i32 to index
        %swap3A_366 = arith.constant 80 : index
        %swap3A_367 = tpu.vector_load %arg16[%swap3A_365, %swap3A_366] {strides = array<i32>} : memref<80x128xf32, #tpu.memory_space<vmem>>, vector<1x16xf32>,
        %swap3A_368 = vector.shape_cast %swap3A_367 : vector<1x16xf32> to vector<16xf32>
        %swap3A_369 = vector.shape_cast %add3A_364 : vector<16xf32> to vector<1x16xf32>
        tpu.vector_store %arg16[%swap3A_365, %swap3A_366], %swap3A_369 {strides = array<i32>} : memref<80x128xf32, #tpu.memory_space<vmem>>, vector<1x16xf32>,
        %get3A_370 = arith.index_cast %scan3A_285 : i32 to index
        %get3A_371 = arith.constant 96 : index
        %get3A_372 = tpu.vector_load %arg13[%get3A_370, %get3A_371] {strides = array<i32>} : memref<80x128xf32, #tpu.memory_space<vmem>>, vector<1x16xf32>,
        %get3A_373 = vector.shape_cast %get3A_372 : vector<1x16xf32> to vector<16xf32>
        %get3A_374 = arith.index_cast %scan3A_285 : i32 to index
        %get3A_375 = arith.constant 96 : index
        %get3A_376 = tpu.vector_load %arg14[%get3A_374, %get3A_375] {strides = array<i32>} : memref<80x128xf32, #tpu.memory_space<vmem>>, vector<1x16xf32>,
        %get3A_377 = vector.shape_cast %get3A_376 : vector<1x16xf32> to vector<16xf32>
        %add3A_378 = arith.addf %get3A_373, %get3A_377 : vector<16xf32>
        %swap3A_379 = arith.index_cast %scan3A_285 : i32 to index
        %swap3A_380 = arith.constant 96 : index
        %swap3A_381 = tpu.vector_load %arg16[%swap3A_379, %swap3A_380] {strides = array<i32>} : memref<80x128xf32, #tpu.memory_space<vmem>>, vector<1x16xf32>,
        %swap3A_382 = vector.shape_cast %swap3A_381 : vector<1x16xf32> to vector<16xf32>
        %swap3A_383 = vector.shape_cast %add3A_378 : vector<16xf32> to vector<1x16xf32>
        tpu.vector_store %arg16[%swap3A_379, %swap3A_380], %swap3A_383 {strides = array<i32>} : memref<80x128xf32, #tpu.memory_space<vmem>>, vector<1x16xf32>,
        %get3A_384 = arith.index_cast %scan3A_285 : i32 to index
        %get3A_385 = arith.constant 112 : index
        %get3A_386 = tpu.vector_load %arg13[%get3A_384, %get3A_385] {strides = array<i32>} : memref<80x128xf32, #tpu.memory_space<vmem>>, vector<1x16xf32>,
        %get3A_387 = vector.shape_cast %get3A_386 : vector<1x16xf32> to vector<16xf32>
        %get3A_388 = arith.index_cast %scan3A_285 : i32 to index
        %get3A_389 = arith.constant 112 : index
        %get3A_390 = tpu.vector_load %arg14[%get3A_388, %get3A_389] {strides = array<i32>} : memref<80x128xf32, #tpu.memory_space<vmem>>, vector<1x16xf32>,
        %get3A_391 = vector.shape_cast %get3A_390 : vector<1x16xf32> to vector<16xf32>
        %add3A_392 = arith.addf %get3A_387, %get3A_391 : vector<16xf32>
        %swap3A_393 = arith.index_cast %scan3A_285 : i32 to index
        %swap3A_394 = arith.constant 112 : index
        %swap3A_395 = tpu.vector_load %arg16[%swap3A_393, %swap3A_394] {strides = array<i32>} : memref<80x128xf32, #tpu.memory_space<vmem>>, vector<1x16xf32>,
        %swap3A_396 = vector.shape_cast %swap3A_395 : vector<1x16xf32> to vector<16xf32>
        %swap3A_397 = vector.shape_cast %add3A_392 : vector<16xf32> to vector<1x16xf32>
        tpu.vector_store %arg16[%swap3A_393, %swap3A_394], %swap3A_397 {strides = array<i32>} : memref<80x128xf32, #tpu.memory_space<vmem>>, vector<1x16xf32>,
        %scan3A_398 = arith.constant 2 : i32
        %scan3A_399 = arith.addi %scan3A_173, %scan3A_398 : i32
        %get3A_400 = arith.index_cast %scan3A_399 : i32 to index
        %get3A_401 = arith.constant 0 : index
        %get3A_402 = tpu.vector_load %arg13[%get3A_400, %get3A_401] {strides = array<i32>} : memref<80x128xf32, #tpu.memory_space<vmem>>, vector<1x16xf32>,
        %get3A_403 = vector.shape_cast %get3A_402 : vector<1x16xf32> to vector<16xf32>
        %get3A_404 = arith.index_cast %scan3A_399 : i32 to index
        %get3A_405 = arith.constant 0 : index
        %get3A_406 = tpu.vector_load %arg14[%get3A_404, %get3A_405] {strides = array<i32>} : memref<80x128xf32, #tpu.memory_space<vmem>>, vector<1x16xf32>,
        %get3A_407 = vector.shape_cast %get3A_406 : vector<1x16xf32> to vector<16xf32>
        %add3A_408 = arith.addf %get3A_403, %get3A_407 : vector<16xf32>
        %swap3A_409 = arith.index_cast %scan3A_399 : i32 to index
        %swap3A_410 = arith.constant 0 : index
        %swap3A_411 = tpu.vector_load %arg16[%swap3A_409, %swap3A_410] {strides = array<i32>} : memref<80x128xf32, #tpu.memory_space<vmem>>, vector<1x16xf32>,
        %swap3A_412 = vector.shape_cast %swap3A_411 : vector<1x16xf32> to vector<16xf32>
        %swap3A_413 = vector.shape_cast %add3A_408 : vector<16xf32> to vector<1x16xf32>
        tpu.vector_store %arg16[%swap3A_409, %swap3A_410], %swap3A_413 {strides = array<i32>} : memref<80x128xf32, #tpu.memory_space<vmem>>, vector<1x16xf32>,
        %get3A_414 = arith.index_cast %scan3A_399 : i32 to index
        %get3A_415 = arith.constant 16 : index
        %get3A_416 = tpu.vector_load %arg13[%get3A_414, %get3A_415] {strides = array<i32>} : memref<80x128xf32, #tpu.memory_space<vmem>>, vector<1x16xf32>,
        %get3A_417 = vector.shape_cast %get3A_416 : vector<1x16xf32> to vector<16xf32>
        %get3A_418 = arith.index_cast %scan3A_399 : i32 to index
        %get3A_419 = arith.constant 16 : index
        %get3A_420 = tpu.vector_load %arg14[%get3A_418, %get3A_419] {strides = array<i32>} : memref<80x128xf32, #tpu.memory_space<vmem>>, vector<1x16xf32>,
        %get3A_421 = vector.shape_cast %get3A_420 : vector<1x16xf32> to vector<16xf32>
        %add3A_422 = arith.addf %get3A_417, %get3A_421 : vector<16xf32>
        %swap3A_423 = arith.index_cast %scan3A_399 : i32 to index
        %swap3A_424 = arith.constant 16 : index
        %swap3A_425 = tpu.vector_load %arg16[%swap3A_423, %swap3A_424] {strides = array<i32>} : memref<80x128xf32, #tpu.memory_space<vmem>>, vector<1x16xf32>,
        %swap3A_426 = vector.shape_cast %swap3A_425 : vector<1x16xf32> to vector<16xf32>
        %swap3A_427 = vector.shape_cast %add3A_422 : vector<16xf32> to vector<1x16xf32>
        tpu.vector_store %arg16[%swap3A_423, %swap3A_424], %swap3A_427 {strides = array<i32>} : memref<80x128xf32, #tpu.memory_space<vmem>>, vector<1x16xf32>,
        %get3A_428 = arith.index_cast %scan3A_399 : i32 to index
        %get3A_429 = arith.constant 32 : index
        %get3A_430 = tpu.vector_load %arg13[%get3A_428, %get3A_429] {strides = array<i32>} : memref<80x128xf32, #tpu.memory_space<vmem>>, vector<1x16xf32>,
        %get3A_431 = vector.shape_cast %get3A_430 : vector<1x16xf32> to vector<16xf32>
        %get3A_432 = arith.index_cast %scan3A_399 : i32 to index
        %get3A_433 = arith.constant 32 : index
        %get3A_434 = tpu.vector_load %arg14[%get3A_432, %get3A_433] {strides = array<i32>} : memref<80x128xf32, #tpu.memory_space<vmem>>, vector<1x16xf32>,
        %get3A_435 = vector.shape_cast %get3A_434 : vector<1x16xf32> to vector<16xf32>
        %add3A_436 = arith.addf %get3A_431, %get3A_435 : vector<16xf32>
        %swap3A_437 = arith.index_cast %scan3A_399 : i32 to index
        %swap3A_438 = arith.constant 32 : index
        %swap3A_439 = tpu.vector_load %arg16[%swap3A_437, %swap3A_438] {strides = array<i32>} : memref<80x128xf32, #tpu.memory_space<vmem>>, vector<1x16xf32>,
        %swap3A_440 = vector.shape_cast %swap3A_439 : vector<1x16xf32> to vector<16xf32>
        %swap3A_441 = vector.shape_cast %add3A_436 : vector<16xf32> to vector<1x16xf32>
        tpu.vector_store %arg16[%swap3A_437, %swap3A_438], %swap3A_441 {strides = array<i32>} : memref<80x128xf32, #tpu.memory_space<vmem>>, vector<1x16xf32>,
        %get3A_442 = arith.index_cast %scan3A_399 : i32 to index
        %get3A_443 = arith.constant 48 : index
        %get3A_444 = tpu.vector_load %arg13[%get3A_442, %get3A_443] {strides = array<i32>} : memref<80x128xf32, #tpu.memory_space<vmem>>, vector<1x16xf32>,
        %get3A_445 = vector.shape_cast %get3A_444 : vector<1x16xf32> to vector<16xf32>
        %get3A_446 = arith.index_cast %scan3A_399 : i32 to index
        %get3A_447 = arith.constant 48 : index
        %get3A_448 = tpu.vector_load %arg14[%get3A_446, %get3A_447] {strides = array<i32>} : memref<80x128xf32, #tpu.memory_space<vmem>>, vector<1x16xf32>,
        %get3A_449 = vector.shape_cast %get3A_448 : vector<1x16xf32> to vector<16xf32>
        %add3A_450 = arith.addf %get3A_445, %get3A_449 : vector<16xf32>
        %swap3A_451 = arith.index_cast %scan3A_399 : i32 to index
        %swap3A_452 = arith.constant 48 : index
        %swap3A_453 = tpu.vector_load %arg16[%swap3A_451, %swap3A_452] {strides = array<i32>} : memref<80x128xf32, #tpu.memory_space<vmem>>, vector<1x16xf32>,
        %swap3A_454 = vector.shape_cast %swap3A_453 : vector<1x16xf32> to vector<16xf32>
        %swap3A_455 = vector.shape_cast %add3A_450 : vector<16xf32> to vector<1x16xf32>
        tpu.vector_store %arg16[%swap3A_451, %swap3A_452], %swap3A_455 {strides = array<i32>} : memref<80x128xf32, #tpu.memory_space<vmem>>, vector<1x16xf32>,
        %get3A_456 = arith.index_cast %scan3A_399 : i32 to index
        %get3A_457 = arith.constant 64 : index
        %get3A_458 = tpu.vector_load %arg13[%get3A_456, %get3A_457] {strides = array<i32>} : memref<80x128xf32, #tpu.memory_space<vmem>>, vector<1x16xf32>,
        %get3A_459 = vector.shape_cast %get3A_458 : vector<1x16xf32> to vector<16xf32>
        %get3A_460 = arith.index_cast %scan3A_399 : i32 to index
        %get3A_461 = arith.constant 64 : index
        %get3A_462 = tpu.vector_load %arg14[%get3A_460, %get3A_461] {strides = array<i32>} : memref<80x128xf32, #tpu.memory_space<vmem>>, vector<1x16xf32>,
        %get3A_463 = vector.shape_cast %get3A_462 : vector<1x16xf32> to vector<16xf32>
        %add3A_464 = arith.addf %get3A_459, %get3A_463 : vector<16xf32>
        %swap3A_465 = arith.index_cast %scan3A_399 : i32 to index
        %swap3A_466 = arith.constant 64 : index
        %swap3A_467 = tpu.vector_load %arg16[%swap3A_465, %swap3A_466] {strides = array<i32>} : memref<80x128xf32, #tpu.memory_space<vmem>>, vector<1x16xf32>,
        %swap3A_468 = vector.shape_cast %swap3A_467 : vector<1x16xf32> to vector<16xf32>
        %swap3A_469 = vector.shape_cast %add3A_464 : vector<16xf32> to vector<1x16xf32>
        tpu.vector_store %arg16[%swap3A_465, %swap3A_466], %swap3A_469 {strides = array<i32>} : memref<80x128xf32, #tpu.memory_space<vmem>>, vector<1x16xf32>,
        %get3A_470 = arith.index_cast %scan3A_399 : i32 to index
        %get3A_471 = arith.constant 80 : index
        %get3A_472 = tpu.vector_load %arg13[%get3A_470, %get3A_471] {strides = array<i32>} : memref<80x128xf32, #tpu.memory_space<vmem>>, vector<1x16xf32>,
        %get3A_473 = vector.shape_cast %get3A_472 : vector<1x16xf32> to vector<16xf32>
        %get3A_474 = arith.index_cast %scan3A_399 : i32 to index
        %get3A_475 = arith.constant 80 : index
        %get3A_476 = tpu.vector_load %arg14[%get3A_474, %get3A_475] {strides = array<i32>} : memref<80x128xf32, #tpu.memory_space<vmem>>, vector<1x16xf32>,
        %get3A_477 = vector.shape_cast %get3A_476 : vector<1x16xf32> to vector<16xf32>
        %add3A_478 = arith.addf %get3A_473, %get3A_477 : vector<16xf32>
        %swap3A_479 = arith.index_cast %scan3A_399 : i32 to index
        %swap3A_480 = arith.constant 80 : index
        %swap3A_481 = tpu.vector_load %arg16[%swap3A_479, %swap3A_480] {strides = array<i32>} : memref<80x128xf32, #tpu.memory_space<vmem>>, vector<1x16xf32>,
        %swap3A_482 = vector.shape_cast %swap3A_481 : vector<1x16xf32> to vector<16xf32>
        %swap3A_483 = vector.shape_cast %add3A_478 : vector<16xf32> to vector<1x16xf32>
        tpu.vector_store %arg16[%swap3A_479, %swap3A_480], %swap3A_483 {strides = array<i32>} : memref<80x128xf32, #tpu.memory_space<vmem>>, vector<1x16xf32>,
        %get3A_484 = arith.index_cast %scan3A_399 : i32 to index
        %get3A_485 = arith.constant 96 : index
        %get3A_486 = tpu.vector_load %arg13[%get3A_484, %get3A_485] {strides = array<i32>} : memref<80x128xf32, #tpu.memory_space<vmem>>, vector<1x16xf32>,
        %get3A_487 = vector.shape_cast %get3A_486 : vector<1x16xf32> to vector<16xf32>
        %get3A_488 = arith.index_cast %scan3A_399 : i32 to index
        %get3A_489 = arith.constant 96 : index
        %get3A_490 = tpu.vector_load %arg14[%get3A_488, %get3A_489] {strides = array<i32>} : memref<80x128xf32, #tpu.memory_space<vmem>>, vector<1x16xf32>,
        %get3A_491 = vector.shape_cast %get3A_490 : vector<1x16xf32> to vector<16xf32>
        %add3A_492 = arith.addf %get3A_487, %get3A_491 : vector<16xf32>
        %swap3A_493 = arith.index_cast %scan3A_399 : i32 to index
        %swap3A_494 = arith.constant 96 : index
        %swap3A_495 = tpu.vector_load %arg16[%swap3A_493, %swap3A_494] {strides = array<i32>} : memref<80x128xf32, #tpu.memory_space<vmem>>, vector<1x16xf32>,
        %swap3A_496 = vector.shape_cast %swap3A_495 : vector<1x16xf32> to vector<16xf32>
        %swap3A_497 = vector.shape_cast %add3A_492 : vector<16xf32> to vector<1x16xf32>
        tpu.vector_store %arg16[%swap3A_493, %swap3A_494], %swap3A_497 {strides = array<i32>} : memref<80x128xf32, #tpu.memory_space<vmem>>, vector<1x16xf32>,
        %get3A_498 = arith.index_cast %scan3A_399 : i32 to index
        %get3A_499 = arith.constant 112 : index
        %get3A_500 = tpu.vector_load %arg13[%get3A_498, %get3A_499] {strides = array<i32>} : memref<80x128xf32, #tpu.memory_space<vmem>>, vector<1x16xf32>,
        %get3A_501 = vector.shape_cast %get3A_500 : vector<1x16xf32> to vector<16xf32>
        %get3A_502 = arith.index_cast %scan3A_399 : i32 to index
        %get3A_503 = arith.constant 112 : index
        %get3A_504 = tpu.vector_load %arg14[%get3A_502, %get3A_503] {strides = array<i32>} : memref<80x128xf32, #tpu.memory_space<vmem>>, vector<1x16xf32>,
        %get3A_505 = vector.shape_cast %get3A_504 : vector<1x16xf32> to vector<16xf32>
        %add3A_506 = arith.addf %get3A_501, %get3A_505 : vector<16xf32>
        %swap3A_507 = arith.index_cast %scan3A_399 : i32 to index
        %swap3A_508 = arith.constant 112 : index
        %swap3A_509 = tpu.vector_load %arg16[%swap3A_507, %swap3A_508] {strides = array<i32>} : memref<80x128xf32, #tpu.memory_space<vmem>>, vector<1x16xf32>,
        %swap3A_510 = vector.shape_cast %swap3A_509 : vector<1x16xf32> to vector<16xf32>
        %swap3A_511 = vector.shape_cast %add3A_506 : vector<16xf32> to vector<1x16xf32>
        tpu.vector_store %arg16[%swap3A_507, %swap3A_508], %swap3A_511 {strides = array<i32>} : memref<80x128xf32, #tpu.memory_space<vmem>>, vector<1x16xf32>,
        %scan3A_512 = arith.constant 3 : i32
        %scan3A_513 = arith.addi %scan3A_173, %scan3A_512 : i32
        %get3A_514 = arith.index_cast %scan3A_513 : i32 to index
        %get3A_515 = arith.constant 0 : index
        %get3A_516 = tpu.vector_load %arg13[%get3A_514, %get3A_515] {strides = array<i32>} : memref<80x128xf32, #tpu.memory_space<vmem>>, vector<1x16xf32>,
        %get3A_517 = vector.shape_cast %get3A_516 : vector<1x16xf32> to vector<16xf32>
        %get3A_518 = arith.index_cast %scan3A_513 : i32 to index
        %get3A_519 = arith.constant 0 : index
        %get3A_520 = tpu.vector_load %arg14[%get3A_518, %get3A_519] {strides = array<i32>} : memref<80x128xf32, #tpu.memory_space<vmem>>, vector<1x16xf32>,
        %get3A_521 = vector.shape_cast %get3A_520 : vector<1x16xf32> to vector<16xf32>
        %add3A_522 = arith.addf %get3A_517, %get3A_521 : vector<16xf32>
        %swap3A_523 = arith.index_cast %scan3A_513 : i32 to index
        %swap3A_524 = arith.constant 0 : index
        %swap3A_525 = tpu.vector_load %arg16[%swap3A_523, %swap3A_524] {strides = array<i32>} : memref<80x128xf32, #tpu.memory_space<vmem>>, vector<1x16xf32>,
        %swap3A_526 = vector.shape_cast %swap3A_525 : vector<1x16xf32> to vector<16xf32>
        %swap3A_527 = vector.shape_cast %add3A_522 : vector<16xf32> to vector<1x16xf32>
        tpu.vector_store %arg16[%swap3A_523, %swap3A_524], %swap3A_527 {strides = array<i32>} : memref<80x128xf32, #tpu.memory_space<vmem>>, vector<1x16xf32>,
        %get3A_528 = arith.index_cast %scan3A_513 : i32 to index
        %get3A_529 = arith.constant 16 : index
        %get3A_530 = tpu.vector_load %arg13[%get3A_528, %get3A_529] {strides = array<i32>} : memref<80x128xf32, #tpu.memory_space<vmem>>, vector<1x16xf32>,
        %get3A_531 = vector.shape_cast %get3A_530 : vector<1x16xf32> to vector<16xf32>
        %get3A_532 = arith.index_cast %scan3A_513 : i32 to index
        %get3A_533 = arith.constant 16 : index
        %get3A_534 = tpu.vector_load %arg14[%get3A_532, %get3A_533] {strides = array<i32>} : memref<80x128xf32, #tpu.memory_space<vmem>>, vector<1x16xf32>,
        %get3A_535 = vector.shape_cast %get3A_534 : vector<1x16xf32> to vector<16xf32>
        %add3A_536 = arith.addf %get3A_531, %get3A_535 : vector<16xf32>
        %swap3A_537 = arith.index_cast %scan3A_513 : i32 to index
        %swap3A_538 = arith.constant 16 : index
        %swap3A_539 = tpu.vector_load %arg16[%swap3A_537, %swap3A_538] {strides = array<i32>} : memref<80x128xf32, #tpu.memory_space<vmem>>, vector<1x16xf32>,
        %swap3A_540 = vector.shape_cast %swap3A_539 : vector<1x16xf32> to vector<16xf32>
        %swap3A_541 = vector.shape_cast %add3A_536 : vector<16xf32> to vector<1x16xf32>
        tpu.vector_store %arg16[%swap3A_537, %swap3A_538], %swap3A_541 {strides = array<i32>} : memref<80x128xf32, #tpu.memory_space<vmem>>, vector<1x16xf32>,
        %get3A_542 = arith.index_cast %scan3A_513 : i32 to index
        %get3A_543 = arith.constant 32 : index
        %get3A_544 = tpu.vector_load %arg13[%get3A_542, %get3A_543] {strides = array<i32>} : memref<80x128xf32, #tpu.memory_space<vmem>>, vector<1x16xf32>,
        %get3A_545 = vector.shape_cast %get3A_544 : vector<1x16xf32> to vector<16xf32>
        %get3A_546 = arith.index_cast %scan3A_513 : i32 to index
        %get3A_547 = arith.constant 32 : index
        %get3A_548 = tpu.vector_load %arg14[%get3A_546, %get3A_547] {strides = array<i32>} : memref<80x128xf32, #tpu.memory_space<vmem>>, vector<1x16xf32>,
        %get3A_549 = vector.shape_cast %get3A_548 : vector<1x16xf32> to vector<16xf32>
        %add3A_550 = arith.addf %get3A_545, %get3A_549 : vector<16xf32>
        %swap3A_551 = arith.index_cast %scan3A_513 : i32 to index
        %swap3A_552 = arith.constant 32 : index
        %swap3A_553 = tpu.vector_load %arg16[%swap3A_551, %swap3A_552] {strides = array<i32>} : memref<80x128xf32, #tpu.memory_space<vmem>>, vector<1x16xf32>,
        %swap3A_554 = vector.shape_cast %swap3A_553 : vector<1x16xf32> to vector<16xf32>
        %swap3A_555 = vector.shape_cast %add3A_550 : vector<16xf32> to vector<1x16xf32>
        tpu.vector_store %arg16[%swap3A_551, %swap3A_552], %swap3A_555 {strides = array<i32>} : memref<80x128xf32, #tpu.memory_space<vmem>>, vector<1x16xf32>,
        %get3A_556 = arith.index_cast %scan3A_513 : i32 to index
        %get3A_557 = arith.constant 48 : index
        %get3A_558 = tpu.vector_load %arg13[%get3A_556, %get3A_557] {strides = array<i32>} : memref<80x128xf32, #tpu.memory_space<vmem>>, vector<1x16xf32>,
        %get3A_559 = vector.shape_cast %get3A_558 : vector<1x16xf32> to vector<16xf32>
        %get3A_560 = arith.index_cast %scan3A_513 : i32 to index
        %get3A_561 = arith.constant 48 : index
        %get3A_562 = tpu.vector_load %arg14[%get3A_560, %get3A_561] {strides = array<i32>} : memref<80x128xf32, #tpu.memory_space<vmem>>, vector<1x16xf32>,
        %get3A_563 = vector.shape_cast %get3A_562 : vector<1x16xf32> to vector<16xf32>
        %add3A_564 = arith.addf %get3A_559, %get3A_563 : vector<16xf32>
        %swap3A_565 = arith.index_cast %scan3A_513 : i32 to index
        %swap3A_566 = arith.constant 48 : index
        %swap3A_567 = tpu.vector_load %arg16[%swap3A_565, %swap3A_566] {strides = array<i32>} : memref<80x128xf32, #tpu.memory_space<vmem>>, vector<1x16xf32>,
        %swap3A_568 = vector.shape_cast %swap3A_567 : vector<1x16xf32> to vector<16xf32>
        %swap3A_569 = vector.shape_cast %add3A_564 : vector<16xf32> to vector<1x16xf32>
        tpu.vector_store %arg16[%swap3A_565, %swap3A_566], %swap3A_569 {strides = array<i32>} : memref<80x128xf32, #tpu.memory_space<vmem>>, vector<1x16xf32>,
        %get3A_570 = arith.index_cast %scan3A_513 : i32 to index
        %get3A_571 = arith.constant 64 : index
        %get3A_572 = tpu.vector_load %arg13[%get3A_570, %get3A_571] {strides = array<i32>} : memref<80x128xf32, #tpu.memory_space<vmem>>, vector<1x16xf32>,
        %get3A_573 = vector.shape_cast %get3A_572 : vector<1x16xf32> to vector<16xf32>
        %get3A_574 = arith.index_cast %scan3A_513 : i32 to index
        %get3A_575 = arith.constant 64 : index
        %get3A_576 = tpu.vector_load %arg14[%get3A_574, %get3A_575] {strides = array<i32>} : memref<80x128xf32, #tpu.memory_space<vmem>>, vector<1x16xf32>,
        %get3A_577 = vector.shape_cast %get3A_576 : vector<1x16xf32> to vector<16xf32>
        %add3A_578 = arith.addf %get3A_573, %get3A_577 : vector<16xf32>
        %swap3A_579 = arith.index_cast %scan3A_513 : i32 to index
        %swap3A_580 = arith.constant 64 : index
        %swap3A_581 = tpu.vector_load %arg16[%swap3A_579, %swap3A_580] {strides = array<i32>} : memref<80x128xf32, #tpu.memory_space<vmem>>, vector<1x16xf32>,
        %swap3A_582 = vector.shape_cast %swap3A_581 : vector<1x16xf32> to vector<16xf32>
        %swap3A_583 = vector.shape_cast %add3A_578 : vector<16xf32> to vector<1x16xf32>
        tpu.vector_store %arg16[%swap3A_579, %swap3A_580], %swap3A_583 {strides = array<i32>} : memref<80x128xf32, #tpu.memory_space<vmem>>, vector<1x16xf32>,
        %get3A_584 = arith.index_cast %scan3A_513 : i32 to index
        %get3A_585 = arith.constant 80 : index
        %get3A_586 = tpu.vector_load %arg13[%get3A_584, %get3A_585] {strides = array<i32>} : memref<80x128xf32, #tpu.memory_space<vmem>>, vector<1x16xf32>,
        %get3A_587 = vector.shape_cast %get3A_586 : vector<1x16xf32> to vector<16xf32>
        %get3A_588 = arith.index_cast %scan3A_513 : i32 to index
        %get3A_589 = arith.constant 80 : index
        %get3A_590 = tpu.vector_load %arg14[%get3A_588, %get3A_589] {strides = array<i32>} : memref<80x128xf32, #tpu.memory_space<vmem>>, vector<1x16xf32>,
        %get3A_591 = vector.shape_cast %get3A_590 : vector<1x16xf32> to vector<16xf32>
        %add3A_592 = arith.addf %get3A_587, %get3A_591 : vector<16xf32>
        %swap3A_593 = arith.index_cast %scan3A_513 : i32 to index
        %swap3A_594 = arith.constant 80 : index
        %swap3A_595 = tpu.vector_load %arg16[%swap3A_593, %swap3A_594] {strides = array<i32>} : memref<80x128xf32, #tpu.memory_space<vmem>>, vector<1x16xf32>,
        %swap3A_596 = vector.shape_cast %swap3A_595 : vector<1x16xf32> to vector<16xf32>
        %swap3A_597 = vector.shape_cast %add3A_592 : vector<16xf32> to vector<1x16xf32>
        tpu.vector_store %arg16[%swap3A_593, %swap3A_594], %swap3A_597 {strides = array<i32>} : memref<80x128xf32, #tpu.memory_space<vmem>>, vector<1x16xf32>,
        %get3A_598 = arith.index_cast %scan3A_513 : i32 to index
        %get3A_599 = arith.constant 96 : index
        %get3A_600 = tpu.vector_load %arg13[%get3A_598, %get3A_599] {strides = array<i32>} : memref<80x128xf32, #tpu.memory_space<vmem>>, vector<1x16xf32>,
        %get3A_601 = vector.shape_cast %get3A_600 : vector<1x16xf32> to vector<16xf32>
        %get3A_602 = arith.index_cast %scan3A_513 : i32 to index
        %get3A_603 = arith.constant 96 : index
        %get3A_604 = tpu.vector_load %arg14[%get3A_602, %get3A_603] {strides = array<i32>} : memref<80x128xf32, #tpu.memory_space<vmem>>, vector<1x16xf32>,
        %get3A_605 = vector.shape_cast %get3A_604 : vector<1x16xf32> to vector<16xf32>
        %add3A_606 = arith.addf %get3A_601, %get3A_605 : vector<16xf32>
        %swap3A_607 = arith.index_cast %scan3A_513 : i32 to index
        %swap3A_608 = arith.constant 96 : index
        %swap3A_609 = tpu.vector_load %arg16[%swap3A_607, %swap3A_608] {strides = array<i32>} : memref<80x128xf32, #tpu.memory_space<vmem>>, vector<1x16xf32>,
        %swap3A_610 = vector.shape_cast %swap3A_609 : vector<1x16xf32> to vector<16xf32>
        %swap3A_611 = vector.shape_cast %add3A_606 : vector<16xf32> to vector<1x16xf32>
        tpu.vector_store %arg16[%swap3A_607, %swap3A_608], %swap3A_611 {strides = array<i32>} : memref<80x128xf32, #tpu.memory_space<vmem>>, vector<1x16xf32>,
        %get3A_612 = arith.index_cast %scan3A_513 : i32 to index
        %get3A_613 = arith.constant 112 : index
        %get3A_614 = tpu.vector_load %arg13[%get3A_612, %get3A_613] {strides = array<i32>} : memref<80x128xf32, #tpu.memory_space<vmem>>, vector<1x16xf32>,
        %get3A_615 = vector.shape_cast %get3A_614 : vector<1x16xf32> to vector<16xf32>
        %get3A_616 = arith.index_cast %scan3A_513 : i32 to index
        %get3A_617 = arith.constant 112 : index
        %get3A_618 = tpu.vector_load %arg14[%get3A_616, %get3A_617] {strides = array<i32>} : memref<80x128xf32, #tpu.memory_space<vmem>>, vector<1x16xf32>,
        %get3A_619 = vector.shape_cast %get3A_618 : vector<1x16xf32> to vector<16xf32>
        %add3A_620 = arith.addf %get3A_615, %get3A_619 : vector<16xf32>
        %swap3A_621 = arith.index_cast %scan3A_513 : i32 to index
        %swap3A_622 = arith.constant 112 : index
        %swap3A_623 = tpu.vector_load %arg16[%swap3A_621, %swap3A_622] {strides = array<i32>} : memref<80x128xf32, #tpu.memory_space<vmem>>, vector<1x16xf32>,
        %swap3A_624 = vector.shape_cast %swap3A_623 : vector<1x16xf32> to vector<16xf32>
        %swap3A_625 = vector.shape_cast %add3A_620 : vector<16xf32> to vector<1x16xf32>
        tpu.vector_store %arg16[%swap3A_621, %swap3A_622], %swap3A_625 {strides = array<i32>} : memref<80x128xf32, #tpu.memory_space<vmem>>, vector<1x16xf32>,
      }
      %scan3A_163 = arith.constant 80 : i32
      %add3A_164 = arith.constant 1 : i32
      %add3A_165 = arith.addi %mul3A_78, %add3A_164 : i32
      %mul3A_166 = arith.constant 80 : i32
      %mul3A_167 = arith.muli %add3A_165, %mul3A_166 : i32
      %add3A_168 = arith.addi %mul3A_2, %mul3A_167 : i32
      %dma_start3A_169 = arith.constant 0 : i32
      %dma_start3A_170 = tpu.memref_slice %arg6[%add3A_168, %dma_start3A_169] : memref<320000x128xf32, #tpu.memory_space<hbm>> -> memref<80x128xf32, #tpu.memory_space<hbm>>
      %dma_start3A_171 = arith.constant 0 : i32
      %dma_start3A_172 = tpu.memref_slice %arg6[%add3A_168, %dma_start3A_171] : memref<320000x128xf32, #tpu.memory_space<hbm>> -> memref<80x128xf32, #tpu.memory_space<hbm>>
      tpu.enqueue_dma source(%arg16 : memref<80x128xf32, #tpu.memory_space<vmem>>) target(%dma_start3A_172 : memref<80x128xf32, #tpu.memory_space<hbm>>) target_semaphore(%arg24 : memref<!tpu.dma_semaphore, #tpu.memory_space<semaphore_mem>>)
    }
    %scan3A_31 = arith.constant 62 : i32
    %dma_wait3A_32 = arith.constant 0 : i32
    %dma_wait3A_33 = arith.constant 0 : i32
    %dma_wait3A_34 = tpu.memref_slice %arg2[%dma_wait3A_32, %dma_wait3A_33] : memref<10000x128xf32, #tpu.memory_space<hbm>> -> memref<10000x128xf32, #tpu.memory_space<hbm>>
    tpu.wait_indirect_dma semaphore(%arg19 : memref<!tpu.dma_semaphore, #tpu.memory_space<semaphore_mem>>) src(%dma_wait3A_34 : memref<10000x128xf32, #tpu.memory_space<hbm>>) dst(%arg11 : memref<80x128xf32, #tpu.memory_space<vmem>>)
    %dma_wait3A_35 = arith.constant 0 : i32
    %dma_wait3A_36 = arith.constant 0 : i32
    %dma_wait3A_37 = tpu.memref_slice %arg3[%dma_wait3A_35, %dma_wait3A_36] : memref<10000x128xf32, #tpu.memory_space<hbm>> -> memref<10000x128xf32, #tpu.memory_space<hbm>>
    tpu.wait_indirect_dma semaphore(%arg20 : memref<!tpu.dma_semaphore, #tpu.memory_space<semaphore_mem>>) src(%dma_wait3A_37 : memref<10000x128xf32, #tpu.memory_space<hbm>>) dst(%arg12 : memref<80x128xf32, #tpu.memory_space<vmem>>)
    %dma_wait3A_38 = arith.constant 0 : i32
    %dma_wait3A_39 = tpu.memref_slice %arg4[%dma_wait3A_38] : memref<320000xi32, #tpu.memory_space<hbm>> -> memref<80xi32, #tpu.memory_space<hbm>>
    %dma_wait3A_40 = arith.constant 0 : i32
    %dma_wait3A_41 = tpu.memref_slice %arg4[%dma_wait3A_40] : memref<320000xi32, #tpu.memory_space<hbm>> -> memref<80xi32, #tpu.memory_space<hbm>>
    tpu.wait_dma2 semaphore(%arg18 : memref<!tpu.dma_semaphore, #tpu.memory_space<semaphore_mem>>) src(%dma_wait3A_41 : memref<80xi32, #tpu.memory_space<hbm>>) dst(%arg9 : memref<80xi32, #tpu.memory_space<vmem>>)
    %dma_wait3A_42 = arith.constant 0 : i32
    %dma_wait3A_43 = tpu.memref_slice %arg5[%dma_wait3A_42] : memref<320000xi32, #tpu.memory_space<hbm>> -> memref<80xi32, #tpu.memory_space<hbm>>
    %dma_wait3A_44 = arith.constant 0 : i32
    %dma_wait3A_45 = tpu.memref_slice %arg5[%dma_wait3A_44] : memref<320000xi32, #tpu.memory_space<hbm>> -> memref<80xi32, #tpu.memory_space<hbm>>
    tpu.wait_dma2 semaphore(%arg18 : memref<!tpu.dma_semaphore, #tpu.memory_space<semaphore_mem>>) src(%dma_wait3A_45 : memref<80xi32, #tpu.memory_space<hbm>>) dst(%arg10 : memref<80xi32, #tpu.memory_space<vmem>>)
    %dma_wait3A_46 = arith.constant 0 : i32
    %dma_wait3A_47 = arith.constant 0 : i32
    %dma_wait3A_48 = tpu.memref_slice %arg6[%dma_wait3A_46, %dma_wait3A_47] : memref<320000x128xf32, #tpu.memory_space<hbm>> -> memref<80x128xf32, #tpu.memory_space<hbm>>
    %dma_wait3A_49 = arith.constant 0 : i32
    %dma_wait3A_50 = arith.constant 0 : i32
    %dma_wait3A_51 = tpu.memref_slice %arg6[%dma_wait3A_49, %dma_wait3A_50] : memref<320000x128xf32, #tpu.memory_space<hbm>> -> memref<80x128xf32, #tpu.memory_space<hbm>>
    tpu.wait_dma2 semaphore(%arg23 : memref<!tpu.dma_semaphore, #tpu.memory_space<semaphore_mem>>) src(%arg15 : memref<80x128xf32, #tpu.memory_space<vmem>>) dst(%dma_wait3A_51 : memref<80x128xf32, #tpu.memory_space<hbm>>)
    %scan3A_52 = arith.constant 0 : i32
    %scan3A_53 = arith.constant 0 : i32
    %scan3A_54 = arith.constant 80 : i32
    %scan3A_55 = arith.addi %scan3A_53, %scan3A_54 : i32
    %scan3A_56 = arith.constant 4 : i32
    scf.for %scan3A_76 = %scan3A_53 to %scan3A_55 step %scan3A_56  : i32 {
      %get3A = arith.index_cast %scan3A_76 : i32 to index
      %get3A_77 = arith.constant 0 : index
      %get3A_78 = tpu.vector_load %arg11[%get3A, %get3A_77] {strides = array<i32>} : memref<80x128xf32, #tpu.memory_space<vmem>>, vector<1x16xf32>,
      %get3A_79 = vector.shape_cast %get3A_78 : vector<1x16xf32> to vector<16xf32>
      %get3A_80 = arith.index_cast %scan3A_76 : i32 to index
      %get3A_81 = arith.constant 0 : index
      %get3A_82 = tpu.vector_load %arg12[%get3A_80, %get3A_81] {strides = array<i32>} : memref<80x128xf32, #tpu.memory_space<vmem>>, vector<1x16xf32>,
      %get3A_83 = vector.shape_cast %get3A_82 : vector<1x16xf32> to vector<16xf32>
      %add3A_84 = arith.addf %get3A_79, %get3A_83 : vector<16xf32>
      %swap3A = arith.index_cast %scan3A_76 : i32 to index
      %swap3A_85 = arith.constant 0 : index
      %swap3A_86 = tpu.vector_load %arg15[%swap3A, %swap3A_85] {strides = array<i32>} : memref<80x128xf32, #tpu.memory_space<vmem>>, vector<1x16xf32>,
      %swap3A_87 = vector.shape_cast %swap3A_86 : vector<1x16xf32> to vector<16xf32>
      %swap3A_88 = vector.shape_cast %add3A_84 : vector<16xf32> to vector<1x16xf32>
      tpu.vector_store %arg15[%swap3A, %swap3A_85], %swap3A_88 {strides = array<i32>} : memref<80x128xf32, #tpu.memory_space<vmem>>, vector<1x16xf32>,
      %get3A_89 = arith.index_cast %scan3A_76 : i32 to index
      %get3A_90 = arith.constant 16 : index
      %get3A_91 = tpu.vector_load %arg11[%get3A_89, %get3A_90] {strides = array<i32>} : memref<80x128xf32, #tpu.memory_space<vmem>>, vector<1x16xf32>,
      %get3A_92 = vector.shape_cast %get3A_91 : vector<1x16xf32> to vector<16xf32>
      %get3A_93 = arith.index_cast %scan3A_76 : i32 to index
      %get3A_94 = arith.constant 16 : index
      %get3A_95 = tpu.vector_load %arg12[%get3A_93, %get3A_94] {strides = array<i32>} : memref<80x128xf32, #tpu.memory_space<vmem>>, vector<1x16xf32>,
      %get3A_96 = vector.shape_cast %get3A_95 : vector<1x16xf32> to vector<16xf32>
      %add3A_97 = arith.addf %get3A_92, %get3A_96 : vector<16xf32>
      %swap3A_98 = arith.index_cast %scan3A_76 : i32 to index
      %swap3A_99 = arith.constant 16 : index
      %swap3A_100 = tpu.vector_load %arg15[%swap3A_98, %swap3A_99] {strides = array<i32>} : memref<80x128xf32, #tpu.memory_space<vmem>>, vector<1x16xf32>,
      %swap3A_101 = vector.shape_cast %swap3A_100 : vector<1x16xf32> to vector<16xf32>
      %swap3A_102 = vector.shape_cast %add3A_97 : vector<16xf32> to vector<1x16xf32>
      tpu.vector_store %arg15[%swap3A_98, %swap3A_99], %swap3A_102 {strides = array<i32>} : memref<80x128xf32, #tpu.memory_space<vmem>>, vector<1x16xf32>,
      %get3A_103 = arith.index_cast %scan3A_76 : i32 to index
      %get3A_104 = arith.constant 32 : index
      %get3A_105 = tpu.vector_load %arg11[%get3A_103, %get3A_104] {strides = array<i32>} : memref<80x128xf32, #tpu.memory_space<vmem>>, vector<1x16xf32>,
      %get3A_106 = vector.shape_cast %get3A_105 : vector<1x16xf32> to vector<16xf32>
      %get3A_107 = arith.index_cast %scan3A_76 : i32 to index
      %get3A_108 = arith.constant 32 : index
      %get3A_109 = tpu.vector_load %arg12[%get3A_107, %get3A_108] {strides = array<i32>} : memref<80x128xf32, #tpu.memory_space<vmem>>, vector<1x16xf32>,
      %get3A_110 = vector.shape_cast %get3A_109 : vector<1x16xf32> to vector<16xf32>
      %add3A_111 = arith.addf %get3A_106, %get3A_110 : vector<16xf32>
      %swap3A_112 = arith.index_cast %scan3A_76 : i32 to index
      %swap3A_113 = arith.constant 32 : index
      %swap3A_114 = tpu.vector_load %arg15[%swap3A_112, %swap3A_113] {strides = array<i32>} : memref<80x128xf32, #tpu.memory_space<vmem>>, vector<1x16xf32>,
      %swap3A_115 = vector.shape_cast %swap3A_114 : vector<1x16xf32> to vector<16xf32>
      %swap3A_116 = vector.shape_cast %add3A_111 : vector<16xf32> to vector<1x16xf32>
      tpu.vector_store %arg15[%swap3A_112, %swap3A_113], %swap3A_116 {strides = array<i32>} : memref<80x128xf32, #tpu.memory_space<vmem>>, vector<1x16xf32>,
      %get3A_117 = arith.index_cast %scan3A_76 : i32 to index
      %get3A_118 = arith.constant 48 : index
      %get3A_119 = tpu.vector_load %arg11[%get3A_117, %get3A_118] {strides = array<i32>} : memref<80x128xf32, #tpu.memory_space<vmem>>, vector<1x16xf32>,
      %get3A_120 = vector.shape_cast %get3A_119 : vector<1x16xf32> to vector<16xf32>
      %get3A_121 = arith.index_cast %scan3A_76 : i32 to index
      %get3A_122 = arith.constant 48 : index
      %get3A_123 = tpu.vector_load %arg12[%get3A_121, %get3A_122] {strides = array<i32>} : memref<80x128xf32, #tpu.memory_space<vmem>>, vector<1x16xf32>,
      %get3A_124 = vector.shape_cast %get3A_123 : vector<1x16xf32> to vector<16xf32>
      %add3A_125 = arith.addf %get3A_120, %get3A_124 : vector<16xf32>
      %swap3A_126 = arith.index_cast %scan3A_76 : i32 to index
      %swap3A_127 = arith.constant 48 : index
      %swap3A_128 = tpu.vector_load %arg15[%swap3A_126, %swap3A_127] {strides = array<i32>} : memref<80x128xf32, #tpu.memory_space<vmem>>, vector<1x16xf32>,
      %swap3A_129 = vector.shape_cast %swap3A_128 : vector<1x16xf32> to vector<16xf32>
      %swap3A_130 = vector.shape_cast %add3A_125 : vector<16xf32> to vector<1x16xf32>
      tpu.vector_store %arg15[%swap3A_126, %swap3A_127], %swap3A_130 {strides = array<i32>} : memref<80x128xf32, #tpu.memory_space<vmem>>, vector<1x16xf32>,
      %get3A_131 = arith.index_cast %scan3A_76 : i32 to index
      %get3A_132 = arith.constant 64 : index
      %get3A_133 = tpu.vector_load %arg11[%get3A_131, %get3A_132] {strides = array<i32>} : memref<80x128xf32, #tpu.memory_space<vmem>>, vector<1x16xf32>,
      %get3A_134 = vector.shape_cast %get3A_133 : vector<1x16xf32> to vector<16xf32>
      %get3A_135 = arith.index_cast %scan3A_76 : i32 to index
      %get3A_136 = arith.constant 64 : index
      %get3A_137 = tpu.vector_load %arg12[%get3A_135, %get3A_136] {strides = array<i32>} : memref<80x128xf32, #tpu.memory_space<vmem>>, vector<1x16xf32>,
      %get3A_138 = vector.shape_cast %get3A_137 : vector<1x16xf32> to vector<16xf32>
      %add3A_139 = arith.addf %get3A_134, %get3A_138 : vector<16xf32>
      %swap3A_140 = arith.index_cast %scan3A_76 : i32 to index
      %swap3A_141 = arith.constant 64 : index
      %swap3A_142 = tpu.vector_load %arg15[%swap3A_140, %swap3A_141] {strides = array<i32>} : memref<80x128xf32, #tpu.memory_space<vmem>>, vector<1x16xf32>,
      %swap3A_143 = vector.shape_cast %swap3A_142 : vector<1x16xf32> to vector<16xf32>
      %swap3A_144 = vector.shape_cast %add3A_139 : vector<16xf32> to vector<1x16xf32>
      tpu.vector_store %arg15[%swap3A_140, %swap3A_141], %swap3A_144 {strides = array<i32>} : memref<80x128xf32, #tpu.memory_space<vmem>>, vector<1x16xf32>,
      %get3A_145 = arith.index_cast %scan3A_76 : i32 to index
      %get3A_146 = arith.constant 80 : index
      %get3A_147 = tpu.vector_load %arg11[%get3A_145, %get3A_146] {strides = array<i32>} : memref<80x128xf32, #tpu.memory_space<vmem>>, vector<1x16xf32>,
      %get3A_148 = vector.shape_cast %get3A_147 : vector<1x16xf32> to vector<16xf32>
      %get3A_149 = arith.index_cast %scan3A_76 : i32 to index
      %get3A_150 = arith.constant 80 : index
      %get3A_151 = tpu.vector_load %arg12[%get3A_149, %get3A_150] {strides = array<i32>} : memref<80x128xf32, #tpu.memory_space<vmem>>, vector<1x16xf32>,
      %get3A_152 = vector.shape_cast %get3A_151 : vector<1x16xf32> to vector<16xf32>
      %add3A_153 = arith.addf %get3A_148, %get3A_152 : vector<16xf32>
      %swap3A_154 = arith.index_cast %scan3A_76 : i32 to index
      %swap3A_155 = arith.constant 80 : index
      %swap3A_156 = tpu.vector_load %arg15[%swap3A_154, %swap3A_155] {strides = array<i32>} : memref<80x128xf32, #tpu.memory_space<vmem>>, vector<1x16xf32>,
      %swap3A_157 = vector.shape_cast %swap3A_156 : vector<1x16xf32> to vector<16xf32>
      %swap3A_158 = vector.shape_cast %add3A_153 : vector<16xf32> to vector<1x16xf32>
      tpu.vector_store %arg15[%swap3A_154, %swap3A_155], %swap3A_158 {strides = array<i32>} : memref<80x128xf32, #tpu.memory_space<vmem>>, vector<1x16xf32>,
      %get3A_159 = arith.index_cast %scan3A_76 : i32 to index
      %get3A_160 = arith.constant 96 : index
      %get3A_161 = tpu.vector_load %arg11[%get3A_159, %get3A_160] {strides = array<i32>} : memref<80x128xf32, #tpu.memory_space<vmem>>, vector<1x16xf32>,
      %get3A_162 = vector.shape_cast %get3A_161 : vector<1x16xf32> to vector<16xf32>
      %get3A_163 = arith.index_cast %scan3A_76 : i32 to index
      %get3A_164 = arith.constant 96 : index
      %get3A_165 = tpu.vector_load %arg12[%get3A_163, %get3A_164] {strides = array<i32>} : memref<80x128xf32, #tpu.memory_space<vmem>>, vector<1x16xf32>,
      %get3A_166 = vector.shape_cast %get3A_165 : vector<1x16xf32> to vector<16xf32>
      %add3A_167 = arith.addf %get3A_162, %get3A_166 : vector<16xf32>
      %swap3A_168 = arith.index_cast %scan3A_76 : i32 to index
      %swap3A_169 = arith.constant 96 : index
      %swap3A_170 = tpu.vector_load %arg15[%swap3A_168, %swap3A_169] {strides = array<i32>} : memref<80x128xf32, #tpu.memory_space<vmem>>, vector<1x16xf32>,
      %swap3A_171 = vector.shape_cast %swap3A_170 : vector<1x16xf32> to vector<16xf32>
      %swap3A_172 = vector.shape_cast %add3A_167 : vector<16xf32> to vector<1x16xf32>
      tpu.vector_store %arg15[%swap3A_168, %swap3A_169], %swap3A_172 {strides = array<i32>} : memref<80x128xf32, #tpu.memory_space<vmem>>, vector<1x16xf32>,
      %get3A_173 = arith.index_cast %scan3A_76 : i32 to index
      %get3A_174 = arith.constant 112 : index
      %get3A_175 = tpu.vector_load %arg11[%get3A_173, %get3A_174] {strides = array<i32>} : memref<80x128xf32, #tpu.memory_space<vmem>>, vector<1x16xf32>,
      %get3A_176 = vector.shape_cast %get3A_175 : vector<1x16xf32> to vector<16xf32>
      %get3A_177 = arith.index_cast %scan3A_76 : i32 to index
      %get3A_178 = arith.constant 112 : index
      %get3A_179 = tpu.vector_load %arg12[%get3A_177, %get3A_178] {strides = array<i32>} : memref<80x128xf32, #tpu.memory_space<vmem>>, vector<1x16xf32>,
      %get3A_180 = vector.shape_cast %get3A_179 : vector<1x16xf32> to vector<16xf32>
      %add3A_181 = arith.addf %get3A_176, %get3A_180 : vector<16xf32>
      %swap3A_182 = arith.index_cast %scan3A_76 : i32 to index
      %swap3A_183 = arith.constant 112 : index
      %swap3A_184 = tpu.vector_load %arg15[%swap3A_182, %swap3A_183] {strides = array<i32>} : memref<80x128xf32, #tpu.memory_space<vmem>>, vector<1x16xf32>,
      %swap3A_185 = vector.shape_cast %swap3A_184 : vector<1x16xf32> to vector<16xf32>
      %swap3A_186 = vector.shape_cast %add3A_181 : vector<16xf32> to vector<1x16xf32>
      tpu.vector_store %arg15[%swap3A_182, %swap3A_183], %swap3A_186 {strides = array<i32>} : memref<80x128xf32, #tpu.memory_space<vmem>>, vector<1x16xf32>,
      %scan3A_187 = arith.constant 1 : i32
      %scan3A_188 = arith.addi %scan3A_76, %scan3A_187 : i32
      %get3A_189 = arith.index_cast %scan3A_188 : i32 to index
      %get3A_190 = arith.constant 0 : index
      %get3A_191 = tpu.vector_load %arg11[%get3A_189, %get3A_190] {strides = array<i32>} : memref<80x128xf32, #tpu.memory_space<vmem>>, vector<1x16xf32>,
      %get3A_192 = vector.shape_cast %get3A_191 : vector<1x16xf32> to vector<16xf32>
      %get3A_193 = arith.index_cast %scan3A_188 : i32 to index
      %get3A_194 = arith.constant 0 : index
      %get3A_195 = tpu.vector_load %arg12[%get3A_193, %get3A_194] {strides = array<i32>} : memref<80x128xf32, #tpu.memory_space<vmem>>, vector<1x16xf32>,
      %get3A_196 = vector.shape_cast %get3A_195 : vector<1x16xf32> to vector<16xf32>
      %add3A_197 = arith.addf %get3A_192, %get3A_196 : vector<16xf32>
      %swap3A_198 = arith.index_cast %scan3A_188 : i32 to index
      %swap3A_199 = arith.constant 0 : index
      %swap3A_200 = tpu.vector_load %arg15[%swap3A_198, %swap3A_199] {strides = array<i32>} : memref<80x128xf32, #tpu.memory_space<vmem>>, vector<1x16xf32>,
      %swap3A_201 = vector.shape_cast %swap3A_200 : vector<1x16xf32> to vector<16xf32>
      %swap3A_202 = vector.shape_cast %add3A_197 : vector<16xf32> to vector<1x16xf32>
      tpu.vector_store %arg15[%swap3A_198, %swap3A_199], %swap3A_202 {strides = array<i32>} : memref<80x128xf32, #tpu.memory_space<vmem>>, vector<1x16xf32>,
      %get3A_203 = arith.index_cast %scan3A_188 : i32 to index
      %get3A_204 = arith.constant 16 : index
      %get3A_205 = tpu.vector_load %arg11[%get3A_203, %get3A_204] {strides = array<i32>} : memref<80x128xf32, #tpu.memory_space<vmem>>, vector<1x16xf32>,
      %get3A_206 = vector.shape_cast %get3A_205 : vector<1x16xf32> to vector<16xf32>
      %get3A_207 = arith.index_cast %scan3A_188 : i32 to index
      %get3A_208 = arith.constant 16 : index
      %get3A_209 = tpu.vector_load %arg12[%get3A_207, %get3A_208] {strides = array<i32>} : memref<80x128xf32, #tpu.memory_space<vmem>>, vector<1x16xf32>,
      %get3A_210 = vector.shape_cast %get3A_209 : vector<1x16xf32> to vector<16xf32>
      %add3A_211 = arith.addf %get3A_206, %get3A_210 : vector<16xf32>
      %swap3A_212 = arith.index_cast %scan3A_188 : i32 to index
      %swap3A_213 = arith.constant 16 : index
      %swap3A_214 = tpu.vector_load %arg15[%swap3A_212, %swap3A_213] {strides = array<i32>} : memref<80x128xf32, #tpu.memory_space<vmem>>, vector<1x16xf32>,
      %swap3A_215 = vector.shape_cast %swap3A_214 : vector<1x16xf32> to vector<16xf32>
      %swap3A_216 = vector.shape_cast %add3A_211 : vector<16xf32> to vector<1x16xf32>
      tpu.vector_store %arg15[%swap3A_212, %swap3A_213], %swap3A_216 {strides = array<i32>} : memref<80x128xf32, #tpu.memory_space<vmem>>, vector<1x16xf32>,
      %get3A_217 = arith.index_cast %scan3A_188 : i32 to index
      %get3A_218 = arith.constant 32 : index
      %get3A_219 = tpu.vector_load %arg11[%get3A_217, %get3A_218] {strides = array<i32>} : memref<80x128xf32, #tpu.memory_space<vmem>>, vector<1x16xf32>,
      %get3A_220 = vector.shape_cast %get3A_219 : vector<1x16xf32> to vector<16xf32>
      %get3A_221 = arith.index_cast %scan3A_188 : i32 to index
      %get3A_222 = arith.constant 32 : index
      %get3A_223 = tpu.vector_load %arg12[%get3A_221, %get3A_222] {strides = array<i32>} : memref<80x128xf32, #tpu.memory_space<vmem>>, vector<1x16xf32>,
      %get3A_224 = vector.shape_cast %get3A_223 : vector<1x16xf32> to vector<16xf32>
      %add3A_225 = arith.addf %get3A_220, %get3A_224 : vector<16xf32>
      %swap3A_226 = arith.index_cast %scan3A_188 : i32 to index
      %swap3A_227 = arith.constant 32 : index
      %swap3A_228 = tpu.vector_load %arg15[%swap3A_226, %swap3A_227] {strides = array<i32>} : memref<80x128xf32, #tpu.memory_space<vmem>>, vector<1x16xf32>,
      %swap3A_229 = vector.shape_cast %swap3A_228 : vector<1x16xf32> to vector<16xf32>
      %swap3A_230 = vector.shape_cast %add3A_225 : vector<16xf32> to vector<1x16xf32>
      tpu.vector_store %arg15[%swap3A_226, %swap3A_227], %swap3A_230 {strides = array<i32>} : memref<80x128xf32, #tpu.memory_space<vmem>>, vector<1x16xf32>,
      %get3A_231 = arith.index_cast %scan3A_188 : i32 to index
      %get3A_232 = arith.constant 48 : index
      %get3A_233 = tpu.vector_load %arg11[%get3A_231, %get3A_232] {strides = array<i32>} : memref<80x128xf32, #tpu.memory_space<vmem>>, vector<1x16xf32>,
      %get3A_234 = vector.shape_cast %get3A_233 : vector<1x16xf32> to vector<16xf32>
      %get3A_235 = arith.index_cast %scan3A_188 : i32 to index
      %get3A_236 = arith.constant 48 : index
      %get3A_237 = tpu.vector_load %arg12[%get3A_235, %get3A_236] {strides = array<i32>} : memref<80x128xf32, #tpu.memory_space<vmem>>, vector<1x16xf32>,
      %get3A_238 = vector.shape_cast %get3A_237 : vector<1x16xf32> to vector<16xf32>
      %add3A_239 = arith.addf %get3A_234, %get3A_238 : vector<16xf32>
      %swap3A_240 = arith.index_cast %scan3A_188 : i32 to index
      %swap3A_241 = arith.constant 48 : index
      %swap3A_242 = tpu.vector_load %arg15[%swap3A_240, %swap3A_241] {strides = array<i32>} : memref<80x128xf32, #tpu.memory_space<vmem>>, vector<1x16xf32>,
      %swap3A_243 = vector.shape_cast %swap3A_242 : vector<1x16xf32> to vector<16xf32>
      %swap3A_244 = vector.shape_cast %add3A_239 : vector<16xf32> to vector<1x16xf32>
      tpu.vector_store %arg15[%swap3A_240, %swap3A_241], %swap3A_244 {strides = array<i32>} : memref<80x128xf32, #tpu.memory_space<vmem>>, vector<1x16xf32>,
      %get3A_245 = arith.index_cast %scan3A_188 : i32 to index
      %get3A_246 = arith.constant 64 : index
      %get3A_247 = tpu.vector_load %arg11[%get3A_245, %get3A_246] {strides = array<i32>} : memref<80x128xf32, #tpu.memory_space<vmem>>, vector<1x16xf32>,
      %get3A_248 = vector.shape_cast %get3A_247 : vector<1x16xf32> to vector<16xf32>
      %get3A_249 = arith.index_cast %scan3A_188 : i32 to index
      %get3A_250 = arith.constant 64 : index
      %get3A_251 = tpu.vector_load %arg12[%get3A_249, %get3A_250] {strides = array<i32>} : memref<80x128xf32, #tpu.memory_space<vmem>>, vector<1x16xf32>,
      %get3A_252 = vector.shape_cast %get3A_251 : vector<1x16xf32> to vector<16xf32>
      %add3A_253 = arith.addf %get3A_248, %get3A_252 : vector<16xf32>
      %swap3A_254 = arith.index_cast %scan3A_188 : i32 to index
      %swap3A_255 = arith.constant 64 : index
      %swap3A_256 = tpu.vector_load %arg15[%swap3A_254, %swap3A_255] {strides = array<i32>} : memref<80x128xf32, #tpu.memory_space<vmem>>, vector<1x16xf32>,
      %swap3A_257 = vector.shape_cast %swap3A_256 : vector<1x16xf32> to vector<16xf32>
      %swap3A_258 = vector.shape_cast %add3A_253 : vector<16xf32> to vector<1x16xf32>
      tpu.vector_store %arg15[%swap3A_254, %swap3A_255], %swap3A_258 {strides = array<i32>} : memref<80x128xf32, #tpu.memory_space<vmem>>, vector<1x16xf32>,
      %get3A_259 = arith.index_cast %scan3A_188 : i32 to index
      %get3A_260 = arith.constant 80 : index
      %get3A_261 = tpu.vector_load %arg11[%get3A_259, %get3A_260] {strides = array<i32>} : memref<80x128xf32, #tpu.memory_space<vmem>>, vector<1x16xf32>,
      %get3A_262 = vector.shape_cast %get3A_261 : vector<1x16xf32> to vector<16xf32>
      %get3A_263 = arith.index_cast %scan3A_188 : i32 to index
      %get3A_264 = arith.constant 80 : index
      %get3A_265 = tpu.vector_load %arg12[%get3A_263, %get3A_264] {strides = array<i32>} : memref<80x128xf32, #tpu.memory_space<vmem>>, vector<1x16xf32>,
      %get3A_266 = vector.shape_cast %get3A_265 : vector<1x16xf32> to vector<16xf32>
      %add3A_267 = arith.addf %get3A_262, %get3A_266 : vector<16xf32>
      %swap3A_268 = arith.index_cast %scan3A_188 : i32 to index
      %swap3A_269 = arith.constant 80 : index
      %swap3A_270 = tpu.vector_load %arg15[%swap3A_268, %swap3A_269] {strides = array<i32>} : memref<80x128xf32, #tpu.memory_space<vmem>>, vector<1x16xf32>,
      %swap3A_271 = vector.shape_cast %swap3A_270 : vector<1x16xf32> to vector<16xf32>
      %swap3A_272 = vector.shape_cast %add3A_267 : vector<16xf32> to vector<1x16xf32>
      tpu.vector_store %arg15[%swap3A_268, %swap3A_269], %swap3A_272 {strides = array<i32>} : memref<80x128xf32, #tpu.memory_space<vmem>>, vector<1x16xf32>,
      %get3A_273 = arith.index_cast %scan3A_188 : i32 to index
      %get3A_274 = arith.constant 96 : index
      %get3A_275 = tpu.vector_load %arg11[%get3A_273, %get3A_274] {strides = array<i32>} : memref<80x128xf32, #tpu.memory_space<vmem>>, vector<1x16xf32>,
      %get3A_276 = vector.shape_cast %get3A_275 : vector<1x16xf32> to vector<16xf32>
      %get3A_277 = arith.index_cast %scan3A_188 : i32 to index
      %get3A_278 = arith.constant 96 : index
      %get3A_279 = tpu.vector_load %arg12[%get3A_277, %get3A_278] {strides = array<i32>} : memref<80x128xf32, #tpu.memory_space<vmem>>, vector<1x16xf32>,
      %get3A_280 = vector.shape_cast %get3A_279 : vector<1x16xf32> to vector<16xf32>
      %add3A_281 = arith.addf %get3A_276, %get3A_280 : vector<16xf32>
      %swap3A_282 = arith.index_cast %scan3A_188 : i32 to index
      %swap3A_283 = arith.constant 96 : index
      %swap3A_284 = tpu.vector_load %arg15[%swap3A_282, %swap3A_283] {strides = array<i32>} : memref<80x128xf32, #tpu.memory_space<vmem>>, vector<1x16xf32>,
      %swap3A_285 = vector.shape_cast %swap3A_284 : vector<1x16xf32> to vector<16xf32>
      %swap3A_286 = vector.shape_cast %add3A_281 : vector<16xf32> to vector<1x16xf32>
      tpu.vector_store %arg15[%swap3A_282, %swap3A_283], %swap3A_286 {strides = array<i32>} : memref<80x128xf32, #tpu.memory_space<vmem>>, vector<1x16xf32>,
      %get3A_287 = arith.index_cast %scan3A_188 : i32 to index
      %get3A_288 = arith.constant 112 : index
      %get3A_289 = tpu.vector_load %arg11[%get3A_287, %get3A_288] {strides = array<i32>} : memref<80x128xf32, #tpu.memory_space<vmem>>, vector<1x16xf32>,
      %get3A_290 = vector.shape_cast %get3A_289 : vector<1x16xf32> to vector<16xf32>
      %get3A_291 = arith.index_cast %scan3A_188 : i32 to index
      %get3A_292 = arith.constant 112 : index
      %get3A_293 = tpu.vector_load %arg12[%get3A_291, %get3A_292] {strides = array<i32>} : memref<80x128xf32, #tpu.memory_space<vmem>>, vector<1x16xf32>,
      %get3A_294 = vector.shape_cast %get3A_293 : vector<1x16xf32> to vector<16xf32>
      %add3A_295 = arith.addf %get3A_290, %get3A_294 : vector<16xf32>
      %swap3A_296 = arith.index_cast %scan3A_188 : i32 to index
      %swap3A_297 = arith.constant 112 : index
      %swap3A_298 = tpu.vector_load %arg15[%swap3A_296, %swap3A_297] {strides = array<i32>} : memref<80x128xf32, #tpu.memory_space<vmem>>, vector<1x16xf32>,
      %swap3A_299 = vector.shape_cast %swap3A_298 : vector<1x16xf32> to vector<16xf32>
      %swap3A_300 = vector.shape_cast %add3A_295 : vector<16xf32> to vector<1x16xf32>
      tpu.vector_store %arg15[%swap3A_296, %swap3A_297], %swap3A_300 {strides = array<i32>} : memref<80x128xf32, #tpu.memory_space<vmem>>, vector<1x16xf32>,
      %scan3A_301 = arith.constant 2 : i32
      %scan3A_302 = arith.addi %scan3A_76, %scan3A_301 : i32
      %get3A_303 = arith.index_cast %scan3A_302 : i32 to index
      %get3A_304 = arith.constant 0 : index
      %get3A_305 = tpu.vector_load %arg11[%get3A_303, %get3A_304] {strides = array<i32>} : memref<80x128xf32, #tpu.memory_space<vmem>>, vector<1x16xf32>,
      %get3A_306 = vector.shape_cast %get3A_305 : vector<1x16xf32> to vector<16xf32>
      %get3A_307 = arith.index_cast %scan3A_302 : i32 to index
      %get3A_308 = arith.constant 0 : index
      %get3A_309 = tpu.vector_load %arg12[%get3A_307, %get3A_308] {strides = array<i32>} : memref<80x128xf32, #tpu.memory_space<vmem>>, vector<1x16xf32>,
      %get3A_310 = vector.shape_cast %get3A_309 : vector<1x16xf32> to vector<16xf32>
      %add3A_311 = arith.addf %get3A_306, %get3A_310 : vector<16xf32>
      %swap3A_312 = arith.index_cast %scan3A_302 : i32 to index
      %swap3A_313 = arith.constant 0 : index
      %swap3A_314 = tpu.vector_load %arg15[%swap3A_312, %swap3A_313] {strides = array<i32>} : memref<80x128xf32, #tpu.memory_space<vmem>>, vector<1x16xf32>,
      %swap3A_315 = vector.shape_cast %swap3A_314 : vector<1x16xf32> to vector<16xf32>
      %swap3A_316 = vector.shape_cast %add3A_311 : vector<16xf32> to vector<1x16xf32>
      tpu.vector_store %arg15[%swap3A_312, %swap3A_313], %swap3A_316 {strides = array<i32>} : memref<80x128xf32, #tpu.memory_space<vmem>>, vector<1x16xf32>,
      %get3A_317 = arith.index_cast %scan3A_302 : i32 to index
      %get3A_318 = arith.constant 16 : index
      %get3A_319 = tpu.vector_load %arg11[%get3A_317, %get3A_318] {strides = array<i32>} : memref<80x128xf32, #tpu.memory_space<vmem>>, vector<1x16xf32>,
      %get3A_320 = vector.shape_cast %get3A_319 : vector<1x16xf32> to vector<16xf32>
      %get3A_321 = arith.index_cast %scan3A_302 : i32 to index
      %get3A_322 = arith.constant 16 : index
      %get3A_323 = tpu.vector_load %arg12[%get3A_321, %get3A_322] {strides = array<i32>} : memref<80x128xf32, #tpu.memory_space<vmem>>, vector<1x16xf32>,
      %get3A_324 = vector.shape_cast %get3A_323 : vector<1x16xf32> to vector<16xf32>
      %add3A_325 = arith.addf %get3A_320, %get3A_324 : vector<16xf32>
      %swap3A_326 = arith.index_cast %scan3A_302 : i32 to index
      %swap3A_327 = arith.constant 16 : index
      %swap3A_328 = tpu.vector_load %arg15[%swap3A_326, %swap3A_327] {strides = array<i32>} : memref<80x128xf32, #tpu.memory_space<vmem>>, vector<1x16xf32>,
      %swap3A_329 = vector.shape_cast %swap3A_328 : vector<1x16xf32> to vector<16xf32>
      %swap3A_330 = vector.shape_cast %add3A_325 : vector<16xf32> to vector<1x16xf32>
      tpu.vector_store %arg15[%swap3A_326, %swap3A_327], %swap3A_330 {strides = array<i32>} : memref<80x128xf32, #tpu.memory_space<vmem>>, vector<1x16xf32>,
      %get3A_331 = arith.index_cast %scan3A_302 : i32 to index
      %get3A_332 = arith.constant 32 : index
      %get3A_333 = tpu.vector_load %arg11[%get3A_331, %get3A_332] {strides = array<i32>} : memref<80x128xf32, #tpu.memory_space<vmem>>, vector<1x16xf32>,
      %get3A_334 = vector.shape_cast %get3A_333 : vector<1x16xf32> to vector<16xf32>
      %get3A_335 = arith.index_cast %scan3A_302 : i32 to index
      %get3A_336 = arith.constant 32 : index
      %get3A_337 = tpu.vector_load %arg12[%get3A_335, %get3A_336] {strides = array<i32>} : memref<80x128xf32, #tpu.memory_space<vmem>>, vector<1x16xf32>,
      %get3A_338 = vector.shape_cast %get3A_337 : vector<1x16xf32> to vector<16xf32>
      %add3A_339 = arith.addf %get3A_334, %get3A_338 : vector<16xf32>
      %swap3A_340 = arith.index_cast %scan3A_302 : i32 to index
      %swap3A_341 = arith.constant 32 : index
      %swap3A_342 = tpu.vector_load %arg15[%swap3A_340, %swap3A_341] {strides = array<i32>} : memref<80x128xf32, #tpu.memory_space<vmem>>, vector<1x16xf32>,
      %swap3A_343 = vector.shape_cast %swap3A_342 : vector<1x16xf32> to vector<16xf32>
      %swap3A_344 = vector.shape_cast %add3A_339 : vector<16xf32> to vector<1x16xf32>
      tpu.vector_store %arg15[%swap3A_340, %swap3A_341], %swap3A_344 {strides = array<i32>} : memref<80x128xf32, #tpu.memory_space<vmem>>, vector<1x16xf32>,
      %get3A_345 = arith.index_cast %scan3A_302 : i32 to index
      %get3A_346 = arith.constant 48 : index
      %get3A_347 = tpu.vector_load %arg11[%get3A_345, %get3A_346] {strides = array<i32>} : memref<80x128xf32, #tpu.memory_space<vmem>>, vector<1x16xf32>,
      %get3A_348 = vector.shape_cast %get3A_347 : vector<1x16xf32> to vector<16xf32>
      %get3A_349 = arith.index_cast %scan3A_302 : i32 to index
      %get3A_350 = arith.constant 48 : index
      %get3A_351 = tpu.vector_load %arg12[%get3A_349, %get3A_350] {strides = array<i32>} : memref<80x128xf32, #tpu.memory_space<vmem>>, vector<1x16xf32>,
      %get3A_352 = vector.shape_cast %get3A_351 : vector<1x16xf32> to vector<16xf32>
      %add3A_353 = arith.addf %get3A_348, %get3A_352 : vector<16xf32>
      %swap3A_354 = arith.index_cast %scan3A_302 : i32 to index
      %swap3A_355 = arith.constant 48 : index
      %swap3A_356 = tpu.vector_load %arg15[%swap3A_354, %swap3A_355] {strides = array<i32>} : memref<80x128xf32, #tpu.memory_space<vmem>>, vector<1x16xf32>,
      %swap3A_357 = vector.shape_cast %swap3A_356 : vector<1x16xf32> to vector<16xf32>
      %swap3A_358 = vector.shape_cast %add3A_353 : vector<16xf32> to vector<1x16xf32>
      tpu.vector_store %arg15[%swap3A_354, %swap3A_355], %swap3A_358 {strides = array<i32>} : memref<80x128xf32, #tpu.memory_space<vmem>>, vector<1x16xf32>,
      %get3A_359 = arith.index_cast %scan3A_302 : i32 to index
      %get3A_360 = arith.constant 64 : index
      %get3A_361 = tpu.vector_load %arg11[%get3A_359, %get3A_360] {strides = array<i32>} : memref<80x128xf32, #tpu.memory_space<vmem>>, vector<1x16xf32>,
      %get3A_362 = vector.shape_cast %get3A_361 : vector<1x16xf32> to vector<16xf32>
      %get3A_363 = arith.index_cast %scan3A_302 : i32 to index
      %get3A_364 = arith.constant 64 : index
      %get3A_365 = tpu.vector_load %arg12[%get3A_363, %get3A_364] {strides = array<i32>} : memref<80x128xf32, #tpu.memory_space<vmem>>, vector<1x16xf32>,
      %get3A_366 = vector.shape_cast %get3A_365 : vector<1x16xf32> to vector<16xf32>
      %add3A_367 = arith.addf %get3A_362, %get3A_366 : vector<16xf32>
      %swap3A_368 = arith.index_cast %scan3A_302 : i32 to index
      %swap3A_369 = arith.constant 64 : index
      %swap3A_370 = tpu.vector_load %arg15[%swap3A_368, %swap3A_369] {strides = array<i32>} : memref<80x128xf32, #tpu.memory_space<vmem>>, vector<1x16xf32>,
      %swap3A_371 = vector.shape_cast %swap3A_370 : vector<1x16xf32> to vector<16xf32>
      %swap3A_372 = vector.shape_cast %add3A_367 : vector<16xf32> to vector<1x16xf32>
      tpu.vector_store %arg15[%swap3A_368, %swap3A_369], %swap3A_372 {strides = array<i32>} : memref<80x128xf32, #tpu.memory_space<vmem>>, vector<1x16xf32>,
      %get3A_373 = arith.index_cast %scan3A_302 : i32 to index
      %get3A_374 = arith.constant 80 : index
      %get3A_375 = tpu.vector_load %arg11[%get3A_373, %get3A_374] {strides = array<i32>} : memref<80x128xf32, #tpu.memory_space<vmem>>, vector<1x16xf32>,
      %get3A_376 = vector.shape_cast %get3A_375 : vector<1x16xf32> to vector<16xf32>
      %get3A_377 = arith.index_cast %scan3A_302 : i32 to index
      %get3A_378 = arith.constant 80 : index
      %get3A_379 = tpu.vector_load %arg12[%get3A_377, %get3A_378] {strides = array<i32>} : memref<80x128xf32, #tpu.memory_space<vmem>>, vector<1x16xf32>,
      %get3A_380 = vector.shape_cast %get3A_379 : vector<1x16xf32> to vector<16xf32>
      %add3A_381 = arith.addf %get3A_376, %get3A_380 : vector<16xf32>
      %swap3A_382 = arith.index_cast %scan3A_302 : i32 to index
      %swap3A_383 = arith.constant 80 : index
      %swap3A_384 = tpu.vector_load %arg15[%swap3A_382, %swap3A_383] {strides = array<i32>} : memref<80x128xf32, #tpu.memory_space<vmem>>, vector<1x16xf32>,
      %swap3A_385 = vector.shape_cast %swap3A_384 : vector<1x16xf32> to vector<16xf32>
      %swap3A_386 = vector.shape_cast %add3A_381 : vector<16xf32> to vector<1x16xf32>
      tpu.vector_store %arg15[%swap3A_382, %swap3A_383], %swap3A_386 {strides = array<i32>} : memref<80x128xf32, #tpu.memory_space<vmem>>, vector<1x16xf32>,
      %get3A_387 = arith.index_cast %scan3A_302 : i32 to index
      %get3A_388 = arith.constant 96 : index
      %get3A_389 = tpu.vector_load %arg11[%get3A_387, %get3A_388] {strides = array<i32>} : memref<80x128xf32, #tpu.memory_space<vmem>>, vector<1x16xf32>,
      %get3A_390 = vector.shape_cast %get3A_389 : vector<1x16xf32> to vector<16xf32>
      %get3A_391 = arith.index_cast %scan3A_302 : i32 to index
      %get3A_392 = arith.constant 96 : index
      %get3A_393 = tpu.vector_load %arg12[%get3A_391, %get3A_392] {strides = array<i32>} : memref<80x128xf32, #tpu.memory_space<vmem>>, vector<1x16xf32>,
      %get3A_394 = vector.shape_cast %get3A_393 : vector<1x16xf32> to vector<16xf32>
      %add3A_395 = arith.addf %get3A_390, %get3A_394 : vector<16xf32>
      %swap3A_396 = arith.index_cast %scan3A_302 : i32 to index
      %swap3A_397 = arith.constant 96 : index
      %swap3A_398 = tpu.vector_load %arg15[%swap3A_396, %swap3A_397] {strides = array<i32>} : memref<80x128xf32, #tpu.memory_space<vmem>>, vector<1x16xf32>,
      %swap3A_399 = vector.shape_cast %swap3A_398 : vector<1x16xf32> to vector<16xf32>
      %swap3A_400 = vector.shape_cast %add3A_395 : vector<16xf32> to vector<1x16xf32>
      tpu.vector_store %arg15[%swap3A_396, %swap3A_397], %swap3A_400 {strides = array<i32>} : memref<80x128xf32, #tpu.memory_space<vmem>>, vector<1x16xf32>,
      %get3A_401 = arith.index_cast %scan3A_302 : i32 to index
      %get3A_402 = arith.constant 112 : index
      %get3A_403 = tpu.vector_load %arg11[%get3A_401, %get3A_402] {strides = array<i32>} : memref<80x128xf32, #tpu.memory_space<vmem>>, vector<1x16xf32>,
      %get3A_404 = vector.shape_cast %get3A_403 : vector<1x16xf32> to vector<16xf32>
      %get3A_405 = arith.index_cast %scan3A_302 : i32 to index
      %get3A_406 = arith.constant 112 : index
      %get3A_407 = tpu.vector_load %arg12[%get3A_405, %get3A_406] {strides = array<i32>} : memref<80x128xf32, #tpu.memory_space<vmem>>, vector<1x16xf32>,
      %get3A_408 = vector.shape_cast %get3A_407 : vector<1x16xf32> to vector<16xf32>
      %add3A_409 = arith.addf %get3A_404, %get3A_408 : vector<16xf32>
      %swap3A_410 = arith.index_cast %scan3A_302 : i32 to index
      %swap3A_411 = arith.constant 112 : index
      %swap3A_412 = tpu.vector_load %arg15[%swap3A_410, %swap3A_411] {strides = array<i32>} : memref<80x128xf32, #tpu.memory_space<vmem>>, vector<1x16xf32>,
      %swap3A_413 = vector.shape_cast %swap3A_412 : vector<1x16xf32> to vector<16xf32>
      %swap3A_414 = vector.shape_cast %add3A_409 : vector<16xf32> to vector<1x16xf32>
      tpu.vector_store %arg15[%swap3A_410, %swap3A_411], %swap3A_414 {strides = array<i32>} : memref<80x128xf32, #tpu.memory_space<vmem>>, vector<1x16xf32>,
      %scan3A_415 = arith.constant 3 : i32
      %scan3A_416 = arith.addi %scan3A_76, %scan3A_415 : i32
      %get3A_417 = arith.index_cast %scan3A_416 : i32 to index
      %get3A_418 = arith.constant 0 : index
      %get3A_419 = tpu.vector_load %arg11[%get3A_417, %get3A_418] {strides = array<i32>} : memref<80x128xf32, #tpu.memory_space<vmem>>, vector<1x16xf32>,
      %get3A_420 = vector.shape_cast %get3A_419 : vector<1x16xf32> to vector<16xf32>
      %get3A_421 = arith.index_cast %scan3A_416 : i32 to index
      %get3A_422 = arith.constant 0 : index
      %get3A_423 = tpu.vector_load %arg12[%get3A_421, %get3A_422] {strides = array<i32>} : memref<80x128xf32, #tpu.memory_space<vmem>>, vector<1x16xf32>,
      %get3A_424 = vector.shape_cast %get3A_423 : vector<1x16xf32> to vector<16xf32>
      %add3A_425 = arith.addf %get3A_420, %get3A_424 : vector<16xf32>
      %swap3A_426 = arith.index_cast %scan3A_416 : i32 to index
      %swap3A_427 = arith.constant 0 : index
      %swap3A_428 = tpu.vector_load %arg15[%swap3A_426, %swap3A_427] {strides = array<i32>} : memref<80x128xf32, #tpu.memory_space<vmem>>, vector<1x16xf32>,
      %swap3A_429 = vector.shape_cast %swap3A_428 : vector<1x16xf32> to vector<16xf32>
      %swap3A_430 = vector.shape_cast %add3A_425 : vector<16xf32> to vector<1x16xf32>
      tpu.vector_store %arg15[%swap3A_426, %swap3A_427], %swap3A_430 {strides = array<i32>} : memref<80x128xf32, #tpu.memory_space<vmem>>, vector<1x16xf32>,
      %get3A_431 = arith.index_cast %scan3A_416 : i32 to index
      %get3A_432 = arith.constant 16 : index
      %get3A_433 = tpu.vector_load %arg11[%get3A_431, %get3A_432] {strides = array<i32>} : memref<80x128xf32, #tpu.memory_space<vmem>>, vector<1x16xf32>,
      %get3A_434 = vector.shape_cast %get3A_433 : vector<1x16xf32> to vector<16xf32>
      %get3A_435 = arith.index_cast %scan3A_416 : i32 to index
      %get3A_436 = arith.constant 16 : index
      %get3A_437 = tpu.vector_load %arg12[%get3A_435, %get3A_436] {strides = array<i32>} : memref<80x128xf32, #tpu.memory_space<vmem>>, vector<1x16xf32>,
      %get3A_438 = vector.shape_cast %get3A_437 : vector<1x16xf32> to vector<16xf32>
      %add3A_439 = arith.addf %get3A_434, %get3A_438 : vector<16xf32>
      %swap3A_440 = arith.index_cast %scan3A_416 : i32 to index
      %swap3A_441 = arith.constant 16 : index
      %swap3A_442 = tpu.vector_load %arg15[%swap3A_440, %swap3A_441] {strides = array<i32>} : memref<80x128xf32, #tpu.memory_space<vmem>>, vector<1x16xf32>,
      %swap3A_443 = vector.shape_cast %swap3A_442 : vector<1x16xf32> to vector<16xf32>
      %swap3A_444 = vector.shape_cast %add3A_439 : vector<16xf32> to vector<1x16xf32>
      tpu.vector_store %arg15[%swap3A_440, %swap3A_441], %swap3A_444 {strides = array<i32>} : memref<80x128xf32, #tpu.memory_space<vmem>>, vector<1x16xf32>,
      %get3A_445 = arith.index_cast %scan3A_416 : i32 to index
      %get3A_446 = arith.constant 32 : index
      %get3A_447 = tpu.vector_load %arg11[%get3A_445, %get3A_446] {strides = array<i32>} : memref<80x128xf32, #tpu.memory_space<vmem>>, vector<1x16xf32>,
      %get3A_448 = vector.shape_cast %get3A_447 : vector<1x16xf32> to vector<16xf32>
      %get3A_449 = arith.index_cast %scan3A_416 : i32 to index
      %get3A_450 = arith.constant 32 : index
      %get3A_451 = tpu.vector_load %arg12[%get3A_449, %get3A_450] {strides = array<i32>} : memref<80x128xf32, #tpu.memory_space<vmem>>, vector<1x16xf32>,
      %get3A_452 = vector.shape_cast %get3A_451 : vector<1x16xf32> to vector<16xf32>
      %add3A_453 = arith.addf %get3A_448, %get3A_452 : vector<16xf32>
      %swap3A_454 = arith.index_cast %scan3A_416 : i32 to index
      %swap3A_455 = arith.constant 32 : index
      %swap3A_456 = tpu.vector_load %arg15[%swap3A_454, %swap3A_455] {strides = array<i32>} : memref<80x128xf32, #tpu.memory_space<vmem>>, vector<1x16xf32>,
      %swap3A_457 = vector.shape_cast %swap3A_456 : vector<1x16xf32> to vector<16xf32>
      %swap3A_458 = vector.shape_cast %add3A_453 : vector<16xf32> to vector<1x16xf32>
      tpu.vector_store %arg15[%swap3A_454, %swap3A_455], %swap3A_458 {strides = array<i32>} : memref<80x128xf32, #tpu.memory_space<vmem>>, vector<1x16xf32>,
      %get3A_459 = arith.index_cast %scan3A_416 : i32 to index
      %get3A_460 = arith.constant 48 : index
      %get3A_461 = tpu.vector_load %arg11[%get3A_459, %get3A_460] {strides = array<i32>} : memref<80x128xf32, #tpu.memory_space<vmem>>, vector<1x16xf32>,
      %get3A_462 = vector.shape_cast %get3A_461 : vector<1x16xf32> to vector<16xf32>
      %get3A_463 = arith.index_cast %scan3A_416 : i32 to index
      %get3A_464 = arith.constant 48 : index
      %get3A_465 = tpu.vector_load %arg12[%get3A_463, %get3A_464] {strides = array<i32>} : memref<80x128xf32, #tpu.memory_space<vmem>>, vector<1x16xf32>,
      %get3A_466 = vector.shape_cast %get3A_465 : vector<1x16xf32> to vector<16xf32>
      %add3A_467 = arith.addf %get3A_462, %get3A_466 : vector<16xf32>
      %swap3A_468 = arith.index_cast %scan3A_416 : i32 to index
      %swap3A_469 = arith.constant 48 : index
      %swap3A_470 = tpu.vector_load %arg15[%swap3A_468, %swap3A_469] {strides = array<i32>} : memref<80x128xf32, #tpu.memory_space<vmem>>, vector<1x16xf32>,
      %swap3A_471 = vector.shape_cast %swap3A_470 : vector<1x16xf32> to vector<16xf32>
      %swap3A_472 = vector.shape_cast %add3A_467 : vector<16xf32> to vector<1x16xf32>
      tpu.vector_store %arg15[%swap3A_468, %swap3A_469], %swap3A_472 {strides = array<i32>} : memref<80x128xf32, #tpu.memory_space<vmem>>, vector<1x16xf32>,
      %get3A_473 = arith.index_cast %scan3A_416 : i32 to index
      %get3A_474 = arith.constant 64 : index
      %get3A_475 = tpu.vector_load %arg11[%get3A_473, %get3A_474] {strides = array<i32>} : memref<80x128xf32, #tpu.memory_space<vmem>>, vector<1x16xf32>,
      %get3A_476 = vector.shape_cast %get3A_475 : vector<1x16xf32> to vector<16xf32>
      %get3A_477 = arith.index_cast %scan3A_416 : i32 to index
      %get3A_478 = arith.constant 64 : index
      %get3A_479 = tpu.vector_load %arg12[%get3A_477, %get3A_478] {strides = array<i32>} : memref<80x128xf32, #tpu.memory_space<vmem>>, vector<1x16xf32>,
      %get3A_480 = vector.shape_cast %get3A_479 : vector<1x16xf32> to vector<16xf32>
      %add3A_481 = arith.addf %get3A_476, %get3A_480 : vector<16xf32>
      %swap3A_482 = arith.index_cast %scan3A_416 : i32 to index
      %swap3A_483 = arith.constant 64 : index
      %swap3A_484 = tpu.vector_load %arg15[%swap3A_482, %swap3A_483] {strides = array<i32>} : memref<80x128xf32, #tpu.memory_space<vmem>>, vector<1x16xf32>,
      %swap3A_485 = vector.shape_cast %swap3A_484 : vector<1x16xf32> to vector<16xf32>
      %swap3A_486 = vector.shape_cast %add3A_481 : vector<16xf32> to vector<1x16xf32>
      tpu.vector_store %arg15[%swap3A_482, %swap3A_483], %swap3A_486 {strides = array<i32>} : memref<80x128xf32, #tpu.memory_space<vmem>>, vector<1x16xf32>,
      %get3A_487 = arith.index_cast %scan3A_416 : i32 to index
      %get3A_488 = arith.constant 80 : index
      %get3A_489 = tpu.vector_load %arg11[%get3A_487, %get3A_488] {strides = array<i32>} : memref<80x128xf32, #tpu.memory_space<vmem>>, vector<1x16xf32>,
      %get3A_490 = vector.shape_cast %get3A_489 : vector<1x16xf32> to vector<16xf32>
      %get3A_491 = arith.index_cast %scan3A_416 : i32 to index
      %get3A_492 = arith.constant 80 : index
      %get3A_493 = tpu.vector_load %arg12[%get3A_491, %get3A_492] {strides = array<i32>} : memref<80x128xf32, #tpu.memory_space<vmem>>, vector<1x16xf32>,
      %get3A_494 = vector.shape_cast %get3A_493 : vector<1x16xf32> to vector<16xf32>
      %add3A_495 = arith.addf %get3A_490, %get3A_494 : vector<16xf32>
      %swap3A_496 = arith.index_cast %scan3A_416 : i32 to index
      %swap3A_497 = arith.constant 80 : index
      %swap3A_498 = tpu.vector_load %arg15[%swap3A_496, %swap3A_497] {strides = array<i32>} : memref<80x128xf32, #tpu.memory_space<vmem>>, vector<1x16xf32>,
      %swap3A_499 = vector.shape_cast %swap3A_498 : vector<1x16xf32> to vector<16xf32>
      %swap3A_500 = vector.shape_cast %add3A_495 : vector<16xf32> to vector<1x16xf32>
      tpu.vector_store %arg15[%swap3A_496, %swap3A_497], %swap3A_500 {strides = array<i32>} : memref<80x128xf32, #tpu.memory_space<vmem>>, vector<1x16xf32>,
      %get3A_501 = arith.index_cast %scan3A_416 : i32 to index
      %get3A_502 = arith.constant 96 : index
      %get3A_503 = tpu.vector_load %arg11[%get3A_501, %get3A_502] {strides = array<i32>} : memref<80x128xf32, #tpu.memory_space<vmem>>, vector<1x16xf32>,
      %get3A_504 = vector.shape_cast %get3A_503 : vector<1x16xf32> to vector<16xf32>
      %get3A_505 = arith.index_cast %scan3A_416 : i32 to index
      %get3A_506 = arith.constant 96 : index
      %get3A_507 = tpu.vector_load %arg12[%get3A_505, %get3A_506] {strides = array<i32>} : memref<80x128xf32, #tpu.memory_space<vmem>>, vector<1x16xf32>,
      %get3A_508 = vector.shape_cast %get3A_507 : vector<1x16xf32> to vector<16xf32>
      %add3A_509 = arith.addf %get3A_504, %get3A_508 : vector<16xf32>
      %swap3A_510 = arith.index_cast %scan3A_416 : i32 to index
      %swap3A_511 = arith.constant 96 : index
      %swap3A_512 = tpu.vector_load %arg15[%swap3A_510, %swap3A_511] {strides = array<i32>} : memref<80x128xf32, #tpu.memory_space<vmem>>, vector<1x16xf32>,
      %swap3A_513 = vector.shape_cast %swap3A_512 : vector<1x16xf32> to vector<16xf32>
      %swap3A_514 = vector.shape_cast %add3A_509 : vector<16xf32> to vector<1x16xf32>
      tpu.vector_store %arg15[%swap3A_510, %swap3A_511], %swap3A_514 {strides = array<i32>} : memref<80x128xf32, #tpu.memory_space<vmem>>, vector<1x16xf32>,
      %get3A_515 = arith.index_cast %scan3A_416 : i32 to index
      %get3A_516 = arith.constant 112 : index
      %get3A_517 = tpu.vector_load %arg11[%get3A_515, %get3A_516] {strides = array<i32>} : memref<80x128xf32, #tpu.memory_space<vmem>>, vector<1x16xf32>,
      %get3A_518 = vector.shape_cast %get3A_517 : vector<1x16xf32> to vector<16xf32>
      %get3A_519 = arith.index_cast %scan3A_416 : i32 to index
      %get3A_520 = arith.constant 112 : index
      %get3A_521 = tpu.vector_load %arg12[%get3A_519, %get3A_520] {strides = array<i32>} : memref<80x128xf32, #tpu.memory_space<vmem>>, vector<1x16xf32>,
      %get3A_522 = vector.shape_cast %get3A_521 : vector<1x16xf32> to vector<16xf32>
      %add3A_523 = arith.addf %get3A_518, %get3A_522 : vector<16xf32>
      %swap3A_524 = arith.index_cast %scan3A_416 : i32 to index
      %swap3A_525 = arith.constant 112 : index
      %swap3A_526 = tpu.vector_load %arg15[%swap3A_524, %swap3A_525] {strides = array<i32>} : memref<80x128xf32, #tpu.memory_space<vmem>>, vector<1x16xf32>,
      %swap3A_527 = vector.shape_cast %swap3A_526 : vector<1x16xf32> to vector<16xf32>
      %swap3A_528 = vector.shape_cast %add3A_523 : vector<16xf32> to vector<1x16xf32>
      tpu.vector_store %arg15[%swap3A_524, %swap3A_525], %swap3A_528 {strides = array<i32>} : memref<80x128xf32, #tpu.memory_space<vmem>>, vector<1x16xf32>,
    }
    %scan3A_57 = arith.constant 80 : i32
    %dma_wait3A_58 = arith.constant 0 : i32
    %dma_wait3A_59 = arith.constant 0 : i32
    %dma_wait3A_60 = tpu.memref_slice %arg6[%dma_wait3A_58, %dma_wait3A_59] : memref<320000x128xf32, #tpu.memory_space<hbm>> -> memref<80x128xf32, #tpu.memory_space<hbm>>
    %dma_wait3A_61 = arith.constant 0 : i32
    %dma_wait3A_62 = arith.constant 0 : i32
    %dma_wait3A_63 = tpu.memref_slice %arg6[%dma_wait3A_61, %dma_wait3A_62] : memref<320000x128xf32, #tpu.memory_space<hbm>> -> memref<80x128xf32, #tpu.memory_space<hbm>>
    tpu.wait_dma2 semaphore(%arg24 : memref<!tpu.dma_semaphore, #tpu.memory_space<semaphore_mem>>) src(%arg16 : memref<80x128xf32, #tpu.memory_space<vmem>>) dst(%dma_wait3A_63 : memref<80x128xf32, #tpu.memory_space<hbm>>)
    %add3A_64 = arith.constant 9920 : i32
    %add3A_65 = arith.addi %mul3A_2, %add3A_64 : i32
    %dma_start3A_66 = arith.constant 0 : i32
    %dma_start3A_67 = tpu.memref_slice %arg6[%add3A_65, %dma_start3A_66] : memref<320000x128xf32, #tpu.memory_space<hbm>> -> memref<80x128xf32, #tpu.memory_space<hbm>>
    %dma_start3A_68 = arith.constant 0 : i32
    %dma_start3A_69 = tpu.memref_slice %arg6[%add3A_65, %dma_start3A_68] : memref<320000x128xf32, #tpu.memory_space<hbm>> -> memref<80x128xf32, #tpu.memory_space<hbm>>
    tpu.enqueue_dma source(%arg15 : memref<80x128xf32, #tpu.memory_space<vmem>>) target(%dma_start3A_69 : memref<80x128xf32, #tpu.memory_space<hbm>>) target_semaphore(%arg23 : memref<!tpu.dma_semaphore, #tpu.memory_space<semaphore_mem>>)
    %dma_wait3A_70 = arith.constant 0 : i32
    %dma_wait3A_71 = arith.constant 0 : i32
    %dma_wait3A_72 = tpu.memref_slice %arg6[%dma_wait3A_70, %dma_wait3A_71] : memref<320000x128xf32, #tpu.memory_space<hbm>> -> memref<80x128xf32, #tpu.memory_space<hbm>>
    %dma_wait3A_73 = arith.constant 0 : i32
    %dma_wait3A_74 = arith.constant 0 : i32
    %dma_wait3A_75 = tpu.memref_slice %arg6[%dma_wait3A_73, %dma_wait3A_74] : memref<320000x128xf32, #tpu.memory_space<hbm>> -> memref<80x128xf32, #tpu.memory_space<hbm>>
    tpu.wait_dma2 semaphore(%arg23 : memref<!tpu.dma_semaphore, #tpu.memory_space<semaphore_mem>>) src(%arg15 : memref<80x128xf32, #tpu.memory_space<vmem>>) dst(%dma_wait3A_75 : memref<80x128xf32, #tpu.memory_space<hbm>>)
    return
  }
}

module attributes {stable_mosaic.version = 14 : i64} {
  func.func @_pre_body(%arg0: memref<10000x128xf32, #tpu.memory_space<vmem>>, %arg1: memref<128x256xf32, #tpu.memory_space<vmem>>, %arg2: memref<10000x128xf32, #tpu.memory_space<vmem>>, %arg3: memref<10000x128xf32, #tpu.memory_space<vmem>>) attributes {dimension_semantics = [], scalar_prefetch = 0 : i64, scratch_operands = 0 : i64, tpu.core_type = #tpu.core_type<tc>} {
    %get3A = arith.constant 0 : index
    %get3A_0 = arith.constant 0 : index
    %get3A_1 = vector.load %arg0[%get3A, %get3A_0] : memref<10000x128xf32, #tpu.memory_space<vmem>>, vector<10000x128xf32>
    %get3A_2 = arith.constant 0 : index
    %get3A_3 = arith.constant 0 : index
    %get3A_4 = vector.load %arg1[%get3A_2, %get3A_3] : memref<128x256xf32, #tpu.memory_space<vmem>>, vector<128x256xf32>
    %dot_general3A = arith.constant dense<0.000000e+00> : vector<10000x256xf32>
    %dot_general3A_5 = tpu.matmul %get3A_1, %get3A_4, %dot_general3A {dimension_numbers = #tpu.dot_dimension_numbers<[1], [0], [0], [1], [0, 0, 1, 1], [], []>, transpose_lhs_hint = false} : vector<10000x128xf32>, vector<128x256xf32>, vector<10000x256xf32> -> vector<10000x256xf32>
    %slice3A = vector.extract_strided_slice %dot_general3A_5 {offsets = [0, 0], sizes = [10000, 128], strides = [1, 1]} : vector<10000x256xf32> to vector<10000x128xf32>
    %swap3A = arith.constant 0 : index
    %swap3A_6 = arith.constant 0 : index
    %swap3A_7 = vector.load %arg2[%swap3A, %swap3A_6] : memref<10000x128xf32, #tpu.memory_space<vmem>>, vector<10000x128xf32>
    tpu.vector_store %arg2[%swap3A, %swap3A_6], %slice3A {strides = array<i32>} : memref<10000x128xf32, #tpu.memory_space<vmem>>, vector<10000x128xf32>,
    %slice3A_8 = vector.extract_strided_slice %dot_general3A_5 {offsets = [0, 128], sizes = [10000, 128], strides = [1, 1]} : vector<10000x256xf32> to vector<10000x128xf32>
    %swap3A_9 = arith.constant 0 : index
    %swap3A_10 = arith.constant 0 : index
    %swap3A_11 = vector.load %arg3[%swap3A_9, %swap3A_10] : memref<10000x128xf32, #tpu.memory_space<vmem>>, vector<10000x128xf32>
    tpu.vector_store %arg3[%swap3A_9, %swap3A_10], %slice3A_8 {strides = array<i32>} : memref<10000x128xf32, #tpu.memory_space<vmem>>, vector<10000x128xf32>,
    return
  }
}

module attributes {stable_mosaic.version = 14 : i64} {
  func.func @_edge_body(%arg0: i32, %arg1: memref<2560x128xf32, #tpu.memory_space<vmem>>, %arg2: memref<2560x128xf32, #tpu.memory_space<vmem>>, %arg3: memref<128x128xf32, #tpu.memory_space<vmem>>, %arg4: memref<1x128xf32, #tpu.memory_space<vmem>>, %arg5: memref<128x128xf32, #tpu.memory_space<vmem>>, %arg6: memref<1x128xf32, #tpu.memory_space<vmem>>, %arg7: memref<2560x128xf32, #tpu.memory_space<vmem>>, %arg8: memref<2560x128xf32, #tpu.memory_space<vmem>>, %arg9: memref<1x128xf32, #tpu.memory_space<vmem>>) attributes {dimension_semantics = [#tpu.dimension_semantics<arbitrary>], iteration_bounds = array<i64: 125>, scalar_prefetch = 0 : i64, scratch_operands = 0 : i64, tpu.core_type = #tpu.core_type<tc>, window_params = [{transform_indices = @transform_0, window_bounds = array<i64: 2560, 128>}, {transform_indices = @transform_1, window_bounds = array<i64: 2560, 128>}, {pipeline_mode = #tpu.pipeline_mode<synchronous>, transform_indices = @transform_2, window_bounds = array<i64: 128, 128>}, {pipeline_mode = #tpu.pipeline_mode<synchronous>, transform_indices = @transform_3, window_bounds = array<i64: 1, 128>}, {pipeline_mode = #tpu.pipeline_mode<synchronous>, transform_indices = @transform_4, window_bounds = array<i64: 128, 128>}, {pipeline_mode = #tpu.pipeline_mode<synchronous>, transform_indices = @transform_5, window_bounds = array<i64: 1, 128>}, {transform_indices = @transform_6, window_bounds = array<i64: 2560, 128>}, {transform_indices = @transform_7, window_bounds = array<i64: 2560, 128>}, {pipeline_mode = #tpu.pipeline_mode<synchronous>, transform_indices = @transform_8, window_bounds = array<i64: 1, 128>}]} {
    %get3A = arith.constant 0 : index
    %get3A_0 = arith.constant 0 : index
    %get3A_1 = vector.load %arg2[%get3A, %get3A_0] : memref<2560x128xf32, #tpu.memory_space<vmem>>, vector<2560x128xf32>
    %get3A_2 = arith.constant 0 : index
    %get3A_3 = arith.constant 0 : index
    %get3A_4 = vector.load %arg1[%get3A_2, %get3A_3] : memref<2560x128xf32, #tpu.memory_space<vmem>>, vector<2560x128xf32>
    %get3A_5 = arith.constant 0 : index
    %get3A_6 = arith.constant 0 : index
    %get3A_7 = vector.load %arg3[%get3A_5, %get3A_6] : memref<128x128xf32, #tpu.memory_space<vmem>>, vector<128x128xf32>
    %dot_general3A = arith.constant dense<0.000000e+00> : vector<2560x128xf32>
    %dot_general3A_8 = tpu.matmul %get3A_1, %get3A_7, %dot_general3A {dimension_numbers = #tpu.dot_dimension_numbers<[1], [0], [0], [1], [0, 0, 1, 1], [], []>, transpose_lhs_hint = false} : vector<2560x128xf32>, vector<128x128xf32>, vector<2560x128xf32> -> vector<2560x128xf32>
    %add3A = arith.addf %get3A_4, %dot_general3A_8 : vector<2560x128xf32>
    %get3A_9 = arith.constant 0 : index
    %get3A_10 = arith.constant 0 : index
    %get3A_11 = vector.load %arg4[%get3A_9, %get3A_10] : memref<1x128xf32, #tpu.memory_space<vmem>>, vector<1x128xf32>
    %add3A_12 = vector.broadcast %get3A_11 : vector<1x128xf32> to vector<2560x128xf32>
    %add3A_13 = arith.addf %add3A, %add3A_12 : vector<2560x128xf32>
    %max3A = arith.constant 0.000000e+00 : f32
    %max3A_14 = vector.broadcast %max3A : f32 to vector<2560x128xf32>
    %max3A_15 = arith.maximumf %add3A_13, %max3A_14 : vector<2560x128xf32>
    %get3A_16 = arith.constant 0 : index
    %get3A_17 = arith.constant 0 : index
    %get3A_18 = vector.load %arg5[%get3A_16, %get3A_17] : memref<128x128xf32, #tpu.memory_space<vmem>>, vector<128x128xf32>
    %dot_general3A_19 = arith.constant dense<0.000000e+00> : vector<2560x128xf32>
    %dot_general3A_20 = tpu.matmul %max3A_15, %get3A_18, %dot_general3A_19 {dimension_numbers = #tpu.dot_dimension_numbers<[1], [0], [0], [1], [0, 0, 1, 1], [], []>, transpose_lhs_hint = false} : vector<2560x128xf32>, vector<128x128xf32>, vector<2560x128xf32> -> vector<2560x128xf32>
    %get3A_21 = arith.constant 0 : index
    %get3A_22 = arith.constant 0 : index
    %get3A_23 = vector.load %arg6[%get3A_21, %get3A_22] : memref<1x128xf32, #tpu.memory_space<vmem>>, vector<1x128xf32>
    %add3A_24 = vector.broadcast %get3A_23 : vector<1x128xf32> to vector<2560x128xf32>
    %add3A_25 = arith.addf %dot_general3A_20, %add3A_24 : vector<2560x128xf32>
    %swap3A = arith.constant 0 : index
    %swap3A_26 = arith.constant 0 : index
    %swap3A_27 = vector.load %arg7[%swap3A, %swap3A_26] : memref<2560x128xf32, #tpu.memory_space<vmem>>, vector<2560x128xf32>
    tpu.vector_store %arg7[%swap3A, %swap3A_26], %add3A_25 {strides = array<i32>} : memref<2560x128xf32, #tpu.memory_space<vmem>>, vector<2560x128xf32>,
    %add3A_28 = arith.addf %add3A_25, %get3A_1 : vector<2560x128xf32>
    %swap3A_29 = arith.constant 0 : index
    %swap3A_30 = arith.constant 0 : index
    %swap3A_31 = vector.load %arg8[%swap3A_29, %swap3A_30] : memref<2560x128xf32, #tpu.memory_space<vmem>>, vector<2560x128xf32>
    tpu.vector_store %arg8[%swap3A_29, %swap3A_30], %add3A_28 {strides = array<i32>} : memref<2560x128xf32, #tpu.memory_space<vmem>>, vector<2560x128xf32>,
    %eq3A = arith.constant 0 : i32
    %eq3A_32 = arith.cmpi eq, %arg0, %eq3A : i32
    %convert_element_type3A = arith.extui %eq3A_32 : i1 to i32
    %cond3A = arith.constant 0 : i32
    %cond3A_33 = arith.cmpi ne, %convert_element_type3A, %cond3A : i32
    scf.if %cond3A_33 {
      %broadcast_in_dim3A_42 = arith.constant 0.000000e+00 : f32
      %broadcast_in_dim3A_43 = vector.broadcast %broadcast_in_dim3A_42 : f32 to vector<1x128xf32>
      %swap3A_44 = arith.constant 0 : index
      %swap3A_45 = arith.constant 0 : index
      %swap3A_46 = vector.load %arg9[%swap3A_44, %swap3A_45] : memref<1x128xf32, #tpu.memory_space<vmem>>, vector<1x128xf32>
      tpu.vector_store %arg9[%swap3A_44, %swap3A_45], %broadcast_in_dim3A_43 {strides = array<i32>} : memref<1x128xf32, #tpu.memory_space<vmem>>, vector<1x128xf32>,
    } else {
    }
    %get3A_34 = arith.constant 0 : index
    %get3A_35 = arith.constant 0 : index
    %get3A_36 = vector.load %arg9[%get3A_34, %get3A_35] : memref<1x128xf32, #tpu.memory_space<vmem>>, vector<1x128xf32>
    %reduce_sum3A = arith.constant dense<0.000000e+00> : vector<128xf32>
    %reduce_sum3A_37 = vector.multi_reduction <add>, %add3A_25, %reduce_sum3A [0] : vector<2560x128xf32> to vector<128xf32>
    %broadcast_in_dim3A = vector.shape_cast %reduce_sum3A_37 : vector<128xf32> to vector<1x128xf32>
    %add3A_38 = arith.addf %get3A_36, %broadcast_in_dim3A : vector<1x128xf32>
    %swap3A_39 = arith.constant 0 : index
    %swap3A_40 = arith.constant 0 : index
    %swap3A_41 = vector.load %arg9[%swap3A_39, %swap3A_40] : memref<1x128xf32, #tpu.memory_space<vmem>>, vector<1x128xf32>
    tpu.vector_store %arg9[%swap3A_39, %swap3A_40], %add3A_38 {strides = array<i32>} : memref<1x128xf32, #tpu.memory_space<vmem>>, vector<1x128xf32>,
    return
  }
  func.func @transform_0(%arg0: i32) -> (i32, i32) {
    %c0_i32 = arith.constant 0 : i32
    %c0_i32_0 = arith.constant 0 : i32
    return %arg0, %c0_i32 : i32, i32
  }
  func.func @transform_1(%arg0: i32) -> (i32, i32) {
    %c0_i32 = arith.constant 0 : i32
    %c0_i32_0 = arith.constant 0 : i32
    return %arg0, %c0_i32 : i32, i32
  }
  func.func @transform_2(%arg0: i32) -> (i32, i32) {
    %c0_i32 = arith.constant 0 : i32
    %c0_i32_0 = arith.constant 0 : i32
    %c0_i32_1 = arith.constant 0 : i32
    return %c0_i32, %c0_i32_0 : i32, i32
  }
  func.func @transform_3(%arg0: i32) -> (i32, i32) {
    %c0_i32 = arith.constant 0 : i32
    %c0_i32_0 = arith.constant 0 : i32
    %c0_i32_1 = arith.constant 0 : i32
    return %c0_i32, %c0_i32_0 : i32, i32
  }
  func.func @transform_4(%arg0: i32) -> (i32, i32) {
    %c0_i32 = arith.constant 0 : i32
    %c0_i32_0 = arith.constant 0 : i32
    %c0_i32_1 = arith.constant 0 : i32
    return %c0_i32, %c0_i32_0 : i32, i32
  }
  func.func @transform_5(%arg0: i32) -> (i32, i32) {
    %c0_i32 = arith.constant 0 : i32
    %c0_i32_0 = arith.constant 0 : i32
    %c0_i32_1 = arith.constant 0 : i32
    return %c0_i32, %c0_i32_0 : i32, i32
  }
  func.func @transform_6(%arg0: i32) -> (i32, i32) {
    %c0_i32 = arith.constant 0 : i32
    %c0_i32_0 = arith.constant 0 : i32
    return %arg0, %c0_i32 : i32, i32
  }
  func.func @transform_7(%arg0: i32) -> (i32, i32) {
    %c0_i32 = arith.constant 0 : i32
    %c0_i32_0 = arith.constant 0 : i32
    return %arg0, %c0_i32 : i32, i32
  }
  func.func @transform_8(%arg0: i32) -> (i32, i32) {
    %c0_i32 = arith.constant 0 : i32
    %c0_i32_0 = arith.constant 0 : i32
    %c0_i32_1 = arith.constant 0 : i32
    return %c0_i32, %c0_i32_0 : i32, i32
  }
}

module attributes {stable_mosaic.version = 14 : i64} {
  func.func @_node_body(%arg0: memref<10000x128xf32, #tpu.memory_space<vmem>>, %arg1: memref<10000x128xf32, #tpu.memory_space<vmem>>, %arg2: memref<1x128xf32, #tpu.memory_space<vmem>>, %arg3: memref<128x128xf32, #tpu.memory_space<vmem>>, %arg4: memref<128x128xf32, #tpu.memory_space<vmem>>, %arg5: memref<1x128xf32, #tpu.memory_space<vmem>>, %arg6: memref<128x128xf32, #tpu.memory_space<vmem>>, %arg7: memref<1x128xf32, #tpu.memory_space<vmem>>, %arg8: memref<10000x128xf32, #tpu.memory_space<vmem>>) attributes {dimension_semantics = [], scalar_prefetch = 0 : i64, scratch_operands = 0 : i64, tpu.core_type = #tpu.core_type<tc>} {
    %get3A = arith.constant 0 : index
    %get3A_0 = arith.constant 0 : index
    %get3A_1 = vector.load %arg0[%get3A, %get3A_0] : memref<10000x128xf32, #tpu.memory_space<vmem>>, vector<10000x128xf32>
    %get3A_2 = arith.constant 0 : index
    %get3A_3 = arith.constant 0 : index
    %get3A_4 = vector.load %arg1[%get3A_2, %get3A_3] : memref<10000x128xf32, #tpu.memory_space<vmem>>, vector<10000x128xf32>
    %get3A_5 = arith.constant 0 : index
    %get3A_6 = arith.constant 0 : index
    %get3A_7 = vector.load %arg2[%get3A_5, %get3A_6] : memref<1x128xf32, #tpu.memory_space<vmem>>, vector<1x128xf32>
    %mul3A = arith.constant 9.99999974E-5 : f32
    %mul3A_8 = vector.broadcast %mul3A : f32 to vector<1x128xf32>
    %mul3A_9 = arith.mulf %get3A_7, %mul3A_8 : vector<1x128xf32>
    %sub3A = vector.broadcast %mul3A_9 : vector<1x128xf32> to vector<10000x128xf32>
    %sub3A_10 = arith.subf %get3A_4, %sub3A : vector<10000x128xf32>
    %get3A_11 = arith.constant 0 : index
    %get3A_12 = arith.constant 0 : index
    %get3A_13 = vector.load %arg3[%get3A_11, %get3A_12] : memref<128x128xf32, #tpu.memory_space<vmem>>, vector<128x128xf32>
    %dot_general3A = arith.constant dense<0.000000e+00> : vector<10000x128xf32>
    %dot_general3A_14 = tpu.matmul %get3A_1, %get3A_13, %dot_general3A {dimension_numbers = #tpu.dot_dimension_numbers<[1], [0], [0], [1], [0, 0, 1, 1], [], []>, transpose_lhs_hint = false} : vector<10000x128xf32>, vector<128x128xf32>, vector<10000x128xf32> -> vector<10000x128xf32>
    %get3A_15 = arith.constant 0 : index
    %get3A_16 = arith.constant 0 : index
    %get3A_17 = vector.load %arg4[%get3A_15, %get3A_16] : memref<128x128xf32, #tpu.memory_space<vmem>>, vector<128x128xf32>
    %dot_general3A_18 = arith.constant dense<0.000000e+00> : vector<10000x128xf32>
    %dot_general3A_19 = tpu.matmul %sub3A_10, %get3A_17, %dot_general3A_18 {dimension_numbers = #tpu.dot_dimension_numbers<[1], [0], [0], [1], [0, 0, 1, 1], [], []>, transpose_lhs_hint = false} : vector<10000x128xf32>, vector<128x128xf32>, vector<10000x128xf32> -> vector<10000x128xf32>
    %add3A = arith.addf %dot_general3A_14, %dot_general3A_19 : vector<10000x128xf32>
    %get3A_20 = arith.constant 0 : index
    %get3A_21 = arith.constant 0 : index
    %get3A_22 = vector.load %arg5[%get3A_20, %get3A_21] : memref<1x128xf32, #tpu.memory_space<vmem>>, vector<1x128xf32>
    %add3A_23 = vector.broadcast %get3A_22 : vector<1x128xf32> to vector<10000x128xf32>
    %add3A_24 = arith.addf %add3A, %add3A_23 : vector<10000x128xf32>
    %max3A = arith.constant 0.000000e+00 : f32
    %max3A_25 = vector.broadcast %max3A : f32 to vector<10000x128xf32>
    %max3A_26 = arith.maximumf %add3A_24, %max3A_25 : vector<10000x128xf32>
    %get3A_27 = arith.constant 0 : index
    %get3A_28 = arith.constant 0 : index
    %get3A_29 = vector.load %arg6[%get3A_27, %get3A_28] : memref<128x128xf32, #tpu.memory_space<vmem>>, vector<128x128xf32>
    %dot_general3A_30 = arith.constant dense<0.000000e+00> : vector<10000x128xf32>
    %dot_general3A_31 = tpu.matmul %max3A_26, %get3A_29, %dot_general3A_30 {dimension_numbers = #tpu.dot_dimension_numbers<[1], [0], [0], [1], [0, 0, 1, 1], [], []>, transpose_lhs_hint = false} : vector<10000x128xf32>, vector<128x128xf32>, vector<10000x128xf32> -> vector<10000x128xf32>
    %get3A_32 = arith.constant 0 : index
    %get3A_33 = arith.constant 0 : index
    %get3A_34 = vector.load %arg7[%get3A_32, %get3A_33] : memref<1x128xf32, #tpu.memory_space<vmem>>, vector<1x128xf32>
    %add3A_35 = vector.broadcast %get3A_34 : vector<1x128xf32> to vector<10000x128xf32>
    %add3A_36 = arith.addf %dot_general3A_31, %add3A_35 : vector<10000x128xf32>
    %add3A_37 = arith.addf %add3A_36, %get3A_1 : vector<10000x128xf32>
    %reduce_sum3A = arith.constant dense<0.000000e+00> : vector<128xf32>
    %reduce_sum3A_38 = vector.multi_reduction <add>, %add3A_37, %reduce_sum3A [0] : vector<10000x128xf32> to vector<128xf32>
    %broadcast_in_dim3A = vector.shape_cast %reduce_sum3A_38 : vector<128xf32> to vector<1x128xf32>
    %div3A = arith.constant 1.000000e+04 : f32
    %div3A_39 = vector.broadcast %div3A : f32 to vector<1x128xf32>
    %div3A_40 = arith.divf %broadcast_in_dim3A, %div3A_39 : vector<1x128xf32>
    %sub3A_41 = vector.broadcast %div3A_40 : vector<1x128xf32> to vector<10000x128xf32>
    %sub3A_42 = arith.subf %add3A_37, %sub3A_41 : vector<10000x128xf32>
    %swap3A = arith.constant 0 : index
    %swap3A_43 = arith.constant 0 : index
    %swap3A_44 = vector.load %arg8[%swap3A, %swap3A_43] : memref<10000x128xf32, #tpu.memory_space<vmem>>, vector<10000x128xf32>
    tpu.vector_store %arg8[%swap3A, %swap3A_43], %sub3A_42 {strides = array<i32>} : memref<10000x128xf32, #tpu.memory_space<vmem>>, vector<10000x128xf32>,
    return
  }
}

</mosaic_0001>

<sc_bundles>
// kernel: kernel.10.cloned.1.call-start
scs
__scs_entry_jumppad:
0x0: {  	(pc) =	sbr.rel $0x88, $3  }
0x1: {  	(tag) =	ssettag $0x0;
	lr =	simm.s32 $0x1  }
0x2: {  	[smem:$0x3F96] =	sst lr;
	_ =	strace $0xD0000000  }
0x3: {  	_ = 	snop  }
0x4: {  	_ = 	snop  }
0x5: {  	_ = 	snop  }
0x6: {  	_ = 	snop  }
0x7: {  	_ = 	snop  }
__scs_overlays_trampoline_lowered:
0x8: {  	[smem:$0x3FA5] =	sst s0  }
0x9: {  	[smem:$0x3FA6] =	sst s1  }
0xa: {  	[smem:$0x3FA7] =	sst s2  }
0xb: {  	[smem:$0x3FA8] =	sst s3  }
0xc: {  	[smem:$0x3FA9] =	sst s4  }
0xd: {  	[smem:$0x3FAA] =	sst s5  }
0xe: {  	[smem:$0x3FAB] =	sst s6  }
0xf: {  	[smem:$0x3FAC] =	sst s7  }
0x10: {  	[smem:$0x3FAD] =	sst s8  }
0x11: {  	[smem:$0x3FAE] =	sst s9;
	s0 =	simm.s32 @!p0 $0x0  }
0x12: {  	s1 =	sld [smem:$0x3F94];
	s0 =	simm.s32 @p0 $0x1  }
0x13: {  	[smem:$0x3FAF] =	sst s0;
	s0 =	simm.s32 @!p1 $0x0  }
0x14: {  	s2 =	sld [smem:$0x3F93];
	s0 =	simm.s32 @p1 $0x1  }
0x15: {  	[smem:$0x3FB0] =	sst s0;
	s0 =	simm.s32 @!p2 $0x0  }
0x16: {  	s3 =	sld [smem:$0x3FDB];
	s0 =	simm.s32 @p2 $0x1  }
0x17: {  	s4 =	simm.s32 $0x1BF5;
	[smem:$0x3FB2] =	sst s0  }
0x18: {  	s0 =	sld [smem:$0x3F95];
	_ =	swait.ge [sflag:s4], $0x0  }
0x19: {  	s7 =	sld [smem:$0x3F96]  }
0x1a: {  	s8 =	sadd.s32 $0xFFFFE003, lr  }
0x1b: {  	s9 =	sadd.s32 $0xFFFFFEF7, lr;
	s5 =	simm.s32 $0xFFFFFFFF;
	p2 =	slt.u32 s8, $0xFFFFF086  }
0x1c: {  	p1 =	slt.u32 s9, $0xF7A;
	s5 =	simm.s32 @!p2 $0x0  }
0x1d: {  	s5 =	simm.s32 @p1 $0x1;
	p0 =	seq.s32 s7, s2  }
0x1e: {  	s7 =	smul.u32 @!p0 $0xF7A, s2;
	p2 =	seq.s32 @!p0 s5, $0x0  }
0x1f: {  	s9 =	smul.u32 $0xF7A, s1;
	s8 =	simm.s32 @!p0 $0x1BF5;
	p2 =	por !p2, p0  }
0x20: {  	[sflag:s8] =	ssyncset.s32 @!p0 $0xFFFFF086;
	s6 =	sadd.s32 @!p0 s3, s7;
	s7 =	simm.s32 @!p0 $0x108  }
0x21: {  	s3 =	sadd.s32 s3, s9;
	s6 =	sadd.s32 @!p0 $0x88, s6;
	s7 =	simm.s32 @p2 $0x1082  }
0x22: {  	[simem:s7], [sflag:s8] =	dma.local @!p0 [hbm:s6], $0xF7A  }
0x23: {  	s9 =	sor.u32 $0xD0000000, s2;
	s6 =	simm.s32 $0x108;
	_ =	swait.ge @!p0 [sflag:s8], $0x0  }
0x24: {  	s3 =	sadd.s32 $0x88, s3;
	s6 =	simm.s32 @!p1 $0x1082;
	[sflag:s4] =	ssyncset.s32 $0xFFFFF086  }
0x25: {  	[simem:s6], [sflag:s4] =	dma.local [hbm:s3], $0xF7A  }
0x26: {  	[smem:$0x3F96] =	sst s1;
	(tag) =	ssettag s2;
	_ =	strace s9  }
0x27: {  	s1 =	sld [smem:$0x3FA6]  }
0x28: {  	s2 =	sld [smem:$0x3FA7]  }
0x29: {  	s4 =	sld [smem:$0x3FA9]  }
0x2a: {  	p0 =	seq.s32 s5, $0x0;
	s5 =	sld [smem:$0x3FAA]  }
0x2b: {  	s6 =	sld [smem:$0x3FAB]  }
0x2c: {  	s7 =	sld [smem:$0x3FAC]  }
0x2d: {  	s3 =	simm.s32 $0x108;
	s8 =	sld [smem:$0x3FAD]  }
0x2e: {  	s3 =	simm.s32 @!p0 $0x1082;
	s9 =	sld [smem:$0x3FAE]  }
0x2f: {  	lr =	sadd.s32 s0, s3;
	s0 =	sld [smem:$0x3FA5]  }
0x30: {  	s3 =	sld [smem:$0x3FA8]  }
0x31: {  	[smem:$0x3FB1] =	sst s10  }
0x32: {  	s10 =	sld [smem:$0x3FAF];
	_ =	sdelay $0x3  }
0x33: {  	p0 =	seq.s32 s10, $0x1;
	s10 =	sld [smem:$0x3FB1];
	_ =	sdelay $0x3  }
0x34: {  	[smem:$0x3FB1] =	sst s10  }
0x35: {  	s10 =	sld [smem:$0x3FB0];
	_ =	sdelay $0x3  }
0x36: {  	p1 =	seq.s32 s10, $0x1;
	s10 =	sld [smem:$0x3FB1];
	_ =	sdelay $0x3  }
0x37: {  	[smem:$0x3FB1] =	sst s10  }
0x38: {  	s10 =	sld [smem:$0x3FB2]  }
0x39: {  	_ = 	snop;
	(pc) =	sbr.ind lr, $3  }
0x3a: {  	_ = 	snop  }
0x3b: {  	_ = 	snop  }
0x3c: {  	p2 =	seq.s32 s10, $0x1;
	s10 =	sld [smem:$0x3FB1]  }
0x3d: {  	_ =	shalt  }
0x3e: {  	_ =	shalt  }
0x3f: {  	_ =	shalt  }
0x40: {  	_ =	shalt  }
0x41: {  	_ =	shalt  }
0x42: {  	_ =	shalt  }
0x43: {  	_ =	shalt  }
0x44: {  	_ =	shalt  }
0x45: {  	_ =	shalt  }
0x46: {  	_ =	shalt  }
0x47: {  	_ =	shalt  }
0x48: {  	_ =	shalt  }
0x49: {  	_ =	shalt  }
0x4a: {  	_ =	shalt  }
0x4b: {  	_ =	shalt  }
0x4c: {  	_ =	shalt  }
0x4d: {  	_ =	shalt  }
0x4e: {  	_ =	shalt  }
0x4f: {  	_ =	shalt  }
0x50: {  	_ =	shalt  }
0x51: {  	_ =	shalt  }
0x52: {  	_ =	shalt  }
0x53: {  	_ =	shalt  }
0x54: {  	_ =	shalt  }
0x55: {  	_ =	shalt  }
0x56: {  	_ =	shalt  }
0x57: {  	_ =	shalt  }
0x58: {  	_ =	shalt  }
0x59: {  	_ =	shalt  }
0x5a: {  	_ =	shalt  }
0x5b: {  	_ =	shalt  }
0x5c: {  	_ =	shalt  }
0x5d: {  	_ =	shalt  }
0x5e: {  	_ =	shalt  }
0x5f: {  	_ =	shalt  }
0x60: {  	_ =	shalt  }
0x61: {  	_ =	shalt  }
0x62: {  	_ =	shalt  }
0x63: {  	_ =	shalt  }
0x64: {  	_ =	shalt  }
0x65: {  	_ =	shalt  }
0x66: {  	_ =	shalt  }
0x67: {  	_ =	shalt  }
0x68: {  	_ =	shalt  }
0x69: {  	_ =	shalt  }
0x6a: {  	_ =	shalt  }
0x6b: {  	_ =	shalt  }
0x6c: {  	_ =	shalt  }
0x6d: {  	_ =	shalt  }
0x6e: {  	_ =	shalt  }
0x6f: {  	_ =	shalt  }
0x70: {  	_ =	shalt  }
0x71: {  	_ =	shalt  }
0x72: {  	_ =	shalt  }
0x73: {  	_ =	shalt  }
0x74: {  	_ =	shalt  }
0x75: {  	_ =	shalt  }
0x76: {  	_ =	shalt  }
0x77: {  	_ =	shalt  }
0x78: {  	_ =	shalt  }
0x79: {  	_ =	shalt  }
0x7a: {  	_ =	shalt  }
0x7b: {  	_ =	shalt  }
0x7c: {  	_ =	shalt  }
0x7d: {  	_ =	shalt  }
0x7e: {  	_ =	shalt  }
0x7f: {  	_ =	shalt  }
0x80: {  	_ =	shalt  }
0x81: {  	_ =	shalt  }
0x82: {  	_ =	shalt  }
0x83: {  	_ =	shalt  }
0x84: {  	_ =	shalt  }
0x85: {  	_ =	shalt  }
0x86: {  	_ =	shalt  }
0x87: {  	_ =	shalt  }
.Lfunc_end0:
.L_simem_size_0:
called_computation.1_lowered:
.L_overlay_start_0:
0x88: {  	s2 =	sld [smem:$0x3FD9]  }
0x89: {  	s3 =	sld [smem:$0x3FFE];
	_ =	sdelay $0x1  }
0x8a: {  	s1 =	srdreg.scid  }
0x8b: {  	s0 =	sand.u32 $0x1, s1  }
0x8c: {  	s14 =	sshll.u32 s0, $0xA;
	s2 =	sadd.s32 s3, s2  }
0x8d: {  	s2 =	sadd.s32 s2, s14  }
0x8e: {  	[smem:$0x3FBD] =	sst s2  }
0x8f: {  	_ = 	snop  }
0x90: {  	s2 =	sld [smem:$0x3FD0];
	_ =	sdelay $0x2  }
0x91: {  	s15 =	simm.s32 $0xA;
	s4 =	simm.s32 $0x10  }
0x92: {  	[smem:s4], [sflag:s15] =	dma.local [hbm:s2], $0x1  }
0x93: {  	_ =	swait.eq [sflag:s15], $0x1  }
0x94: {  	[sflag:s15] =	ssyncset.done $0x0  }
0x95: {  	s16 =	sld [smem:$0x10];
	[sflag:s15] =	ssyncadd.s32 $0xFFFFFFFF  }
0x96: {  	s17 =	sld [smem:$0x11];
	(tm) =	ssettm $0x1  }
0x97: {  	s18 =	sld [smem:$0x3FFB];
	_ =	sdelay $0x3  }
0x98: {  	_ =	strace s18  }
0x99: {  	s4 =	sld [smem:$0x3FFC];
	_ =	sdelay $0x3  }
0x9a: {  	_ =	strace s4  }
0x9b: {  	s4 =	sld [smem:$0x3FFD];
	_ =	sdelay $0x3  }
0x9c: {  	_ =	strace s4  }
0x9d: {  	_ =	strace $0x8FFFFFFF  }
0x9e: {  	s19 =	sld [smem:$0x3FDB];
	_ =	sdelay $0x1  }
0x9f: {  	s5 =	simm.s32 $_scs_section_size  }
0xa0: {  	s6 =	simm.s32 $_size__tile_overlayer_lowered;
	s7 =	simm.s32 $_tile_overlayer_lowered  }
0xa1: {  	s22 =	simm.s32 $0x1BFF;
	s21 =	sshll.u32 s7, $0x1;
	s4 =	sadd.s32 s5, s19  }
0xa2: {  	s8 =	simm.s32 $0x0;
	s20 =	sshll.u32 s6, $0x1;
	s6 =	sadd.s32 s21, s4  }
0xa3: {  	[timem:s8], [sflag:s22] =	dma.local [hbm:s6], s20  }
0xa4: {  	_ =	swait.ge [sflag:s22], s20  }
0xa5: {  	s5 =	ssub.s32 $0x0, s20;
	[sflag:s22] =	ssyncset.done $0x0  }
0xa6: {  	[sflag:s22] =	ssyncadd.s32 s5;
	_ =	sdelay $0x1  }
0xa7: {  	s23 =	simm.s32 $0x1B8B  }
0xa8: {  	_ =	swait.ge [sflag:s23], $0x1  }
0xa9: {  	[sflag:s23] =	ssyncset.done $0x0  }
0xaa: {  	s25 =	simm.s32 $0x1B8E;
	s24 =	sld [smem:$0x3FFE];
	[sflag:s23] =	ssyncadd.s32 $0xFFFFFFFF  }
0xab: {  	s26 =	simm.s32 $execute0_lowered;
	[smem:$0x3FD2] =	sst s25  }
0xac: {  	s6 =	sshll.u32 s26, $0x1;
	_ =	strace $0x80000049;
	[dreg:$0x1] =	wrdreg $0xFFFFFFFF  }
0xad: {  	s28 =	simm.s32 $_size_execute0_lowered;
	s4 =	sadd.s32 s4, s6;
	[dreg:$0x0] =	wrdreg $0x0  }
0xae: {  	s6 =	sshll.u32 s28, $0x1;
	[dreg:$0x2] =	wrdreg s4  }
0xaf: {  	[dreg:$0x3] =	wrdreg s6  }
0xb0: {  	[dreg:$0x4] =	wrdreg $0xC0  }
0xb1: {  	_ =	task [dreg:s8], $0x5FFFF  }
0xb2: {  	[dreg:$0x1] =	wrdreg $0xFFFFFFFF  }
0xb3: {  	[dreg:$0x0] =	wrdreg $0x60  }
0xb4: {  	[dreg:$0x2] =	wrdreg s24  }
0xb5: {  	[dreg:$0x3] =	wrdreg s17  }
0xb6: {  	[dreg:$0x4] =	wrdreg s16  }
0xb7: {  	[dreg:$0x5] =	wrdreg $0x51000  }
0xb8: {  	[dreg:$0x6] =	wrdreg $0x9  }
0xb9: {  	_ =	task.clear_ibuf [dreg:s8], $0x7FFFF;
	_ =	strace $0x90000049  }
0xba: {  	s29 =	simm.s32 $0x9;
	_ =	strace $0x8000004B  }
0xbb: {  	_ =	swait.ge [sflag:s29], $0x1  }
0xbc: {  	[sflag:s29] =	ssyncadd.s32 $0xFFFFFFFF  }
0xbd: {  	_ =	strace $0x9000004B  }
0xbe: {  	_ =	sfence  }
0xbf: {  	s30 =	sld [smem:$0x0];
	_ =	sdelay $0x2  }
0xc0: {  	s31 =	sshll.u32 s1, $0xD;
	s1 =	sshrl.u32 s1, $0x2  }
0xc1: {  	s3 =	sand.u32 $0x4000, s31;
	s1 =	sadd.s32 s1, s30  }
0xc2: {  	s0 =	sor.u32 s3, s0;
	s1 =	sshll.u32 s1, $0x11  }
0xc3: {  	s0 =	sor.u32 s1, s0  }
0xc4: {  	s0 =	sadd.s32 $0x8F2B, s0  }
0xc5: {  	[sflag:s0] =	ssyncadd.remote.s32 $0x1  }
0xc6: {  	_ =	sfence.sel $0xFFFF  }
0xc7: {  	[dreg:$0x0] =	wrdreg $0xFFFFFFFF;
	(pc) =	sbr.abs _section_cstart, $3  }
0xc8: {  	[dreg:$0x1] =	wrdreg $0xFFFFFFFF  }
0xc9: {  	_ =	task.clear_ibuf [dreg:s8], $0x2FFFF;
	_ =	strace $0x9FFFFFFF  }
0xca: {  	(tm) =	ssettm $0x7FFFFFFF  }
0xcb: {  	_ =	shalt  }
tec
execute0_lowered:
.L_overlay_start_1:
0x0: {  	(tag) =	ssettag $0x1  }
0x1: {  	s0 =	rddreg [dreg:$0x0]  }
0x2: {  	s1 =	rddreg [dreg:$0x1]  }
0x3: {  	s4 =	rddreg [dreg:$0x2];
	s17 =	stileid.u32  }
0x4: {  	s2 =	rddreg [dreg:$0x3];
	s6 =	smul.u32 $0x1400, s17  }
0x5: {  	s5 =	srdreg.scid;
	s3 =	simm.s32 $0x0;
	s8 =	smul.u32 $0x28000, s17  }
0x6: {  	s18 =	simm.s32 $0x1;
	s19 =	simm.s32 $0x3;
	s21 =	smul.u32 $0x4E20, s17  }
0x7: {  	s29 =	simm.s32 $0x6;
	s30 =	simm.s32 $0x0;
	s24 =	smul.u32 $0x4E200, s17  }
0x8: {  	s5 =	sand.u32 $0x1, s5;
	[smem:$0x7FF] =	sst s3;
	s11 =	smul.u32 $0x27000, s17  }
0x9: {  	s9 =	sadd.s32 $0x4EF000, s0;
	s14 =	sadd.s32 $0x96000, s2;
	s26 =	smul.u32 $0x138, s17  }
0xa: {  	s22 =	sshll.u32 s17, $0x3;
	s31 =	smul.u32 $0x9C4, s17;
	p0 =	seq.s32 s17, $0xF  }
0xb: {  	s7 =	ssub.s32 $0x2, s5;
	_ =	strace $0x8000004A;
	s28 =	sadd.s32 $0x1388, s22  }
0xc: {  	s14 =	sshrl.u32 @p0 s14, $0x3;
	s10 =	sshrl.u32 s7, $0x1;
	s6 =	sadd.s32 s6, s0  }
0xd: {  	s20 =	sshrl.u32 s8, $0x2;
	s0 =	sadd.s32 $0x15600, s0;
	s23 =	sshrl.u32 s21, $0x3  }
0xe: {  	s8 =	sadd.s32 $0x4DD0, s21;
	s11 =	sshrl.u32 s11, $0x2;
	s21 =	simm.s32 $0x80  }
0xf: {  	v1 =	vmov s28;
	s28 =	simm.s32 $0x5;
	s12 =	ssub.s32 s7, s10;
	s13 =	sadd.s32 s20, s2  }
0x10: {  	s6 =	sadd.s32 $0x2A00, s6;
	[dreg:$0x6] =	wrdreg s0;
	s0 =	smul.u32 $0x1388, s5  }
0x11: {  	s25 =	sadd.s32 s1, s23;
	s7 =	sadd.s32 s9, s24;
	s15 =	sshrl.u32 s8, $0x3  }
0x12: {  	s16 =	sshll.u32 s8, $0x4;
	s5 =	smul.u32 $0x9C400, s5;
	s23 =	sadd.s32 s11, s2  }
0x13: {  	s20 =	simm.s32 $0x50;
	s24 =	simm.s32 $0x2900;
	[dreg:$0x5] =	wrdreg s6  }
0x14: {  	[dreg:$0x7] =	wrdreg s25;
	s8 =	sadd.s32 s1, s15;
	s9 =	sadd.s32 s9, s16  }
0x15: {  	s12 =	smax.u32 s12, $0x1;
	s1 =	sadd.s32 s31, s1;
	s16 =	sshrl.u32 @!p0 s13, $0x3  }
0x16: {  	s23 =	sshrl.u32 @!p0 s23, $0x3;
	s25 =	simm.s32 $0x2;
	s10 =	sadd.s32 s26, s0  }
0x17: {  	s5 =	sshrl.u32 s5, $0x3;
	s1 =	sadd.s32 $0x14, s1;
	s10 =	sshll.u32 s10, $0x4  }
0x18: {  	s26 =	simm.s32 $0x4;
	s5 =	sadd.s32 s4, s5;
	s10 =	sadd.s32 s4, s10  }
0x19: {  	s4 =	sadd.s32 $0x92400, s2;
	s11 =	sadd.s32 $0x12480, s5;
	s5 =	sshll.u32 @!p0 s17, $0x6  }
0x1a: {  	v0 =	vmov s0;
	s17 =	simm.s32 $0x100;
	s15 =	sor.u32 @!p0 $0x1C07, s5;
	s22 =	sshrl.u32 @p0 s4, $0x3  }
.LBB2_1:
0x1b: {  	s0 =	simm.s32 @p0 $0x1FC7;
	s4 =	rddreg [dreg:$0x6]  }
0x1c: {  	[spmem:s14], [sflag:s0] =	dma.local @p0 [hbm:s4], $0x1480  }
0x1d: {  	s0 =	simm.s32 @p0 $0x7  }
0x1e: {  	_ =	swait.ge @p0 [sflag:s0], $0x1480  }
0x1f: {  	[sflag:s0] =	ssyncset.done @p0 $0x0  }
0x20: {  	[sflag:s0] =	ssyncadd.s32 @p0 $0xFFFFEB80;
	s0 =	rddreg [dreg:$0x5]  }
0x21: {  	[spmem:s16], [sflag:s15] =	dma.local @!p0 [hbm:s0], $0x1400  }
0x22: {  	s0 =	simm.s32 @!p0 $0x7  }
0x23: {  	_ =	swait.ge @!p0 [sflag:s0], $0x1400  }
0x24: {  	[sflag:s0] =	ssyncset.done @!p0 $0x0  }
0x25: {  	[sflag:s0] =	ssyncadd.s32 @!p0 $0xFFFFEC00  }
0x26: {  	[bflag:$0x0] =	sbarrier.arrive $0xFFFF  }
0x27: {  	s5 =	rddreg [dreg:$0x7]  }
0x28: {  	[tilespmem:s3], [sflag:$0x1] =	stream.linear.gather [hbm4b:s5+s3], $0x50, $0x38;
	[tilespmem:$0xF140] =	vst v63  }
0x29: {  	_ = 	snop  }
0x2a: {  	[tilespmem:s17], [sflag:$0x3] =	stream.linear.gather [hbm4b:s7+s3], $0x2800, $0x38;
	[tilespmem:$0xF140] =	vst v63  }
0x2b: {  	_ =	swait.ge [sflag:s18], $0x50  }
0x2c: {  	[sflag:s18] =	ssyncset.done $0x0  }
0x2d: {  	[sflag:s18] =	ssyncadd.s32 $0xFFFFFFB0  }
0x2e: {  	v2 =	vld [tilespmem:$0x40]  }
0x2f: {  	v3 =	vld [tilespmem:$0x30]  }
0x30: {  	v4 =	vld [tilespmem:$0x0]  }
0x31: {  	v6 =	vld [tilespmem:$0x10]  }
0x32: {  	v5 =	vld [tilespmem:$0x20]  }
0x33: {  	v2 =	vsub.s32 v2, v0  }
0x34: {  	v3 =	vsub.s32 v3, v0;
	vm0 =	vlt.u32 v2, $0x1388  }
0x35: {  	v4 =	vsub.s32 v4, v0;
	vm1 =	vlt.u32 v3, $0x1388;
	v2 =	vsel vm0, v2, v1  }
0x36: {  	v63 =	vsub.s32 v6, v0;
	vm13 =	vlt.u32 v4, $0x1388;
	v3 =	vsel vm1, v3, v1;
	[tilespmem:$0x40] =	vst v2  }
0x37: {  	v5 =	vsub.s32 v5, v0;
	vm15 =	vlt.u32 v63, $0x1388;
	v2 =	vsel vm13, v4, v1;
	[tilespmem:$0x30] =	vst v3  }
0x38: {  	vm14 =	vlt.u32 v5, $0x1388;
	v3 =	vsel vm15, v63, v1;
	[tilespmem:$0x0] =	vst v2  }
0x39: {  	v2 =	vsel vm14, v5, v1;
	[tilespmem:$0x10] =	vst v3  }
0x3a: {  	[tilespmem:$0x20] =	vst v2  }
0x3b: {  	_ =	swait.ge [sflag:s19], $0x2800  }
0x3c: {  	p1 =	por $0x1, $0x1;
	[sflag:s19] =	ssyncset.done $0x0  }
0x3d: {  	s0 =	simm.s32 @!p1 $0x6;
	[sflag:s19] =	ssyncadd.s32 $0xFFFFD800  }
0x3e: {  	[spmem:s2] =	stream.indirect.scatter.add.f32 [tilespmem:s17], [sflag:$0x5], $0x80, s3, s20, $0xb8;
	[tilespmem:$0xF140] =	vst v63  }
0x3f: {  	_ =	swait.ge @!p1 [sflag:s0], $0x2800  }
0x40: {  	[sflag:s0] =	ssyncset.done @!p1 $0x0  }
0x41: {  	s6 =	sadd.s32 $0xFFFFFFF6, s1;
	s5 =	sadd.s32 $0x0, s7;
	[sflag:s0] =	ssyncadd.s32 @!p1 $0xFFFFD800  }
0x42: {  	[tilespmem:s21], [sflag:$0x2] =	stream.linear.gather [hbm4b:s6+s3], $0x50, $0x38;
	[tilespmem:$0xF140] =	vst v63  }
0x43: {  	s13 =	sadd.s32 $0x500, s5  }
0x44: {  	[tilespmem:s24], [sflag:$0x4] =	stream.linear.gather [hbm4b:s13+s3], $0x2800, $0x38;
	[tilespmem:$0xF140] =	vst v63  }
0x45: {  	_ =	swait.ge [sflag:s25], $0x50  }
0x46: {  	s31 =	smov.u32 s1;
	[sflag:s25] =	ssyncset.done $0x0  }
0x47: {  	s0 =	simm.s32 $0xA00;
	s13 =	smov.u32 s1;
	[sflag:s25] =	ssyncadd.s32 $0xFFFFFFB0  }
.LBB2_2:
0x48: {  	v2 =	vld [tilespmem:$0xC0];
	s13 =	sadd.s32 $0x14, s13;
	s4 =	smov.u32 s0;
	s0 =	sadd.s32 $0xA00, s0  }
0x49: {  	p1 =	sne.s32 s0, $0x4D800;
	v3 =	vld [tilespmem:$0xB0]  }
0x4a: {  	v4 =	vld [tilespmem:$0xA0]  }
0x4b: {  	v5 =	vld [tilespmem:$0x90]  }
0x4c: {  	v6 =	vld [tilespmem:$0x80]  }
0x4d: {  	v2 =	vsub.s32 v2, v0  }
0x4e: {  	v3 =	vsub.s32 v3, v0;
	vm0 =	vlt.u32 v2, $0x1388  }
0x4f: {  	v4 =	vsub.s32 v4, v0;
	vm1 =	vlt.u32 v3, $0x1388;
	v2 =	vsel vm0, v2, v1  }
0x50: {  	v5 =	vsub.s32 v5, v0;
	vm0 =	vlt.u32 v4, $0x1388;
	v3 =	vsel vm1, v3, v1;
	[tilespmem:$0xC0] =	vst v2  }
0x51: {  	v2 =	vsub.s32 v6, v0;
	vm1 =	vlt.u32 v5, $0x1388;
	v4 =	vsel vm0, v4, v1;
	[tilespmem:$0xB0] =	vst v3  }
0x52: {  	vm0 =	vlt.u32 v2, $0x1388;
	v3 =	vsel vm1, v5, v1;
	[tilespmem:$0xA0] =	vst v4  }
0x53: {  	v2 =	vsel vm0, v2, v1;
	[tilespmem:$0x90] =	vst v3  }
0x54: {  	[tilespmem:$0x80] =	vst v2  }
0x55: {  	_ =	swait.ge [sflag:s26], $0x2800  }
0x56: {  	[sflag:s26] =	ssyncset.done $0x0  }
0x57: {  	[sflag:s26] =	ssyncadd.s32 $0xFFFFD800  }
0x58: {  	[spmem:s2] =	stream.indirect.scatter.add.f32 [tilespmem:s24], [sflag:$0x6], $0x80, s21, s20, $0xb8;
	[tilespmem:$0xF140] =	vst v63  }
0x59: {  	_ =	swait.ge [sflag:s28], $0x2800  }
0x5a: {  	[sflag:s28] =	ssyncset.done $0x0  }
0x5b: {  	[sflag:s28] =	ssyncadd.s32 $0xFFFFD800  }
0x5c: {  	[tilespmem:s3], [sflag:$0x1] =	stream.linear.gather [hbm4b:s31+s3], $0x50, $0x38;
	[tilespmem:$0xF140] =	vst v63  }
0x5d: {  	s5 =	sadd.s32 $0xA00, s5;
	s31 =	smov.u32 s13  }
0x5e: {  	[tilespmem:s17], [sflag:$0x3] =	stream.linear.gather [hbm4b:s5+s3], $0x2800, $0x38;
	[tilespmem:$0xF140] =	vst v63  }
0x5f: {  	_ =	swait.ge [sflag:s18], $0x50  }
0x60: {  	[sflag:s18] =	ssyncset.done $0x0  }
0x61: {  	[sflag:s18] =	ssyncadd.s32 $0xFFFFFFB0  }
0x62: {  	v2 =	vld [tilespmem:$0x40]  }
0x63: {  	v3 =	vld [tilespmem:$0x30]  }
0x64: {  	v4 =	vld [tilespmem:$0x0]  }
0x65: {  	v5 =	vld [tilespmem:$0x20]  }
0x66: {  	v6 =	vld [tilespmem:$0x10]  }
0x67: {  	v2 =	vsub.s32 v2, v0  }
0x68: {  	v3 =	vsub.s32 v3, v0;
	vm0 =	vlt.u32 v2, $0x1388  }
0x69: {  	v4 =	vsub.s32 v4, v0;
	vm1 =	vlt.u32 v3, $0x1388;
	v2 =	vsel vm0, v2, v1  }
0x6a: {  	vm0 =	vlt.u32 v4, $0x1388;
	v5 =	vsub.s32 v5, v0;
	v3 =	vsel vm1, v3, v1;
	[tilespmem:$0x40] =	vst v2  }
0x6b: {  	v2 =	vsel vm0, v4, v1;
	v4 =	vsub.s32 v6, v0;
	vm0 =	vlt.u32 v5, $0x1388;
	[tilespmem:$0x30] =	vst v3  }
0x6c: {  	[tilespmem:$0x0] =	vst v2;
	vm1 =	vlt.u32 v4, $0x1388;
	v2 =	vsel vm0, v5, v1  }
0x6d: {  	v3 =	vsel vm1, v4, v1;
	[tilespmem:$0x20] =	vst v2  }
0x6e: {  	p2 =	seq.s32 s4, $0x0;
	[tilespmem:$0x10] =	vst v3  }
0x6f: {  	_ =	swait.ge [sflag:s19], $0x2800  }
0x70: {  	s5 =	simm.s32 @!p2 $0x6;
	[sflag:s19] =	ssyncset.done $0x0  }
0x71: {  	[sflag:s19] =	ssyncadd.s32 $0xFFFFD800  }
0x72: {  	[spmem:s2] =	stream.indirect.scatter.add.f32 [tilespmem:s17], [sflag:$0x5], $0x80, s3, s20, $0xb8;
	[tilespmem:$0xF140] =	vst v63  }
0x73: {  	_ =	swait.ge @!p2 [sflag:s5], $0x2800  }
0x74: {  	[sflag:s5] =	ssyncset.done @!p2 $0x0  }
0x75: {  	s6 =	sadd.s32 $0xFFFFFFF6, s13;
	[sflag:s5] =	ssyncadd.s32 @!p2 $0xFFFFD800;
	s5 =	sadd.s32 s4, s7  }
0x76: {  	[tilespmem:s21], [sflag:$0x2] =	stream.linear.gather [hbm4b:s6+s3], $0x50, $0x38;
	[tilespmem:$0xF140] =	vst v63  }
.Ltmp0:
0x77: {  	s4 =	sadd.s32 $0x500, s5;
	(pc) =	sbr.rel @p1 .LBB2_2-.Ltmp0, $4  }
0x78: {  	[tilespmem:s24], [sflag:$0x4] =	stream.linear.gather [hbm4b:s4+s3], $0x2800, $0x38;
	[tilespmem:$0xF140] =	vst v63  }
0x79: {  	_ =	swait.ge [sflag:s25], $0x50  }
0x7a: {  	[sflag:s25] =	ssyncset.done $0x0  }
0x7b: {  	[sflag:s25] =	ssyncadd.s32 $0xFFFFFFB0  }
0x7c: {  	v2 =	vld [tilespmem:$0xC0]  }
0x7d: {  	v3 =	vld [tilespmem:$0xB0]  }
0x7e: {  	v4 =	vld [tilespmem:$0xA0]  }
0x7f: {  	v5 =	vld [tilespmem:$0x90]  }
0x80: {  	v6 =	vld [tilespmem:$0x80]  }
0x81: {  	v2 =	vsub.s32 v2, v0  }
0x82: {  	v3 =	vsub.s32 v3, v0;
	vm0 =	vlt.u32 v2, $0x1388  }
0x83: {  	v4 =	vsub.s32 v4, v0;
	vm1 =	vlt.u32 v3, $0x1388;
	v2 =	vsel vm0, v2, v1  }
0x84: {  	v5 =	vsub.s32 v5, v0;
	vm15 =	vlt.u32 v4, $0x1388;
	v3 =	vsel vm1, v3, v1;
	[tilespmem:$0xC0] =	vst v2  }
0x85: {  	vm4 =	vlt.u32 v5, $0x1388;
	v4 =	vsel vm15, v4, v1;
	v2 =	vsub.s32 v6, v0;
	[tilespmem:$0xB0] =	vst v3  }
0x86: {  	v3 =	vsel vm4, v5, v1;
	[tilespmem:$0xA0] =	vst v4;
	vm5 =	vlt.u32 v2, $0x1388  }
0x87: {  	[tilespmem:$0x90] =	vst v3;
	v2 =	vsel vm5, v2, v1  }
0x88: {  	[tilespmem:$0x80] =	vst v2  }
0x89: {  	_ =	swait.ge [sflag:s26], $0x2800  }
0x8a: {  	[sflag:s26] =	ssyncset.done $0x0  }
0x8b: {  	[sflag:s26] =	ssyncadd.s32 $0xFFFFD800  }
0x8c: {  	[spmem:s2] =	stream.indirect.scatter.add.f32 [tilespmem:s24], [sflag:$0x6], $0x80, s21, s20, $0xb8;
	[tilespmem:$0xF140] =	vst v63  }
0x8d: {  	_ =	swait.ge [sflag:s28], $0x2800  }
0x8e: {  	[sflag:s28] =	ssyncset.done $0x0  }
0x8f: {  	[sflag:s28] =	ssyncadd.s32 $0xFFFFD800  }
0x90: {  	[tilespmem:s3], [sflag:$0x1] =	stream.linear.gather [hbm4b:s31+s3], $0x50, $0x38;
	[tilespmem:$0xF140] =	vst v63  }
0x91: {  	s0 =	sadd.s32 $0xA00, s5  }
0x92: {  	[tilespmem:s17], [sflag:$0x3] =	stream.linear.gather [hbm4b:s0+s3], $0x2800, $0x38;
	[tilespmem:$0xF140] =	vst v63  }
0x93: {  	_ =	swait.ge [sflag:s18], $0x50  }
0x94: {  	[sflag:s18] =	ssyncset.done $0x0  }
0x95: {  	[sflag:s18] =	ssyncadd.s32 $0xFFFFFFB0  }
0x96: {  	v2 =	vld [tilespmem:$0x0]  }
0x97: {  	v3 =	vld [tilespmem:$0x10]  }
0x98: {  	v56 =	vld [tilespmem:$0x20]  }
0x99: {  	v57 =	vld [tilespmem:$0x30]  }
0x9a: {  	v58 =	vld [tilespmem:$0x40]  }
0x9b: {  	v2 =	vsub.s32 v2, v0  }
0x9c: {  	v3 =	vsub.s32 v3, v0;
	vm6 =	vlt.u32 v2, $0x1388  }
0x9d: {  	v4 =	vsub.s32 v56, v0;
	vm7 =	vlt.u32 v3, $0x1388;
	v2 =	vsel vm6, v2, v1  }
0x9e: {  	vm8 =	vlt.u32 v4, $0x1388;
	[tilespmem:$0x0] =	vst v2;
	v2 =	vsel vm7, v3, v1;
	v3 =	vsub.s32 v57, v0  }
0x9f: {  	v59 =	vsub.s32 v58, v0;
	[tilespmem:$0x10] =	vst v2;
	v2 =	vsel vm8, v4, v1;
	vm9 =	vlt.u32 v3, $0x1388  }
0xa0: {  	vm10 =	vlt.u32 v59, $0x1388;
	[tilespmem:$0x20] =	vst v2;
	v2 =	vsel vm9, v3, v1  }
0xa1: {  	[tilespmem:$0x30] =	vst v2;
	v2 =	vsel vm10, v59, v1  }
0xa2: {  	[tilespmem:$0x40] =	vst v2  }
0xa3: {  	_ =	swait.ge [sflag:s19], $0x2800  }
0xa4: {  	[sflag:s19] =	ssyncset.done $0x0  }
0xa5: {  	[sflag:s19] =	ssyncadd.s32 $0xFFFFD800  }
0xa6: {  	[spmem:s2] =	stream.indirect.scatter.add.f32 [tilespmem:s17], [sflag:$0x5], $0x80, s3, s20, $0xb8;
	[tilespmem:$0xF140] =	vst v63  }
0xa7: {  	_ =	swait.ge [sflag:s29], $0x2800  }
0xa8: {  	[sflag:s29] =	ssyncset.done $0x0  }
0xa9: {  	[sflag:s29] =	ssyncadd.s32 $0xFFFFD800  }
0xaa: {  	[tilespmem:s21], [sflag:$0x2] =	stream.linear.gather [hbm4b:s8+s3], $0x50, $0x38;
	[tilespmem:$0xF140] =	vst v63  }
0xab: {  	_ = 	snop  }
0xac: {  	[tilespmem:s24], [sflag:$0x4] =	stream.linear.gather [hbm4b:s9+s3], $0x2800, $0x38;
	[tilespmem:$0xF140] =	vst v63  }
0xad: {  	_ =	swait.ge [sflag:s25], $0x50  }
0xae: {  	[sflag:s25] =	ssyncset.done $0x0  }
0xaf: {  	[sflag:s25] =	ssyncadd.s32 $0xFFFFFFB0  }
0xb0: {  	v2 =	vld [tilespmem:$0x80]  }
0xb1: {  	v3 =	vld [tilespmem:$0x90]  }
0xb2: {  	v60 =	vld [tilespmem:$0xA0]  }
0xb3: {  	v61 =	vld [tilespmem:$0xB0]  }
0xb4: {  	v62 =	vld [tilespmem:$0xC0]  }
0xb5: {  	v2 =	vsub.s32 v2, v0  }
0xb6: {  	v3 =	vsub.s32 v3, v0;
	vm11 =	vlt.u32 v2, $0x1388  }
0xb7: {  	v4 =	vsub.s32 v60, v0;
	vm12 =	vlt.u32 v3, $0x1388;
	v2 =	vsel vm11, v2, v1  }
0xb8: {  	vm13 =	vlt.u32 v4, $0x1388;
	[tilespmem:$0x80] =	vst v2;
	v2 =	vsel vm12, v3, v1;
	v3 =	vsub.s32 v61, v0  }
0xb9: {  	v63 =	vsub.s32 v62, v0;
	[tilespmem:$0x90] =	vst v2;
	v2 =	vsel vm13, v4, v1;
	vm14 =	vlt.u32 v3, $0x1388  }
0xba: {  	vm15 =	vlt.u32 v63, $0x1388;
	[tilespmem:$0xA0] =	vst v2;
	v2 =	vsel vm14, v3, v1  }
0xbb: {  	[tilespmem:$0xB0] =	vst v2;
	v2 =	vsel vm15, v63, v1  }
0xbc: {  	[tilespmem:$0xC0] =	vst v2  }
0xbd: {  	_ =	swait.ge [sflag:s26], $0x2800  }
0xbe: {  	[sflag:s26] =	ssyncset.done $0x0  }
0xbf: {  	[sflag:s26] =	ssyncadd.s32 $0xFFFFD800  }
0xc0: {  	[spmem:s2] =	stream.indirect.scatter.add.f32 [tilespmem:s24], [sflag:$0x6], $0x80, s21, s20, $0xb8;
	[tilespmem:$0xF140] =	vst v63  }
0xc1: {  	_ =	swait.ge [sflag:s28], $0x2800  }
0xc2: {  	[sflag:s28] =	ssyncset.done $0x0  }
0xc3: {  	[sflag:s28] =	ssyncadd.s32 $0xFFFFD800  }
0xc4: {  	_ =	swait.ge [sflag:s29], $0x2800  }
0xc5: {  	[sflag:s29] =	ssyncset.done $0x0  }
0xc6: {  	[sflag:s29] =	ssyncadd.s32 $0xFFFFD800  }
0xc7: {  	s0 =	simm.s32 @p0 $0x1FC7;
	[bflag:$0x0] =	sbarrier.arrive $0xFFFF  }
0xc8: {  	[hbm:s11], [sflag:s0] =	dma.local @p0 [spmem:s22], $0x1400  }
0xc9: {  	s0 =	simm.s32 @p0 $0x7  }
0xca: {  	s30 =	sadd.s32 $0x1, s30;
	_ =	swait.ge @p0 [sflag:s0], $0x1400  }
0xcb: {  	p1 =	sne.s32 s30, s12;
	[sflag:s0] =	ssyncset.done @p0 $0x0  }
.Ltmp1:
0xcc: {  	[sflag:s0] =	ssyncadd.s32 @p0 $0xFFFFEC00;
	s0 =	simm.s32 @!p0 $0x7;
	(pc) =	sbr.rel @p1 .LBB2_1-.Ltmp1, $4  }
0xcd: {  	[hbm:s10], [sflag:s15] =	dma.local @!p0 [spmem:s23], $0x1380  }
0xce: {  	_ =	swait.ge @!p0 [sflag:s0], $0x1380  }
0xcf: {  	[sflag:s0] =	ssyncset.done @!p0 $0x0  }
0xd0: {  	[sflag:s0] =	ssyncadd.s32 @!p0 $0xFFFFEC80  }
0xd1: {  	_ =	sfence.sel $0x180000  }
0xd2: {  	[bflag:$0x0] =	sbarrier.arrive $0xFFFF  }
0xd3: {  	_ =	strace $0x9000004A  }
0xd4: {  	s0 =	stileid.u32;
	[bflag:$0x2] =	sbarrier.arrive $0xFFFF  }
0xd5: {  	p0 =	sne.s32 s0, $0x0;
	s0 =	rddreg [dreg:$0x4]  }
0xd6: {  	s0 =	sadd.s32 @!p0 $0x100000, s0  }
0xd7: {  	[sflag:s0] =	ssyncadd.tile.s32 @!p0 $0x1;
	_ =	shalt  }
.Lfunc_end2:
_tile_overlayer_lowered:
.L_overlay_start_2:
0xd8: {  	(tag) =	ssettag $0x2  }
0xd9: {  	s0 =	rddreg [dreg:$0x0];
	s2 =	stileid.u32  }
0xda: {  	s1 =	rddreg [dreg:$0x1];
	p0 =	sne.s32 s2, $0x0  }
0xdb: {  	s3 =	rddreg [dreg:$0x2];
	[bflag:$0x3] =	sbarrier.arrive $0xFFFF;
	s2 =	simm.s32 @!p0 $0x1C07  }
0xdc: {  	[timem:s3], [sflag:s2] =	dma.local @!p0 [hbm:s0], s1  }
0xdd: {  	s0 =	simm.s32 @!p0 $0x7  }
0xde: {  	_ =	swait.ge @!p0 [sflag:s0], s1  }
0xdf: {  	s1 =	ssub.s32 @!p0 $0x0, s1;
	[sflag:s0] =	ssyncset.done @!p0 $0x0  }
0xe0: {  	[sflag:s0] =	ssyncadd.s32 @!p0 s1  }
0xe1: {  	[bflag:$0x3] =	sbarrier.arrive $0xFFFF  }
0xe2: {  	_ =	shalt  }

// kernel: kernel.7.cloned.1.call-start
scs
__scs_entry_jumppad:
0x0: {  	(pc) =	sbr.rel $0x88, $3  }
0x1: {  	(tag) =	ssettag $0x0;
	lr =	simm.s32 $0x1  }
0x2: {  	[smem:$0x3F96] =	sst lr;
	_ =	strace $0xD0000000  }
0x3: {  	_ = 	snop  }
0x4: {  	_ = 	snop  }
0x5: {  	_ = 	snop  }
0x6: {  	_ = 	snop  }
0x7: {  	_ = 	snop  }
__scs_overlays_trampoline_lowered:
0x8: {  	[smem:$0x3FA5] =	sst s0  }
0x9: {  	[smem:$0x3FA6] =	sst s1  }
0xa: {  	[smem:$0x3FA7] =	sst s2  }
0xb: {  	[smem:$0x3FA8] =	sst s3  }
0xc: {  	[smem:$0x3FA9] =	sst s4  }
0xd: {  	[smem:$0x3FAA] =	sst s5  }
0xe: {  	[smem:$0x3FAB] =	sst s6  }
0xf: {  	[smem:$0x3FAC] =	sst s7  }
0x10: {  	[smem:$0x3FAD] =	sst s8  }
0x11: {  	[smem:$0x3FAE] =	sst s9;
	s0 =	simm.s32 @!p0 $0x0  }
0x12: {  	s1 =	sld [smem:$0x3F94];
	s0 =	simm.s32 @p0 $0x1  }
0x13: {  	[smem:$0x3FAF] =	sst s0;
	s0 =	simm.s32 @!p1 $0x0  }
0x14: {  	s2 =	sld [smem:$0x3F93];
	s0 =	simm.s32 @p1 $0x1  }
0x15: {  	[smem:$0x3FB0] =	sst s0;
	s0 =	simm.s32 @!p2 $0x0  }
0x16: {  	s3 =	sld [smem:$0x3FDB];
	s0 =	simm.s32 @p2 $0x1  }
0x17: {  	s4 =	simm.s32 $0x1BF5;
	[smem:$0x3FB2] =	sst s0  }
0x18: {  	s0 =	sld [smem:$0x3F95];
	_ =	swait.ge [sflag:s4], $0x0  }
0x19: {  	s7 =	sld [smem:$0x3F96]  }
0x1a: {  	s8 =	sadd.s32 $0xFFFFE003, lr  }
0x1b: {  	s9 =	sadd.s32 $0xFFFFFEF7, lr;
	s5 =	simm.s32 $0xFFFFFFFF;
	p2 =	slt.u32 s8, $0xFFFFF086  }
0x1c: {  	p1 =	slt.u32 s9, $0xF7A;
	s5 =	simm.s32 @!p2 $0x0  }
0x1d: {  	s5 =	simm.s32 @p1 $0x1;
	p0 =	seq.s32 s7, s2  }
0x1e: {  	s7 =	smul.u32 @!p0 $0xF7A, s2;
	p2 =	seq.s32 @!p0 s5, $0x0  }
0x1f: {  	s9 =	smul.u32 $0xF7A, s1;
	s8 =	simm.s32 @!p0 $0x1BF5;
	p2 =	por !p2, p0  }
0x20: {  	[sflag:s8] =	ssyncset.s32 @!p0 $0xFFFFF086;
	s6 =	sadd.s32 @!p0 s3, s7;
	s7 =	simm.s32 @!p0 $0x108  }
0x21: {  	s3 =	sadd.s32 s3, s9;
	s6 =	sadd.s32 @!p0 $0x88, s6;
	s7 =	simm.s32 @p2 $0x1082  }
0x22: {  	[simem:s7], [sflag:s8] =	dma.local @!p0 [hbm:s6], $0xF7A  }
0x23: {  	s9 =	sor.u32 $0xD0000000, s2;
	s6 =	simm.s32 $0x108;
	_ =	swait.ge @!p0 [sflag:s8], $0x0  }
0x24: {  	s3 =	sadd.s32 $0x88, s3;
	s6 =	simm.s32 @!p1 $0x1082;
	[sflag:s4] =	ssyncset.s32 $0xFFFFF086  }
0x25: {  	[simem:s6], [sflag:s4] =	dma.local [hbm:s3], $0xF7A  }
0x26: {  	[smem:$0x3F96] =	sst s1;
	(tag) =	ssettag s2;
	_ =	strace s9  }
0x27: {  	s1 =	sld [smem:$0x3FA6]  }
0x28: {  	s2 =	sld [smem:$0x3FA7]  }
0x29: {  	s4 =	sld [smem:$0x3FA9]  }
0x2a: {  	p0 =	seq.s32 s5, $0x0;
	s5 =	sld [smem:$0x3FAA]  }
0x2b: {  	s6 =	sld [smem:$0x3FAB]  }
0x2c: {  	s7 =	sld [smem:$0x3FAC]  }
0x2d: {  	s3 =	simm.s32 $0x108;
	s8 =	sld [smem:$0x3FAD]  }
0x2e: {  	s3 =	simm.s32 @!p0 $0x1082;
	s9 =	sld [smem:$0x3FAE]  }
0x2f: {  	lr =	sadd.s32 s0, s3;
	s0 =	sld [smem:$0x3FA5]  }
0x30: {  	s3 =	sld [smem:$0x3FA8]  }
0x31: {  	[smem:$0x3FB1] =	sst s10  }
0x32: {  	s10 =	sld [smem:$0x3FAF];
	_ =	sdelay $0x3  }
0x33: {  	p0 =	seq.s32 s10, $0x1;
	s10 =	sld [smem:$0x3FB1];
	_ =	sdelay $0x3  }
0x34: {  	[smem:$0x3FB1] =	sst s10  }
0x35: {  	s10 =	sld [smem:$0x3FB0];
	_ =	sdelay $0x3  }
0x36: {  	p1 =	seq.s32 s10, $0x1;
	s10 =	sld [smem:$0x3FB1];
	_ =	sdelay $0x3  }
0x37: {  	[smem:$0x3FB1] =	sst s10  }
0x38: {  	s10 =	sld [smem:$0x3FB2]  }
0x39: {  	_ = 	snop;
	(pc) =	sbr.ind lr, $3  }
0x3a: {  	_ = 	snop  }
0x3b: {  	_ = 	snop  }
0x3c: {  	p2 =	seq.s32 s10, $0x1;
	s10 =	sld [smem:$0x3FB1]  }
0x3d: {  	_ =	shalt  }
0x3e: {  	_ =	shalt  }
0x3f: {  	_ =	shalt  }
0x40: {  	_ =	shalt  }
0x41: {  	_ =	shalt  }
0x42: {  	_ =	shalt  }
0x43: {  	_ =	shalt  }
0x44: {  	_ =	shalt  }
0x45: {  	_ =	shalt  }
0x46: {  	_ =	shalt  }
0x47: {  	_ =	shalt  }
0x48: {  	_ =	shalt  }
0x49: {  	_ =	shalt  }
0x4a: {  	_ =	shalt  }
0x4b: {  	_ =	shalt  }
0x4c: {  	_ =	shalt  }
0x4d: {  	_ =	shalt  }
0x4e: {  	_ =	shalt  }
0x4f: {  	_ =	shalt  }
0x50: {  	_ =	shalt  }
0x51: {  	_ =	shalt  }
0x52: {  	_ =	shalt  }
0x53: {  	_ =	shalt  }
0x54: {  	_ =	shalt  }
0x55: {  	_ =	shalt  }
0x56: {  	_ =	shalt  }
0x57: {  	_ =	shalt  }
0x58: {  	_ =	shalt  }
0x59: {  	_ =	shalt  }
0x5a: {  	_ =	shalt  }
0x5b: {  	_ =	shalt  }
0x5c: {  	_ =	shalt  }
0x5d: {  	_ =	shalt  }
0x5e: {  	_ =	shalt  }
0x5f: {  	_ =	shalt  }
0x60: {  	_ =	shalt  }
0x61: {  	_ =	shalt  }
0x62: {  	_ =	shalt  }
0x63: {  	_ =	shalt  }
0x64: {  	_ =	shalt  }
0x65: {  	_ =	shalt  }
0x66: {  	_ =	shalt  }
0x67: {  	_ =	shalt  }
0x68: {  	_ =	shalt  }
0x69: {  	_ =	shalt  }
0x6a: {  	_ =	shalt  }
0x6b: {  	_ =	shalt  }
0x6c: {  	_ =	shalt  }
0x6d: {  	_ =	shalt  }
0x6e: {  	_ =	shalt  }
0x6f: {  	_ =	shalt  }
0x70: {  	_ =	shalt  }
0x71: {  	_ =	shalt  }
0x72: {  	_ =	shalt  }
0x73: {  	_ =	shalt  }
0x74: {  	_ =	shalt  }
0x75: {  	_ =	shalt  }
0x76: {  	_ =	shalt  }
0x77: {  	_ =	shalt  }
0x78: {  	_ =	shalt  }
0x79: {  	_ =	shalt  }
0x7a: {  	_ =	shalt  }
0x7b: {  	_ =	shalt  }
0x7c: {  	_ =	shalt  }
0x7d: {  	_ =	shalt  }
0x7e: {  	_ =	shalt  }
0x7f: {  	_ =	shalt  }
0x80: {  	_ =	shalt  }
0x81: {  	_ =	shalt  }
0x82: {  	_ =	shalt  }
0x83: {  	_ =	shalt  }
0x84: {  	_ =	shalt  }
0x85: {  	_ =	shalt  }
0x86: {  	_ =	shalt  }
0x87: {  	_ =	shalt  }
.Lfunc_end0:
.L_simem_size_0:
called_computation_lowered:
.L_overlay_start_0:
0x88: {  	s2 =	sld [smem:$0x3FD9]  }
0x89: {  	s3 =	sld [smem:$0x3FFE];
	_ =	sdelay $0x1  }
0x8a: {  	s1 =	srdreg.scid  }
0x8b: {  	s0 =	sand.u32 $0x1, s1  }
0x8c: {  	s14 =	sshll.u32 s0, $0xA;
	s2 =	sadd.s32 s3, s2  }
0x8d: {  	s2 =	sadd.s32 s2, s14  }
0x8e: {  	[smem:$0x3FBD] =	sst s2  }
0x8f: {  	_ = 	snop  }
0x90: {  	s2 =	sld [smem:$0x3FD0];
	_ =	sdelay $0x2  }
0x91: {  	s15 =	simm.s32 $0xA;
	s4 =	simm.s32 $0x10  }
0x92: {  	[smem:s4], [sflag:s15] =	dma.local [hbm:s2], $0x1  }
0x93: {  	_ =	swait.eq [sflag:s15], $0x1  }
0x94: {  	s16 =	sld [smem:$0x10];
	[sflag:s15] =	ssyncset.done $0x0  }
0x95: {  	s17 =	sld [smem:$0x11];
	[sflag:s15] =	ssyncadd.s32 $0xFFFFFFFF  }
0x96: {  	s18 =	sld [smem:$0x12];
	(tm) =	ssettm $0x1  }
0x97: {  	s5 =	sld [smem:$0x3FFB];
	_ =	sdelay $0x3  }
0x98: {  	_ =	strace s5  }
0x99: {  	s5 =	sld [smem:$0x3FFC];
	_ =	sdelay $0x3  }
0x9a: {  	_ =	strace s5  }
0x9b: {  	s5 =	sld [smem:$0x3FFD];
	_ =	sdelay $0x3  }
0x9c: {  	_ =	strace s5  }
0x9d: {  	_ =	strace $0x8FFFFFFF  }
0x9e: {  	s19 =	sld [smem:$0x3FDB];
	_ =	sdelay $0x1  }
0x9f: {  	s6 =	simm.s32 $_scs_section_size  }
0xa0: {  	s7 =	simm.s32 $_size__tile_overlayer_lowered;
	s8 =	simm.s32 $_tile_overlayer_lowered  }
0xa1: {  	s22 =	simm.s32 $0x1BFF;
	s21 =	sshll.u32 s8, $0x1;
	s5 =	sadd.s32 s6, s19  }
0xa2: {  	s9 =	simm.s32 $0x0;
	s20 =	sshll.u32 s7, $0x1;
	s7 =	sadd.s32 s21, s5  }
0xa3: {  	[timem:s9], [sflag:s22] =	dma.local [hbm:s7], s20  }
0xa4: {  	_ =	swait.ge [sflag:s22], s20  }
0xa5: {  	s6 =	ssub.s32 $0x0, s20;
	[sflag:s22] =	ssyncset.done $0x0  }
0xa6: {  	[sflag:s22] =	ssyncadd.s32 s6;
	_ =	sdelay $0x1  }
0xa7: {  	s23 =	simm.s32 $0x1B8B  }
0xa8: {  	_ =	swait.ge [sflag:s23], $0x1  }
0xa9: {  	[sflag:s23] =	ssyncset.done $0x0  }
0xaa: {  	s25 =	simm.s32 $0x1B8E;
	s24 =	sld [smem:$0x3FFE];
	[sflag:s23] =	ssyncadd.s32 $0xFFFFFFFF  }
0xab: {  	s26 =	simm.s32 $execute0_lowered;
	[smem:$0x3FD2] =	sst s25  }
0xac: {  	s7 =	sshll.u32 s26, $0x1;
	_ =	strace $0x80000046;
	[dreg:$0x1] =	wrdreg $0xFFFFFFFF  }
0xad: {  	s28 =	simm.s32 $_size_execute0_lowered;
	s5 =	sadd.s32 s5, s7;
	[dreg:$0x0] =	wrdreg $0x0  }
0xae: {  	s7 =	sshll.u32 s28, $0x1;
	[dreg:$0x2] =	wrdreg s5  }
0xaf: {  	[dreg:$0x3] =	wrdreg s7  }
0xb0: {  	[dreg:$0x4] =	wrdreg $0xC0  }
0xb1: {  	_ =	task [dreg:s9], $0x5FFFF  }
0xb2: {  	[dreg:$0x1] =	wrdreg $0xFFFFFFFF  }
0xb3: {  	[dreg:$0x0] =	wrdreg $0x60  }
0xb4: {  	[dreg:$0x2] =	wrdreg s16  }
0xb5: {  	[dreg:$0x3] =	wrdreg s18  }
0xb6: {  	[dreg:$0x4] =	wrdreg s24  }
0xb7: {  	[dreg:$0x5] =	wrdreg s17  }
0xb8: {  	[dreg:$0x6] =	wrdreg $0x9  }
0xb9: {  	_ =	task.clear_ibuf [dreg:s9], $0x7FFFF;
	_ =	strace $0x90000046  }
0xba: {  	s29 =	simm.s32 $0x9;
	_ =	strace $0x80000048  }
0xbb: {  	_ =	swait.ge [sflag:s29], $0x1  }
0xbc: {  	[sflag:s29] =	ssyncadd.s32 $0xFFFFFFFF  }
0xbd: {  	_ =	strace $0x90000048  }
0xbe: {  	_ =	sfence  }
0xbf: {  	s30 =	sld [smem:$0x0];
	_ =	sdelay $0x2  }
0xc0: {  	s31 =	sshll.u32 s1, $0xD;
	s1 =	sshrl.u32 s1, $0x2  }
0xc1: {  	s3 =	sand.u32 $0x4000, s31;
	s1 =	sadd.s32 s1, s30  }
0xc2: {  	s0 =	sor.u32 s3, s0;
	s1 =	sshll.u32 s1, $0x11  }
0xc3: {  	s0 =	sor.u32 s1, s0  }
0xc4: {  	s0 =	sadd.s32 $0x8F2B, s0  }
0xc5: {  	[sflag:s0] =	ssyncadd.remote.s32 $0x1  }
0xc6: {  	_ =	sfence.sel $0xFFFF  }
0xc7: {  	[dreg:$0x0] =	wrdreg $0xFFFFFFFF;
	(pc) =	sbr.abs _section_cstart, $3  }
0xc8: {  	[dreg:$0x1] =	wrdreg $0xFFFFFFFF  }
0xc9: {  	_ =	task.clear_ibuf [dreg:s9], $0x2FFFF;
	_ =	strace $0x9FFFFFFF  }
0xca: {  	(tm) =	ssettm $0x7FFFFFFF  }
0xcb: {  	_ =	shalt  }
tec
execute0_lowered:
.L_overlay_start_1:
0x0: {  	(tag) =	ssettag $0x1  }
0x1: {  	s1 =	rddreg [dreg:$0x0]  }
0x2: {  	s2 =	rddreg [dreg:$0x1]  }
0x3: {  	s0 =	rddreg [dreg:$0x2]  }
0x4: {  	s4 =	rddreg [dreg:$0x3];
	s3 =	srdreg.scid  }
0x5: {  	s6 =	stileid.u32;
	s5 =	simm.s32 $0x0;
	s18 =	simm.s32 $0x80  }
0x6: {  	s19 =	simm.s32 $0x1;
	s20 =	simm.s32 $0x50;
	s23 =	simm.s32 $0x100  }
0x7: {  	s24 =	simm.s32 $0x180;
	s3 =	sand.u32 $0x1, s3;
	s6 =	sshll.u32 s6, $0x1  }
0x8: {  	s28 =	simm.s32 $0x4;
	s9 =	ssub.s32 $0x2, s3;
	s3 =	sor.u32 s3, s6  }
0x9: {  	s31 =	simm.s32 $0xA200;
	[smem:$0x7FF] =	sst s5;
	s6 =	smul.u32 $0x2710, s3  }
0xa: {  	s7 =	sadd.s32 $0x3200, s0;
	s10 =	sshrl.u32 s9, $0x1;
	s3 =	smul.u32 $0x138800, s3  }
0xb: {  	s8 =	sadd.s32 $0xD000, s0;
	_ =	strace $0x80000047;
	s25 =	ssub.s32 s9, s10  }
0xc: {  	s26 =	sshrl.u32 s6, $0x3;
	s9 =	sadd.s32 $0x50, s6;
	s3 =	sshrl.u32 s3, $0x3  }
0xd: {  	s14 =	sadd.s32 $0xA0, s6;
	s15 =	sadd.s32 $0xF0, s6;
	s0 =	smax.u32 s25, $0x1  }
0xe: {  	s25 =	simm.s32 $0x2;
	s11 =	sadd.s32 s7, s26;
	[dreg:$0xa] =	wrdreg s0  }
0xf: {  	s10 =	sadd.s32 s4, s26;
	s29 =	sshrl.u32 s9, $0x3;
	[dreg:$0x5] =	wrdreg s11  }
0x10: {  	s3 =	sadd.s32 s8, s3;
	[dreg:$0x6] =	wrdreg s10;
	s30 =	sadd.s32 s7, s29  }
0x11: {  	s26 =	simm.s32 $0x3;
	s10 =	sadd.s32 s4, s29;
	[dreg:$0x7] =	wrdreg s30  }
0x12: {  	s0 =	simm.s32 $0x5;
	s3 =	sadd.s32 $0x26C00, s3;
	[dreg:$0x8] =	wrdreg s10  }
0x13: {  	s11 =	simm.s32 $0x0;
	[dreg:$0x9] =	wrdreg s3;
	s3 =	simm.s32 $0x6  }
.LBB2_1:
0x14: {  	[dreg:$0xb] =	wrdreg s11  }
0x15: {  	s10 =	rddreg [dreg:$0x5]  }
0x16: {  	[tilespmem:s5], [sflag:$0x1] =	stream.linear.gather [hbm4b:s10+s5], $0x50, $0x38;
	[tilespmem:$0xF200] =	vst v63  }
0x17: {  	s17 =	rddreg [dreg:$0x6]  }
0x18: {  	[tilespmem:s18], [sflag:$0x1] =	stream.linear.gather [hbm4b:s17+s5], $0x50, $0x38;
	[tilespmem:$0xF200] =	vst v63  }
0x19: {  	_ =	swait.ge [sflag:s19], $0x50  }
0x1a: {  	[sflag:s19] =	ssyncset.done $0x0  }
0x1b: {  	[sflag:s19] =	ssyncadd.s32 $0xFFFFFFB0  }
0x1c: {  	_ =	swait.ge [sflag:s19], $0x50  }
0x1d: {  	[sflag:s19] =	ssyncset.done $0x0  }
0x1e: {  	s21 =	simm.s32 $0x200;
	[sflag:s19] =	ssyncadd.s32 $0xFFFFFFB0  }
0x1f: {  	[tilespmem:s21], [sflag:$0x3] =	stream.indirect.gather [hbm4b:s1+s20], $0x80, s5, s20, $0xb8;
	[tilespmem:$0xF200] =	vst v63  }
0x20: {  	s22 =	simm.s32 $0x2A00  }
0x21: {  	[tilespmem:s22], [sflag:$0x4] =	stream.indirect.gather [hbm4b:s2+s20], $0x80, s18, s20, $0xb8;
	[tilespmem:$0xF200] =	vst v63  }
0x22: {  	s29 =	rddreg [dreg:$0x7]  }
0x23: {  	[tilespmem:s23], [sflag:$0x2] =	stream.linear.gather [hbm4b:s29+s5], $0x50, $0x38;
	[tilespmem:$0xF200] =	vst v63  }
0x24: {  	s16 =	simm.s32 $0x0;
	s30 =	rddreg [dreg:$0x8]  }
0x25: {  	[tilespmem:s24], [sflag:$0x2] =	stream.linear.gather [hbm4b:s30+s5], $0x50, $0x38;
	[tilespmem:$0xF200] =	vst v63  }
.LBB2_2:
0x26: {  	_ =	swait.ge [sflag:s25], $0x50  }
0x27: {  	[sflag:s25] =	ssyncset.done $0x0  }
0x28: {  	[sflag:s25] =	ssyncadd.s32 $0xFFFFFFB0  }
0x29: {  	_ =	swait.ge [sflag:s25], $0x50  }
0x2a: {  	[sflag:s25] =	ssyncset.done $0x0  }
0x2b: {  	[sflag:s25] =	ssyncadd.s32 $0xFFFFFFB0  }
0x2c: {  	_ =	swait.ge [sflag:s26], $0x2800  }
0x2d: {  	[sflag:s26] =	ssyncset.done $0x0  }
0x2e: {  	[sflag:s26] =	ssyncadd.s32 $0xFFFFD800  }
0x2f: {  	s17 =	smul.u32 $0xA0, s16;
	_ =	swait.ge [sflag:s28], $0x2800  }
0x30: {  	[sflag:s28] =	ssyncset.done $0x0  }
0x31: {  	s10 =	simm.s32 $0x5200;
	s22 =	sadd.s32 s17, s14;
	[sflag:s28] =	ssyncadd.s32 $0xFFFFD800  }
0x32: {  	[tilespmem:s10], [sflag:$0x5] =	stream.indirect.gather [hbm4b:s1+s20], $0x80, s23, s20, $0xb8;
	[tilespmem:$0xF200] =	vst v63  }
0x33: {  	s21 =	simm.s32 $0x7A00;
	s10 =	sshrl.u32 s22, $0x3  }
0x34: {  	[tilespmem:s21], [sflag:$0x6] =	stream.indirect.gather [hbm4b:s2+s20], $0x80, s24, s20, $0xb8;
	[tilespmem:$0xF200] =	vst v63  }
0x35: {  	s11 =	sadd.s32 s7, s10  }
0x36: {  	[tilespmem:s5], [sflag:$0x1] =	stream.linear.gather [hbm4b:s11+s5], $0x50, $0x38;
	[tilespmem:$0xF200] =	vst v63  }
0x37: {  	p0 =	seq.s32 s16, $0x0;
	s10 =	sadd.s32 s4, s10  }
0x38: {  	[tilespmem:s18], [sflag:$0x1] =	stream.linear.gather [hbm4b:s10+s5], $0x50, $0x38;
	[tilespmem:$0xF200] =	vst v63  }
0x39: {  	s10 =	simm.s32 @!p0 $0x7  }
0x3a: {  	_ =	swait.ge @!p0 [sflag:s10], $0x2800  }
0x3b: {  	[sflag:s10] =	ssyncset.done @!p0 $0x0  }
0x3c: {  	s11 =	simm.s32 $0x300;
	[sflag:s10] =	ssyncadd.s32 @!p0 $0xFFFFD800  }
0x3d: {  	s13 =	simm.s32 $0x2B00;
	v0 =	vld [tilespmem:s11+$0xFFFFFF00]  }
0x3e: {  	v1 =	vld [tilespmem:s13+$0xFFFFFF00];
	_ =	sdelay $0x4  }
0x3f: {  	v0 =	vadd.f32 v1, v0  }
0x40: {  	s12 =	simm.s32 $0xA300  }
0x41: {  	[tilespmem:s12+$0xFFFFFF00] =	vst v0  }
0x42: {  	v0 =	vld [tilespmem:s13+$0xFFFFFF10]  }
0x43: {  	v1 =	vld [tilespmem:s11+$0xFFFFFF10];
	_ =	sdelay $0x4  }
0x44: {  	v0 =	vadd.f32 v0, v1;
	_ =	sdelay $0x1  }
0x45: {  	[tilespmem:s12+$0xFFFFFF10] =	vst v0  }
0x46: {  	v0 =	vld [tilespmem:s11+$0xFFFFFF20]  }
0x47: {  	v1 =	vld [tilespmem:s13+$0xFFFFFF20];
	_ =	sdelay $0x4  }
0x48: {  	v0 =	vadd.f32 v1, v0;
	_ =	sdelay $0x1  }
0x49: {  	[tilespmem:s12+$0xFFFFFF20] =	vst v0  }
0x4a: {  	v0 =	vld [tilespmem:s11+$0xFFFFFF30]  }
0x4b: {  	v1 =	vld [tilespmem:s13+$0xFFFFFF30];
	_ =	sdelay $0x4  }
0x4c: {  	v0 =	vadd.f32 v1, v0;
	_ =	sdelay $0x1  }
0x4d: {  	[tilespmem:s12+$0xFFFFFF30] =	vst v0  }
0x4e: {  	v0 =	vld [tilespmem:s11+$0xFFFFFF40]  }
0x4f: {  	v1 =	vld [tilespmem:s13+$0xFFFFFF40];
	_ =	sdelay $0x4  }
0x50: {  	v0 =	vadd.f32 v1, v0;
	_ =	sdelay $0x1  }
0x51: {  	[tilespmem:s12+$0xFFFFFF40] =	vst v0  }
0x52: {  	v0 =	vld [tilespmem:s11+$0xFFFFFF50]  }
0x53: {  	v1 =	vld [tilespmem:s13+$0xFFFFFF50];
	_ =	sdelay $0x4  }
0x54: {  	v0 =	vadd.f32 v1, v0;
	_ =	sdelay $0x1  }
0x55: {  	[tilespmem:s12+$0xFFFFFF50] =	vst v0  }
0x56: {  	v0 =	vld [tilespmem:s11+$0xFFFFFF60]  }
0x57: {  	v1 =	vld [tilespmem:s13+$0xFFFFFF60];
	_ =	sdelay $0x4  }
0x58: {  	v0 =	vadd.f32 v1, v0;
	_ =	sdelay $0x1  }
0x59: {  	[tilespmem:s12+$0xFFFFFF60] =	vst v0  }
0x5a: {  	v0 =	vld [tilespmem:s11+$0xFFFFFF70]  }
0x5b: {  	v1 =	vld [tilespmem:s13+$0xFFFFFF70];
	_ =	sdelay $0x4  }
0x5c: {  	v0 =	vadd.f32 v1, v0;
	_ =	sdelay $0x1  }
0x5d: {  	[tilespmem:s12+$0xFFFFFF70] =	vst v0  }
0x5e: {  	v0 =	vld [tilespmem:s11+$0xFFFFFF80]  }
0x5f: {  	v1 =	vld [tilespmem:s13+$0xFFFFFF80];
	_ =	sdelay $0x4  }
0x60: {  	v0 =	vadd.f32 v1, v0;
	_ =	sdelay $0x1  }
0x61: {  	[tilespmem:s12+$0xFFFFFF80] =	vst v0  }
0x62: {  	v0 =	vld [tilespmem:s11+$0xFFFFFF90]  }
0x63: {  	v1 =	vld [tilespmem:s13+$0xFFFFFF90];
	_ =	sdelay $0x4  }
0x64: {  	v0 =	vadd.f32 v1, v0;
	_ =	sdelay $0x1  }
0x65: {  	[tilespmem:s12+$0xFFFFFF90] =	vst v0  }
0x66: {  	v0 =	vld [tilespmem:s11+$0xFFFFFFA0]  }
0x67: {  	v1 =	vld [tilespmem:s13+$0xFFFFFFA0];
	_ =	sdelay $0x4  }
0x68: {  	v0 =	vadd.f32 v1, v0;
	_ =	sdelay $0x1  }
0x69: {  	[tilespmem:s12+$0xFFFFFFA0] =	vst v0  }
0x6a: {  	v0 =	vld [tilespmem:s11+$0xFFFFFFB0]  }
0x6b: {  	v1 =	vld [tilespmem:s13+$0xFFFFFFB0];
	_ =	sdelay $0x4  }
0x6c: {  	v0 =	vadd.f32 v1, v0;
	_ =	sdelay $0x1  }
0x6d: {  	[tilespmem:s12+$0xFFFFFFB0] =	vst v0  }
0x6e: {  	v0 =	vld [tilespmem:s11+$0xFFFFFFC0]  }
0x6f: {  	v1 =	vld [tilespmem:s13+$0xFFFFFFC0];
	_ =	sdelay $0x4  }
0x70: {  	v0 =	vadd.f32 v1, v0;
	_ =	sdelay $0x1  }
0x71: {  	[tilespmem:s12+$0xFFFFFFC0] =	vst v0  }
0x72: {  	v0 =	vld [tilespmem:s11+$0xFFFFFFD0]  }
0x73: {  	v1 =	vld [tilespmem:s13+$0xFFFFFFD0];
	_ =	sdelay $0x4  }
0x74: {  	v0 =	vadd.f32 v1, v0;
	_ =	sdelay $0x1  }
0x75: {  	[tilespmem:s12+$0xFFFFFFD0] =	vst v0  }
0x76: {  	v0 =	vld [tilespmem:s11+$0xFFFFFFE0]  }
0x77: {  	v1 =	vld [tilespmem:s13+$0xFFFFFFE0];
	_ =	sdelay $0x4  }
0x78: {  	v0 =	vadd.f32 v1, v0;
	_ =	sdelay $0x1  }
0x79: {  	[tilespmem:s12+$0xFFFFFFE0] =	vst v0  }
0x7a: {  	v0 =	vld [tilespmem:s11+$0xFFFFFFF0]  }
0x7b: {  	v1 =	vld [tilespmem:s13+$0xFFFFFFF0];
	_ =	sdelay $0x4  }
0x7c: {  	v0 =	vadd.f32 v1, v0;
	_ =	sdelay $0x1  }
0x7d: {  	[tilespmem:s12+$0xFFFFFFF0] =	vst v0  }
0x7e: {  	v0 =	vld [tilespmem:s11+$0x0]  }
0x7f: {  	v1 =	vld [tilespmem:s13+$0x0];
	_ =	sdelay $0x4  }
0x80: {  	v0 =	vadd.f32 v1, v0;
	_ =	sdelay $0x1  }
0x81: {  	[tilespmem:s12+$0x0] =	vst v0  }
0x82: {  	v0 =	vld [tilespmem:s11+$0x10]  }
0x83: {  	v1 =	vld [tilespmem:s13+$0x10];
	_ =	sdelay $0x4  }
0x84: {  	v0 =	vadd.f32 v1, v0;
	_ =	sdelay $0x1  }
0x85: {  	[tilespmem:s12+$0x10] =	vst v0  }
0x86: {  	v0 =	vld [tilespmem:s11+$0x20]  }
0x87: {  	v1 =	vld [tilespmem:s13+$0x20];
	_ =	sdelay $0x4  }
0x88: {  	v0 =	vadd.f32 v1, v0;
	_ =	sdelay $0x1  }
0x89: {  	[tilespmem:s12+$0x20] =	vst v0  }
0x8a: {  	v0 =	vld [tilespmem:s11+$0x30]  }
0x8b: {  	v1 =	vld [tilespmem:s13+$0x30];
	_ =	sdelay $0x4  }
0x8c: {  	v0 =	vadd.f32 v1, v0;
	_ =	sdelay $0x1  }
0x8d: {  	[tilespmem:s12+$0x30] =	vst v0  }
0x8e: {  	v0 =	vld [tilespmem:s11+$0x40]  }
0x8f: {  	v1 =	vld [tilespmem:s13+$0x40];
	_ =	sdelay $0x4  }
0x90: {  	v0 =	vadd.f32 v1, v0;
	_ =	sdelay $0x1  }
0x91: {  	[tilespmem:s12+$0x40] =	vst v0  }
0x92: {  	v0 =	vld [tilespmem:s11+$0x50]  }
0x93: {  	v1 =	vld [tilespmem:s13+$0x50];
	_ =	sdelay $0x4  }
0x94: {  	v0 =	vadd.f32 v1, v0;
	_ =	sdelay $0x1  }
0x95: {  	[tilespmem:s12+$0x50] =	vst v0  }
0x96: {  	v0 =	vld [tilespmem:s11+$0x60]  }
0x97: {  	v1 =	vld [tilespmem:s13+$0x60];
	_ =	sdelay $0x4  }
0x98: {  	v0 =	vadd.f32 v1, v0;
	_ =	sdelay $0x1  }
0x99: {  	[tilespmem:s12+$0x60] =	vst v0  }
0x9a: {  	v0 =	vld [tilespmem:s11+$0x70]  }
0x9b: {  	v1 =	vld [tilespmem:s13+$0x70];
	_ =	sdelay $0x4  }
0x9c: {  	v0 =	vadd.f32 v1, v0;
	_ =	sdelay $0x1  }
0x9d: {  	[tilespmem:s12+$0x70] =	vst v0  }
0x9e: {  	v0 =	vld [tilespmem:s11+$0x80]  }
0x9f: {  	v1 =	vld [tilespmem:s13+$0x80];
	_ =	sdelay $0x4  }
0xa0: {  	v0 =	vadd.f32 v1, v0;
	_ =	sdelay $0x1  }
0xa1: {  	[tilespmem:s12+$0x80] =	vst v0  }
0xa2: {  	v0 =	vld [tilespmem:s11+$0x90]  }
0xa3: {  	v1 =	vld [tilespmem:s13+$0x90];
	_ =	sdelay $0x4  }
0xa4: {  	v0 =	vadd.f32 v1, v0;
	_ =	sdelay $0x1  }
0xa5: {  	[tilespmem:s12+$0x90] =	vst v0  }
0xa6: {  	v0 =	vld [tilespmem:s11+$0xA0]  }
0xa7: {  	v1 =	vld [tilespmem:s13+$0xA0];
	_ =	sdelay $0x4  }
0xa8: {  	v0 =	vadd.f32 v1, v0;
	_ =	sdelay $0x1  }
0xa9: {  	[tilespmem:s12+$0xA0] =	vst v0  }
0xaa: {  	v0 =	vld [tilespmem:s11+$0xB0]  }
0xab: {  	v1 =	vld [tilespmem:s13+$0xB0];
	_ =	sdelay $0x4  }
0xac: {  	v0 =	vadd.f32 v1, v0;
	_ =	sdelay $0x1  }
0xad: {  	[tilespmem:s12+$0xB0] =	vst v0  }
0xae: {  	v0 =	vld [tilespmem:s11+$0xC0]  }
0xaf: {  	v1 =	vld [tilespmem:s13+$0xC0]  }
0xb0: {  	s29 =	sshll.u32 s16, $0x1;
	s30 =	simm.s32 $0x300  }
0xb1: {  	s22 =	simm.s32 $0xA500;
	s21 =	simm.s32 $0x0;
	s10 =	simm.s32 $0x2B00  }
.LBB2_3:
0xb2: {  	s21 =	sadd.s32 $0x4, s21;
	s11 =	sadd.s32 $0x200, s11;
	s13 =	sadd.s32 $0x200, s13  }
0xb3: {  	p1 =	slt.u32 s21, $0x4C  }
0xb4: {  	v0 =	vadd.f32 v1, v0;
	_ =	sdelay $0x1  }
0xb5: {  	[tilespmem:s12+$0xC0] =	vst v0  }
0xb6: {  	v0 =	vld [tilespmem:s30+$0xD0]  }
0xb7: {  	v1 =	vld [tilespmem:s10+$0xD0];
	_ =	sdelay $0x4  }
0xb8: {  	v0 =	vadd.f32 v1, v0;
	_ =	sdelay $0x1  }
0xb9: {  	[tilespmem:s12+$0xD0] =	vst v0  }
0xba: {  	v0 =	vld [tilespmem:s30+$0xE0]  }
0xbb: {  	v1 =	vld [tilespmem:s10+$0xE0];
	_ =	sdelay $0x4  }
0xbc: {  	v0 =	vadd.f32 v1, v0;
	_ =	sdelay $0x1  }
0xbd: {  	[tilespmem:s12+$0xE0] =	vst v0  }
0xbe: {  	v0 =	vld [tilespmem:s30+$0xF0];
	s30 =	smov.u32 s11  }
0xbf: {  	v1 =	vld [tilespmem:s10+$0xF0];
	s10 =	smov.u32 s13;
	_ =	sdelay $0x4  }
0xc0: {  	v0 =	vadd.f32 v1, v0;
	_ =	sdelay $0x1  }
0xc1: {  	[tilespmem:s12+$0xF0] =	vst v0;
	s12 =	smov.u32 s22  }
0xc2: {  	v0 =	vld [tilespmem:s11+$0xFFFFFF00]  }
0xc3: {  	v1 =	vld [tilespmem:s13+$0xFFFFFF00];
	_ =	sdelay $0x4  }
0xc4: {  	v0 =	vadd.f32 v1, v0;
	_ =	sdelay $0x1  }
0xc5: {  	[tilespmem:s22+$0xFFFFFF00] =	vst v0  }
0xc6: {  	v0 =	vld [tilespmem:s13+$0xFFFFFF10]  }
0xc7: {  	v1 =	vld [tilespmem:s11+$0xFFFFFF10];
	_ =	sdelay $0x4  }
0xc8: {  	v0 =	vadd.f32 v0, v1;
	_ =	sdelay $0x1  }
0xc9: {  	[tilespmem:s22+$0xFFFFFF10] =	vst v0  }
0xca: {  	v0 =	vld [tilespmem:s11+$0xFFFFFF20]  }
0xcb: {  	v1 =	vld [tilespmem:s13+$0xFFFFFF20];
	_ =	sdelay $0x4  }
0xcc: {  	v0 =	vadd.f32 v1, v0;
	_ =	sdelay $0x1  }
0xcd: {  	[tilespmem:s22+$0xFFFFFF20] =	vst v0  }
0xce: {  	v0 =	vld [tilespmem:s11+$0xFFFFFF30]  }
0xcf: {  	v1 =	vld [tilespmem:s13+$0xFFFFFF30];
	_ =	sdelay $0x4  }
0xd0: {  	v0 =	vadd.f32 v1, v0;
	_ =	sdelay $0x1  }
0xd1: {  	[tilespmem:s22+$0xFFFFFF30] =	vst v0  }
0xd2: {  	v0 =	vld [tilespmem:s11+$0xFFFFFF40]  }
0xd3: {  	v1 =	vld [tilespmem:s13+$0xFFFFFF40];
	_ =	sdelay $0x4  }
0xd4: {  	v0 =	vadd.f32 v1, v0;
	_ =	sdelay $0x1  }
0xd5: {  	[tilespmem:s22+$0xFFFFFF40] =	vst v0  }
0xd6: {  	v0 =	vld [tilespmem:s11+$0xFFFFFF50]  }
0xd7: {  	v1 =	vld [tilespmem:s13+$0xFFFFFF50];
	_ =	sdelay $0x4  }
0xd8: {  	v0 =	vadd.f32 v1, v0;
	_ =	sdelay $0x1  }
0xd9: {  	[tilespmem:s22+$0xFFFFFF50] =	vst v0  }
0xda: {  	v0 =	vld [tilespmem:s11+$0xFFFFFF60]  }
0xdb: {  	v1 =	vld [tilespmem:s13+$0xFFFFFF60];
	_ =	sdelay $0x4  }
0xdc: {  	v0 =	vadd.f32 v1, v0;
	_ =	sdelay $0x1  }
0xdd: {  	[tilespmem:s22+$0xFFFFFF60] =	vst v0  }
0xde: {  	v0 =	vld [tilespmem:s11+$0xFFFFFF70]  }
0xdf: {  	v1 =	vld [tilespmem:s13+$0xFFFFFF70];
	_ =	sdelay $0x4  }
0xe0: {  	v0 =	vadd.f32 v1, v0;
	_ =	sdelay $0x1  }
0xe1: {  	[tilespmem:s22+$0xFFFFFF70] =	vst v0  }
0xe2: {  	v0 =	vld [tilespmem:s11+$0xFFFFFF80]  }
0xe3: {  	v1 =	vld [tilespmem:s13+$0xFFFFFF80];
	_ =	sdelay $0x4  }
0xe4: {  	v0 =	vadd.f32 v1, v0;
	_ =	sdelay $0x1  }
0xe5: {  	[tilespmem:s22+$0xFFFFFF80] =	vst v0  }
0xe6: {  	v0 =	vld [tilespmem:s11+$0xFFFFFF90]  }
0xe7: {  	v1 =	vld [tilespmem:s13+$0xFFFFFF90];
	_ =	sdelay $0x4  }
0xe8: {  	v0 =	vadd.f32 v1, v0;
	_ =	sdelay $0x1  }
0xe9: {  	[tilespmem:s22+$0xFFFFFF90] =	vst v0  }
0xea: {  	v0 =	vld [tilespmem:s11+$0xFFFFFFA0]  }
0xeb: {  	v1 =	vld [tilespmem:s13+$0xFFFFFFA0];
	_ =	sdelay $0x4  }
0xec: {  	v0 =	vadd.f32 v1, v0;
	_ =	sdelay $0x1  }
0xed: {  	[tilespmem:s22+$0xFFFFFFA0] =	vst v0  }
0xee: {  	v0 =	vld [tilespmem:s11+$0xFFFFFFB0]  }
0xef: {  	v1 =	vld [tilespmem:s13+$0xFFFFFFB0];
	_ =	sdelay $0x4  }
0xf0: {  	v0 =	vadd.f32 v1, v0;
	_ =	sdelay $0x1  }
0xf1: {  	[tilespmem:s22+$0xFFFFFFB0] =	vst v0  }
0xf2: {  	v0 =	vld [tilespmem:s11+$0xFFFFFFC0]  }
0xf3: {  	v1 =	vld [tilespmem:s13+$0xFFFFFFC0];
	_ =	sdelay $0x4  }
0xf4: {  	v0 =	vadd.f32 v1, v0;
	_ =	sdelay $0x1  }
0xf5: {  	[tilespmem:s22+$0xFFFFFFC0] =	vst v0  }
0xf6: {  	v0 =	vld [tilespmem:s11+$0xFFFFFFD0]  }
0xf7: {  	v1 =	vld [tilespmem:s13+$0xFFFFFFD0];
	_ =	sdelay $0x4  }
0xf8: {  	v0 =	vadd.f32 v1, v0;
	_ =	sdelay $0x1  }
0xf9: {  	[tilespmem:s22+$0xFFFFFFD0] =	vst v0  }
0xfa: {  	v0 =	vld [tilespmem:s11+$0xFFFFFFE0]  }
0xfb: {  	v1 =	vld [tilespmem:s13+$0xFFFFFFE0];
	_ =	sdelay $0x4  }
0xfc: {  	v0 =	vadd.f32 v1, v0;
	_ =	sdelay $0x1  }
0xfd: {  	[tilespmem:s22+$0xFFFFFFE0] =	vst v0  }
0xfe: {  	v0 =	vld [tilespmem:s11+$0xFFFFFFF0]  }
0xff: {  	v1 =	vld [tilespmem:s13+$0xFFFFFFF0];
	_ =	sdelay $0x4  }
0x100: {  	v0 =	vadd.f32 v1, v0;
	_ =	sdelay $0x1  }
0x101: {  	[tilespmem:s22+$0xFFFFFFF0] =	vst v0  }
0x102: {  	v0 =	vld [tilespmem:s11+$0x0]  }
0x103: {  	v1 =	vld [tilespmem:s13+$0x0];
	_ =	sdelay $0x4  }
0x104: {  	v0 =	vadd.f32 v1, v0;
	_ =	sdelay $0x1  }
0x105: {  	[tilespmem:s22+$0x0] =	vst v0  }
0x106: {  	v0 =	vld [tilespmem:s11+$0x10]  }
0x107: {  	v1 =	vld [tilespmem:s13+$0x10];
	_ =	sdelay $0x4  }
0x108: {  	v0 =	vadd.f32 v1, v0;
	_ =	sdelay $0x1  }
0x109: {  	[tilespmem:s22+$0x10] =	vst v0  }
0x10a: {  	v0 =	vld [tilespmem:s11+$0x20]  }
0x10b: {  	v1 =	vld [tilespmem:s13+$0x20];
	_ =	sdelay $0x4  }
0x10c: {  	v0 =	vadd.f32 v1, v0;
	_ =	sdelay $0x1  }
0x10d: {  	[tilespmem:s22+$0x20] =	vst v0  }
0x10e: {  	v0 =	vld [tilespmem:s11+$0x30]  }
0x10f: {  	v1 =	vld [tilespmem:s13+$0x30];
	_ =	sdelay $0x4  }
0x110: {  	v0 =	vadd.f32 v1, v0;
	_ =	sdelay $0x1  }
0x111: {  	[tilespmem:s22+$0x30] =	vst v0  }
0x112: {  	v0 =	vld [tilespmem:s11+$0x40]  }
0x113: {  	v1 =	vld [tilespmem:s13+$0x40];
	_ =	sdelay $0x4  }
0x114: {  	v0 =	vadd.f32 v1, v0;
	_ =	sdelay $0x1  }
0x115: {  	[tilespmem:s22+$0x40] =	vst v0  }
0x116: {  	v0 =	vld [tilespmem:s11+$0x50]  }
0x117: {  	v1 =	vld [tilespmem:s13+$0x50];
	_ =	sdelay $0x4  }
0x118: {  	v0 =	vadd.f32 v1, v0;
	_ =	sdelay $0x1  }
0x119: {  	[tilespmem:s22+$0x50] =	vst v0  }
0x11a: {  	v0 =	vld [tilespmem:s11+$0x60]  }
0x11b: {  	v1 =	vld [tilespmem:s13+$0x60];
	_ =	sdelay $0x4  }
0x11c: {  	v0 =	vadd.f32 v1, v0;
	_ =	sdelay $0x1  }
0x11d: {  	[tilespmem:s22+$0x60] =	vst v0  }
0x11e: {  	v0 =	vld [tilespmem:s11+$0x70]  }
0x11f: {  	v1 =	vld [tilespmem:s13+$0x70];
	_ =	sdelay $0x4  }
0x120: {  	v0 =	vadd.f32 v1, v0;
	_ =	sdelay $0x1  }
0x121: {  	[tilespmem:s22+$0x70] =	vst v0  }
0x122: {  	v0 =	vld [tilespmem:s11+$0x80]  }
0x123: {  	v1 =	vld [tilespmem:s13+$0x80];
	_ =	sdelay $0x4  }
0x124: {  	v0 =	vadd.f32 v1, v0;
	_ =	sdelay $0x1  }
0x125: {  	[tilespmem:s22+$0x80] =	vst v0  }
0x126: {  	v0 =	vld [tilespmem:s11+$0x90]  }
0x127: {  	v1 =	vld [tilespmem:s13+$0x90];
	_ =	sdelay $0x4  }
0x128: {  	v0 =	vadd.f32 v1, v0;
	_ =	sdelay $0x1  }
0x129: {  	[tilespmem:s22+$0x90] =	vst v0  }
0x12a: {  	v0 =	vld [tilespmem:s11+$0xA0]  }
0x12b: {  	v1 =	vld [tilespmem:s13+$0xA0];
	_ =	sdelay $0x4  }
0x12c: {  	v0 =	vadd.f32 v1, v0;
	_ =	sdelay $0x1  }
0x12d: {  	[tilespmem:s22+$0xA0] =	vst v0  }
0x12e: {  	v0 =	vld [tilespmem:s11+$0xB0]  }
0x12f: {  	v1 =	vld [tilespmem:s13+$0xB0];
	_ =	sdelay $0x4  }
0x130: {  	v0 =	vadd.f32 v1, v0;
	_ =	sdelay $0x1  }
.Ltmp0:
0x131: {  	[tilespmem:s22+$0xB0] =	vst v0;
	(pc) =	sbr.rel @p1 .LBB2_3-.Ltmp0, $3  }
0x132: {  	v0 =	vld [tilespmem:s11+$0xC0]  }
0x133: {  	v1 =	vld [tilespmem:s13+$0xC0];
	_ =	sdelay $0x1  }
0x134: {  	s22 =	sadd.s32 $0x200, s22  }
0x135: {  	_ =	sdelay $0x1  }
0x136: {  	v0 =	vadd.f32 v1, v0;
	_ =	sdelay $0x1  }
0x137: {  	[tilespmem:s12+$0xC0] =	vst v0  }
0x138: {  	v0 =	vld [tilespmem:s30+$0xD0]  }
0x139: {  	v1 =	vld [tilespmem:s10+$0xD0];
	_ =	sdelay $0x4  }
0x13a: {  	v0 =	vadd.f32 v1, v0;
	_ =	sdelay $0x1  }
0x13b: {  	[tilespmem:s12+$0xD0] =	vst v0  }
0x13c: {  	v0 =	vld [tilespmem:s30+$0xE0]  }
0x13d: {  	v1 =	vld [tilespmem:s10+$0xE0];
	_ =	sdelay $0x4  }
0x13e: {  	v0 =	vadd.f32 v1, v0;
	_ =	sdelay $0x1  }
0x13f: {  	[tilespmem:s12+$0xE0] =	vst v0  }
0x140: {  	v0 =	vld [tilespmem:s30+$0xF0]  }
0x141: {  	v1 =	vld [tilespmem:s10+$0xF0];
	_ =	sdelay $0x4  }
0x142: {  	s13 =	sadd.s32 s6, s17;
	v0 =	vadd.f32 v1, v0  }
0x143: {  	s10 =	sshll.u32 s13, $0x4  }
0x144: {  	s10 =	sadd.s32 s8, s10;
	[tilespmem:s12+$0xF0] =	vst v0  }
0x145: {  	[hbm4b:s10+s5] =	stream.linear.scatter [tilespmem:s31], [sflag:$0x7], $0x2800, $0x38;
	[tilespmem:$0xF200] =	vst v63  }
0x146: {  	_ =	swait.ge [sflag:s19], $0x50  }
0x147: {  	[sflag:s19] =	ssyncset.done $0x0  }
0x148: {  	[sflag:s19] =	ssyncadd.s32 $0xFFFFFFB0  }
0x149: {  	_ =	swait.ge [sflag:s19], $0x50  }
0x14a: {  	[sflag:s19] =	ssyncset.done $0x0  }
0x14b: {  	[sflag:s19] =	ssyncadd.s32 $0xFFFFFFB0  }
0x14c: {  	_ =	swait.ge [sflag:s0], $0x2800  }
0x14d: {  	[sflag:s0] =	ssyncset.done $0x0  }
0x14e: {  	s22 =	smin.u32 s29, $0x79;
	[sflag:s0] =	ssyncadd.s32 $0xFFFFD800  }
0x14f: {  	s10 =	smul.u32 $0x50, s22;
	_ =	swait.ge [sflag:s3], $0x2800  }
0x150: {  	[sflag:s3] =	ssyncset.done $0x0  }
0x151: {  	s21 =	simm.s32 $0x200;
	s10 =	sadd.s32 s10, s15;
	[sflag:s3] =	ssyncadd.s32 $0xFFFFD800  }
0x152: {  	[tilespmem:s21], [sflag:$0x3] =	stream.indirect.gather [hbm4b:s1+s20], $0x80, s5, s20, $0xb8;
	[tilespmem:$0xF200] =	vst v63  }
0x153: {  	s11 =	simm.s32 $0x2A00;
	s10 =	sshrl.u32 s10, $0x3  }
0x154: {  	[tilespmem:s11], [sflag:$0x4] =	stream.indirect.gather [hbm4b:s2+s20], $0x80, s18, s20, $0xb8;
	[tilespmem:$0xF200] =	vst v63  }
0x155: {  	s30 =	sadd.s32 s7, s10  }
0x156: {  	[tilespmem:s23], [sflag:$0x2] =	stream.linear.gather [hbm4b:s30+s5], $0x50, $0x38;
	[tilespmem:$0xF200] =	vst v63  }
0x157: {  	s10 =	sadd.s32 s4, s10  }
0x158: {  	[tilespmem:s24], [sflag:$0x2] =	stream.linear.gather [hbm4b:s10+s5], $0x50, $0x38;
	[tilespmem:$0xF200] =	vst v63  }
0x159: {  	s10 =	simm.s32 @!p0 $0x8  }
0x15a: {  	_ =	swait.ge @!p0 [sflag:s10], $0x2800  }
0x15b: {  	[sflag:s10] =	ssyncset.done @!p0 $0x0  }
0x15c: {  	s11 =	simm.s32 $0x5300;
	[sflag:s10] =	ssyncadd.s32 @!p0 $0xFFFFD800  }
0x15d: {  	s13 =	simm.s32 $0x7B00;
	v0 =	vld [tilespmem:s11+$0xFFFFFF00]  }
0x15e: {  	v1 =	vld [tilespmem:s13+$0xFFFFFF00];
	_ =	sdelay $0x4  }
0x15f: {  	v0 =	vadd.f32 v1, v0  }
0x160: {  	s12 =	simm.s32 $0xCB00  }
0x161: {  	[tilespmem:s12+$0xFFFFFF00] =	vst v0  }
0x162: {  	v0 =	vld [tilespmem:s13+$0xFFFFFF10]  }
0x163: {  	v1 =	vld [tilespmem:s11+$0xFFFFFF10];
	_ =	sdelay $0x4  }
0x164: {  	v0 =	vadd.f32 v0, v1;
	_ =	sdelay $0x1  }
0x165: {  	[tilespmem:s12+$0xFFFFFF10] =	vst v0  }
0x166: {  	v0 =	vld [tilespmem:s11+$0xFFFFFF20]  }
0x167: {  	v1 =	vld [tilespmem:s13+$0xFFFFFF20];
	_ =	sdelay $0x4  }
0x168: {  	v0 =	vadd.f32 v1, v0;
	_ =	sdelay $0x1  }
0x169: {  	[tilespmem:s12+$0xFFFFFF20] =	vst v0  }
0x16a: {  	v0 =	vld [tilespmem:s11+$0xFFFFFF30]  }
0x16b: {  	v1 =	vld [tilespmem:s13+$0xFFFFFF30];
	_ =	sdelay $0x4  }
0x16c: {  	v0 =	vadd.f32 v1, v0;
	_ =	sdelay $0x1  }
0x16d: {  	[tilespmem:s12+$0xFFFFFF30] =	vst v0  }
0x16e: {  	v0 =	vld [tilespmem:s11+$0xFFFFFF40]  }
0x16f: {  	v1 =	vld [tilespmem:s13+$0xFFFFFF40];
	_ =	sdelay $0x4  }
0x170: {  	v0 =	vadd.f32 v1, v0;
	_ =	sdelay $0x1  }
0x171: {  	[tilespmem:s12+$0xFFFFFF40] =	vst v0  }
0x172: {  	v0 =	vld [tilespmem:s11+$0xFFFFFF50]  }
0x173: {  	v1 =	vld [tilespmem:s13+$0xFFFFFF50];
	_ =	sdelay $0x4  }
0x174: {  	v0 =	vadd.f32 v1, v0;
	_ =	sdelay $0x1  }
0x175: {  	[tilespmem:s12+$0xFFFFFF50] =	vst v0  }
0x176: {  	v0 =	vld [tilespmem:s11+$0xFFFFFF60]  }
0x177: {  	v1 =	vld [tilespmem:s13+$0xFFFFFF60];
	_ =	sdelay $0x4  }
0x178: {  	v0 =	vadd.f32 v1, v0;
	_ =	sdelay $0x1  }
0x179: {  	[tilespmem:s12+$0xFFFFFF60] =	vst v0  }
0x17a: {  	v0 =	vld [tilespmem:s11+$0xFFFFFF70]  }
0x17b: {  	v1 =	vld [tilespmem:s13+$0xFFFFFF70];
	_ =	sdelay $0x4  }
0x17c: {  	v0 =	vadd.f32 v1, v0;
	_ =	sdelay $0x1  }
0x17d: {  	[tilespmem:s12+$0xFFFFFF70] =	vst v0  }
0x17e: {  	v0 =	vld [tilespmem:s11+$0xFFFFFF80]  }
0x17f: {  	v1 =	vld [tilespmem:s13+$0xFFFFFF80];
	_ =	sdelay $0x4  }
0x180: {  	v0 =	vadd.f32 v1, v0;
	_ =	sdelay $0x1  }
0x181: {  	[tilespmem:s12+$0xFFFFFF80] =	vst v0  }
0x182: {  	v0 =	vld [tilespmem:s11+$0xFFFFFF90]  }
0x183: {  	v1 =	vld [tilespmem:s13+$0xFFFFFF90];
	_ =	sdelay $0x4  }
0x184: {  	v0 =	vadd.f32 v1, v0;
	_ =	sdelay $0x1  }
0x185: {  	[tilespmem:s12+$0xFFFFFF90] =	vst v0  }
0x186: {  	v0 =	vld [tilespmem:s11+$0xFFFFFFA0]  }
0x187: {  	v1 =	vld [tilespmem:s13+$0xFFFFFFA0];
	_ =	sdelay $0x4  }
0x188: {  	v0 =	vadd.f32 v1, v0;
	_ =	sdelay $0x1  }
0x189: {  	[tilespmem:s12+$0xFFFFFFA0] =	vst v0  }
0x18a: {  	v0 =	vld [tilespmem:s11+$0xFFFFFFB0]  }
0x18b: {  	v1 =	vld [tilespmem:s13+$0xFFFFFFB0];
	_ =	sdelay $0x4  }
0x18c: {  	v0 =	vadd.f32 v1, v0;
	_ =	sdelay $0x1  }
0x18d: {  	[tilespmem:s12+$0xFFFFFFB0] =	vst v0  }
0x18e: {  	v0 =	vld [tilespmem:s11+$0xFFFFFFC0]  }
0x18f: {  	v1 =	vld [tilespmem:s13+$0xFFFFFFC0];
	_ =	sdelay $0x4  }
0x190: {  	v0 =	vadd.f32 v1, v0;
	_ =	sdelay $0x1  }
0x191: {  	[tilespmem:s12+$0xFFFFFFC0] =	vst v0  }
0x192: {  	v0 =	vld [tilespmem:s11+$0xFFFFFFD0]  }
0x193: {  	v1 =	vld [tilespmem:s13+$0xFFFFFFD0];
	_ =	sdelay $0x4  }
0x194: {  	v0 =	vadd.f32 v1, v0;
	_ =	sdelay $0x1  }
0x195: {  	[tilespmem:s12+$0xFFFFFFD0] =	vst v0  }
0x196: {  	v0 =	vld [tilespmem:s11+$0xFFFFFFE0]  }
0x197: {  	v1 =	vld [tilespmem:s13+$0xFFFFFFE0];
	_ =	sdelay $0x4  }
0x198: {  	v0 =	vadd.f32 v1, v0;
	_ =	sdelay $0x1  }
0x199: {  	[tilespmem:s12+$0xFFFFFFE0] =	vst v0  }
0x19a: {  	v0 =	vld [tilespmem:s11+$0xFFFFFFF0]  }
0x19b: {  	v1 =	vld [tilespmem:s13+$0xFFFFFFF0];
	_ =	sdelay $0x4  }
0x19c: {  	v0 =	vadd.f32 v1, v0;
	_ =	sdelay $0x1  }
0x19d: {  	[tilespmem:s12+$0xFFFFFFF0] =	vst v0  }
0x19e: {  	v0 =	vld [tilespmem:s11+$0x0]  }
0x19f: {  	v1 =	vld [tilespmem:s13+$0x0];
	_ =	sdelay $0x4  }
0x1a0: {  	v0 =	vadd.f32 v1, v0;
	_ =	sdelay $0x1  }
0x1a1: {  	[tilespmem:s12+$0x0] =	vst v0  }
0x1a2: {  	v0 =	vld [tilespmem:s11+$0x10]  }
0x1a3: {  	v1 =	vld [tilespmem:s13+$0x10];
	_ =	sdelay $0x4  }
0x1a4: {  	v0 =	vadd.f32 v1, v0;
	_ =	sdelay $0x1  }
0x1a5: {  	[tilespmem:s12+$0x10] =	vst v0  }
0x1a6: {  	v0 =	vld [tilespmem:s11+$0x20]  }
0x1a7: {  	v1 =	vld [tilespmem:s13+$0x20];
	_ =	sdelay $0x4  }
0x1a8: {  	v0 =	vadd.f32 v1, v0;
	_ =	sdelay $0x1  }
0x1a9: {  	[tilespmem:s12+$0x20] =	vst v0  }
0x1aa: {  	v0 =	vld [tilespmem:s11+$0x30]  }
0x1ab: {  	v1 =	vld [tilespmem:s13+$0x30];
	_ =	sdelay $0x4  }
0x1ac: {  	v0 =	vadd.f32 v1, v0;
	_ =	sdelay $0x1  }
0x1ad: {  	[tilespmem:s12+$0x30] =	vst v0  }
0x1ae: {  	v0 =	vld [tilespmem:s11+$0x40]  }
0x1af: {  	v1 =	vld [tilespmem:s13+$0x40];
	_ =	sdelay $0x4  }
0x1b0: {  	v0 =	vadd.f32 v1, v0;
	_ =	sdelay $0x1  }
0x1b1: {  	[tilespmem:s12+$0x40] =	vst v0  }
0x1b2: {  	v0 =	vld [tilespmem:s11+$0x50]  }
0x1b3: {  	v1 =	vld [tilespmem:s13+$0x50];
	_ =	sdelay $0x4  }
0x1b4: {  	v0 =	vadd.f32 v1, v0;
	_ =	sdelay $0x1  }
0x1b5: {  	[tilespmem:s12+$0x50] =	vst v0  }
0x1b6: {  	v0 =	vld [tilespmem:s11+$0x60]  }
0x1b7: {  	v1 =	vld [tilespmem:s13+$0x60];
	_ =	sdelay $0x4  }
0x1b8: {  	v0 =	vadd.f32 v1, v0;
	_ =	sdelay $0x1  }
0x1b9: {  	[tilespmem:s12+$0x60] =	vst v0  }
0x1ba: {  	v0 =	vld [tilespmem:s11+$0x70]  }
0x1bb: {  	v1 =	vld [tilespmem:s13+$0x70];
	_ =	sdelay $0x4  }
0x1bc: {  	v0 =	vadd.f32 v1, v0;
	_ =	sdelay $0x1  }
0x1bd: {  	[tilespmem:s12+$0x70] =	vst v0  }
0x1be: {  	v0 =	vld [tilespmem:s11+$0x80]  }
0x1bf: {  	v1 =	vld [tilespmem:s13+$0x80];
	_ =	sdelay $0x4  }
0x1c0: {  	v0 =	vadd.f32 v1, v0;
	_ =	sdelay $0x1  }
0x1c1: {  	[tilespmem:s12+$0x80] =	vst v0  }
0x1c2: {  	v0 =	vld [tilespmem:s11+$0x90]  }
0x1c3: {  	v1 =	vld [tilespmem:s13+$0x90];
	_ =	sdelay $0x4  }
0x1c4: {  	v0 =	vadd.f32 v1, v0;
	_ =	sdelay $0x1  }
0x1c5: {  	[tilespmem:s12+$0x90] =	vst v0  }
0x1c6: {  	v0 =	vld [tilespmem:s11+$0xA0]  }
0x1c7: {  	v1 =	vld [tilespmem:s13+$0xA0];
	_ =	sdelay $0x4  }
0x1c8: {  	v0 =	vadd.f32 v1, v0;
	_ =	sdelay $0x1  }
0x1c9: {  	[tilespmem:s12+$0xA0] =	vst v0  }
0x1ca: {  	v0 =	vld [tilespmem:s11+$0xB0]  }
0x1cb: {  	v1 =	vld [tilespmem:s13+$0xB0];
	_ =	sdelay $0x4  }
0x1cc: {  	v0 =	vadd.f32 v1, v0;
	_ =	sdelay $0x1  }
0x1cd: {  	[tilespmem:s12+$0xB0] =	vst v0  }
0x1ce: {  	v0 =	vld [tilespmem:s11+$0xC0]  }
0x1cf: {  	v1 =	vld [tilespmem:s13+$0xC0]  }
0x1d0: {  	s29 =	simm.s32 $0x7B00  }
0x1d1: {  	s22 =	simm.s32 $0xCD00;
	s21 =	simm.s32 $0x0;
	s10 =	simm.s32 $0x5300  }
.LBB2_5:
0x1d2: {  	s21 =	sadd.s32 $0x4, s21;
	s11 =	sadd.s32 $0x200, s11;
	s13 =	sadd.s32 $0x200, s13  }
0x1d3: {  	p0 =	slt.u32 s21, $0x4C  }
0x1d4: {  	v0 =	vadd.f32 v1, v0;
	_ =	sdelay $0x1  }
0x1d5: {  	[tilespmem:s12+$0xC0] =	vst v0  }
0x1d6: {  	v0 =	vld [tilespmem:s10+$0xD0]  }
0x1d7: {  	v1 =	vld [tilespmem:s29+$0xD0];
	_ =	sdelay $0x4  }
0x1d8: {  	v0 =	vadd.f32 v1, v0;
	_ =	sdelay $0x1  }
0x1d9: {  	[tilespmem:s12+$0xD0] =	vst v0  }
0x1da: {  	v0 =	vld [tilespmem:s10+$0xE0]  }
0x1db: {  	v1 =	vld [tilespmem:s29+$0xE0];
	_ =	sdelay $0x4  }
0x1dc: {  	v0 =	vadd.f32 v1, v0;
	_ =	sdelay $0x1  }
0x1dd: {  	[tilespmem:s12+$0xE0] =	vst v0  }
0x1de: {  	v0 =	vld [tilespmem:s10+$0xF0];
	s10 =	smov.u32 s11  }
0x1df: {  	v1 =	vld [tilespmem:s29+$0xF0];
	s29 =	smov.u32 s13;
	_ =	sdelay $0x4  }
0x1e0: {  	v0 =	vadd.f32 v1, v0;
	_ =	sdelay $0x1  }
0x1e1: {  	[tilespmem:s12+$0xF0] =	vst v0;
	s12 =	smov.u32 s22  }
0x1e2: {  	v0 =	vld [tilespmem:s11+$0xFFFFFF00]  }
0x1e3: {  	v1 =	vld [tilespmem:s13+$0xFFFFFF00];
	_ =	sdelay $0x4  }
0x1e4: {  	v0 =	vadd.f32 v1, v0;
	_ =	sdelay $0x1  }
0x1e5: {  	[tilespmem:s22+$0xFFFFFF00] =	vst v0  }
0x1e6: {  	v0 =	vld [tilespmem:s13+$0xFFFFFF10]  }
0x1e7: {  	v1 =	vld [tilespmem:s11+$0xFFFFFF10];
	_ =	sdelay $0x4  }
0x1e8: {  	v0 =	vadd.f32 v0, v1;
	_ =	sdelay $0x1  }
0x1e9: {  	[tilespmem:s22+$0xFFFFFF10] =	vst v0  }
0x1ea: {  	v0 =	vld [tilespmem:s11+$0xFFFFFF20]  }
0x1eb: {  	v1 =	vld [tilespmem:s13+$0xFFFFFF20];
	_ =	sdelay $0x4  }
0x1ec: {  	v0 =	vadd.f32 v1, v0;
	_ =	sdelay $0x1  }
0x1ed: {  	[tilespmem:s22+$0xFFFFFF20] =	vst v0  }
0x1ee: {  	v0 =	vld [tilespmem:s11+$0xFFFFFF30]  }
0x1ef: {  	v1 =	vld [tilespmem:s13+$0xFFFFFF30];
	_ =	sdelay $0x4  }
0x1f0: {  	v0 =	vadd.f32 v1, v0;
	_ =	sdelay $0x1  }
0x1f1: {  	[tilespmem:s22+$0xFFFFFF30] =	vst v0  }
0x1f2: {  	v0 =	vld [tilespmem:s11+$0xFFFFFF40]  }
0x1f3: {  	v1 =	vld [tilespmem:s13+$0xFFFFFF40];
	_ =	sdelay $0x4  }
0x1f4: {  	v0 =	vadd.f32 v1, v0;
	_ =	sdelay $0x1  }
0x1f5: {  	[tilespmem:s22+$0xFFFFFF40] =	vst v0  }
0x1f6: {  	v0 =	vld [tilespmem:s11+$0xFFFFFF50]  }
0x1f7: {  	v1 =	vld [tilespmem:s13+$0xFFFFFF50];
	_ =	sdelay $0x4  }
0x1f8: {  	v0 =	vadd.f32 v1, v0;
	_ =	sdelay $0x1  }
0x1f9: {  	[tilespmem:s22+$0xFFFFFF50] =	vst v0  }
0x1fa: {  	v0 =	vld [tilespmem:s11+$0xFFFFFF60]  }
0x1fb: {  	v1 =	vld [tilespmem:s13+$0xFFFFFF60];
	_ =	sdelay $0x4  }
0x1fc: {  	v0 =	vadd.f32 v1, v0;
	_ =	sdelay $0x1  }
0x1fd: {  	[tilespmem:s22+$0xFFFFFF60] =	vst v0  }
0x1fe: {  	v0 =	vld [tilespmem:s11+$0xFFFFFF70]  }
0x1ff: {  	v1 =	vld [tilespmem:s13+$0xFFFFFF70];
	_ =	sdelay $0x4  }
0x200: {  	v0 =	vadd.f32 v1, v0;
	_ =	sdelay $0x1  }
0x201: {  	[tilespmem:s22+$0xFFFFFF70] =	vst v0  }
0x202: {  	v0 =	vld [tilespmem:s11+$0xFFFFFF80]  }
0x203: {  	v1 =	vld [tilespmem:s13+$0xFFFFFF80];
	_ =	sdelay $0x4  }
0x204: {  	v0 =	vadd.f32 v1, v0;
	_ =	sdelay $0x1  }
0x205: {  	[tilespmem:s22+$0xFFFFFF80] =	vst v0  }
0x206: {  	v0 =	vld [tilespmem:s11+$0xFFFFFF90]  }
0x207: {  	v1 =	vld [tilespmem:s13+$0xFFFFFF90];
	_ =	sdelay $0x4  }
0x208: {  	v0 =	vadd.f32 v1, v0;
	_ =	sdelay $0x1  }
0x209: {  	[tilespmem:s22+$0xFFFFFF90] =	vst v0  }
0x20a: {  	v0 =	vld [tilespmem:s11+$0xFFFFFFA0]  }
0x20b: {  	v1 =	vld [tilespmem:s13+$0xFFFFFFA0];
	_ =	sdelay $0x4  }
0x20c: {  	v0 =	vadd.f32 v1, v0;
	_ =	sdelay $0x1  }
0x20d: {  	[tilespmem:s22+$0xFFFFFFA0] =	vst v0  }
0x20e: {  	v0 =	vld [tilespmem:s11+$0xFFFFFFB0]  }
0x20f: {  	v1 =	vld [tilespmem:s13+$0xFFFFFFB0];
	_ =	sdelay $0x4  }
0x210: {  	v0 =	vadd.f32 v1, v0;
	_ =	sdelay $0x1  }
0x211: {  	[tilespmem:s22+$0xFFFFFFB0] =	vst v0  }
0x212: {  	v0 =	vld [tilespmem:s11+$0xFFFFFFC0]  }
0x213: {  	v1 =	vld [tilespmem:s13+$0xFFFFFFC0];
	_ =	sdelay $0x4  }
0x214: {  	v0 =	vadd.f32 v1, v0;
	_ =	sdelay $0x1  }
0x215: {  	[tilespmem:s22+$0xFFFFFFC0] =	vst v0  }
0x216: {  	v0 =	vld [tilespmem:s11+$0xFFFFFFD0]  }
0x217: {  	v1 =	vld [tilespmem:s13+$0xFFFFFFD0];
	_ =	sdelay $0x4  }
0x218: {  	v0 =	vadd.f32 v1, v0;
	_ =	sdelay $0x1  }
0x219: {  	[tilespmem:s22+$0xFFFFFFD0] =	vst v0  }
0x21a: {  	v0 =	vld [tilespmem:s11+$0xFFFFFFE0]  }
0x21b: {  	v1 =	vld [tilespmem:s13+$0xFFFFFFE0];
	_ =	sdelay $0x4  }
0x21c: {  	v0 =	vadd.f32 v1, v0;
	_ =	sdelay $0x1  }
0x21d: {  	[tilespmem:s22+$0xFFFFFFE0] =	vst v0  }
0x21e: {  	v0 =	vld [tilespmem:s11+$0xFFFFFFF0]  }
0x21f: {  	v1 =	vld [tilespmem:s13+$0xFFFFFFF0];
	_ =	sdelay $0x4  }
0x220: {  	v0 =	vadd.f32 v1, v0;
	_ =	sdelay $0x1  }
0x221: {  	[tilespmem:s22+$0xFFFFFFF0] =	vst v0  }
0x222: {  	v0 =	vld [tilespmem:s11+$0x0]  }
0x223: {  	v1 =	vld [tilespmem:s13+$0x0];
	_ =	sdelay $0x4  }
0x224: {  	v0 =	vadd.f32 v1, v0;
	_ =	sdelay $0x1  }
0x225: {  	[tilespmem:s22+$0x0] =	vst v0  }
0x226: {  	v0 =	vld [tilespmem:s11+$0x10]  }
0x227: {  	v1 =	vld [tilespmem:s13+$0x10];
	_ =	sdelay $0x4  }
0x228: {  	v0 =	vadd.f32 v1, v0;
	_ =	sdelay $0x1  }
0x229: {  	[tilespmem:s22+$0x10] =	vst v0  }
0x22a: {  	v0 =	vld [tilespmem:s11+$0x20]  }
0x22b: {  	v1 =	vld [tilespmem:s13+$0x20];
	_ =	sdelay $0x4  }
0x22c: {  	v0 =	vadd.f32 v1, v0;
	_ =	sdelay $0x1  }
0x22d: {  	[tilespmem:s22+$0x20] =	vst v0  }
0x22e: {  	v0 =	vld [tilespmem:s11+$0x30]  }
0x22f: {  	v1 =	vld [tilespmem:s13+$0x30];
	_ =	sdelay $0x4  }
0x230: {  	v0 =	vadd.f32 v1, v0;
	_ =	sdelay $0x1  }
0x231: {  	[tilespmem:s22+$0x30] =	vst v0  }
0x232: {  	v0 =	vld [tilespmem:s11+$0x40]  }
0x233: {  	v1 =	vld [tilespmem:s13+$0x40];
	_ =	sdelay $0x4  }
0x234: {  	v0 =	vadd.f32 v1, v0;
	_ =	sdelay $0x1  }
0x235: {  	[tilespmem:s22+$0x40] =	vst v0  }
0x236: {  	v0 =	vld [tilespmem:s11+$0x50]  }
0x237: {  	v1 =	vld [tilespmem:s13+$0x50];
	_ =	sdelay $0x4  }
0x238: {  	v0 =	vadd.f32 v1, v0;
	_ =	sdelay $0x1  }
0x239: {  	[tilespmem:s22+$0x50] =	vst v0  }
0x23a: {  	v0 =	vld [tilespmem:s11+$0x60]  }
0x23b: {  	v1 =	vld [tilespmem:s13+$0x60];
	_ =	sdelay $0x4  }
0x23c: {  	v0 =	vadd.f32 v1, v0;
	_ =	sdelay $0x1  }
0x23d: {  	[tilespmem:s22+$0x60] =	vst v0  }
0x23e: {  	v0 =	vld [tilespmem:s11+$0x70]  }
0x23f: {  	v1 =	vld [tilespmem:s13+$0x70];
	_ =	sdelay $0x4  }
0x240: {  	v0 =	vadd.f32 v1, v0;
	_ =	sdelay $0x1  }
0x241: {  	[tilespmem:s22+$0x70] =	vst v0  }
0x242: {  	v0 =	vld [tilespmem:s11+$0x80]  }
0x243: {  	v1 =	vld [tilespmem:s13+$0x80];
	_ =	sdelay $0x4  }
0x244: {  	v0 =	vadd.f32 v1, v0;
	_ =	sdelay $0x1  }
0x245: {  	[tilespmem:s22+$0x80] =	vst v0  }
0x246: {  	v0 =	vld [tilespmem:s11+$0x90]  }
0x247: {  	v1 =	vld [tilespmem:s13+$0x90];
	_ =	sdelay $0x4  }
0x248: {  	v0 =	vadd.f32 v1, v0;
	_ =	sdelay $0x1  }
0x249: {  	[tilespmem:s22+$0x90] =	vst v0  }
0x24a: {  	v0 =	vld [tilespmem:s11+$0xA0]  }
0x24b: {  	v1 =	vld [tilespmem:s13+$0xA0];
	_ =	sdelay $0x4  }
0x24c: {  	v0 =	vadd.f32 v1, v0;
	_ =	sdelay $0x1  }
0x24d: {  	[tilespmem:s22+$0xA0] =	vst v0  }
0x24e: {  	v0 =	vld [tilespmem:s11+$0xB0]  }
0x24f: {  	v1 =	vld [tilespmem:s13+$0xB0];
	_ =	sdelay $0x4  }
0x250: {  	v0 =	vadd.f32 v1, v0;
	_ =	sdelay $0x1  }
.Ltmp1:
0x251: {  	[tilespmem:s22+$0xB0] =	vst v0;
	(pc) =	sbr.rel @p0 .LBB2_5-.Ltmp1, $3  }
0x252: {  	v0 =	vld [tilespmem:s11+$0xC0]  }
0x253: {  	v1 =	vld [tilespmem:s13+$0xC0];
	_ =	sdelay $0x1  }
0x254: {  	s22 =	sadd.s32 $0x200, s22  }
0x255: {  	_ =	sdelay $0x1  }
0x256: {  	v0 =	vadd.f32 v1, v0;
	_ =	sdelay $0x1  }
0x257: {  	[tilespmem:s12+$0xC0] =	vst v0  }
0x258: {  	v0 =	vld [tilespmem:s10+$0xD0]  }
0x259: {  	v61 =	vld [tilespmem:s29+$0xD0];
	_ =	sdelay $0x4  }
0x25a: {  	v0 =	vadd.f32 v61, v0;
	_ =	sdelay $0x1  }
0x25b: {  	[tilespmem:s12+$0xD0] =	vst v0  }
0x25c: {  	v0 =	vld [tilespmem:s10+$0xE0]  }
0x25d: {  	v62 =	vld [tilespmem:s29+$0xE0];
	_ =	sdelay $0x4  }
0x25e: {  	v0 =	vadd.f32 v62, v0;
	_ =	sdelay $0x1  }
0x25f: {  	[tilespmem:s12+$0xE0] =	vst v0  }
0x260: {  	v0 =	vld [tilespmem:s10+$0xF0]  }
0x261: {  	v63 =	vld [tilespmem:s29+$0xF0];
	_ =	sdelay $0x1  }
0x262: {  	s16 =	sadd.s32 $0x1, s16  }
0x263: {  	p0 =	sne.s32 s16, $0x3E  }
.Ltmp2:
0x264: {  	_ = 	snop;
	(pc) =	sbr.rel @p0 .LBB2_2-.Ltmp2, $4  }
0x265: {  	s30 =	sadd.s32 s17, s9;
	v0 =	vadd.f32 v63, v0  }
0x266: {  	s10 =	sshll.u32 s30, $0x4  }
0x267: {  	s11 =	simm.s32 $0xCA00;
	s10 =	sadd.s32 s8, s10;
	[tilespmem:s12+$0xF0] =	vst v0  }
0x268: {  	[hbm4b:s10+s5] =	stream.linear.scatter [tilespmem:s11], [sflag:$0x8], $0x2800, $0x38;
	[tilespmem:$0xF200] =	vst v63  }
0x269: {  	_ =	swait.ge [sflag:s26], $0x2800  }
0x26a: {  	[sflag:s26] =	ssyncset.done $0x0  }
0x26b: {  	[sflag:s26] =	ssyncadd.s32 $0xFFFFD800  }
0x26c: {  	_ =	swait.ge [sflag:s28], $0x2800  }
0x26d: {  	[sflag:s28] =	ssyncset.done $0x0  }
0x26e: {  	[sflag:s28] =	ssyncadd.s32 $0xFFFFD800  }
0x26f: {  	_ =	swait.ge [sflag:s25], $0x50  }
0x270: {  	[sflag:s25] =	ssyncset.done $0x0  }
0x271: {  	[sflag:s25] =	ssyncadd.s32 $0xFFFFFFB0  }
0x272: {  	_ =	swait.ge [sflag:s25], $0x50  }
0x273: {  	[sflag:s25] =	ssyncset.done $0x0  }
0x274: {  	s22 =	simm.s32 $0x7;
	[sflag:s25] =	ssyncadd.s32 $0xFFFFFFB0  }
0x275: {  	_ =	swait.ge [sflag:s22], $0x2800  }
0x276: {  	[sflag:s22] =	ssyncset.done $0x0  }
0x277: {  	s11 =	simm.s32 $0x300;
	[sflag:s22] =	ssyncadd.s32 $0xFFFFD800  }
0x278: {  	s13 =	simm.s32 $0x2B00;
	v0 =	vld [tilespmem:s11+$0xFFFFFF00]  }
0x279: {  	v1 =	vld [tilespmem:s13+$0xFFFFFF00];
	_ =	sdelay $0x4  }
0x27a: {  	v0 =	vadd.f32 v1, v0  }
0x27b: {  	s12 =	simm.s32 $0xA300  }
0x27c: {  	[tilespmem:s12+$0xFFFFFF00] =	vst v0  }
0x27d: {  	v0 =	vld [tilespmem:s13+$0xFFFFFF10]  }
0x27e: {  	v1 =	vld [tilespmem:s11+$0xFFFFFF10];
	_ =	sdelay $0x4  }
0x27f: {  	v0 =	vadd.f32 v0, v1;
	_ =	sdelay $0x1  }
0x280: {  	[tilespmem:s12+$0xFFFFFF10] =	vst v0  }
0x281: {  	v0 =	vld [tilespmem:s11+$0xFFFFFF20]  }
0x282: {  	v1 =	vld [tilespmem:s13+$0xFFFFFF20];
	_ =	sdelay $0x4  }
0x283: {  	v0 =	vadd.f32 v1, v0;
	_ =	sdelay $0x1  }
0x284: {  	[tilespmem:s12+$0xFFFFFF20] =	vst v0  }
0x285: {  	v0 =	vld [tilespmem:s11+$0xFFFFFF30]  }
0x286: {  	v1 =	vld [tilespmem:s13+$0xFFFFFF30];
	_ =	sdelay $0x4  }
0x287: {  	v0 =	vadd.f32 v1, v0;
	_ =	sdelay $0x1  }
0x288: {  	[tilespmem:s12+$0xFFFFFF30] =	vst v0  }
0x289: {  	v0 =	vld [tilespmem:s11+$0xFFFFFF40]  }
0x28a: {  	v1 =	vld [tilespmem:s13+$0xFFFFFF40];
	_ =	sdelay $0x4  }
0x28b: {  	v0 =	vadd.f32 v1, v0;
	_ =	sdelay $0x1  }
0x28c: {  	[tilespmem:s12+$0xFFFFFF40] =	vst v0  }
0x28d: {  	v0 =	vld [tilespmem:s11+$0xFFFFFF50]  }
0x28e: {  	v1 =	vld [tilespmem:s13+$0xFFFFFF50];
	_ =	sdelay $0x4  }
0x28f: {  	v0 =	vadd.f32 v1, v0;
	_ =	sdelay $0x1  }
0x290: {  	[tilespmem:s12+$0xFFFFFF50] =	vst v0  }
0x291: {  	v0 =	vld [tilespmem:s11+$0xFFFFFF60]  }
0x292: {  	v1 =	vld [tilespmem:s13+$0xFFFFFF60];
	_ =	sdelay $0x4  }
0x293: {  	v0 =	vadd.f32 v1, v0;
	_ =	sdelay $0x1  }
0x294: {  	[tilespmem:s12+$0xFFFFFF60] =	vst v0  }
0x295: {  	v0 =	vld [tilespmem:s11+$0xFFFFFF70]  }
0x296: {  	v1 =	vld [tilespmem:s13+$0xFFFFFF70];
	_ =	sdelay $0x4  }
0x297: {  	v0 =	vadd.f32 v1, v0;
	_ =	sdelay $0x1  }
0x298: {  	[tilespmem:s12+$0xFFFFFF70] =	vst v0  }
0x299: {  	v0 =	vld [tilespmem:s11+$0xFFFFFF80]  }
0x29a: {  	v1 =	vld [tilespmem:s13+$0xFFFFFF80];
	_ =	sdelay $0x4  }
0x29b: {  	v0 =	vadd.f32 v1, v0;
	_ =	sdelay $0x1  }
0x29c: {  	[tilespmem:s12+$0xFFFFFF80] =	vst v0  }
0x29d: {  	v0 =	vld [tilespmem:s11+$0xFFFFFF90]  }
0x29e: {  	v1 =	vld [tilespmem:s13+$0xFFFFFF90];
	_ =	sdelay $0x4  }
0x29f: {  	v0 =	vadd.f32 v1, v0;
	_ =	sdelay $0x1  }
0x2a0: {  	[tilespmem:s12+$0xFFFFFF90] =	vst v0  }
0x2a1: {  	v0 =	vld [tilespmem:s11+$0xFFFFFFA0]  }
0x2a2: {  	v1 =	vld [tilespmem:s13+$0xFFFFFFA0];
	_ =	sdelay $0x4  }
0x2a3: {  	v0 =	vadd.f32 v1, v0;
	_ =	sdelay $0x1  }
0x2a4: {  	[tilespmem:s12+$0xFFFFFFA0] =	vst v0  }
0x2a5: {  	v0 =	vld [tilespmem:s11+$0xFFFFFFB0]  }
0x2a6: {  	v1 =	vld [tilespmem:s13+$0xFFFFFFB0];
	_ =	sdelay $0x4  }
0x2a7: {  	v0 =	vadd.f32 v1, v0;
	_ =	sdelay $0x1  }
0x2a8: {  	[tilespmem:s12+$0xFFFFFFB0] =	vst v0  }
0x2a9: {  	v0 =	vld [tilespmem:s11+$0xFFFFFFC0]  }
0x2aa: {  	v1 =	vld [tilespmem:s13+$0xFFFFFFC0];
	_ =	sdelay $0x4  }
0x2ab: {  	v0 =	vadd.f32 v1, v0;
	_ =	sdelay $0x1  }
0x2ac: {  	[tilespmem:s12+$0xFFFFFFC0] =	vst v0  }
0x2ad: {  	v0 =	vld [tilespmem:s11+$0xFFFFFFD0]  }
0x2ae: {  	v1 =	vld [tilespmem:s13+$0xFFFFFFD0];
	_ =	sdelay $0x4  }
0x2af: {  	v0 =	vadd.f32 v1, v0;
	_ =	sdelay $0x1  }
0x2b0: {  	[tilespmem:s12+$0xFFFFFFD0] =	vst v0  }
0x2b1: {  	v0 =	vld [tilespmem:s11+$0xFFFFFFE0]  }
0x2b2: {  	v1 =	vld [tilespmem:s13+$0xFFFFFFE0];
	_ =	sdelay $0x4  }
0x2b3: {  	v0 =	vadd.f32 v1, v0;
	_ =	sdelay $0x1  }
0x2b4: {  	[tilespmem:s12+$0xFFFFFFE0] =	vst v0  }
0x2b5: {  	v0 =	vld [tilespmem:s11+$0xFFFFFFF0]  }
0x2b6: {  	v1 =	vld [tilespmem:s13+$0xFFFFFFF0];
	_ =	sdelay $0x4  }
0x2b7: {  	v0 =	vadd.f32 v1, v0;
	_ =	sdelay $0x1  }
0x2b8: {  	[tilespmem:s12+$0xFFFFFFF0] =	vst v0  }
0x2b9: {  	v0 =	vld [tilespmem:s11+$0x0]  }
0x2ba: {  	v1 =	vld [tilespmem:s13+$0x0];
	_ =	sdelay $0x4  }
0x2bb: {  	v0 =	vadd.f32 v1, v0;
	_ =	sdelay $0x1  }
0x2bc: {  	[tilespmem:s12+$0x0] =	vst v0  }
0x2bd: {  	v0 =	vld [tilespmem:s11+$0x10]  }
0x2be: {  	v1 =	vld [tilespmem:s13+$0x10];
	_ =	sdelay $0x4  }
0x2bf: {  	v0 =	vadd.f32 v1, v0;
	_ =	sdelay $0x1  }
0x2c0: {  	[tilespmem:s12+$0x10] =	vst v0  }
0x2c1: {  	v0 =	vld [tilespmem:s11+$0x20]  }
0x2c2: {  	v1 =	vld [tilespmem:s13+$0x20];
	_ =	sdelay $0x4  }
0x2c3: {  	v0 =	vadd.f32 v1, v0;
	_ =	sdelay $0x1  }
0x2c4: {  	[tilespmem:s12+$0x20] =	vst v0  }
0x2c5: {  	v0 =	vld [tilespmem:s11+$0x30]  }
0x2c6: {  	v1 =	vld [tilespmem:s13+$0x30];
	_ =	sdelay $0x4  }
0x2c7: {  	v0 =	vadd.f32 v1, v0;
	_ =	sdelay $0x1  }
0x2c8: {  	[tilespmem:s12+$0x30] =	vst v0  }
0x2c9: {  	v0 =	vld [tilespmem:s11+$0x40]  }
0x2ca: {  	v1 =	vld [tilespmem:s13+$0x40];
	_ =	sdelay $0x4  }
0x2cb: {  	v0 =	vadd.f32 v1, v0;
	_ =	sdelay $0x1  }
0x2cc: {  	[tilespmem:s12+$0x40] =	vst v0  }
0x2cd: {  	v0 =	vld [tilespmem:s11+$0x50]  }
0x2ce: {  	v1 =	vld [tilespmem:s13+$0x50];
	_ =	sdelay $0x4  }
0x2cf: {  	v0 =	vadd.f32 v1, v0;
	_ =	sdelay $0x1  }
0x2d0: {  	[tilespmem:s12+$0x50] =	vst v0  }
0x2d1: {  	v0 =	vld [tilespmem:s11+$0x60]  }
0x2d2: {  	v1 =	vld [tilespmem:s13+$0x60];
	_ =	sdelay $0x4  }
0x2d3: {  	v0 =	vadd.f32 v1, v0;
	_ =	sdelay $0x1  }
0x2d4: {  	[tilespmem:s12+$0x60] =	vst v0  }
0x2d5: {  	v0 =	vld [tilespmem:s11+$0x70]  }
0x2d6: {  	v1 =	vld [tilespmem:s13+$0x70];
	_ =	sdelay $0x4  }
0x2d7: {  	v0 =	vadd.f32 v1, v0;
	_ =	sdelay $0x1  }
0x2d8: {  	[tilespmem:s12+$0x70] =	vst v0  }
0x2d9: {  	v0 =	vld [tilespmem:s11+$0x80]  }
0x2da: {  	v1 =	vld [tilespmem:s13+$0x80];
	_ =	sdelay $0x4  }
0x2db: {  	v0 =	vadd.f32 v1, v0;
	_ =	sdelay $0x1  }
0x2dc: {  	[tilespmem:s12+$0x80] =	vst v0  }
0x2dd: {  	v0 =	vld [tilespmem:s11+$0x90]  }
0x2de: {  	v1 =	vld [tilespmem:s13+$0x90];
	_ =	sdelay $0x4  }
0x2df: {  	v0 =	vadd.f32 v1, v0;
	_ =	sdelay $0x1  }
0x2e0: {  	[tilespmem:s12+$0x90] =	vst v0  }
0x2e1: {  	v0 =	vld [tilespmem:s11+$0xA0]  }
0x2e2: {  	v1 =	vld [tilespmem:s13+$0xA0];
	_ =	sdelay $0x4  }
0x2e3: {  	v0 =	vadd.f32 v1, v0;
	_ =	sdelay $0x1  }
0x2e4: {  	[tilespmem:s12+$0xA0] =	vst v0  }
0x2e5: {  	v0 =	vld [tilespmem:s11+$0xB0]  }
0x2e6: {  	v1 =	vld [tilespmem:s13+$0xB0];
	_ =	sdelay $0x4  }
0x2e7: {  	v0 =	vadd.f32 v1, v0;
	_ =	sdelay $0x1  }
0x2e8: {  	[tilespmem:s12+$0xB0] =	vst v0  }
0x2e9: {  	v0 =	vld [tilespmem:s11+$0xC0]  }
0x2ea: {  	v1 =	vld [tilespmem:s13+$0xC0]  }
0x2eb: {  	s17 =	simm.s32 $0x0  }
0x2ec: {  	s21 =	simm.s32 $0xA500;
	s10 =	simm.s32 $0x300;
	s16 =	simm.s32 $0x2B00  }
.LBB2_8:
0x2ed: {  	s17 =	sadd.s32 $0x4, s17;
	s11 =	sadd.s32 $0x200, s11;
	s13 =	sadd.s32 $0x200, s13  }
0x2ee: {  	p0 =	slt.u32 s17, $0x4C  }
0x2ef: {  	v0 =	vadd.f32 v1, v0;
	_ =	sdelay $0x1  }
0x2f0: {  	[tilespmem:s12+$0xC0] =	vst v0  }
0x2f1: {  	v0 =	vld [tilespmem:s10+$0xD0]  }
0x2f2: {  	v1 =	vld [tilespmem:s16+$0xD0];
	_ =	sdelay $0x4  }
0x2f3: {  	v0 =	vadd.f32 v1, v0;
	_ =	sdelay $0x1  }
0x2f4: {  	[tilespmem:s12+$0xD0] =	vst v0  }
0x2f5: {  	v0 =	vld [tilespmem:s10+$0xE0]  }
0x2f6: {  	v1 =	vld [tilespmem:s16+$0xE0];
	_ =	sdelay $0x4  }
0x2f7: {  	v0 =	vadd.f32 v1, v0;
	_ =	sdelay $0x1  }
0x2f8: {  	[tilespmem:s12+$0xE0] =	vst v0  }
0x2f9: {  	v0 =	vld [tilespmem:s10+$0xF0];
	s10 =	smov.u32 s11  }
0x2fa: {  	v1 =	vld [tilespmem:s16+$0xF0];
	s16 =	smov.u32 s13;
	_ =	sdelay $0x4  }
0x2fb: {  	v0 =	vadd.f32 v1, v0;
	_ =	sdelay $0x1  }
0x2fc: {  	[tilespmem:s12+$0xF0] =	vst v0;
	s12 =	smov.u32 s21  }
0x2fd: {  	v0 =	vld [tilespmem:s11+$0xFFFFFF00]  }
0x2fe: {  	v1 =	vld [tilespmem:s13+$0xFFFFFF00];
	_ =	sdelay $0x4  }
0x2ff: {  	v0 =	vadd.f32 v1, v0;
	_ =	sdelay $0x1  }
0x300: {  	[tilespmem:s21+$0xFFFFFF00] =	vst v0  }
0x301: {  	v0 =	vld [tilespmem:s13+$0xFFFFFF10]  }
0x302: {  	v1 =	vld [tilespmem:s11+$0xFFFFFF10];
	_ =	sdelay $0x4  }
0x303: {  	v0 =	vadd.f32 v0, v1;
	_ =	sdelay $0x1  }
0x304: {  	[tilespmem:s21+$0xFFFFFF10] =	vst v0  }
0x305: {  	v0 =	vld [tilespmem:s11+$0xFFFFFF20]  }
0x306: {  	v1 =	vld [tilespmem:s13+$0xFFFFFF20];
	_ =	sdelay $0x4  }
0x307: {  	v0 =	vadd.f32 v1, v0;
	_ =	sdelay $0x1  }
0x308: {  	[tilespmem:s21+$0xFFFFFF20] =	vst v0  }
0x309: {  	v0 =	vld [tilespmem:s11+$0xFFFFFF30]  }
0x30a: {  	v1 =	vld [tilespmem:s13+$0xFFFFFF30];
	_ =	sdelay $0x4  }
0x30b: {  	v0 =	vadd.f32 v1, v0;
	_ =	sdelay $0x1  }
0x30c: {  	[tilespmem:s21+$0xFFFFFF30] =	vst v0  }
0x30d: {  	v0 =	vld [tilespmem:s11+$0xFFFFFF40]  }
0x30e: {  	v1 =	vld [tilespmem:s13+$0xFFFFFF40];
	_ =	sdelay $0x4  }
0x30f: {  	v0 =	vadd.f32 v1, v0;
	_ =	sdelay $0x1  }
0x310: {  	[tilespmem:s21+$0xFFFFFF40] =	vst v0  }
0x311: {  	v0 =	vld [tilespmem:s11+$0xFFFFFF50]  }
0x312: {  	v1 =	vld [tilespmem:s13+$0xFFFFFF50];
	_ =	sdelay $0x4  }
0x313: {  	v0 =	vadd.f32 v1, v0;
	_ =	sdelay $0x1  }
0x314: {  	[tilespmem:s21+$0xFFFFFF50] =	vst v0  }
0x315: {  	v0 =	vld [tilespmem:s11+$0xFFFFFF60]  }
0x316: {  	v1 =	vld [tilespmem:s13+$0xFFFFFF60];
	_ =	sdelay $0x4  }
0x317: {  	v0 =	vadd.f32 v1, v0;
	_ =	sdelay $0x1  }
0x318: {  	[tilespmem:s21+$0xFFFFFF60] =	vst v0  }
0x319: {  	v0 =	vld [tilespmem:s11+$0xFFFFFF70]  }
0x31a: {  	v1 =	vld [tilespmem:s13+$0xFFFFFF70];
	_ =	sdelay $0x4  }
0x31b: {  	v0 =	vadd.f32 v1, v0;
	_ =	sdelay $0x1  }
0x31c: {  	[tilespmem:s21+$0xFFFFFF70] =	vst v0  }
0x31d: {  	v0 =	vld [tilespmem:s11+$0xFFFFFF80]  }
0x31e: {  	v1 =	vld [tilespmem:s13+$0xFFFFFF80];
	_ =	sdelay $0x4  }
0x31f: {  	v0 =	vadd.f32 v1, v0;
	_ =	sdelay $0x1  }
0x320: {  	[tilespmem:s21+$0xFFFFFF80] =	vst v0  }
0x321: {  	v0 =	vld [tilespmem:s11+$0xFFFFFF90]  }
0x322: {  	v1 =	vld [tilespmem:s13+$0xFFFFFF90];
	_ =	sdelay $0x4  }
0x323: {  	v0 =	vadd.f32 v1, v0;
	_ =	sdelay $0x1  }
0x324: {  	[tilespmem:s21+$0xFFFFFF90] =	vst v0  }
0x325: {  	v0 =	vld [tilespmem:s11+$0xFFFFFFA0]  }
0x326: {  	v1 =	vld [tilespmem:s13+$0xFFFFFFA0];
	_ =	sdelay $0x4  }
0x327: {  	v0 =	vadd.f32 v1, v0;
	_ =	sdelay $0x1  }
0x328: {  	[tilespmem:s21+$0xFFFFFFA0] =	vst v0  }
0x329: {  	v0 =	vld [tilespmem:s11+$0xFFFFFFB0]  }
0x32a: {  	v1 =	vld [tilespmem:s13+$0xFFFFFFB0];
	_ =	sdelay $0x4  }
0x32b: {  	v0 =	vadd.f32 v1, v0;
	_ =	sdelay $0x1  }
0x32c: {  	[tilespmem:s21+$0xFFFFFFB0] =	vst v0  }
0x32d: {  	v0 =	vld [tilespmem:s11+$0xFFFFFFC0]  }
0x32e: {  	v1 =	vld [tilespmem:s13+$0xFFFFFFC0];
	_ =	sdelay $0x4  }
0x32f: {  	v0 =	vadd.f32 v1, v0;
	_ =	sdelay $0x1  }
0x330: {  	[tilespmem:s21+$0xFFFFFFC0] =	vst v0  }
0x331: {  	v0 =	vld [tilespmem:s11+$0xFFFFFFD0]  }
0x332: {  	v1 =	vld [tilespmem:s13+$0xFFFFFFD0];
	_ =	sdelay $0x4  }
0x333: {  	v0 =	vadd.f32 v1, v0;
	_ =	sdelay $0x1  }
0x334: {  	[tilespmem:s21+$0xFFFFFFD0] =	vst v0  }
0x335: {  	v0 =	vld [tilespmem:s11+$0xFFFFFFE0]  }
0x336: {  	v1 =	vld [tilespmem:s13+$0xFFFFFFE0];
	_ =	sdelay $0x4  }
0x337: {  	v0 =	vadd.f32 v1, v0;
	_ =	sdelay $0x1  }
0x338: {  	[tilespmem:s21+$0xFFFFFFE0] =	vst v0  }
0x339: {  	v0 =	vld [tilespmem:s11+$0xFFFFFFF0]  }
0x33a: {  	v1 =	vld [tilespmem:s13+$0xFFFFFFF0];
	_ =	sdelay $0x4  }
0x33b: {  	v0 =	vadd.f32 v1, v0;
	_ =	sdelay $0x1  }
0x33c: {  	[tilespmem:s21+$0xFFFFFFF0] =	vst v0  }
0x33d: {  	v0 =	vld [tilespmem:s11+$0x0]  }
0x33e: {  	v1 =	vld [tilespmem:s13+$0x0];
	_ =	sdelay $0x4  }
0x33f: {  	v0 =	vadd.f32 v1, v0;
	_ =	sdelay $0x1  }
0x340: {  	[tilespmem:s21+$0x0] =	vst v0  }
0x341: {  	v0 =	vld [tilespmem:s11+$0x10]  }
0x342: {  	v1 =	vld [tilespmem:s13+$0x10];
	_ =	sdelay $0x4  }
0x343: {  	v0 =	vadd.f32 v1, v0;
	_ =	sdelay $0x1  }
0x344: {  	[tilespmem:s21+$0x10] =	vst v0  }
0x345: {  	v0 =	vld [tilespmem:s11+$0x20]  }
0x346: {  	v1 =	vld [tilespmem:s13+$0x20];
	_ =	sdelay $0x4  }
0x347: {  	v0 =	vadd.f32 v1, v0;
	_ =	sdelay $0x1  }
0x348: {  	[tilespmem:s21+$0x20] =	vst v0  }
0x349: {  	v0 =	vld [tilespmem:s11+$0x30]  }
0x34a: {  	v1 =	vld [tilespmem:s13+$0x30];
	_ =	sdelay $0x4  }
0x34b: {  	v0 =	vadd.f32 v1, v0;
	_ =	sdelay $0x1  }
0x34c: {  	[tilespmem:s21+$0x30] =	vst v0  }
0x34d: {  	v0 =	vld [tilespmem:s11+$0x40]  }
0x34e: {  	v1 =	vld [tilespmem:s13+$0x40];
	_ =	sdelay $0x4  }
0x34f: {  	v0 =	vadd.f32 v1, v0;
	_ =	sdelay $0x1  }
0x350: {  	[tilespmem:s21+$0x40] =	vst v0  }
0x351: {  	v0 =	vld [tilespmem:s11+$0x50]  }
0x352: {  	v1 =	vld [tilespmem:s13+$0x50];
	_ =	sdelay $0x4  }
0x353: {  	v0 =	vadd.f32 v1, v0;
	_ =	sdelay $0x1  }
0x354: {  	[tilespmem:s21+$0x50] =	vst v0  }
0x355: {  	v0 =	vld [tilespmem:s11+$0x60]  }
0x356: {  	v1 =	vld [tilespmem:s13+$0x60];
	_ =	sdelay $0x4  }
0x357: {  	v0 =	vadd.f32 v1, v0;
	_ =	sdelay $0x1  }
0x358: {  	[tilespmem:s21+$0x60] =	vst v0  }
0x359: {  	v0 =	vld [tilespmem:s11+$0x70]  }
0x35a: {  	v1 =	vld [tilespmem:s13+$0x70];
	_ =	sdelay $0x4  }
0x35b: {  	v0 =	vadd.f32 v1, v0;
	_ =	sdelay $0x1  }
0x35c: {  	[tilespmem:s21+$0x70] =	vst v0  }
0x35d: {  	v0 =	vld [tilespmem:s11+$0x80]  }
0x35e: {  	v1 =	vld [tilespmem:s13+$0x80];
	_ =	sdelay $0x4  }
0x35f: {  	v0 =	vadd.f32 v1, v0;
	_ =	sdelay $0x1  }
0x360: {  	[tilespmem:s21+$0x80] =	vst v0  }
0x361: {  	v0 =	vld [tilespmem:s11+$0x90]  }
0x362: {  	v1 =	vld [tilespmem:s13+$0x90];
	_ =	sdelay $0x4  }
0x363: {  	v0 =	vadd.f32 v1, v0;
	_ =	sdelay $0x1  }
0x364: {  	[tilespmem:s21+$0x90] =	vst v0  }
0x365: {  	v0 =	vld [tilespmem:s11+$0xA0]  }
0x366: {  	v1 =	vld [tilespmem:s13+$0xA0];
	_ =	sdelay $0x4  }
0x367: {  	v0 =	vadd.f32 v1, v0;
	_ =	sdelay $0x1  }
0x368: {  	[tilespmem:s21+$0xA0] =	vst v0  }
0x369: {  	v0 =	vld [tilespmem:s11+$0xB0]  }
0x36a: {  	v1 =	vld [tilespmem:s13+$0xB0];
	_ =	sdelay $0x4  }
0x36b: {  	v0 =	vadd.f32 v1, v0;
	_ =	sdelay $0x1  }
.Ltmp3:
0x36c: {  	[tilespmem:s21+$0xB0] =	vst v0;
	(pc) =	sbr.rel @p0 .LBB2_8-.Ltmp3, $3  }
0x36d: {  	v0 =	vld [tilespmem:s11+$0xC0]  }
0x36e: {  	v1 =	vld [tilespmem:s13+$0xC0];
	_ =	sdelay $0x1  }
0x36f: {  	s21 =	sadd.s32 $0x200, s21  }
0x370: {  	_ =	sdelay $0x1  }
0x371: {  	v0 =	vadd.f32 v1, v0;
	_ =	sdelay $0x1  }
0x372: {  	[tilespmem:s12+$0xC0] =	vst v0  }
0x373: {  	v0 =	vld [tilespmem:s10+$0xD0]  }
0x374: {  	v61 =	vld [tilespmem:s16+$0xD0];
	_ =	sdelay $0x4  }
0x375: {  	v0 =	vadd.f32 v61, v0;
	_ =	sdelay $0x1  }
0x376: {  	[tilespmem:s12+$0xD0] =	vst v0  }
0x377: {  	v0 =	vld [tilespmem:s10+$0xE0]  }
0x378: {  	v62 =	vld [tilespmem:s16+$0xE0];
	_ =	sdelay $0x4  }
0x379: {  	v0 =	vadd.f32 v62, v0;
	_ =	sdelay $0x1  }
0x37a: {  	[tilespmem:s12+$0xE0] =	vst v0  }
0x37b: {  	v0 =	vld [tilespmem:s10+$0xF0]  }
0x37c: {  	v63 =	vld [tilespmem:s16+$0xF0];
	_ =	sdelay $0x4  }
0x37d: {  	v0 =	vadd.f32 v63, v0;
	_ =	sdelay $0x1  }
0x37e: {  	s21 =	simm.s32 $0x8;
	[tilespmem:s12+$0xF0] =	vst v0  }
0x37f: {  	_ =	swait.ge [sflag:s21], $0x2800  }
0x380: {  	[sflag:s21] =	ssyncset.done $0x0  }
0x381: {  	s29 =	rddreg [dreg:$0x9];
	[sflag:s21] =	ssyncadd.s32 $0xFFFFD800  }
0x382: {  	[hbm4b:s29+s5] =	stream.linear.scatter [tilespmem:s31], [sflag:$0x7], $0x2800, $0x38;
	[tilespmem:$0xF200] =	vst v63  }
0x383: {  	_ =	swait.ge [sflag:s22], $0x2800  }
0x384: {  	s11 =	rddreg [dreg:$0xb]  }
0x385: {  	s30 =	rddreg [dreg:$0xa];
	s11 =	sadd.s32 $0x1, s11  }
0x386: {  	p0 =	sne.s32 s11, s30  }
.Ltmp4:
0x387: {  	_ = 	snop;
	(pc) =	sbr.rel @p0 .LBB2_1-.Ltmp4, $3  }
0x388: {  	_ =	sdelay $0x1  }
0x389: {  	[sflag:s22] =	ssyncset.done $0x0  }
0x38a: {  	[sflag:s22] =	ssyncadd.s32 $0xFFFFD800  }
0x38b: {  	_ =	sfence.sel $0x180000  }
0x38c: {  	[bflag:$0x0] =	sbarrier.arrive $0xFFFF  }
0x38d: {  	_ =	strace $0x90000047  }
0x38e: {  	s0 =	stileid.u32;
	[bflag:$0x2] =	sbarrier.arrive $0xFFFF  }
0x38f: {  	p0 =	sne.s32 s0, $0x0;
	s0 =	rddreg [dreg:$0x4]  }
0x390: {  	s0 =	sadd.s32 @!p0 $0x100000, s0  }
0x391: {  	[sflag:s0] =	ssyncadd.tile.s32 @!p0 $0x1;
	_ =	shalt  }
.Lfunc_end2:
_tile_overlayer_lowered:
.L_overlay_start_2:
0x392: {  	(tag) =	ssettag $0x2  }
0x393: {  	s0 =	rddreg [dreg:$0x0];
	s2 =	stileid.u32  }
0x394: {  	s1 =	rddreg [dreg:$0x1];
	p0 =	sne.s32 s2, $0x0  }
0x395: {  	s3 =	rddreg [dreg:$0x2];
	[bflag:$0x3] =	sbarrier.arrive $0xFFFF;
	s2 =	simm.s32 @!p0 $0x1C09  }
0x396: {  	[timem:s3], [sflag:s2] =	dma.local @!p0 [hbm:s0], s1  }
0x397: {  	s0 =	simm.s32 @!p0 $0x9  }
0x398: {  	_ =	swait.ge @!p0 [sflag:s0], s1  }
0x399: {  	s1 =	ssub.s32 @!p0 $0x0, s1;
	[sflag:s0] =	ssyncset.done @!p0 $0x0  }
0x39a: {  	[sflag:s0] =	ssyncadd.s32 @!p0 s1  }
0x39b: {  	[bflag:$0x3] =	sbarrier.arrive $0xFFFF  }
0x39c: {  	_ =	shalt  }

</sc_bundles>
